<compile_context>
chip_gen: v7x
topology: tpu7x:2x2x1
jax: 0.10.2.dev20260603
libtpu: 0.0.44.dev20260713+nightly
codegen_flags: <defaults>
</compile_context>

<pallas_src>
import functools

import jax
import jax.numpy as jnp
from jax import lax
from jax.experimental import pallas as pl
from jax.experimental.pallas import tpu as pltpu
from jax.experimental.pallas import tpu_sc as plsc

VOCAB = 100000
DIM = 64
BATCH = 16384
NC = 2
NS = 16
NW = NC * NS
LANES = 16
CHUNK = 4096
NCHUNK = BATCH // CHUNK
UNROLL = 32
TCB = 2048

_params = pltpu.CompilerParams(
    needs_layout_passes=False, use_tc_tiling_on_sc=True)
_mesh = plsc.VectorSubcoreMesh(core_axis_name="c", subcore_axis_name="s")


def _gather_body(ctab, xtab, cidx, xidx, gc, gx,
                 row_v, idx_v, buf_v, sem):
    wid = lax.axis_index("s") * NC + lax.axis_index("c")

    def do_feature(tab, out, j):
        pltpu.sync_copy(tab.at[j], row_v)

        groups_per_chunk = CHUNK // LANES
        prev = None
        for k in range(NCHUNK):
            half = k % 2

            @plsc.parallel_loop(k * groups_per_chunk,
                                (k + 1) * groups_per_chunk,
                                unroll=UNROLL)
            def block(g):
                ids = idx_v[pl.ds(g * LANES, LANES)]
                buf_v[half, pl.ds(g * LANES - k * CHUNK, LANES)] = (
                    plsc.load_gather(row_v, [ids]))
            if prev is not None:
                prev.wait()
            prev = pltpu.async_copy(
                buf_v.at[half], out.at[j, pl.ds(k * CHUNK, CHUNK)], sem)
        prev.wait()

    pltpu.sync_copy(cidx, idx_v)
    do_feature(ctab, gc, wid)
    do_feature(ctab, gc, wid + NW)
    pltpu.sync_copy(xidx, idx_v)
    do_feature(xtab, gx, wid)
    do_feature(xtab, gx, wid + NW)


def _tc_dot_body(gc_ref, gx_ref, out_ref):
    out_ref[...] = jnp.sum(gc_ref[...] * gx_ref[...], axis=0)


@jax.jit
def kernel(center_words, context_words, center_table, context_table):
    cidx = center_words.astype(jnp.int32)
    xidx = context_words.astype(jnp.int32)
    ctab_t = center_table.T
    xtab_t = context_table.T

    gather = pl.kernel(
        _gather_body,
        mesh=_mesh,
        out_type=(
            jax.ShapeDtypeStruct((DIM, BATCH), jnp.float32),
            jax.ShapeDtypeStruct((DIM, BATCH), jnp.float32),
        ),
        scratch_types=[
            pltpu.VMEM((VOCAB,), jnp.float32),
            pltpu.VMEM((BATCH,), jnp.int32),
            pltpu.VMEM((2, CHUNK), jnp.float32),
            pltpu.SemaphoreType.DMA,
        ],
        compiler_params=_params,
    )
    gc, gx = gather(ctab_t, xtab_t, cidx, xidx)

    dot = pl.pallas_call(
        _tc_dot_body,
        grid=(BATCH // TCB,),
        in_specs=[
            pl.BlockSpec((DIM, TCB), lambda i: (0, i)),
            pl.BlockSpec((DIM, TCB), lambda i: (0, i)),
        ],
        out_specs=pl.BlockSpec((TCB,), lambda i: (i,)),
        out_shape=jax.ShapeDtypeStruct((BATCH,), jnp.float32),
    )
    return dot(gc, gx)

# --- scband reference (transcript-rebuilt; emitter-appended) ---
"""Pipeline reference for scband-skip-gram-model-42717744726853 (READ-ONLY COPY).

The authoritative reference and input builder live on the scoring server;
editing this copy changes nothing except your own understanding.
"""

import jax, jax.numpy as jnp
import numpy as np

VOCAB = 100000
DIM = 64
BATCH = 16384

def setup_inputs(seed: int = 0) -> dict:
    key = jax.random.key(seed)
    k1, k2, k3, k4 = jax.random.split(key, 4)
    center_words = jax.random.randint(k1, (BATCH,), 0, VOCAB, dtype=jnp.int64 if jax.config.read('jax_enable_x64') else jnp.int32)
    context_words = jax.random.randint(k2, (BATCH,), 0, VOCAB, dtype=jnp.int64 if jax.config.read('jax_enable_x64') else jnp.int32)
    bound = 0.5 / DIM
    center_table = jax.random.uniform(k3, (VOCAB, DIM), dtype=jnp.float32, minval=-bound, maxval=bound)
    context_table = jax.random.uniform(k4, (VOCAB, DIM), dtype=jnp.float32, minval=-bound, maxval=bound)
    return {
        'center_words': center_words,
        'context_words': context_words,
        'center_table': center_table,
        'context_table': context_table,
    }

def reference(center_words, context_words, center_table, context_table):
    # Faithful translation of SkipGramModel.forward
    center_embeds = jnp.take(center_table, center_words, axis=0)   # [B, D]
    context_embeds = jnp.take(context_table, context_words, axis=0)  # [B, D]
    scores = jnp.sum(center_embeds * context_embeds, axis=1)       # [B]
    return scores

if __name__ == "__main__":
    import jax
    _d = setup_inputs()
    print(jax.jit(kernel)(*tuple(_d.values())))

</pallas_src>

<mosaic_0001>
#map = affine_map<(d0, d1) -> (0, 0)>
#map1 = affine_map<(d0, d1) -> (0)>
module attributes {stable_mosaic.version = 14 : i64} {
  func.func @_gather_body(%arg0: i32, %arg1: i32, %arg2: memref<64x100000xf32, #tpu.memory_space<hbm>>, %arg3: memref<64x100000xf32, #tpu.memory_space<hbm>>, %arg4: memref<16384xi32, #tpu.memory_space<hbm>>, %arg5: memref<16384xi32, #tpu.memory_space<hbm>>, %arg6: memref<64x16384xf32, #tpu.memory_space<hbm>>, %arg7: memref<64x16384xf32, #tpu.memory_space<hbm>>, %arg8: memref<100000xf32, #tpu.memory_space<vmem>>, %arg9: memref<16384xi32, #tpu.memory_space<vmem>>, %arg10: memref<2x4096xf32, #tpu.memory_space<vmem>>, %arg11: memref<!tpu.dma_semaphore, #tpu.memory_space<semaphore_mem>>) attributes {dimension_semantics = [#tpu.dimension_semantics<core_parallel>, #tpu.dimension_semantics<subcore_parallel>], iteration_bounds = array<i64: 2, 16>, scalar_prefetch = 0 : i64, scratch_operands = 4 : i64, tpu.core_type = #tpu.core_type<sc_vector_subcore>, window_params = [{transform_indices = #map}, {transform_indices = #map}, {transform_indices = #map1}, {transform_indices = #map1}, {transform_indices = #map}, {transform_indices = #map}]} {
    %mul3A = arith.constant 2 : i32
    %mul3A_0 = arith.muli %arg1, %mul3A : i32
    %add3A = arith.addi %mul3A_0, %arg0 : i32
    "tpu.region"() ({
      %run_scoped3A = tpu.sem_alloc : memref<!tpu.dma_semaphore, #tpu.memory_space<semaphore_mem>>
      tpu.enqueue_dma source(%arg4 : memref<16384xi32, #tpu.memory_space<hbm>>) target(%arg9 : memref<16384xi32, #tpu.memory_space<vmem>>) target_semaphore(%run_scoped3A : memref<!tpu.dma_semaphore, #tpu.memory_space<semaphore_mem>>)
      tpu.wait_dma2 semaphore(%run_scoped3A : memref<!tpu.dma_semaphore, #tpu.memory_space<semaphore_mem>>) src(%arg4 : memref<16384xi32, #tpu.memory_space<hbm>>) dst(%arg9 : memref<16384xi32, #tpu.memory_space<vmem>>)
      tpu.yield
    }) : () -> ()
    "tpu.region"() ({
      %run_scoped3A = tpu.sem_alloc : memref<!tpu.dma_semaphore, #tpu.memory_space<semaphore_mem>>
      %dma_start3A_466 = arith.constant 0 : i32
      %dma_start3A_467 = tpu.memref_slice %arg2[%add3A, %dma_start3A_466] : memref<64x100000xf32, #tpu.memory_space<hbm>> -> memref<1x100000xf32, #tpu.memory_space<hbm>>
      %dma_start3A_468 = tpu.memref_squeeze %dma_start3A_467 : memref<1x100000xf32, #tpu.memory_space<hbm>> -> memref<100000xf32, #tpu.memory_space<hbm>>
      %dma_start3A_469 = arith.constant 0 : i32
      %dma_start3A_470 = tpu.memref_slice %arg2[%add3A, %dma_start3A_469] : memref<64x100000xf32, #tpu.memory_space<hbm>> -> memref<1x100000xf32, #tpu.memory_space<hbm>>
      %dma_start3A_471 = tpu.memref_squeeze %dma_start3A_470 : memref<1x100000xf32, #tpu.memory_space<hbm>> -> memref<100000xf32, #tpu.memory_space<hbm>>
      tpu.enqueue_dma source(%dma_start3A_471 : memref<100000xf32, #tpu.memory_space<hbm>>) target(%arg8 : memref<100000xf32, #tpu.memory_space<vmem>>) target_semaphore(%run_scoped3A : memref<!tpu.dma_semaphore, #tpu.memory_space<semaphore_mem>>)
      %dma_wait3A_472 = arith.constant 0 : i32
      %dma_wait3A_473 = tpu.memref_slice %arg2[%add3A, %dma_wait3A_472] : memref<64x100000xf32, #tpu.memory_space<hbm>> -> memref<1x100000xf32, #tpu.memory_space<hbm>>
      %dma_wait3A_474 = tpu.memref_squeeze %dma_wait3A_473 : memref<1x100000xf32, #tpu.memory_space<hbm>> -> memref<100000xf32, #tpu.memory_space<hbm>>
      %dma_wait3A_475 = arith.constant 0 : i32
      %dma_wait3A_476 = tpu.memref_slice %arg2[%add3A, %dma_wait3A_475] : memref<64x100000xf32, #tpu.memory_space<hbm>> -> memref<1x100000xf32, #tpu.memory_space<hbm>>
      %dma_wait3A_477 = tpu.memref_squeeze %dma_wait3A_476 : memref<1x100000xf32, #tpu.memory_space<hbm>> -> memref<100000xf32, #tpu.memory_space<hbm>>
      tpu.wait_dma2 semaphore(%run_scoped3A : memref<!tpu.dma_semaphore, #tpu.memory_space<semaphore_mem>>) src(%dma_wait3A_477 : memref<100000xf32, #tpu.memory_space<hbm>>) dst(%arg8 : memref<100000xf32, #tpu.memory_space<vmem>>)
      tpu.yield
    }) : () -> ()
    %parallel_loop3A = arith.constant 0 : i32
    %parallel_loop3A_1 = arith.constant 256 : i32
    %parallel_loop3A_2 = arith.constant 1 : i32
    scf.for %parallel_loop3A_466 = %parallel_loop3A to %parallel_loop3A_1 step %parallel_loop3A_2  : i32 {
      %parallel_loop3A_467 = arith.constant 16 : i32
      %parallel_loop3A_468 = arith.muli %parallel_loop3A_466, %parallel_loop3A_467 : i32
      %parallel_loop3A_469 = arith.index_cast %parallel_loop3A_468 : i32 to index
      %parallel_loop3A_470 = tpu.vector_load %arg9[%parallel_loop3A_469] {strides = array<i32>} : memref<16384xi32, #tpu.memory_space<vmem>>, vector<16xi32>,
      %parallel_loop3A_471 = tpu.vector_load_idx %arg8[%parallel_loop3A_470] : memref<100000xf32, #tpu.memory_space<vmem>>[vector<16xi32>], vector<16xf32>,
      %parallel_loop3A_472 = arith.constant 16 : i32
      %parallel_loop3A_473 = arith.muli %parallel_loop3A_466, %parallel_loop3A_472 : i32
      %parallel_loop3A_474 = arith.constant 0 : i32
      %parallel_loop3A_475 = arith.subi %parallel_loop3A_473, %parallel_loop3A_474 : i32
      %parallel_loop3A_476 = arith.constant 0 : i32
      %parallel_loop3A_477 = arith.index_cast %parallel_loop3A_476 : i32 to index
      %parallel_loop3A_478 = arith.index_cast %parallel_loop3A_475 : i32 to index
      %parallel_loop3A_479 = tpu.vector_load %arg10[%parallel_loop3A_477, %parallel_loop3A_478] {strides = array<i32>} : memref<2x4096xf32, #tpu.memory_space<vmem>>, vector<16xf32>,
      tpu.vector_store %arg10[%parallel_loop3A_477, %parallel_loop3A_478], %parallel_loop3A_471 {strides = array<i32>} : memref<2x4096xf32, #tpu.memory_space<vmem>>, vector<16xf32>,
    } {sc.loop_unroll_factor = 32 : i64, sc.parallel_access}
    %dma_start3A = arith.constant 0 : i32
    %dma_start3A_3 = arith.constant 0 : i32
    %dma_start3A_4 = tpu.memref_slice %arg10[%dma_start3A, %dma_start3A_3] : memref<2x4096xf32, #tpu.memory_space<vmem>> -> memref<1x4096xf32, #tpu.memory_space<vmem>>
    %dma_start3A_5 = tpu.memref_squeeze %dma_start3A_4 : memref<1x4096xf32, #tpu.memory_space<vmem>> -> memref<4096xf32, #tpu.memory_space<vmem>>
    %dma_start3A_6 = arith.constant 0 : i32
    %dma_start3A_7 = tpu.memref_slice %arg6[%add3A, %dma_start3A_6] : memref<64x16384xf32, #tpu.memory_space<hbm>> -> memref<1x4096xf32, #tpu.memory_space<hbm>>
    %dma_start3A_8 = tpu.memref_squeeze %dma_start3A_7 : memref<1x4096xf32, #tpu.memory_space<hbm>> -> memref<4096xf32, #tpu.memory_space<hbm>>
    %dma_start3A_9 = arith.constant 0 : i32
    %dma_start3A_10 = tpu.memref_slice %arg6[%add3A, %dma_start3A_9] : memref<64x16384xf32, #tpu.memory_space<hbm>> -> memref<1x4096xf32, #tpu.memory_space<hbm>>
    %dma_start3A_11 = tpu.memref_squeeze %dma_start3A_10 : memref<1x4096xf32, #tpu.memory_space<hbm>> -> memref<4096xf32, #tpu.memory_space<hbm>>
    %dma_start3A_12 = arith.constant 0 : i32
    %dma_start3A_13 = tpu.memref_slice %arg10[%dma_start3A, %dma_start3A_12] : memref<2x4096xf32, #tpu.memory_space<vmem>> -> memref<1x4096xf32, #tpu.memory_space<vmem>>
    %dma_start3A_14 = tpu.memref_squeeze %dma_start3A_13 : memref<1x4096xf32, #tpu.memory_space<vmem>> -> memref<4096xf32, #tpu.memory_space<vmem>>
    tpu.enqueue_dma source(%dma_start3A_14 : memref<4096xf32, #tpu.memory_space<vmem>>) target(%dma_start3A_11 : memref<4096xf32, #tpu.memory_space<hbm>>) target_semaphore(%arg11 : memref<!tpu.dma_semaphore, #tpu.memory_space<semaphore_mem>>)
    %parallel_loop3A_15 = arith.constant 256 : i32
    %parallel_loop3A_16 = arith.constant 512 : i32
    %parallel_loop3A_17 = arith.constant 1 : i32
    scf.for %parallel_loop3A_466 = %parallel_loop3A_15 to %parallel_loop3A_16 step %parallel_loop3A_17  : i32 {
      %parallel_loop3A_467 = arith.constant 16 : i32
      %parallel_loop3A_468 = arith.muli %parallel_loop3A_466, %parallel_loop3A_467 : i32
      %parallel_loop3A_469 = arith.index_cast %parallel_loop3A_468 : i32 to index
      %parallel_loop3A_470 = tpu.vector_load %arg9[%parallel_loop3A_469] {strides = array<i32>} : memref<16384xi32, #tpu.memory_space<vmem>>, vector<16xi32>,
      %parallel_loop3A_471 = tpu.vector_load_idx %arg8[%parallel_loop3A_470] : memref<100000xf32, #tpu.memory_space<vmem>>[vector<16xi32>], vector<16xf32>,
      %parallel_loop3A_472 = arith.constant 16 : i32
      %parallel_loop3A_473 = arith.muli %parallel_loop3A_466, %parallel_loop3A_472 : i32
      %parallel_loop3A_474 = arith.constant 4096 : i32
      %parallel_loop3A_475 = arith.subi %parallel_loop3A_473, %parallel_loop3A_474 : i32
      %parallel_loop3A_476 = arith.constant 1 : i32
      %parallel_loop3A_477 = arith.index_cast %parallel_loop3A_476 : i32 to index
      %parallel_loop3A_478 = arith.index_cast %parallel_loop3A_475 : i32 to index
      %parallel_loop3A_479 = tpu.vector_load %arg10[%parallel_loop3A_477, %parallel_loop3A_478] {strides = array<i32>} : memref<2x4096xf32, #tpu.memory_space<vmem>>, vector<16xf32>,
      tpu.vector_store %arg10[%parallel_loop3A_477, %parallel_loop3A_478], %parallel_loop3A_471 {strides = array<i32>} : memref<2x4096xf32, #tpu.memory_space<vmem>>, vector<16xf32>,
    } {sc.loop_unroll_factor = 32 : i64, sc.parallel_access}
    %dma_wait3A = arith.constant 0 : i32
    %dma_wait3A_18 = arith.constant 0 : i32
    %dma_wait3A_19 = tpu.memref_slice %arg10[%dma_wait3A, %dma_wait3A_18] : memref<2x4096xf32, #tpu.memory_space<vmem>> -> memref<1x4096xf32, #tpu.memory_space<vmem>>
    %dma_wait3A_20 = tpu.memref_squeeze %dma_wait3A_19 : memref<1x4096xf32, #tpu.memory_space<vmem>> -> memref<4096xf32, #tpu.memory_space<vmem>>
    %dma_wait3A_21 = arith.constant 0 : i32
    %dma_wait3A_22 = tpu.memref_slice %arg6[%add3A, %dma_wait3A_21] : memref<64x16384xf32, #tpu.memory_space<hbm>> -> memref<1x4096xf32, #tpu.memory_space<hbm>>
    %dma_wait3A_23 = tpu.memref_squeeze %dma_wait3A_22 : memref<1x4096xf32, #tpu.memory_space<hbm>> -> memref<4096xf32, #tpu.memory_space<hbm>>
    %dma_wait3A_24 = arith.constant 0 : i32
    %dma_wait3A_25 = tpu.memref_slice %arg6[%add3A, %dma_wait3A_24] : memref<64x16384xf32, #tpu.memory_space<hbm>> -> memref<1x4096xf32, #tpu.memory_space<hbm>>
    %dma_wait3A_26 = tpu.memref_squeeze %dma_wait3A_25 : memref<1x4096xf32, #tpu.memory_space<hbm>> -> memref<4096xf32, #tpu.memory_space<hbm>>
    %dma_wait3A_27 = arith.constant 0 : i32
    %dma_wait3A_28 = tpu.memref_slice %arg10[%dma_wait3A, %dma_wait3A_27] : memref<2x4096xf32, #tpu.memory_space<vmem>> -> memref<1x4096xf32, #tpu.memory_space<vmem>>
    %dma_wait3A_29 = tpu.memref_squeeze %dma_wait3A_28 : memref<1x4096xf32, #tpu.memory_space<vmem>> -> memref<4096xf32, #tpu.memory_space<vmem>>
    tpu.wait_dma2 semaphore(%arg11 : memref<!tpu.dma_semaphore, #tpu.memory_space<semaphore_mem>>) src(%dma_wait3A_29 : memref<4096xf32, #tpu.memory_space<vmem>>) dst(%dma_wait3A_26 : memref<4096xf32, #tpu.memory_space<hbm>>)
    %dma_start3A_30 = arith.constant 1 : i32
    %dma_start3A_31 = arith.constant 0 : i32
    %dma_start3A_32 = tpu.memref_slice %arg10[%dma_start3A_30, %dma_start3A_31] : memref<2x4096xf32, #tpu.memory_space<vmem>> -> memref<1x4096xf32, #tpu.memory_space<vmem>>
    %dma_start3A_33 = tpu.memref_squeeze %dma_start3A_32 : memref<1x4096xf32, #tpu.memory_space<vmem>> -> memref<4096xf32, #tpu.memory_space<vmem>>
    %dma_start3A_34 = arith.constant 4096 : i32
    %dma_start3A_35 = tpu.memref_slice %arg6[%add3A, %dma_start3A_34] : memref<64x16384xf32, #tpu.memory_space<hbm>> -> memref<1x4096xf32, #tpu.memory_space<hbm>>
    %dma_start3A_36 = tpu.memref_squeeze %dma_start3A_35 : memref<1x4096xf32, #tpu.memory_space<hbm>> -> memref<4096xf32, #tpu.memory_space<hbm>>
    %dma_start3A_37 = arith.constant 4096 : i32
    %dma_start3A_38 = tpu.memref_slice %arg6[%add3A, %dma_start3A_37] : memref<64x16384xf32, #tpu.memory_space<hbm>> -> memref<1x4096xf32, #tpu.memory_space<hbm>>
    %dma_start3A_39 = tpu.memref_squeeze %dma_start3A_38 : memref<1x4096xf32, #tpu.memory_space<hbm>> -> memref<4096xf32, #tpu.memory_space<hbm>>
    %dma_start3A_40 = arith.constant 0 : i32
    %dma_start3A_41 = tpu.memref_slice %arg10[%dma_start3A_30, %dma_start3A_40] : memref<2x4096xf32, #tpu.memory_space<vmem>> -> memref<1x4096xf32, #tpu.memory_space<vmem>>
    %dma_start3A_42 = tpu.memref_squeeze %dma_start3A_41 : memref<1x4096xf32, #tpu.memory_space<vmem>> -> memref<4096xf32, #tpu.memory_space<vmem>>
    tpu.enqueue_dma source(%dma_start3A_42 : memref<4096xf32, #tpu.memory_space<vmem>>) target(%dma_start3A_39 : memref<4096xf32, #tpu.memory_space<hbm>>) target_semaphore(%arg11 : memref<!tpu.dma_semaphore, #tpu.memory_space<semaphore_mem>>)
    %parallel_loop3A_43 = arith.constant 512 : i32
    %parallel_loop3A_44 = arith.constant 768 : i32
    %parallel_loop3A_45 = arith.constant 1 : i32
    scf.for %parallel_loop3A_466 = %parallel_loop3A_43 to %parallel_loop3A_44 step %parallel_loop3A_45  : i32 {
      %parallel_loop3A_467 = arith.constant 16 : i32
      %parallel_loop3A_468 = arith.muli %parallel_loop3A_466, %parallel_loop3A_467 : i32
      %parallel_loop3A_469 = arith.index_cast %parallel_loop3A_468 : i32 to index
      %parallel_loop3A_470 = tpu.vector_load %arg9[%parallel_loop3A_469] {strides = array<i32>} : memref<16384xi32, #tpu.memory_space<vmem>>, vector<16xi32>,
      %parallel_loop3A_471 = tpu.vector_load_idx %arg8[%parallel_loop3A_470] : memref<100000xf32, #tpu.memory_space<vmem>>[vector<16xi32>], vector<16xf32>,
      %parallel_loop3A_472 = arith.constant 16 : i32
      %parallel_loop3A_473 = arith.muli %parallel_loop3A_466, %parallel_loop3A_472 : i32
      %parallel_loop3A_474 = arith.constant 8192 : i32
      %parallel_loop3A_475 = arith.subi %parallel_loop3A_473, %parallel_loop3A_474 : i32
      %parallel_loop3A_476 = arith.constant 0 : i32
      %parallel_loop3A_477 = arith.index_cast %parallel_loop3A_476 : i32 to index
      %parallel_loop3A_478 = arith.index_cast %parallel_loop3A_475 : i32 to index
      %parallel_loop3A_479 = tpu.vector_load %arg10[%parallel_loop3A_477, %parallel_loop3A_478] {strides = array<i32>} : memref<2x4096xf32, #tpu.memory_space<vmem>>, vector<16xf32>,
      tpu.vector_store %arg10[%parallel_loop3A_477, %parallel_loop3A_478], %parallel_loop3A_471 {strides = array<i32>} : memref<2x4096xf32, #tpu.memory_space<vmem>>, vector<16xf32>,
    } {sc.loop_unroll_factor = 32 : i64, sc.parallel_access}
    %dma_wait3A_46 = arith.constant 1 : i32
    %dma_wait3A_47 = arith.constant 0 : i32
    %dma_wait3A_48 = tpu.memref_slice %arg10[%dma_wait3A_46, %dma_wait3A_47] : memref<2x4096xf32, #tpu.memory_space<vmem>> -> memref<1x4096xf32, #tpu.memory_space<vmem>>
    %dma_wait3A_49 = tpu.memref_squeeze %dma_wait3A_48 : memref<1x4096xf32, #tpu.memory_space<vmem>> -> memref<4096xf32, #tpu.memory_space<vmem>>
    %dma_wait3A_50 = arith.constant 4096 : i32
    %dma_wait3A_51 = tpu.memref_slice %arg6[%add3A, %dma_wait3A_50] : memref<64x16384xf32, #tpu.memory_space<hbm>> -> memref<1x4096xf32, #tpu.memory_space<hbm>>
    %dma_wait3A_52 = tpu.memref_squeeze %dma_wait3A_51 : memref<1x4096xf32, #tpu.memory_space<hbm>> -> memref<4096xf32, #tpu.memory_space<hbm>>
    %dma_wait3A_53 = arith.constant 4096 : i32
    %dma_wait3A_54 = tpu.memref_slice %arg6[%add3A, %dma_wait3A_53] : memref<64x16384xf32, #tpu.memory_space<hbm>> -> memref<1x4096xf32, #tpu.memory_space<hbm>>
    %dma_wait3A_55 = tpu.memref_squeeze %dma_wait3A_54 : memref<1x4096xf32, #tpu.memory_space<hbm>> -> memref<4096xf32, #tpu.memory_space<hbm>>
    %dma_wait3A_56 = arith.constant 0 : i32
    %dma_wait3A_57 = tpu.memref_slice %arg10[%dma_wait3A_46, %dma_wait3A_56] : memref<2x4096xf32, #tpu.memory_space<vmem>> -> memref<1x4096xf32, #tpu.memory_space<vmem>>
    %dma_wait3A_58 = tpu.memref_squeeze %dma_wait3A_57 : memref<1x4096xf32, #tpu.memory_space<vmem>> -> memref<4096xf32, #tpu.memory_space<vmem>>
    tpu.wait_dma2 semaphore(%arg11 : memref<!tpu.dma_semaphore, #tpu.memory_space<semaphore_mem>>) src(%dma_wait3A_58 : memref<4096xf32, #tpu.memory_space<vmem>>) dst(%dma_wait3A_55 : memref<4096xf32, #tpu.memory_space<hbm>>)
    %dma_start3A_59 = arith.constant 0 : i32
    %dma_start3A_60 = arith.constant 0 : i32
    %dma_start3A_61 = tpu.memref_slice %arg10[%dma_start3A_59, %dma_start3A_60] : memref<2x4096xf32, #tpu.memory_space<vmem>> -> memref<1x4096xf32, #tpu.memory_space<vmem>>
    %dma_start3A_62 = tpu.memref_squeeze %dma_start3A_61 : memref<1x4096xf32, #tpu.memory_space<vmem>> -> memref<4096xf32, #tpu.memory_space<vmem>>
    %dma_start3A_63 = arith.constant 8192 : i32
    %dma_start3A_64 = tpu.memref_slice %arg6[%add3A, %dma_start3A_63] : memref<64x16384xf32, #tpu.memory_space<hbm>> -> memref<1x4096xf32, #tpu.memory_space<hbm>>
    %dma_start3A_65 = tpu.memref_squeeze %dma_start3A_64 : memref<1x4096xf32, #tpu.memory_space<hbm>> -> memref<4096xf32, #tpu.memory_space<hbm>>
    %dma_start3A_66 = arith.constant 8192 : i32
    %dma_start3A_67 = tpu.memref_slice %arg6[%add3A, %dma_start3A_66] : memref<64x16384xf32, #tpu.memory_space<hbm>> -> memref<1x4096xf32, #tpu.memory_space<hbm>>
    %dma_start3A_68 = tpu.memref_squeeze %dma_start3A_67 : memref<1x4096xf32, #tpu.memory_space<hbm>> -> memref<4096xf32, #tpu.memory_space<hbm>>
    %dma_start3A_69 = arith.constant 0 : i32
    %dma_start3A_70 = tpu.memref_slice %arg10[%dma_start3A_59, %dma_start3A_69] : memref<2x4096xf32, #tpu.memory_space<vmem>> -> memref<1x4096xf32, #tpu.memory_space<vmem>>
    %dma_start3A_71 = tpu.memref_squeeze %dma_start3A_70 : memref<1x4096xf32, #tpu.memory_space<vmem>> -> memref<4096xf32, #tpu.memory_space<vmem>>
    tpu.enqueue_dma source(%dma_start3A_71 : memref<4096xf32, #tpu.memory_space<vmem>>) target(%dma_start3A_68 : memref<4096xf32, #tpu.memory_space<hbm>>) target_semaphore(%arg11 : memref<!tpu.dma_semaphore, #tpu.memory_space<semaphore_mem>>)
    %parallel_loop3A_72 = arith.constant 768 : i32
    %parallel_loop3A_73 = arith.constant 1024 : i32
    %parallel_loop3A_74 = arith.constant 1 : i32
    scf.for %parallel_loop3A_466 = %parallel_loop3A_72 to %parallel_loop3A_73 step %parallel_loop3A_74  : i32 {
      %parallel_loop3A_467 = arith.constant 16 : i32
      %parallel_loop3A_468 = arith.muli %parallel_loop3A_466, %parallel_loop3A_467 : i32
      %parallel_loop3A_469 = arith.index_cast %parallel_loop3A_468 : i32 to index
      %parallel_loop3A_470 = tpu.vector_load %arg9[%parallel_loop3A_469] {strides = array<i32>} : memref<16384xi32, #tpu.memory_space<vmem>>, vector<16xi32>,
      %parallel_loop3A_471 = tpu.vector_load_idx %arg8[%parallel_loop3A_470] : memref<100000xf32, #tpu.memory_space<vmem>>[vector<16xi32>], vector<16xf32>,
      %parallel_loop3A_472 = arith.constant 16 : i32
      %parallel_loop3A_473 = arith.muli %parallel_loop3A_466, %parallel_loop3A_472 : i32
      %parallel_loop3A_474 = arith.constant 12288 : i32
      %parallel_loop3A_475 = arith.subi %parallel_loop3A_473, %parallel_loop3A_474 : i32
      %parallel_loop3A_476 = arith.constant 1 : i32
      %parallel_loop3A_477 = arith.index_cast %parallel_loop3A_476 : i32 to index
      %parallel_loop3A_478 = arith.index_cast %parallel_loop3A_475 : i32 to index
      %parallel_loop3A_479 = tpu.vector_load %arg10[%parallel_loop3A_477, %parallel_loop3A_478] {strides = array<i32>} : memref<2x4096xf32, #tpu.memory_space<vmem>>, vector<16xf32>,
      tpu.vector_store %arg10[%parallel_loop3A_477, %parallel_loop3A_478], %parallel_loop3A_471 {strides = array<i32>} : memref<2x4096xf32, #tpu.memory_space<vmem>>, vector<16xf32>,
    } {sc.loop_unroll_factor = 32 : i64, sc.parallel_access}
    %dma_wait3A_75 = arith.constant 0 : i32
    %dma_wait3A_76 = arith.constant 0 : i32
    %dma_wait3A_77 = tpu.memref_slice %arg10[%dma_wait3A_75, %dma_wait3A_76] : memref<2x4096xf32, #tpu.memory_space<vmem>> -> memref<1x4096xf32, #tpu.memory_space<vmem>>
    %dma_wait3A_78 = tpu.memref_squeeze %dma_wait3A_77 : memref<1x4096xf32, #tpu.memory_space<vmem>> -> memref<4096xf32, #tpu.memory_space<vmem>>
    %dma_wait3A_79 = arith.constant 8192 : i32
    %dma_wait3A_80 = tpu.memref_slice %arg6[%add3A, %dma_wait3A_79] : memref<64x16384xf32, #tpu.memory_space<hbm>> -> memref<1x4096xf32, #tpu.memory_space<hbm>>
    %dma_wait3A_81 = tpu.memref_squeeze %dma_wait3A_80 : memref<1x4096xf32, #tpu.memory_space<hbm>> -> memref<4096xf32, #tpu.memory_space<hbm>>
    %dma_wait3A_82 = arith.constant 8192 : i32
    %dma_wait3A_83 = tpu.memref_slice %arg6[%add3A, %dma_wait3A_82] : memref<64x16384xf32, #tpu.memory_space<hbm>> -> memref<1x4096xf32, #tpu.memory_space<hbm>>
    %dma_wait3A_84 = tpu.memref_squeeze %dma_wait3A_83 : memref<1x4096xf32, #tpu.memory_space<hbm>> -> memref<4096xf32, #tpu.memory_space<hbm>>
    %dma_wait3A_85 = arith.constant 0 : i32
    %dma_wait3A_86 = tpu.memref_slice %arg10[%dma_wait3A_75, %dma_wait3A_85] : memref<2x4096xf32, #tpu.memory_space<vmem>> -> memref<1x4096xf32, #tpu.memory_space<vmem>>
    %dma_wait3A_87 = tpu.memref_squeeze %dma_wait3A_86 : memref<1x4096xf32, #tpu.memory_space<vmem>> -> memref<4096xf32, #tpu.memory_space<vmem>>
    tpu.wait_dma2 semaphore(%arg11 : memref<!tpu.dma_semaphore, #tpu.memory_space<semaphore_mem>>) src(%dma_wait3A_87 : memref<4096xf32, #tpu.memory_space<vmem>>) dst(%dma_wait3A_84 : memref<4096xf32, #tpu.memory_space<hbm>>)
    %dma_start3A_88 = arith.constant 1 : i32
    %dma_start3A_89 = arith.constant 0 : i32
    %dma_start3A_90 = tpu.memref_slice %arg10[%dma_start3A_88, %dma_start3A_89] : memref<2x4096xf32, #tpu.memory_space<vmem>> -> memref<1x4096xf32, #tpu.memory_space<vmem>>
    %dma_start3A_91 = tpu.memref_squeeze %dma_start3A_90 : memref<1x4096xf32, #tpu.memory_space<vmem>> -> memref<4096xf32, #tpu.memory_space<vmem>>
    %dma_start3A_92 = arith.constant 12288 : i32
    %dma_start3A_93 = tpu.memref_slice %arg6[%add3A, %dma_start3A_92] : memref<64x16384xf32, #tpu.memory_space<hbm>> -> memref<1x4096xf32, #tpu.memory_space<hbm>>
    %dma_start3A_94 = tpu.memref_squeeze %dma_start3A_93 : memref<1x4096xf32, #tpu.memory_space<hbm>> -> memref<4096xf32, #tpu.memory_space<hbm>>
    %dma_start3A_95 = arith.constant 12288 : i32
    %dma_start3A_96 = tpu.memref_slice %arg6[%add3A, %dma_start3A_95] : memref<64x16384xf32, #tpu.memory_space<hbm>> -> memref<1x4096xf32, #tpu.memory_space<hbm>>
    %dma_start3A_97 = tpu.memref_squeeze %dma_start3A_96 : memref<1x4096xf32, #tpu.memory_space<hbm>> -> memref<4096xf32, #tpu.memory_space<hbm>>
    %dma_start3A_98 = arith.constant 0 : i32
    %dma_start3A_99 = tpu.memref_slice %arg10[%dma_start3A_88, %dma_start3A_98] : memref<2x4096xf32, #tpu.memory_space<vmem>> -> memref<1x4096xf32, #tpu.memory_space<vmem>>
    %dma_start3A_100 = tpu.memref_squeeze %dma_start3A_99 : memref<1x4096xf32, #tpu.memory_space<vmem>> -> memref<4096xf32, #tpu.memory_space<vmem>>
    tpu.enqueue_dma source(%dma_start3A_100 : memref<4096xf32, #tpu.memory_space<vmem>>) target(%dma_start3A_97 : memref<4096xf32, #tpu.memory_space<hbm>>) target_semaphore(%arg11 : memref<!tpu.dma_semaphore, #tpu.memory_space<semaphore_mem>>)
    %dma_wait3A_101 = arith.constant 1 : i32
    %dma_wait3A_102 = arith.constant 0 : i32
    %dma_wait3A_103 = tpu.memref_slice %arg10[%dma_wait3A_101, %dma_wait3A_102] : memref<2x4096xf32, #tpu.memory_space<vmem>> -> memref<1x4096xf32, #tpu.memory_space<vmem>>
    %dma_wait3A_104 = tpu.memref_squeeze %dma_wait3A_103 : memref<1x4096xf32, #tpu.memory_space<vmem>> -> memref<4096xf32, #tpu.memory_space<vmem>>
    %dma_wait3A_105 = arith.constant 12288 : i32
    %dma_wait3A_106 = tpu.memref_slice %arg6[%add3A, %dma_wait3A_105] : memref<64x16384xf32, #tpu.memory_space<hbm>> -> memref<1x4096xf32, #tpu.memory_space<hbm>>
    %dma_wait3A_107 = tpu.memref_squeeze %dma_wait3A_106 : memref<1x4096xf32, #tpu.memory_space<hbm>> -> memref<4096xf32, #tpu.memory_space<hbm>>
    %dma_wait3A_108 = arith.constant 12288 : i32
    %dma_wait3A_109 = tpu.memref_slice %arg6[%add3A, %dma_wait3A_108] : memref<64x16384xf32, #tpu.memory_space<hbm>> -> memref<1x4096xf32, #tpu.memory_space<hbm>>
    %dma_wait3A_110 = tpu.memref_squeeze %dma_wait3A_109 : memref<1x4096xf32, #tpu.memory_space<hbm>> -> memref<4096xf32, #tpu.memory_space<hbm>>
    %dma_wait3A_111 = arith.constant 0 : i32
    %dma_wait3A_112 = tpu.memref_slice %arg10[%dma_wait3A_101, %dma_wait3A_111] : memref<2x4096xf32, #tpu.memory_space<vmem>> -> memref<1x4096xf32, #tpu.memory_space<vmem>>
    %dma_wait3A_113 = tpu.memref_squeeze %dma_wait3A_112 : memref<1x4096xf32, #tpu.memory_space<vmem>> -> memref<4096xf32, #tpu.memory_space<vmem>>
    tpu.wait_dma2 semaphore(%arg11 : memref<!tpu.dma_semaphore, #tpu.memory_space<semaphore_mem>>) src(%dma_wait3A_113 : memref<4096xf32, #tpu.memory_space<vmem>>) dst(%dma_wait3A_110 : memref<4096xf32, #tpu.memory_space<hbm>>)
    %add3A_114 = arith.constant 32 : i32
    %add3A_115 = arith.addi %add3A, %add3A_114 : i32
    "tpu.region"() ({
      %run_scoped3A = tpu.sem_alloc : memref<!tpu.dma_semaphore, #tpu.memory_space<semaphore_mem>>
      %dma_start3A_466 = arith.constant 0 : i32
      %dma_start3A_467 = tpu.memref_slice %arg2[%add3A_115, %dma_start3A_466] : memref<64x100000xf32, #tpu.memory_space<hbm>> -> memref<1x100000xf32, #tpu.memory_space<hbm>>
      %dma_start3A_468 = tpu.memref_squeeze %dma_start3A_467 : memref<1x100000xf32, #tpu.memory_space<hbm>> -> memref<100000xf32, #tpu.memory_space<hbm>>
      %dma_start3A_469 = arith.constant 0 : i32
      %dma_start3A_470 = tpu.memref_slice %arg2[%add3A_115, %dma_start3A_469] : memref<64x100000xf32, #tpu.memory_space<hbm>> -> memref<1x100000xf32, #tpu.memory_space<hbm>>
      %dma_start3A_471 = tpu.memref_squeeze %dma_start3A_470 : memref<1x100000xf32, #tpu.memory_space<hbm>> -> memref<100000xf32, #tpu.memory_space<hbm>>
      tpu.enqueue_dma source(%dma_start3A_471 : memref<100000xf32, #tpu.memory_space<hbm>>) target(%arg8 : memref<100000xf32, #tpu.memory_space<vmem>>) target_semaphore(%run_scoped3A : memref<!tpu.dma_semaphore, #tpu.memory_space<semaphore_mem>>)
      %dma_wait3A_472 = arith.constant 0 : i32
      %dma_wait3A_473 = tpu.memref_slice %arg2[%add3A_115, %dma_wait3A_472] : memref<64x100000xf32, #tpu.memory_space<hbm>> -> memref<1x100000xf32, #tpu.memory_space<hbm>>
      %dma_wait3A_474 = tpu.memref_squeeze %dma_wait3A_473 : memref<1x100000xf32, #tpu.memory_space<hbm>> -> memref<100000xf32, #tpu.memory_space<hbm>>
      %dma_wait3A_475 = arith.constant 0 : i32
      %dma_wait3A_476 = tpu.memref_slice %arg2[%add3A_115, %dma_wait3A_475] : memref<64x100000xf32, #tpu.memory_space<hbm>> -> memref<1x100000xf32, #tpu.memory_space<hbm>>
      %dma_wait3A_477 = tpu.memref_squeeze %dma_wait3A_476 : memref<1x100000xf32, #tpu.memory_space<hbm>> -> memref<100000xf32, #tpu.memory_space<hbm>>
      tpu.wait_dma2 semaphore(%run_scoped3A : memref<!tpu.dma_semaphore, #tpu.memory_space<semaphore_mem>>) src(%dma_wait3A_477 : memref<100000xf32, #tpu.memory_space<hbm>>) dst(%arg8 : memref<100000xf32, #tpu.memory_space<vmem>>)
      tpu.yield
    }) : () -> ()
    %parallel_loop3A_116 = arith.constant 0 : i32
    %parallel_loop3A_117 = arith.constant 256 : i32
    %parallel_loop3A_118 = arith.constant 1 : i32
    scf.for %parallel_loop3A_466 = %parallel_loop3A_116 to %parallel_loop3A_117 step %parallel_loop3A_118  : i32 {
      %parallel_loop3A_467 = arith.constant 16 : i32
      %parallel_loop3A_468 = arith.muli %parallel_loop3A_466, %parallel_loop3A_467 : i32
      %parallel_loop3A_469 = arith.index_cast %parallel_loop3A_468 : i32 to index
      %parallel_loop3A_470 = tpu.vector_load %arg9[%parallel_loop3A_469] {strides = array<i32>} : memref<16384xi32, #tpu.memory_space<vmem>>, vector<16xi32>,
      %parallel_loop3A_471 = tpu.vector_load_idx %arg8[%parallel_loop3A_470] : memref<100000xf32, #tpu.memory_space<vmem>>[vector<16xi32>], vector<16xf32>,
      %parallel_loop3A_472 = arith.constant 16 : i32
      %parallel_loop3A_473 = arith.muli %parallel_loop3A_466, %parallel_loop3A_472 : i32
      %parallel_loop3A_474 = arith.constant 0 : i32
      %parallel_loop3A_475 = arith.subi %parallel_loop3A_473, %parallel_loop3A_474 : i32
      %parallel_loop3A_476 = arith.constant 0 : i32
      %parallel_loop3A_477 = arith.index_cast %parallel_loop3A_476 : i32 to index
      %parallel_loop3A_478 = arith.index_cast %parallel_loop3A_475 : i32 to index
      %parallel_loop3A_479 = tpu.vector_load %arg10[%parallel_loop3A_477, %parallel_loop3A_478] {strides = array<i32>} : memref<2x4096xf32, #tpu.memory_space<vmem>>, vector<16xf32>,
      tpu.vector_store %arg10[%parallel_loop3A_477, %parallel_loop3A_478], %parallel_loop3A_471 {strides = array<i32>} : memref<2x4096xf32, #tpu.memory_space<vmem>>, vector<16xf32>,
    } {sc.loop_unroll_factor = 32 : i64, sc.parallel_access}
    %dma_start3A_119 = arith.constant 0 : i32
    %dma_start3A_120 = arith.constant 0 : i32
    %dma_start3A_121 = tpu.memref_slice %arg10[%dma_start3A_119, %dma_start3A_120] : memref<2x4096xf32, #tpu.memory_space<vmem>> -> memref<1x4096xf32, #tpu.memory_space<vmem>>
    %dma_start3A_122 = tpu.memref_squeeze %dma_start3A_121 : memref<1x4096xf32, #tpu.memory_space<vmem>> -> memref<4096xf32, #tpu.memory_space<vmem>>
    %dma_start3A_123 = arith.constant 0 : i32
    %dma_start3A_124 = tpu.memref_slice %arg6[%add3A_115, %dma_start3A_123] : memref<64x16384xf32, #tpu.memory_space<hbm>> -> memref<1x4096xf32, #tpu.memory_space<hbm>>
    %dma_start3A_125 = tpu.memref_squeeze %dma_start3A_124 : memref<1x4096xf32, #tpu.memory_space<hbm>> -> memref<4096xf32, #tpu.memory_space<hbm>>
    %dma_start3A_126 = arith.constant 0 : i32
    %dma_start3A_127 = tpu.memref_slice %arg6[%add3A_115, %dma_start3A_126] : memref<64x16384xf32, #tpu.memory_space<hbm>> -> memref<1x4096xf32, #tpu.memory_space<hbm>>
    %dma_start3A_128 = tpu.memref_squeeze %dma_start3A_127 : memref<1x4096xf32, #tpu.memory_space<hbm>> -> memref<4096xf32, #tpu.memory_space<hbm>>
    %dma_start3A_129 = arith.constant 0 : i32
    %dma_start3A_130 = tpu.memref_slice %arg10[%dma_start3A_119, %dma_start3A_129] : memref<2x4096xf32, #tpu.memory_space<vmem>> -> memref<1x4096xf32, #tpu.memory_space<vmem>>
    %dma_start3A_131 = tpu.memref_squeeze %dma_start3A_130 : memref<1x4096xf32, #tpu.memory_space<vmem>> -> memref<4096xf32, #tpu.memory_space<vmem>>
    tpu.enqueue_dma source(%dma_start3A_131 : memref<4096xf32, #tpu.memory_space<vmem>>) target(%dma_start3A_128 : memref<4096xf32, #tpu.memory_space<hbm>>) target_semaphore(%arg11 : memref<!tpu.dma_semaphore, #tpu.memory_space<semaphore_mem>>)
    %parallel_loop3A_132 = arith.constant 256 : i32
    %parallel_loop3A_133 = arith.constant 512 : i32
    %parallel_loop3A_134 = arith.constant 1 : i32
    scf.for %parallel_loop3A_466 = %parallel_loop3A_132 to %parallel_loop3A_133 step %parallel_loop3A_134  : i32 {
      %parallel_loop3A_467 = arith.constant 16 : i32
      %parallel_loop3A_468 = arith.muli %parallel_loop3A_466, %parallel_loop3A_467 : i32
      %parallel_loop3A_469 = arith.index_cast %parallel_loop3A_468 : i32 to index
      %parallel_loop3A_470 = tpu.vector_load %arg9[%parallel_loop3A_469] {strides = array<i32>} : memref<16384xi32, #tpu.memory_space<vmem>>, vector<16xi32>,
      %parallel_loop3A_471 = tpu.vector_load_idx %arg8[%parallel_loop3A_470] : memref<100000xf32, #tpu.memory_space<vmem>>[vector<16xi32>], vector<16xf32>,
      %parallel_loop3A_472 = arith.constant 16 : i32
      %parallel_loop3A_473 = arith.muli %parallel_loop3A_466, %parallel_loop3A_472 : i32
      %parallel_loop3A_474 = arith.constant 4096 : i32
      %parallel_loop3A_475 = arith.subi %parallel_loop3A_473, %parallel_loop3A_474 : i32
      %parallel_loop3A_476 = arith.constant 1 : i32
      %parallel_loop3A_477 = arith.index_cast %parallel_loop3A_476 : i32 to index
      %parallel_loop3A_478 = arith.index_cast %parallel_loop3A_475 : i32 to index
      %parallel_loop3A_479 = tpu.vector_load %arg10[%parallel_loop3A_477, %parallel_loop3A_478] {strides = array<i32>} : memref<2x4096xf32, #tpu.memory_space<vmem>>, vector<16xf32>,
      tpu.vector_store %arg10[%parallel_loop3A_477, %parallel_loop3A_478], %parallel_loop3A_471 {strides = array<i32>} : memref<2x4096xf32, #tpu.memory_space<vmem>>, vector<16xf32>,
    } {sc.loop_unroll_factor = 32 : i64, sc.parallel_access}
    %dma_wait3A_135 = arith.constant 0 : i32
    %dma_wait3A_136 = arith.constant 0 : i32
    %dma_wait3A_137 = tpu.memref_slice %arg10[%dma_wait3A_135, %dma_wait3A_136] : memref<2x4096xf32, #tpu.memory_space<vmem>> -> memref<1x4096xf32, #tpu.memory_space<vmem>>
    %dma_wait3A_138 = tpu.memref_squeeze %dma_wait3A_137 : memref<1x4096xf32, #tpu.memory_space<vmem>> -> memref<4096xf32, #tpu.memory_space<vmem>>
    %dma_wait3A_139 = arith.constant 0 : i32
    %dma_wait3A_140 = tpu.memref_slice %arg6[%add3A_115, %dma_wait3A_139] : memref<64x16384xf32, #tpu.memory_space<hbm>> -> memref<1x4096xf32, #tpu.memory_space<hbm>>
    %dma_wait3A_141 = tpu.memref_squeeze %dma_wait3A_140 : memref<1x4096xf32, #tpu.memory_space<hbm>> -> memref<4096xf32, #tpu.memory_space<hbm>>
    %dma_wait3A_142 = arith.constant 0 : i32
    %dma_wait3A_143 = tpu.memref_slice %arg6[%add3A_115, %dma_wait3A_142] : memref<64x16384xf32, #tpu.memory_space<hbm>> -> memref<1x4096xf32, #tpu.memory_space<hbm>>
    %dma_wait3A_144 = tpu.memref_squeeze %dma_wait3A_143 : memref<1x4096xf32, #tpu.memory_space<hbm>> -> memref<4096xf32, #tpu.memory_space<hbm>>
    %dma_wait3A_145 = arith.constant 0 : i32
    %dma_wait3A_146 = tpu.memref_slice %arg10[%dma_wait3A_135, %dma_wait3A_145] : memref<2x4096xf32, #tpu.memory_space<vmem>> -> memref<1x4096xf32, #tpu.memory_space<vmem>>
    %dma_wait3A_147 = tpu.memref_squeeze %dma_wait3A_146 : memref<1x4096xf32, #tpu.memory_space<vmem>> -> memref<4096xf32, #tpu.memory_space<vmem>>
    tpu.wait_dma2 semaphore(%arg11 : memref<!tpu.dma_semaphore, #tpu.memory_space<semaphore_mem>>) src(%dma_wait3A_147 : memref<4096xf32, #tpu.memory_space<vmem>>) dst(%dma_wait3A_144 : memref<4096xf32, #tpu.memory_space<hbm>>)
    %dma_start3A_148 = arith.constant 1 : i32
    %dma_start3A_149 = arith.constant 0 : i32
    %dma_start3A_150 = tpu.memref_slice %arg10[%dma_start3A_148, %dma_start3A_149] : memref<2x4096xf32, #tpu.memory_space<vmem>> -> memref<1x4096xf32, #tpu.memory_space<vmem>>
    %dma_start3A_151 = tpu.memref_squeeze %dma_start3A_150 : memref<1x4096xf32, #tpu.memory_space<vmem>> -> memref<4096xf32, #tpu.memory_space<vmem>>
    %dma_start3A_152 = arith.constant 4096 : i32
    %dma_start3A_153 = tpu.memref_slice %arg6[%add3A_115, %dma_start3A_152] : memref<64x16384xf32, #tpu.memory_space<hbm>> -> memref<1x4096xf32, #tpu.memory_space<hbm>>
    %dma_start3A_154 = tpu.memref_squeeze %dma_start3A_153 : memref<1x4096xf32, #tpu.memory_space<hbm>> -> memref<4096xf32, #tpu.memory_space<hbm>>
    %dma_start3A_155 = arith.constant 4096 : i32
    %dma_start3A_156 = tpu.memref_slice %arg6[%add3A_115, %dma_start3A_155] : memref<64x16384xf32, #tpu.memory_space<hbm>> -> memref<1x4096xf32, #tpu.memory_space<hbm>>
    %dma_start3A_157 = tpu.memref_squeeze %dma_start3A_156 : memref<1x4096xf32, #tpu.memory_space<hbm>> -> memref<4096xf32, #tpu.memory_space<hbm>>
    %dma_start3A_158 = arith.constant 0 : i32
    %dma_start3A_159 = tpu.memref_slice %arg10[%dma_start3A_148, %dma_start3A_158] : memref<2x4096xf32, #tpu.memory_space<vmem>> -> memref<1x4096xf32, #tpu.memory_space<vmem>>
    %dma_start3A_160 = tpu.memref_squeeze %dma_start3A_159 : memref<1x4096xf32, #tpu.memory_space<vmem>> -> memref<4096xf32, #tpu.memory_space<vmem>>
    tpu.enqueue_dma source(%dma_start3A_160 : memref<4096xf32, #tpu.memory_space<vmem>>) target(%dma_start3A_157 : memref<4096xf32, #tpu.memory_space<hbm>>) target_semaphore(%arg11 : memref<!tpu.dma_semaphore, #tpu.memory_space<semaphore_mem>>)
    %parallel_loop3A_161 = arith.constant 512 : i32
    %parallel_loop3A_162 = arith.constant 768 : i32
    %parallel_loop3A_163 = arith.constant 1 : i32
    scf.for %parallel_loop3A_466 = %parallel_loop3A_161 to %parallel_loop3A_162 step %parallel_loop3A_163  : i32 {
      %parallel_loop3A_467 = arith.constant 16 : i32
      %parallel_loop3A_468 = arith.muli %parallel_loop3A_466, %parallel_loop3A_467 : i32
      %parallel_loop3A_469 = arith.index_cast %parallel_loop3A_468 : i32 to index
      %parallel_loop3A_470 = tpu.vector_load %arg9[%parallel_loop3A_469] {strides = array<i32>} : memref<16384xi32, #tpu.memory_space<vmem>>, vector<16xi32>,
      %parallel_loop3A_471 = tpu.vector_load_idx %arg8[%parallel_loop3A_470] : memref<100000xf32, #tpu.memory_space<vmem>>[vector<16xi32>], vector<16xf32>,
      %parallel_loop3A_472 = arith.constant 16 : i32
      %parallel_loop3A_473 = arith.muli %parallel_loop3A_466, %parallel_loop3A_472 : i32
      %parallel_loop3A_474 = arith.constant 8192 : i32
      %parallel_loop3A_475 = arith.subi %parallel_loop3A_473, %parallel_loop3A_474 : i32
      %parallel_loop3A_476 = arith.constant 0 : i32
      %parallel_loop3A_477 = arith.index_cast %parallel_loop3A_476 : i32 to index
      %parallel_loop3A_478 = arith.index_cast %parallel_loop3A_475 : i32 to index
      %parallel_loop3A_479 = tpu.vector_load %arg10[%parallel_loop3A_477, %parallel_loop3A_478] {strides = array<i32>} : memref<2x4096xf32, #tpu.memory_space<vmem>>, vector<16xf32>,
      tpu.vector_store %arg10[%parallel_loop3A_477, %parallel_loop3A_478], %parallel_loop3A_471 {strides = array<i32>} : memref<2x4096xf32, #tpu.memory_space<vmem>>, vector<16xf32>,
    } {sc.loop_unroll_factor = 32 : i64, sc.parallel_access}
    %dma_wait3A_164 = arith.constant 1 : i32
    %dma_wait3A_165 = arith.constant 0 : i32
    %dma_wait3A_166 = tpu.memref_slice %arg10[%dma_wait3A_164, %dma_wait3A_165] : memref<2x4096xf32, #tpu.memory_space<vmem>> -> memref<1x4096xf32, #tpu.memory_space<vmem>>
    %dma_wait3A_167 = tpu.memref_squeeze %dma_wait3A_166 : memref<1x4096xf32, #tpu.memory_space<vmem>> -> memref<4096xf32, #tpu.memory_space<vmem>>
    %dma_wait3A_168 = arith.constant 4096 : i32
    %dma_wait3A_169 = tpu.memref_slice %arg6[%add3A_115, %dma_wait3A_168] : memref<64x16384xf32, #tpu.memory_space<hbm>> -> memref<1x4096xf32, #tpu.memory_space<hbm>>
    %dma_wait3A_170 = tpu.memref_squeeze %dma_wait3A_169 : memref<1x4096xf32, #tpu.memory_space<hbm>> -> memref<4096xf32, #tpu.memory_space<hbm>>
    %dma_wait3A_171 = arith.constant 4096 : i32
    %dma_wait3A_172 = tpu.memref_slice %arg6[%add3A_115, %dma_wait3A_171] : memref<64x16384xf32, #tpu.memory_space<hbm>> -> memref<1x4096xf32, #tpu.memory_space<hbm>>
    %dma_wait3A_173 = tpu.memref_squeeze %dma_wait3A_172 : memref<1x4096xf32, #tpu.memory_space<hbm>> -> memref<4096xf32, #tpu.memory_space<hbm>>
    %dma_wait3A_174 = arith.constant 0 : i32
    %dma_wait3A_175 = tpu.memref_slice %arg10[%dma_wait3A_164, %dma_wait3A_174] : memref<2x4096xf32, #tpu.memory_space<vmem>> -> memref<1x4096xf32, #tpu.memory_space<vmem>>
    %dma_wait3A_176 = tpu.memref_squeeze %dma_wait3A_175 : memref<1x4096xf32, #tpu.memory_space<vmem>> -> memref<4096xf32, #tpu.memory_space<vmem>>
    tpu.wait_dma2 semaphore(%arg11 : memref<!tpu.dma_semaphore, #tpu.memory_space<semaphore_mem>>) src(%dma_wait3A_176 : memref<4096xf32, #tpu.memory_space<vmem>>) dst(%dma_wait3A_173 : memref<4096xf32, #tpu.memory_space<hbm>>)
    %dma_start3A_177 = arith.constant 0 : i32
    %dma_start3A_178 = arith.constant 0 : i32
    %dma_start3A_179 = tpu.memref_slice %arg10[%dma_start3A_177, %dma_start3A_178] : memref<2x4096xf32, #tpu.memory_space<vmem>> -> memref<1x4096xf32, #tpu.memory_space<vmem>>
    %dma_start3A_180 = tpu.memref_squeeze %dma_start3A_179 : memref<1x4096xf32, #tpu.memory_space<vmem>> -> memref<4096xf32, #tpu.memory_space<vmem>>
    %dma_start3A_181 = arith.constant 8192 : i32
    %dma_start3A_182 = tpu.memref_slice %arg6[%add3A_115, %dma_start3A_181] : memref<64x16384xf32, #tpu.memory_space<hbm>> -> memref<1x4096xf32, #tpu.memory_space<hbm>>
    %dma_start3A_183 = tpu.memref_squeeze %dma_start3A_182 : memref<1x4096xf32, #tpu.memory_space<hbm>> -> memref<4096xf32, #tpu.memory_space<hbm>>
    %dma_start3A_184 = arith.constant 8192 : i32
    %dma_start3A_185 = tpu.memref_slice %arg6[%add3A_115, %dma_start3A_184] : memref<64x16384xf32, #tpu.memory_space<hbm>> -> memref<1x4096xf32, #tpu.memory_space<hbm>>
    %dma_start3A_186 = tpu.memref_squeeze %dma_start3A_185 : memref<1x4096xf32, #tpu.memory_space<hbm>> -> memref<4096xf32, #tpu.memory_space<hbm>>
    %dma_start3A_187 = arith.constant 0 : i32
    %dma_start3A_188 = tpu.memref_slice %arg10[%dma_start3A_177, %dma_start3A_187] : memref<2x4096xf32, #tpu.memory_space<vmem>> -> memref<1x4096xf32, #tpu.memory_space<vmem>>
    %dma_start3A_189 = tpu.memref_squeeze %dma_start3A_188 : memref<1x4096xf32, #tpu.memory_space<vmem>> -> memref<4096xf32, #tpu.memory_space<vmem>>
    tpu.enqueue_dma source(%dma_start3A_189 : memref<4096xf32, #tpu.memory_space<vmem>>) target(%dma_start3A_186 : memref<4096xf32, #tpu.memory_space<hbm>>) target_semaphore(%arg11 : memref<!tpu.dma_semaphore, #tpu.memory_space<semaphore_mem>>)
    %parallel_loop3A_190 = arith.constant 768 : i32
    %parallel_loop3A_191 = arith.constant 1024 : i32
    %parallel_loop3A_192 = arith.constant 1 : i32
    scf.for %parallel_loop3A_466 = %parallel_loop3A_190 to %parallel_loop3A_191 step %parallel_loop3A_192  : i32 {
      %parallel_loop3A_467 = arith.constant 16 : i32
      %parallel_loop3A_468 = arith.muli %parallel_loop3A_466, %parallel_loop3A_467 : i32
      %parallel_loop3A_469 = arith.index_cast %parallel_loop3A_468 : i32 to index
      %parallel_loop3A_470 = tpu.vector_load %arg9[%parallel_loop3A_469] {strides = array<i32>} : memref<16384xi32, #tpu.memory_space<vmem>>, vector<16xi32>,
      %parallel_loop3A_471 = tpu.vector_load_idx %arg8[%parallel_loop3A_470] : memref<100000xf32, #tpu.memory_space<vmem>>[vector<16xi32>], vector<16xf32>,
      %parallel_loop3A_472 = arith.constant 16 : i32
      %parallel_loop3A_473 = arith.muli %parallel_loop3A_466, %parallel_loop3A_472 : i32
      %parallel_loop3A_474 = arith.constant 12288 : i32
      %parallel_loop3A_475 = arith.subi %parallel_loop3A_473, %parallel_loop3A_474 : i32
      %parallel_loop3A_476 = arith.constant 1 : i32
      %parallel_loop3A_477 = arith.index_cast %parallel_loop3A_476 : i32 to index
      %parallel_loop3A_478 = arith.index_cast %parallel_loop3A_475 : i32 to index
      %parallel_loop3A_479 = tpu.vector_load %arg10[%parallel_loop3A_477, %parallel_loop3A_478] {strides = array<i32>} : memref<2x4096xf32, #tpu.memory_space<vmem>>, vector<16xf32>,
      tpu.vector_store %arg10[%parallel_loop3A_477, %parallel_loop3A_478], %parallel_loop3A_471 {strides = array<i32>} : memref<2x4096xf32, #tpu.memory_space<vmem>>, vector<16xf32>,
    } {sc.loop_unroll_factor = 32 : i64, sc.parallel_access}
    %dma_wait3A_193 = arith.constant 0 : i32
    %dma_wait3A_194 = arith.constant 0 : i32
    %dma_wait3A_195 = tpu.memref_slice %arg10[%dma_wait3A_193, %dma_wait3A_194] : memref<2x4096xf32, #tpu.memory_space<vmem>> -> memref<1x4096xf32, #tpu.memory_space<vmem>>
    %dma_wait3A_196 = tpu.memref_squeeze %dma_wait3A_195 : memref<1x4096xf32, #tpu.memory_space<vmem>> -> memref<4096xf32, #tpu.memory_space<vmem>>
    %dma_wait3A_197 = arith.constant 8192 : i32
    %dma_wait3A_198 = tpu.memref_slice %arg6[%add3A_115, %dma_wait3A_197] : memref<64x16384xf32, #tpu.memory_space<hbm>> -> memref<1x4096xf32, #tpu.memory_space<hbm>>
    %dma_wait3A_199 = tpu.memref_squeeze %dma_wait3A_198 : memref<1x4096xf32, #tpu.memory_space<hbm>> -> memref<4096xf32, #tpu.memory_space<hbm>>
    %dma_wait3A_200 = arith.constant 8192 : i32
    %dma_wait3A_201 = tpu.memref_slice %arg6[%add3A_115, %dma_wait3A_200] : memref<64x16384xf32, #tpu.memory_space<hbm>> -> memref<1x4096xf32, #tpu.memory_space<hbm>>
    %dma_wait3A_202 = tpu.memref_squeeze %dma_wait3A_201 : memref<1x4096xf32, #tpu.memory_space<hbm>> -> memref<4096xf32, #tpu.memory_space<hbm>>
    %dma_wait3A_203 = arith.constant 0 : i32
    %dma_wait3A_204 = tpu.memref_slice %arg10[%dma_wait3A_193, %dma_wait3A_203] : memref<2x4096xf32, #tpu.memory_space<vmem>> -> memref<1x4096xf32, #tpu.memory_space<vmem>>
    %dma_wait3A_205 = tpu.memref_squeeze %dma_wait3A_204 : memref<1x4096xf32, #tpu.memory_space<vmem>> -> memref<4096xf32, #tpu.memory_space<vmem>>
    tpu.wait_dma2 semaphore(%arg11 : memref<!tpu.dma_semaphore, #tpu.memory_space<semaphore_mem>>) src(%dma_wait3A_205 : memref<4096xf32, #tpu.memory_space<vmem>>) dst(%dma_wait3A_202 : memref<4096xf32, #tpu.memory_space<hbm>>)
    %dma_start3A_206 = arith.constant 1 : i32
    %dma_start3A_207 = arith.constant 0 : i32
    %dma_start3A_208 = tpu.memref_slice %arg10[%dma_start3A_206, %dma_start3A_207] : memref<2x4096xf32, #tpu.memory_space<vmem>> -> memref<1x4096xf32, #tpu.memory_space<vmem>>
    %dma_start3A_209 = tpu.memref_squeeze %dma_start3A_208 : memref<1x4096xf32, #tpu.memory_space<vmem>> -> memref<4096xf32, #tpu.memory_space<vmem>>
    %dma_start3A_210 = arith.constant 12288 : i32
    %dma_start3A_211 = tpu.memref_slice %arg6[%add3A_115, %dma_start3A_210] : memref<64x16384xf32, #tpu.memory_space<hbm>> -> memref<1x4096xf32, #tpu.memory_space<hbm>>
    %dma_start3A_212 = tpu.memref_squeeze %dma_start3A_211 : memref<1x4096xf32, #tpu.memory_space<hbm>> -> memref<4096xf32, #tpu.memory_space<hbm>>
    %dma_start3A_213 = arith.constant 12288 : i32
    %dma_start3A_214 = tpu.memref_slice %arg6[%add3A_115, %dma_start3A_213] : memref<64x16384xf32, #tpu.memory_space<hbm>> -> memref<1x4096xf32, #tpu.memory_space<hbm>>
    %dma_start3A_215 = tpu.memref_squeeze %dma_start3A_214 : memref<1x4096xf32, #tpu.memory_space<hbm>> -> memref<4096xf32, #tpu.memory_space<hbm>>
    %dma_start3A_216 = arith.constant 0 : i32
    %dma_start3A_217 = tpu.memref_slice %arg10[%dma_start3A_206, %dma_start3A_216] : memref<2x4096xf32, #tpu.memory_space<vmem>> -> memref<1x4096xf32, #tpu.memory_space<vmem>>
    %dma_start3A_218 = tpu.memref_squeeze %dma_start3A_217 : memref<1x4096xf32, #tpu.memory_space<vmem>> -> memref<4096xf32, #tpu.memory_space<vmem>>
    tpu.enqueue_dma source(%dma_start3A_218 : memref<4096xf32, #tpu.memory_space<vmem>>) target(%dma_start3A_215 : memref<4096xf32, #tpu.memory_space<hbm>>) target_semaphore(%arg11 : memref<!tpu.dma_semaphore, #tpu.memory_space<semaphore_mem>>)
    %dma_wait3A_219 = arith.constant 1 : i32
    %dma_wait3A_220 = arith.constant 0 : i32
    %dma_wait3A_221 = tpu.memref_slice %arg10[%dma_wait3A_219, %dma_wait3A_220] : memref<2x4096xf32, #tpu.memory_space<vmem>> -> memref<1x4096xf32, #tpu.memory_space<vmem>>
    %dma_wait3A_222 = tpu.memref_squeeze %dma_wait3A_221 : memref<1x4096xf32, #tpu.memory_space<vmem>> -> memref<4096xf32, #tpu.memory_space<vmem>>
    %dma_wait3A_223 = arith.constant 12288 : i32
    %dma_wait3A_224 = tpu.memref_slice %arg6[%add3A_115, %dma_wait3A_223] : memref<64x16384xf32, #tpu.memory_space<hbm>> -> memref<1x4096xf32, #tpu.memory_space<hbm>>
    %dma_wait3A_225 = tpu.memref_squeeze %dma_wait3A_224 : memref<1x4096xf32, #tpu.memory_space<hbm>> -> memref<4096xf32, #tpu.memory_space<hbm>>
    %dma_wait3A_226 = arith.constant 12288 : i32
    %dma_wait3A_227 = tpu.memref_slice %arg6[%add3A_115, %dma_wait3A_226] : memref<64x16384xf32, #tpu.memory_space<hbm>> -> memref<1x4096xf32, #tpu.memory_space<hbm>>
    %dma_wait3A_228 = tpu.memref_squeeze %dma_wait3A_227 : memref<1x4096xf32, #tpu.memory_space<hbm>> -> memref<4096xf32, #tpu.memory_space<hbm>>
    %dma_wait3A_229 = arith.constant 0 : i32
    %dma_wait3A_230 = tpu.memref_slice %arg10[%dma_wait3A_219, %dma_wait3A_229] : memref<2x4096xf32, #tpu.memory_space<vmem>> -> memref<1x4096xf32, #tpu.memory_space<vmem>>
    %dma_wait3A_231 = tpu.memref_squeeze %dma_wait3A_230 : memref<1x4096xf32, #tpu.memory_space<vmem>> -> memref<4096xf32, #tpu.memory_space<vmem>>
    tpu.wait_dma2 semaphore(%arg11 : memref<!tpu.dma_semaphore, #tpu.memory_space<semaphore_mem>>) src(%dma_wait3A_231 : memref<4096xf32, #tpu.memory_space<vmem>>) dst(%dma_wait3A_228 : memref<4096xf32, #tpu.memory_space<hbm>>)
    "tpu.region"() ({
      %run_scoped3A = tpu.sem_alloc : memref<!tpu.dma_semaphore, #tpu.memory_space<semaphore_mem>>
      tpu.enqueue_dma source(%arg5 : memref<16384xi32, #tpu.memory_space<hbm>>) target(%arg9 : memref<16384xi32, #tpu.memory_space<vmem>>) target_semaphore(%run_scoped3A : memref<!tpu.dma_semaphore, #tpu.memory_space<semaphore_mem>>)
      tpu.wait_dma2 semaphore(%run_scoped3A : memref<!tpu.dma_semaphore, #tpu.memory_space<semaphore_mem>>) src(%arg5 : memref<16384xi32, #tpu.memory_space<hbm>>) dst(%arg9 : memref<16384xi32, #tpu.memory_space<vmem>>)
      tpu.yield
    }) : () -> ()
    "tpu.region"() ({
      %run_scoped3A = tpu.sem_alloc : memref<!tpu.dma_semaphore, #tpu.memory_space<semaphore_mem>>
      %dma_start3A_466 = arith.constant 0 : i32
      %dma_start3A_467 = tpu.memref_slice %arg3[%add3A, %dma_start3A_466] : memref<64x100000xf32, #tpu.memory_space<hbm>> -> memref<1x100000xf32, #tpu.memory_space<hbm>>
      %dma_start3A_468 = tpu.memref_squeeze %dma_start3A_467 : memref<1x100000xf32, #tpu.memory_space<hbm>> -> memref<100000xf32, #tpu.memory_space<hbm>>
      %dma_start3A_469 = arith.constant 0 : i32
      %dma_start3A_470 = tpu.memref_slice %arg3[%add3A, %dma_start3A_469] : memref<64x100000xf32, #tpu.memory_space<hbm>> -> memref<1x100000xf32, #tpu.memory_space<hbm>>
      %dma_start3A_471 = tpu.memref_squeeze %dma_start3A_470 : memref<1x100000xf32, #tpu.memory_space<hbm>> -> memref<100000xf32, #tpu.memory_space<hbm>>
      tpu.enqueue_dma source(%dma_start3A_471 : memref<100000xf32, #tpu.memory_space<hbm>>) target(%arg8 : memref<100000xf32, #tpu.memory_space<vmem>>) target_semaphore(%run_scoped3A : memref<!tpu.dma_semaphore, #tpu.memory_space<semaphore_mem>>)
      %dma_wait3A_472 = arith.constant 0 : i32
      %dma_wait3A_473 = tpu.memref_slice %arg3[%add3A, %dma_wait3A_472] : memref<64x100000xf32, #tpu.memory_space<hbm>> -> memref<1x100000xf32, #tpu.memory_space<hbm>>
      %dma_wait3A_474 = tpu.memref_squeeze %dma_wait3A_473 : memref<1x100000xf32, #tpu.memory_space<hbm>> -> memref<100000xf32, #tpu.memory_space<hbm>>
      %dma_wait3A_475 = arith.constant 0 : i32
      %dma_wait3A_476 = tpu.memref_slice %arg3[%add3A, %dma_wait3A_475] : memref<64x100000xf32, #tpu.memory_space<hbm>> -> memref<1x100000xf32, #tpu.memory_space<hbm>>
      %dma_wait3A_477 = tpu.memref_squeeze %dma_wait3A_476 : memref<1x100000xf32, #tpu.memory_space<hbm>> -> memref<100000xf32, #tpu.memory_space<hbm>>
      tpu.wait_dma2 semaphore(%run_scoped3A : memref<!tpu.dma_semaphore, #tpu.memory_space<semaphore_mem>>) src(%dma_wait3A_477 : memref<100000xf32, #tpu.memory_space<hbm>>) dst(%arg8 : memref<100000xf32, #tpu.memory_space<vmem>>)
      tpu.yield
    }) : () -> ()
    %parallel_loop3A_232 = arith.constant 0 : i32
    %parallel_loop3A_233 = arith.constant 256 : i32
    %parallel_loop3A_234 = arith.constant 1 : i32
    scf.for %parallel_loop3A_466 = %parallel_loop3A_232 to %parallel_loop3A_233 step %parallel_loop3A_234  : i32 {
      %parallel_loop3A_467 = arith.constant 16 : i32
      %parallel_loop3A_468 = arith.muli %parallel_loop3A_466, %parallel_loop3A_467 : i32
      %parallel_loop3A_469 = arith.index_cast %parallel_loop3A_468 : i32 to index
      %parallel_loop3A_470 = tpu.vector_load %arg9[%parallel_loop3A_469] {strides = array<i32>} : memref<16384xi32, #tpu.memory_space<vmem>>, vector<16xi32>,
      %parallel_loop3A_471 = tpu.vector_load_idx %arg8[%parallel_loop3A_470] : memref<100000xf32, #tpu.memory_space<vmem>>[vector<16xi32>], vector<16xf32>,
      %parallel_loop3A_472 = arith.constant 16 : i32
      %parallel_loop3A_473 = arith.muli %parallel_loop3A_466, %parallel_loop3A_472 : i32
      %parallel_loop3A_474 = arith.constant 0 : i32
      %parallel_loop3A_475 = arith.subi %parallel_loop3A_473, %parallel_loop3A_474 : i32
      %parallel_loop3A_476 = arith.constant 0 : i32
      %parallel_loop3A_477 = arith.index_cast %parallel_loop3A_476 : i32 to index
      %parallel_loop3A_478 = arith.index_cast %parallel_loop3A_475 : i32 to index
      %parallel_loop3A_479 = tpu.vector_load %arg10[%parallel_loop3A_477, %parallel_loop3A_478] {strides = array<i32>} : memref<2x4096xf32, #tpu.memory_space<vmem>>, vector<16xf32>,
      tpu.vector_store %arg10[%parallel_loop3A_477, %parallel_loop3A_478], %parallel_loop3A_471 {strides = array<i32>} : memref<2x4096xf32, #tpu.memory_space<vmem>>, vector<16xf32>,
    } {sc.loop_unroll_factor = 32 : i64, sc.parallel_access}
    %dma_start3A_235 = arith.constant 0 : i32
    %dma_start3A_236 = arith.constant 0 : i32
    %dma_start3A_237 = tpu.memref_slice %arg10[%dma_start3A_235, %dma_start3A_236] : memref<2x4096xf32, #tpu.memory_space<vmem>> -> memref<1x4096xf32, #tpu.memory_space<vmem>>
    %dma_start3A_238 = tpu.memref_squeeze %dma_start3A_237 : memref<1x4096xf32, #tpu.memory_space<vmem>> -> memref<4096xf32, #tpu.memory_space<vmem>>
    %dma_start3A_239 = arith.constant 0 : i32
    %dma_start3A_240 = tpu.memref_slice %arg7[%add3A, %dma_start3A_239] : memref<64x16384xf32, #tpu.memory_space<hbm>> -> memref<1x4096xf32, #tpu.memory_space<hbm>>
    %dma_start3A_241 = tpu.memref_squeeze %dma_start3A_240 : memref<1x4096xf32, #tpu.memory_space<hbm>> -> memref<4096xf32, #tpu.memory_space<hbm>>
    %dma_start3A_242 = arith.constant 0 : i32
    %dma_start3A_243 = tpu.memref_slice %arg7[%add3A, %dma_start3A_242] : memref<64x16384xf32, #tpu.memory_space<hbm>> -> memref<1x4096xf32, #tpu.memory_space<hbm>>
    %dma_start3A_244 = tpu.memref_squeeze %dma_start3A_243 : memref<1x4096xf32, #tpu.memory_space<hbm>> -> memref<4096xf32, #tpu.memory_space<hbm>>
    %dma_start3A_245 = arith.constant 0 : i32
    %dma_start3A_246 = tpu.memref_slice %arg10[%dma_start3A_235, %dma_start3A_245] : memref<2x4096xf32, #tpu.memory_space<vmem>> -> memref<1x4096xf32, #tpu.memory_space<vmem>>
    %dma_start3A_247 = tpu.memref_squeeze %dma_start3A_246 : memref<1x4096xf32, #tpu.memory_space<vmem>> -> memref<4096xf32, #tpu.memory_space<vmem>>
    tpu.enqueue_dma source(%dma_start3A_247 : memref<4096xf32, #tpu.memory_space<vmem>>) target(%dma_start3A_244 : memref<4096xf32, #tpu.memory_space<hbm>>) target_semaphore(%arg11 : memref<!tpu.dma_semaphore, #tpu.memory_space<semaphore_mem>>)
    %parallel_loop3A_248 = arith.constant 256 : i32
    %parallel_loop3A_249 = arith.constant 512 : i32
    %parallel_loop3A_250 = arith.constant 1 : i32
    scf.for %parallel_loop3A_466 = %parallel_loop3A_248 to %parallel_loop3A_249 step %parallel_loop3A_250  : i32 {
      %parallel_loop3A_467 = arith.constant 16 : i32
      %parallel_loop3A_468 = arith.muli %parallel_loop3A_466, %parallel_loop3A_467 : i32
      %parallel_loop3A_469 = arith.index_cast %parallel_loop3A_468 : i32 to index
      %parallel_loop3A_470 = tpu.vector_load %arg9[%parallel_loop3A_469] {strides = array<i32>} : memref<16384xi32, #tpu.memory_space<vmem>>, vector<16xi32>,
      %parallel_loop3A_471 = tpu.vector_load_idx %arg8[%parallel_loop3A_470] : memref<100000xf32, #tpu.memory_space<vmem>>[vector<16xi32>], vector<16xf32>,
      %parallel_loop3A_472 = arith.constant 16 : i32
      %parallel_loop3A_473 = arith.muli %parallel_loop3A_466, %parallel_loop3A_472 : i32
      %parallel_loop3A_474 = arith.constant 4096 : i32
      %parallel_loop3A_475 = arith.subi %parallel_loop3A_473, %parallel_loop3A_474 : i32
      %parallel_loop3A_476 = arith.constant 1 : i32
      %parallel_loop3A_477 = arith.index_cast %parallel_loop3A_476 : i32 to index
      %parallel_loop3A_478 = arith.index_cast %parallel_loop3A_475 : i32 to index
      %parallel_loop3A_479 = tpu.vector_load %arg10[%parallel_loop3A_477, %parallel_loop3A_478] {strides = array<i32>} : memref<2x4096xf32, #tpu.memory_space<vmem>>, vector<16xf32>,
      tpu.vector_store %arg10[%parallel_loop3A_477, %parallel_loop3A_478], %parallel_loop3A_471 {strides = array<i32>} : memref<2x4096xf32, #tpu.memory_space<vmem>>, vector<16xf32>,
    } {sc.loop_unroll_factor = 32 : i64, sc.parallel_access}
    %dma_wait3A_251 = arith.constant 0 : i32
    %dma_wait3A_252 = arith.constant 0 : i32
    %dma_wait3A_253 = tpu.memref_slice %arg10[%dma_wait3A_251, %dma_wait3A_252] : memref<2x4096xf32, #tpu.memory_space<vmem>> -> memref<1x4096xf32, #tpu.memory_space<vmem>>
    %dma_wait3A_254 = tpu.memref_squeeze %dma_wait3A_253 : memref<1x4096xf32, #tpu.memory_space<vmem>> -> memref<4096xf32, #tpu.memory_space<vmem>>
    %dma_wait3A_255 = arith.constant 0 : i32
    %dma_wait3A_256 = tpu.memref_slice %arg7[%add3A, %dma_wait3A_255] : memref<64x16384xf32, #tpu.memory_space<hbm>> -> memref<1x4096xf32, #tpu.memory_space<hbm>>
    %dma_wait3A_257 = tpu.memref_squeeze %dma_wait3A_256 : memref<1x4096xf32, #tpu.memory_space<hbm>> -> memref<4096xf32, #tpu.memory_space<hbm>>
    %dma_wait3A_258 = arith.constant 0 : i32
    %dma_wait3A_259 = tpu.memref_slice %arg7[%add3A, %dma_wait3A_258] : memref<64x16384xf32, #tpu.memory_space<hbm>> -> memref<1x4096xf32, #tpu.memory_space<hbm>>
    %dma_wait3A_260 = tpu.memref_squeeze %dma_wait3A_259 : memref<1x4096xf32, #tpu.memory_space<hbm>> -> memref<4096xf32, #tpu.memory_space<hbm>>
    %dma_wait3A_261 = arith.constant 0 : i32
    %dma_wait3A_262 = tpu.memref_slice %arg10[%dma_wait3A_251, %dma_wait3A_261] : memref<2x4096xf32, #tpu.memory_space<vmem>> -> memref<1x4096xf32, #tpu.memory_space<vmem>>
    %dma_wait3A_263 = tpu.memref_squeeze %dma_wait3A_262 : memref<1x4096xf32, #tpu.memory_space<vmem>> -> memref<4096xf32, #tpu.memory_space<vmem>>
    tpu.wait_dma2 semaphore(%arg11 : memref<!tpu.dma_semaphore, #tpu.memory_space<semaphore_mem>>) src(%dma_wait3A_263 : memref<4096xf32, #tpu.memory_space<vmem>>) dst(%dma_wait3A_260 : memref<4096xf32, #tpu.memory_space<hbm>>)
    %dma_start3A_264 = arith.constant 1 : i32
    %dma_start3A_265 = arith.constant 0 : i32
    %dma_start3A_266 = tpu.memref_slice %arg10[%dma_start3A_264, %dma_start3A_265] : memref<2x4096xf32, #tpu.memory_space<vmem>> -> memref<1x4096xf32, #tpu.memory_space<vmem>>
    %dma_start3A_267 = tpu.memref_squeeze %dma_start3A_266 : memref<1x4096xf32, #tpu.memory_space<vmem>> -> memref<4096xf32, #tpu.memory_space<vmem>>
    %dma_start3A_268 = arith.constant 4096 : i32
    %dma_start3A_269 = tpu.memref_slice %arg7[%add3A, %dma_start3A_268] : memref<64x16384xf32, #tpu.memory_space<hbm>> -> memref<1x4096xf32, #tpu.memory_space<hbm>>
    %dma_start3A_270 = tpu.memref_squeeze %dma_start3A_269 : memref<1x4096xf32, #tpu.memory_space<hbm>> -> memref<4096xf32, #tpu.memory_space<hbm>>
    %dma_start3A_271 = arith.constant 4096 : i32
    %dma_start3A_272 = tpu.memref_slice %arg7[%add3A, %dma_start3A_271] : memref<64x16384xf32, #tpu.memory_space<hbm>> -> memref<1x4096xf32, #tpu.memory_space<hbm>>
    %dma_start3A_273 = tpu.memref_squeeze %dma_start3A_272 : memref<1x4096xf32, #tpu.memory_space<hbm>> -> memref<4096xf32, #tpu.memory_space<hbm>>
    %dma_start3A_274 = arith.constant 0 : i32
    %dma_start3A_275 = tpu.memref_slice %arg10[%dma_start3A_264, %dma_start3A_274] : memref<2x4096xf32, #tpu.memory_space<vmem>> -> memref<1x4096xf32, #tpu.memory_space<vmem>>
    %dma_start3A_276 = tpu.memref_squeeze %dma_start3A_275 : memref<1x4096xf32, #tpu.memory_space<vmem>> -> memref<4096xf32, #tpu.memory_space<vmem>>
    tpu.enqueue_dma source(%dma_start3A_276 : memref<4096xf32, #tpu.memory_space<vmem>>) target(%dma_start3A_273 : memref<4096xf32, #tpu.memory_space<hbm>>) target_semaphore(%arg11 : memref<!tpu.dma_semaphore, #tpu.memory_space<semaphore_mem>>)
    %parallel_loop3A_277 = arith.constant 512 : i32
    %parallel_loop3A_278 = arith.constant 768 : i32
    %parallel_loop3A_279 = arith.constant 1 : i32
    scf.for %parallel_loop3A_466 = %parallel_loop3A_277 to %parallel_loop3A_278 step %parallel_loop3A_279  : i32 {
      %parallel_loop3A_467 = arith.constant 16 : i32
      %parallel_loop3A_468 = arith.muli %parallel_loop3A_466, %parallel_loop3A_467 : i32
      %parallel_loop3A_469 = arith.index_cast %parallel_loop3A_468 : i32 to index
      %parallel_loop3A_470 = tpu.vector_load %arg9[%parallel_loop3A_469] {strides = array<i32>} : memref<16384xi32, #tpu.memory_space<vmem>>, vector<16xi32>,
      %parallel_loop3A_471 = tpu.vector_load_idx %arg8[%parallel_loop3A_470] : memref<100000xf32, #tpu.memory_space<vmem>>[vector<16xi32>], vector<16xf32>,
      %parallel_loop3A_472 = arith.constant 16 : i32
      %parallel_loop3A_473 = arith.muli %parallel_loop3A_466, %parallel_loop3A_472 : i32
      %parallel_loop3A_474 = arith.constant 8192 : i32
      %parallel_loop3A_475 = arith.subi %parallel_loop3A_473, %parallel_loop3A_474 : i32
      %parallel_loop3A_476 = arith.constant 0 : i32
      %parallel_loop3A_477 = arith.index_cast %parallel_loop3A_476 : i32 to index
      %parallel_loop3A_478 = arith.index_cast %parallel_loop3A_475 : i32 to index
      %parallel_loop3A_479 = tpu.vector_load %arg10[%parallel_loop3A_477, %parallel_loop3A_478] {strides = array<i32>} : memref<2x4096xf32, #tpu.memory_space<vmem>>, vector<16xf32>,
      tpu.vector_store %arg10[%parallel_loop3A_477, %parallel_loop3A_478], %parallel_loop3A_471 {strides = array<i32>} : memref<2x4096xf32, #tpu.memory_space<vmem>>, vector<16xf32>,
    } {sc.loop_unroll_factor = 32 : i64, sc.parallel_access}
    %dma_wait3A_280 = arith.constant 1 : i32
    %dma_wait3A_281 = arith.constant 0 : i32
    %dma_wait3A_282 = tpu.memref_slice %arg10[%dma_wait3A_280, %dma_wait3A_281] : memref<2x4096xf32, #tpu.memory_space<vmem>> -> memref<1x4096xf32, #tpu.memory_space<vmem>>
    %dma_wait3A_283 = tpu.memref_squeeze %dma_wait3A_282 : memref<1x4096xf32, #tpu.memory_space<vmem>> -> memref<4096xf32, #tpu.memory_space<vmem>>
    %dma_wait3A_284 = arith.constant 4096 : i32
    %dma_wait3A_285 = tpu.memref_slice %arg7[%add3A, %dma_wait3A_284] : memref<64x16384xf32, #tpu.memory_space<hbm>> -> memref<1x4096xf32, #tpu.memory_space<hbm>>
    %dma_wait3A_286 = tpu.memref_squeeze %dma_wait3A_285 : memref<1x4096xf32, #tpu.memory_space<hbm>> -> memref<4096xf32, #tpu.memory_space<hbm>>
    %dma_wait3A_287 = arith.constant 4096 : i32
    %dma_wait3A_288 = tpu.memref_slice %arg7[%add3A, %dma_wait3A_287] : memref<64x16384xf32, #tpu.memory_space<hbm>> -> memref<1x4096xf32, #tpu.memory_space<hbm>>
    %dma_wait3A_289 = tpu.memref_squeeze %dma_wait3A_288 : memref<1x4096xf32, #tpu.memory_space<hbm>> -> memref<4096xf32, #tpu.memory_space<hbm>>
    %dma_wait3A_290 = arith.constant 0 : i32
    %dma_wait3A_291 = tpu.memref_slice %arg10[%dma_wait3A_280, %dma_wait3A_290] : memref<2x4096xf32, #tpu.memory_space<vmem>> -> memref<1x4096xf32, #tpu.memory_space<vmem>>
    %dma_wait3A_292 = tpu.memref_squeeze %dma_wait3A_291 : memref<1x4096xf32, #tpu.memory_space<vmem>> -> memref<4096xf32, #tpu.memory_space<vmem>>
    tpu.wait_dma2 semaphore(%arg11 : memref<!tpu.dma_semaphore, #tpu.memory_space<semaphore_mem>>) src(%dma_wait3A_292 : memref<4096xf32, #tpu.memory_space<vmem>>) dst(%dma_wait3A_289 : memref<4096xf32, #tpu.memory_space<hbm>>)
    %dma_start3A_293 = arith.constant 0 : i32
    %dma_start3A_294 = arith.constant 0 : i32
    %dma_start3A_295 = tpu.memref_slice %arg10[%dma_start3A_293, %dma_start3A_294] : memref<2x4096xf32, #tpu.memory_space<vmem>> -> memref<1x4096xf32, #tpu.memory_space<vmem>>
    %dma_start3A_296 = tpu.memref_squeeze %dma_start3A_295 : memref<1x4096xf32, #tpu.memory_space<vmem>> -> memref<4096xf32, #tpu.memory_space<vmem>>
    %dma_start3A_297 = arith.constant 8192 : i32
    %dma_start3A_298 = tpu.memref_slice %arg7[%add3A, %dma_start3A_297] : memref<64x16384xf32, #tpu.memory_space<hbm>> -> memref<1x4096xf32, #tpu.memory_space<hbm>>
    %dma_start3A_299 = tpu.memref_squeeze %dma_start3A_298 : memref<1x4096xf32, #tpu.memory_space<hbm>> -> memref<4096xf32, #tpu.memory_space<hbm>>
    %dma_start3A_300 = arith.constant 8192 : i32
    %dma_start3A_301 = tpu.memref_slice %arg7[%add3A, %dma_start3A_300] : memref<64x16384xf32, #tpu.memory_space<hbm>> -> memref<1x4096xf32, #tpu.memory_space<hbm>>
    %dma_start3A_302 = tpu.memref_squeeze %dma_start3A_301 : memref<1x4096xf32, #tpu.memory_space<hbm>> -> memref<4096xf32, #tpu.memory_space<hbm>>
    %dma_start3A_303 = arith.constant 0 : i32
    %dma_start3A_304 = tpu.memref_slice %arg10[%dma_start3A_293, %dma_start3A_303] : memref<2x4096xf32, #tpu.memory_space<vmem>> -> memref<1x4096xf32, #tpu.memory_space<vmem>>
    %dma_start3A_305 = tpu.memref_squeeze %dma_start3A_304 : memref<1x4096xf32, #tpu.memory_space<vmem>> -> memref<4096xf32, #tpu.memory_space<vmem>>
    tpu.enqueue_dma source(%dma_start3A_305 : memref<4096xf32, #tpu.memory_space<vmem>>) target(%dma_start3A_302 : memref<4096xf32, #tpu.memory_space<hbm>>) target_semaphore(%arg11 : memref<!tpu.dma_semaphore, #tpu.memory_space<semaphore_mem>>)
    %parallel_loop3A_306 = arith.constant 768 : i32
    %parallel_loop3A_307 = arith.constant 1024 : i32
    %parallel_loop3A_308 = arith.constant 1 : i32
    scf.for %parallel_loop3A_466 = %parallel_loop3A_306 to %parallel_loop3A_307 step %parallel_loop3A_308  : i32 {
      %parallel_loop3A_467 = arith.constant 16 : i32
      %parallel_loop3A_468 = arith.muli %parallel_loop3A_466, %parallel_loop3A_467 : i32
      %parallel_loop3A_469 = arith.index_cast %parallel_loop3A_468 : i32 to index
      %parallel_loop3A_470 = tpu.vector_load %arg9[%parallel_loop3A_469] {strides = array<i32>} : memref<16384xi32, #tpu.memory_space<vmem>>, vector<16xi32>,
      %parallel_loop3A_471 = tpu.vector_load_idx %arg8[%parallel_loop3A_470] : memref<100000xf32, #tpu.memory_space<vmem>>[vector<16xi32>], vector<16xf32>,
      %parallel_loop3A_472 = arith.constant 16 : i32
      %parallel_loop3A_473 = arith.muli %parallel_loop3A_466, %parallel_loop3A_472 : i32
      %parallel_loop3A_474 = arith.constant 12288 : i32
      %parallel_loop3A_475 = arith.subi %parallel_loop3A_473, %parallel_loop3A_474 : i32
      %parallel_loop3A_476 = arith.constant 1 : i32
      %parallel_loop3A_477 = arith.index_cast %parallel_loop3A_476 : i32 to index
      %parallel_loop3A_478 = arith.index_cast %parallel_loop3A_475 : i32 to index
      %parallel_loop3A_479 = tpu.vector_load %arg10[%parallel_loop3A_477, %parallel_loop3A_478] {strides = array<i32>} : memref<2x4096xf32, #tpu.memory_space<vmem>>, vector<16xf32>,
      tpu.vector_store %arg10[%parallel_loop3A_477, %parallel_loop3A_478], %parallel_loop3A_471 {strides = array<i32>} : memref<2x4096xf32, #tpu.memory_space<vmem>>, vector<16xf32>,
    } {sc.loop_unroll_factor = 32 : i64, sc.parallel_access}
    %dma_wait3A_309 = arith.constant 0 : i32
    %dma_wait3A_310 = arith.constant 0 : i32
    %dma_wait3A_311 = tpu.memref_slice %arg10[%dma_wait3A_309, %dma_wait3A_310] : memref<2x4096xf32, #tpu.memory_space<vmem>> -> memref<1x4096xf32, #tpu.memory_space<vmem>>
    %dma_wait3A_312 = tpu.memref_squeeze %dma_wait3A_311 : memref<1x4096xf32, #tpu.memory_space<vmem>> -> memref<4096xf32, #tpu.memory_space<vmem>>
    %dma_wait3A_313 = arith.constant 8192 : i32
    %dma_wait3A_314 = tpu.memref_slice %arg7[%add3A, %dma_wait3A_313] : memref<64x16384xf32, #tpu.memory_space<hbm>> -> memref<1x4096xf32, #tpu.memory_space<hbm>>
    %dma_wait3A_315 = tpu.memref_squeeze %dma_wait3A_314 : memref<1x4096xf32, #tpu.memory_space<hbm>> -> memref<4096xf32, #tpu.memory_space<hbm>>
    %dma_wait3A_316 = arith.constant 8192 : i32
    %dma_wait3A_317 = tpu.memref_slice %arg7[%add3A, %dma_wait3A_316] : memref<64x16384xf32, #tpu.memory_space<hbm>> -> memref<1x4096xf32, #tpu.memory_space<hbm>>
    %dma_wait3A_318 = tpu.memref_squeeze %dma_wait3A_317 : memref<1x4096xf32, #tpu.memory_space<hbm>> -> memref<4096xf32, #tpu.memory_space<hbm>>
    %dma_wait3A_319 = arith.constant 0 : i32
    %dma_wait3A_320 = tpu.memref_slice %arg10[%dma_wait3A_309, %dma_wait3A_319] : memref<2x4096xf32, #tpu.memory_space<vmem>> -> memref<1x4096xf32, #tpu.memory_space<vmem>>
    %dma_wait3A_321 = tpu.memref_squeeze %dma_wait3A_320 : memref<1x4096xf32, #tpu.memory_space<vmem>> -> memref<4096xf32, #tpu.memory_space<vmem>>
    tpu.wait_dma2 semaphore(%arg11 : memref<!tpu.dma_semaphore, #tpu.memory_space<semaphore_mem>>) src(%dma_wait3A_321 : memref<4096xf32, #tpu.memory_space<vmem>>) dst(%dma_wait3A_318 : memref<4096xf32, #tpu.memory_space<hbm>>)
    %dma_start3A_322 = arith.constant 1 : i32
    %dma_start3A_323 = arith.constant 0 : i32
    %dma_start3A_324 = tpu.memref_slice %arg10[%dma_start3A_322, %dma_start3A_323] : memref<2x4096xf32, #tpu.memory_space<vmem>> -> memref<1x4096xf32, #tpu.memory_space<vmem>>
    %dma_start3A_325 = tpu.memref_squeeze %dma_start3A_324 : memref<1x4096xf32, #tpu.memory_space<vmem>> -> memref<4096xf32, #tpu.memory_space<vmem>>
    %dma_start3A_326 = arith.constant 12288 : i32
    %dma_start3A_327 = tpu.memref_slice %arg7[%add3A, %dma_start3A_326] : memref<64x16384xf32, #tpu.memory_space<hbm>> -> memref<1x4096xf32, #tpu.memory_space<hbm>>
    %dma_start3A_328 = tpu.memref_squeeze %dma_start3A_327 : memref<1x4096xf32, #tpu.memory_space<hbm>> -> memref<4096xf32, #tpu.memory_space<hbm>>
    %dma_start3A_329 = arith.constant 12288 : i32
    %dma_start3A_330 = tpu.memref_slice %arg7[%add3A, %dma_start3A_329] : memref<64x16384xf32, #tpu.memory_space<hbm>> -> memref<1x4096xf32, #tpu.memory_space<hbm>>
    %dma_start3A_331 = tpu.memref_squeeze %dma_start3A_330 : memref<1x4096xf32, #tpu.memory_space<hbm>> -> memref<4096xf32, #tpu.memory_space<hbm>>
    %dma_start3A_332 = arith.constant 0 : i32
    %dma_start3A_333 = tpu.memref_slice %arg10[%dma_start3A_322, %dma_start3A_332] : memref<2x4096xf32, #tpu.memory_space<vmem>> -> memref<1x4096xf32, #tpu.memory_space<vmem>>
    %dma_start3A_334 = tpu.memref_squeeze %dma_start3A_333 : memref<1x4096xf32, #tpu.memory_space<vmem>> -> memref<4096xf32, #tpu.memory_space<vmem>>
    tpu.enqueue_dma source(%dma_start3A_334 : memref<4096xf32, #tpu.memory_space<vmem>>) target(%dma_start3A_331 : memref<4096xf32, #tpu.memory_space<hbm>>) target_semaphore(%arg11 : memref<!tpu.dma_semaphore, #tpu.memory_space<semaphore_mem>>)
    %dma_wait3A_335 = arith.constant 1 : i32
    %dma_wait3A_336 = arith.constant 0 : i32
    %dma_wait3A_337 = tpu.memref_slice %arg10[%dma_wait3A_335, %dma_wait3A_336] : memref<2x4096xf32, #tpu.memory_space<vmem>> -> memref<1x4096xf32, #tpu.memory_space<vmem>>
    %dma_wait3A_338 = tpu.memref_squeeze %dma_wait3A_337 : memref<1x4096xf32, #tpu.memory_space<vmem>> -> memref<4096xf32, #tpu.memory_space<vmem>>
    %dma_wait3A_339 = arith.constant 12288 : i32
    %dma_wait3A_340 = tpu.memref_slice %arg7[%add3A, %dma_wait3A_339] : memref<64x16384xf32, #tpu.memory_space<hbm>> -> memref<1x4096xf32, #tpu.memory_space<hbm>>
    %dma_wait3A_341 = tpu.memref_squeeze %dma_wait3A_340 : memref<1x4096xf32, #tpu.memory_space<hbm>> -> memref<4096xf32, #tpu.memory_space<hbm>>
    %dma_wait3A_342 = arith.constant 12288 : i32
    %dma_wait3A_343 = tpu.memref_slice %arg7[%add3A, %dma_wait3A_342] : memref<64x16384xf32, #tpu.memory_space<hbm>> -> memref<1x4096xf32, #tpu.memory_space<hbm>>
    %dma_wait3A_344 = tpu.memref_squeeze %dma_wait3A_343 : memref<1x4096xf32, #tpu.memory_space<hbm>> -> memref<4096xf32, #tpu.memory_space<hbm>>
    %dma_wait3A_345 = arith.constant 0 : i32
    %dma_wait3A_346 = tpu.memref_slice %arg10[%dma_wait3A_335, %dma_wait3A_345] : memref<2x4096xf32, #tpu.memory_space<vmem>> -> memref<1x4096xf32, #tpu.memory_space<vmem>>
    %dma_wait3A_347 = tpu.memref_squeeze %dma_wait3A_346 : memref<1x4096xf32, #tpu.memory_space<vmem>> -> memref<4096xf32, #tpu.memory_space<vmem>>
    tpu.wait_dma2 semaphore(%arg11 : memref<!tpu.dma_semaphore, #tpu.memory_space<semaphore_mem>>) src(%dma_wait3A_347 : memref<4096xf32, #tpu.memory_space<vmem>>) dst(%dma_wait3A_344 : memref<4096xf32, #tpu.memory_space<hbm>>)
    %add3A_348 = arith.constant 32 : i32
    %add3A_349 = arith.addi %add3A, %add3A_348 : i32
    "tpu.region"() ({
      %run_scoped3A = tpu.sem_alloc : memref<!tpu.dma_semaphore, #tpu.memory_space<semaphore_mem>>
      %dma_start3A_466 = arith.constant 0 : i32
      %dma_start3A_467 = tpu.memref_slice %arg3[%add3A_349, %dma_start3A_466] : memref<64x100000xf32, #tpu.memory_space<hbm>> -> memref<1x100000xf32, #tpu.memory_space<hbm>>
      %dma_start3A_468 = tpu.memref_squeeze %dma_start3A_467 : memref<1x100000xf32, #tpu.memory_space<hbm>> -> memref<100000xf32, #tpu.memory_space<hbm>>
      %dma_start3A_469 = arith.constant 0 : i32
      %dma_start3A_470 = tpu.memref_slice %arg3[%add3A_349, %dma_start3A_469] : memref<64x100000xf32, #tpu.memory_space<hbm>> -> memref<1x100000xf32, #tpu.memory_space<hbm>>
      %dma_start3A_471 = tpu.memref_squeeze %dma_start3A_470 : memref<1x100000xf32, #tpu.memory_space<hbm>> -> memref<100000xf32, #tpu.memory_space<hbm>>
      tpu.enqueue_dma source(%dma_start3A_471 : memref<100000xf32, #tpu.memory_space<hbm>>) target(%arg8 : memref<100000xf32, #tpu.memory_space<vmem>>) target_semaphore(%run_scoped3A : memref<!tpu.dma_semaphore, #tpu.memory_space<semaphore_mem>>)
      %dma_wait3A_472 = arith.constant 0 : i32
      %dma_wait3A_473 = tpu.memref_slice %arg3[%add3A_349, %dma_wait3A_472] : memref<64x100000xf32, #tpu.memory_space<hbm>> -> memref<1x100000xf32, #tpu.memory_space<hbm>>
      %dma_wait3A_474 = tpu.memref_squeeze %dma_wait3A_473 : memref<1x100000xf32, #tpu.memory_space<hbm>> -> memref<100000xf32, #tpu.memory_space<hbm>>
      %dma_wait3A_475 = arith.constant 0 : i32
      %dma_wait3A_476 = tpu.memref_slice %arg3[%add3A_349, %dma_wait3A_475] : memref<64x100000xf32, #tpu.memory_space<hbm>> -> memref<1x100000xf32, #tpu.memory_space<hbm>>
      %dma_wait3A_477 = tpu.memref_squeeze %dma_wait3A_476 : memref<1x100000xf32, #tpu.memory_space<hbm>> -> memref<100000xf32, #tpu.memory_space<hbm>>
      tpu.wait_dma2 semaphore(%run_scoped3A : memref<!tpu.dma_semaphore, #tpu.memory_space<semaphore_mem>>) src(%dma_wait3A_477 : memref<100000xf32, #tpu.memory_space<hbm>>) dst(%arg8 : memref<100000xf32, #tpu.memory_space<vmem>>)
      tpu.yield
    }) : () -> ()
    %parallel_loop3A_350 = arith.constant 0 : i32
    %parallel_loop3A_351 = arith.constant 256 : i32
    %parallel_loop3A_352 = arith.constant 1 : i32
    scf.for %parallel_loop3A_466 = %parallel_loop3A_350 to %parallel_loop3A_351 step %parallel_loop3A_352  : i32 {
      %parallel_loop3A_467 = arith.constant 16 : i32
      %parallel_loop3A_468 = arith.muli %parallel_loop3A_466, %parallel_loop3A_467 : i32
      %parallel_loop3A_469 = arith.index_cast %parallel_loop3A_468 : i32 to index
      %parallel_loop3A_470 = tpu.vector_load %arg9[%parallel_loop3A_469] {strides = array<i32>} : memref<16384xi32, #tpu.memory_space<vmem>>, vector<16xi32>,
      %parallel_loop3A_471 = tpu.vector_load_idx %arg8[%parallel_loop3A_470] : memref<100000xf32, #tpu.memory_space<vmem>>[vector<16xi32>], vector<16xf32>,
      %parallel_loop3A_472 = arith.constant 16 : i32
      %parallel_loop3A_473 = arith.muli %parallel_loop3A_466, %parallel_loop3A_472 : i32
      %parallel_loop3A_474 = arith.constant 0 : i32
      %parallel_loop3A_475 = arith.subi %parallel_loop3A_473, %parallel_loop3A_474 : i32
      %parallel_loop3A_476 = arith.constant 0 : i32
      %parallel_loop3A_477 = arith.index_cast %parallel_loop3A_476 : i32 to index
      %parallel_loop3A_478 = arith.index_cast %parallel_loop3A_475 : i32 to index
      %parallel_loop3A_479 = tpu.vector_load %arg10[%parallel_loop3A_477, %parallel_loop3A_478] {strides = array<i32>} : memref<2x4096xf32, #tpu.memory_space<vmem>>, vector<16xf32>,
      tpu.vector_store %arg10[%parallel_loop3A_477, %parallel_loop3A_478], %parallel_loop3A_471 {strides = array<i32>} : memref<2x4096xf32, #tpu.memory_space<vmem>>, vector<16xf32>,
    } {sc.loop_unroll_factor = 32 : i64, sc.parallel_access}
    %dma_start3A_353 = arith.constant 0 : i32
    %dma_start3A_354 = arith.constant 0 : i32
    %dma_start3A_355 = tpu.memref_slice %arg10[%dma_start3A_353, %dma_start3A_354] : memref<2x4096xf32, #tpu.memory_space<vmem>> -> memref<1x4096xf32, #tpu.memory_space<vmem>>
    %dma_start3A_356 = tpu.memref_squeeze %dma_start3A_355 : memref<1x4096xf32, #tpu.memory_space<vmem>> -> memref<4096xf32, #tpu.memory_space<vmem>>
    %dma_start3A_357 = arith.constant 0 : i32
    %dma_start3A_358 = tpu.memref_slice %arg7[%add3A_349, %dma_start3A_357] : memref<64x16384xf32, #tpu.memory_space<hbm>> -> memref<1x4096xf32, #tpu.memory_space<hbm>>
    %dma_start3A_359 = tpu.memref_squeeze %dma_start3A_358 : memref<1x4096xf32, #tpu.memory_space<hbm>> -> memref<4096xf32, #tpu.memory_space<hbm>>
    %dma_start3A_360 = arith.constant 0 : i32
    %dma_start3A_361 = tpu.memref_slice %arg7[%add3A_349, %dma_start3A_360] : memref<64x16384xf32, #tpu.memory_space<hbm>> -> memref<1x4096xf32, #tpu.memory_space<hbm>>
    %dma_start3A_362 = tpu.memref_squeeze %dma_start3A_361 : memref<1x4096xf32, #tpu.memory_space<hbm>> -> memref<4096xf32, #tpu.memory_space<hbm>>
    %dma_start3A_363 = arith.constant 0 : i32
    %dma_start3A_364 = tpu.memref_slice %arg10[%dma_start3A_353, %dma_start3A_363] : memref<2x4096xf32, #tpu.memory_space<vmem>> -> memref<1x4096xf32, #tpu.memory_space<vmem>>
    %dma_start3A_365 = tpu.memref_squeeze %dma_start3A_364 : memref<1x4096xf32, #tpu.memory_space<vmem>> -> memref<4096xf32, #tpu.memory_space<vmem>>
    tpu.enqueue_dma source(%dma_start3A_365 : memref<4096xf32, #tpu.memory_space<vmem>>) target(%dma_start3A_362 : memref<4096xf32, #tpu.memory_space<hbm>>) target_semaphore(%arg11 : memref<!tpu.dma_semaphore, #tpu.memory_space<semaphore_mem>>)
    %parallel_loop3A_366 = arith.constant 256 : i32
    %parallel_loop3A_367 = arith.constant 512 : i32
    %parallel_loop3A_368 = arith.constant 1 : i32
    scf.for %parallel_loop3A_466 = %parallel_loop3A_366 to %parallel_loop3A_367 step %parallel_loop3A_368  : i32 {
      %parallel_loop3A_467 = arith.constant 16 : i32
      %parallel_loop3A_468 = arith.muli %parallel_loop3A_466, %parallel_loop3A_467 : i32
      %parallel_loop3A_469 = arith.index_cast %parallel_loop3A_468 : i32 to index
      %parallel_loop3A_470 = tpu.vector_load %arg9[%parallel_loop3A_469] {strides = array<i32>} : memref<16384xi32, #tpu.memory_space<vmem>>, vector<16xi32>,
      %parallel_loop3A_471 = tpu.vector_load_idx %arg8[%parallel_loop3A_470] : memref<100000xf32, #tpu.memory_space<vmem>>[vector<16xi32>], vector<16xf32>,
      %parallel_loop3A_472 = arith.constant 16 : i32
      %parallel_loop3A_473 = arith.muli %parallel_loop3A_466, %parallel_loop3A_472 : i32
      %parallel_loop3A_474 = arith.constant 4096 : i32
      %parallel_loop3A_475 = arith.subi %parallel_loop3A_473, %parallel_loop3A_474 : i32
      %parallel_loop3A_476 = arith.constant 1 : i32
      %parallel_loop3A_477 = arith.index_cast %parallel_loop3A_476 : i32 to index
      %parallel_loop3A_478 = arith.index_cast %parallel_loop3A_475 : i32 to index
      %parallel_loop3A_479 = tpu.vector_load %arg10[%parallel_loop3A_477, %parallel_loop3A_478] {strides = array<i32>} : memref<2x4096xf32, #tpu.memory_space<vmem>>, vector<16xf32>,
      tpu.vector_store %arg10[%parallel_loop3A_477, %parallel_loop3A_478], %parallel_loop3A_471 {strides = array<i32>} : memref<2x4096xf32, #tpu.memory_space<vmem>>, vector<16xf32>,
    } {sc.loop_unroll_factor = 32 : i64, sc.parallel_access}
    %dma_wait3A_369 = arith.constant 0 : i32
    %dma_wait3A_370 = arith.constant 0 : i32
    %dma_wait3A_371 = tpu.memref_slice %arg10[%dma_wait3A_369, %dma_wait3A_370] : memref<2x4096xf32, #tpu.memory_space<vmem>> -> memref<1x4096xf32, #tpu.memory_space<vmem>>
    %dma_wait3A_372 = tpu.memref_squeeze %dma_wait3A_371 : memref<1x4096xf32, #tpu.memory_space<vmem>> -> memref<4096xf32, #tpu.memory_space<vmem>>
    %dma_wait3A_373 = arith.constant 0 : i32
    %dma_wait3A_374 = tpu.memref_slice %arg7[%add3A_349, %dma_wait3A_373] : memref<64x16384xf32, #tpu.memory_space<hbm>> -> memref<1x4096xf32, #tpu.memory_space<hbm>>
    %dma_wait3A_375 = tpu.memref_squeeze %dma_wait3A_374 : memref<1x4096xf32, #tpu.memory_space<hbm>> -> memref<4096xf32, #tpu.memory_space<hbm>>
    %dma_wait3A_376 = arith.constant 0 : i32
    %dma_wait3A_377 = tpu.memref_slice %arg7[%add3A_349, %dma_wait3A_376] : memref<64x16384xf32, #tpu.memory_space<hbm>> -> memref<1x4096xf32, #tpu.memory_space<hbm>>
    %dma_wait3A_378 = tpu.memref_squeeze %dma_wait3A_377 : memref<1x4096xf32, #tpu.memory_space<hbm>> -> memref<4096xf32, #tpu.memory_space<hbm>>
    %dma_wait3A_379 = arith.constant 0 : i32
    %dma_wait3A_380 = tpu.memref_slice %arg10[%dma_wait3A_369, %dma_wait3A_379] : memref<2x4096xf32, #tpu.memory_space<vmem>> -> memref<1x4096xf32, #tpu.memory_space<vmem>>
    %dma_wait3A_381 = tpu.memref_squeeze %dma_wait3A_380 : memref<1x4096xf32, #tpu.memory_space<vmem>> -> memref<4096xf32, #tpu.memory_space<vmem>>
    tpu.wait_dma2 semaphore(%arg11 : memref<!tpu.dma_semaphore, #tpu.memory_space<semaphore_mem>>) src(%dma_wait3A_381 : memref<4096xf32, #tpu.memory_space<vmem>>) dst(%dma_wait3A_378 : memref<4096xf32, #tpu.memory_space<hbm>>)
    %dma_start3A_382 = arith.constant 1 : i32
    %dma_start3A_383 = arith.constant 0 : i32
    %dma_start3A_384 = tpu.memref_slice %arg10[%dma_start3A_382, %dma_start3A_383] : memref<2x4096xf32, #tpu.memory_space<vmem>> -> memref<1x4096xf32, #tpu.memory_space<vmem>>
    %dma_start3A_385 = tpu.memref_squeeze %dma_start3A_384 : memref<1x4096xf32, #tpu.memory_space<vmem>> -> memref<4096xf32, #tpu.memory_space<vmem>>
    %dma_start3A_386 = arith.constant 4096 : i32
    %dma_start3A_387 = tpu.memref_slice %arg7[%add3A_349, %dma_start3A_386] : memref<64x16384xf32, #tpu.memory_space<hbm>> -> memref<1x4096xf32, #tpu.memory_space<hbm>>
    %dma_start3A_388 = tpu.memref_squeeze %dma_start3A_387 : memref<1x4096xf32, #tpu.memory_space<hbm>> -> memref<4096xf32, #tpu.memory_space<hbm>>
    %dma_start3A_389 = arith.constant 4096 : i32
    %dma_start3A_390 = tpu.memref_slice %arg7[%add3A_349, %dma_start3A_389] : memref<64x16384xf32, #tpu.memory_space<hbm>> -> memref<1x4096xf32, #tpu.memory_space<hbm>>
    %dma_start3A_391 = tpu.memref_squeeze %dma_start3A_390 : memref<1x4096xf32, #tpu.memory_space<hbm>> -> memref<4096xf32, #tpu.memory_space<hbm>>
    %dma_start3A_392 = arith.constant 0 : i32
    %dma_start3A_393 = tpu.memref_slice %arg10[%dma_start3A_382, %dma_start3A_392] : memref<2x4096xf32, #tpu.memory_space<vmem>> -> memref<1x4096xf32, #tpu.memory_space<vmem>>
    %dma_start3A_394 = tpu.memref_squeeze %dma_start3A_393 : memref<1x4096xf32, #tpu.memory_space<vmem>> -> memref<4096xf32, #tpu.memory_space<vmem>>
    tpu.enqueue_dma source(%dma_start3A_394 : memref<4096xf32, #tpu.memory_space<vmem>>) target(%dma_start3A_391 : memref<4096xf32, #tpu.memory_space<hbm>>) target_semaphore(%arg11 : memref<!tpu.dma_semaphore, #tpu.memory_space<semaphore_mem>>)
    %parallel_loop3A_395 = arith.constant 512 : i32
    %parallel_loop3A_396 = arith.constant 768 : i32
    %parallel_loop3A_397 = arith.constant 1 : i32
    scf.for %parallel_loop3A_466 = %parallel_loop3A_395 to %parallel_loop3A_396 step %parallel_loop3A_397  : i32 {
      %parallel_loop3A_467 = arith.constant 16 : i32
      %parallel_loop3A_468 = arith.muli %parallel_loop3A_466, %parallel_loop3A_467 : i32
      %parallel_loop3A_469 = arith.index_cast %parallel_loop3A_468 : i32 to index
      %parallel_loop3A_470 = tpu.vector_load %arg9[%parallel_loop3A_469] {strides = array<i32>} : memref<16384xi32, #tpu.memory_space<vmem>>, vector<16xi32>,
      %parallel_loop3A_471 = tpu.vector_load_idx %arg8[%parallel_loop3A_470] : memref<100000xf32, #tpu.memory_space<vmem>>[vector<16xi32>], vector<16xf32>,
      %parallel_loop3A_472 = arith.constant 16 : i32
      %parallel_loop3A_473 = arith.muli %parallel_loop3A_466, %parallel_loop3A_472 : i32
      %parallel_loop3A_474 = arith.constant 8192 : i32
      %parallel_loop3A_475 = arith.subi %parallel_loop3A_473, %parallel_loop3A_474 : i32
      %parallel_loop3A_476 = arith.constant 0 : i32
      %parallel_loop3A_477 = arith.index_cast %parallel_loop3A_476 : i32 to index
      %parallel_loop3A_478 = arith.index_cast %parallel_loop3A_475 : i32 to index
      %parallel_loop3A_479 = tpu.vector_load %arg10[%parallel_loop3A_477, %parallel_loop3A_478] {strides = array<i32>} : memref<2x4096xf32, #tpu.memory_space<vmem>>, vector<16xf32>,
      tpu.vector_store %arg10[%parallel_loop3A_477, %parallel_loop3A_478], %parallel_loop3A_471 {strides = array<i32>} : memref<2x4096xf32, #tpu.memory_space<vmem>>, vector<16xf32>,
    } {sc.loop_unroll_factor = 32 : i64, sc.parallel_access}
    %dma_wait3A_398 = arith.constant 1 : i32
    %dma_wait3A_399 = arith.constant 0 : i32
    %dma_wait3A_400 = tpu.memref_slice %arg10[%dma_wait3A_398, %dma_wait3A_399] : memref<2x4096xf32, #tpu.memory_space<vmem>> -> memref<1x4096xf32, #tpu.memory_space<vmem>>
    %dma_wait3A_401 = tpu.memref_squeeze %dma_wait3A_400 : memref<1x4096xf32, #tpu.memory_space<vmem>> -> memref<4096xf32, #tpu.memory_space<vmem>>
    %dma_wait3A_402 = arith.constant 4096 : i32
    %dma_wait3A_403 = tpu.memref_slice %arg7[%add3A_349, %dma_wait3A_402] : memref<64x16384xf32, #tpu.memory_space<hbm>> -> memref<1x4096xf32, #tpu.memory_space<hbm>>
    %dma_wait3A_404 = tpu.memref_squeeze %dma_wait3A_403 : memref<1x4096xf32, #tpu.memory_space<hbm>> -> memref<4096xf32, #tpu.memory_space<hbm>>
    %dma_wait3A_405 = arith.constant 4096 : i32
    %dma_wait3A_406 = tpu.memref_slice %arg7[%add3A_349, %dma_wait3A_405] : memref<64x16384xf32, #tpu.memory_space<hbm>> -> memref<1x4096xf32, #tpu.memory_space<hbm>>
    %dma_wait3A_407 = tpu.memref_squeeze %dma_wait3A_406 : memref<1x4096xf32, #tpu.memory_space<hbm>> -> memref<4096xf32, #tpu.memory_space<hbm>>
    %dma_wait3A_408 = arith.constant 0 : i32
    %dma_wait3A_409 = tpu.memref_slice %arg10[%dma_wait3A_398, %dma_wait3A_408] : memref<2x4096xf32, #tpu.memory_space<vmem>> -> memref<1x4096xf32, #tpu.memory_space<vmem>>
    %dma_wait3A_410 = tpu.memref_squeeze %dma_wait3A_409 : memref<1x4096xf32, #tpu.memory_space<vmem>> -> memref<4096xf32, #tpu.memory_space<vmem>>
    tpu.wait_dma2 semaphore(%arg11 : memref<!tpu.dma_semaphore, #tpu.memory_space<semaphore_mem>>) src(%dma_wait3A_410 : memref<4096xf32, #tpu.memory_space<vmem>>) dst(%dma_wait3A_407 : memref<4096xf32, #tpu.memory_space<hbm>>)
    %dma_start3A_411 = arith.constant 0 : i32
    %dma_start3A_412 = arith.constant 0 : i32
    %dma_start3A_413 = tpu.memref_slice %arg10[%dma_start3A_411, %dma_start3A_412] : memref<2x4096xf32, #tpu.memory_space<vmem>> -> memref<1x4096xf32, #tpu.memory_space<vmem>>
    %dma_start3A_414 = tpu.memref_squeeze %dma_start3A_413 : memref<1x4096xf32, #tpu.memory_space<vmem>> -> memref<4096xf32, #tpu.memory_space<vmem>>
    %dma_start3A_415 = arith.constant 8192 : i32
    %dma_start3A_416 = tpu.memref_slice %arg7[%add3A_349, %dma_start3A_415] : memref<64x16384xf32, #tpu.memory_space<hbm>> -> memref<1x4096xf32, #tpu.memory_space<hbm>>
    %dma_start3A_417 = tpu.memref_squeeze %dma_start3A_416 : memref<1x4096xf32, #tpu.memory_space<hbm>> -> memref<4096xf32, #tpu.memory_space<hbm>>
    %dma_start3A_418 = arith.constant 8192 : i32
    %dma_start3A_419 = tpu.memref_slice %arg7[%add3A_349, %dma_start3A_418] : memref<64x16384xf32, #tpu.memory_space<hbm>> -> memref<1x4096xf32, #tpu.memory_space<hbm>>
    %dma_start3A_420 = tpu.memref_squeeze %dma_start3A_419 : memref<1x4096xf32, #tpu.memory_space<hbm>> -> memref<4096xf32, #tpu.memory_space<hbm>>
    %dma_start3A_421 = arith.constant 0 : i32
    %dma_start3A_422 = tpu.memref_slice %arg10[%dma_start3A_411, %dma_start3A_421] : memref<2x4096xf32, #tpu.memory_space<vmem>> -> memref<1x4096xf32, #tpu.memory_space<vmem>>
    %dma_start3A_423 = tpu.memref_squeeze %dma_start3A_422 : memref<1x4096xf32, #tpu.memory_space<vmem>> -> memref<4096xf32, #tpu.memory_space<vmem>>
    tpu.enqueue_dma source(%dma_start3A_423 : memref<4096xf32, #tpu.memory_space<vmem>>) target(%dma_start3A_420 : memref<4096xf32, #tpu.memory_space<hbm>>) target_semaphore(%arg11 : memref<!tpu.dma_semaphore, #tpu.memory_space<semaphore_mem>>)
    %parallel_loop3A_424 = arith.constant 768 : i32
    %parallel_loop3A_425 = arith.constant 1024 : i32
    %parallel_loop3A_426 = arith.constant 1 : i32
    scf.for %parallel_loop3A_466 = %parallel_loop3A_424 to %parallel_loop3A_425 step %parallel_loop3A_426  : i32 {
      %parallel_loop3A_467 = arith.constant 16 : i32
      %parallel_loop3A_468 = arith.muli %parallel_loop3A_466, %parallel_loop3A_467 : i32
      %parallel_loop3A_469 = arith.index_cast %parallel_loop3A_468 : i32 to index
      %parallel_loop3A_470 = tpu.vector_load %arg9[%parallel_loop3A_469] {strides = array<i32>} : memref<16384xi32, #tpu.memory_space<vmem>>, vector<16xi32>,
      %parallel_loop3A_471 = tpu.vector_load_idx %arg8[%parallel_loop3A_470] : memref<100000xf32, #tpu.memory_space<vmem>>[vector<16xi32>], vector<16xf32>,
      %parallel_loop3A_472 = arith.constant 16 : i32
      %parallel_loop3A_473 = arith.muli %parallel_loop3A_466, %parallel_loop3A_472 : i32
      %parallel_loop3A_474 = arith.constant 12288 : i32
      %parallel_loop3A_475 = arith.subi %parallel_loop3A_473, %parallel_loop3A_474 : i32
      %parallel_loop3A_476 = arith.constant 1 : i32
      %parallel_loop3A_477 = arith.index_cast %parallel_loop3A_476 : i32 to index
      %parallel_loop3A_478 = arith.index_cast %parallel_loop3A_475 : i32 to index
      %parallel_loop3A_479 = tpu.vector_load %arg10[%parallel_loop3A_477, %parallel_loop3A_478] {strides = array<i32>} : memref<2x4096xf32, #tpu.memory_space<vmem>>, vector<16xf32>,
      tpu.vector_store %arg10[%parallel_loop3A_477, %parallel_loop3A_478], %parallel_loop3A_471 {strides = array<i32>} : memref<2x4096xf32, #tpu.memory_space<vmem>>, vector<16xf32>,
    } {sc.loop_unroll_factor = 32 : i64, sc.parallel_access}
    %dma_wait3A_427 = arith.constant 0 : i32
    %dma_wait3A_428 = arith.constant 0 : i32
    %dma_wait3A_429 = tpu.memref_slice %arg10[%dma_wait3A_427, %dma_wait3A_428] : memref<2x4096xf32, #tpu.memory_space<vmem>> -> memref<1x4096xf32, #tpu.memory_space<vmem>>
    %dma_wait3A_430 = tpu.memref_squeeze %dma_wait3A_429 : memref<1x4096xf32, #tpu.memory_space<vmem>> -> memref<4096xf32, #tpu.memory_space<vmem>>
    %dma_wait3A_431 = arith.constant 8192 : i32
    %dma_wait3A_432 = tpu.memref_slice %arg7[%add3A_349, %dma_wait3A_431] : memref<64x16384xf32, #tpu.memory_space<hbm>> -> memref<1x4096xf32, #tpu.memory_space<hbm>>
    %dma_wait3A_433 = tpu.memref_squeeze %dma_wait3A_432 : memref<1x4096xf32, #tpu.memory_space<hbm>> -> memref<4096xf32, #tpu.memory_space<hbm>>
    %dma_wait3A_434 = arith.constant 8192 : i32
    %dma_wait3A_435 = tpu.memref_slice %arg7[%add3A_349, %dma_wait3A_434] : memref<64x16384xf32, #tpu.memory_space<hbm>> -> memref<1x4096xf32, #tpu.memory_space<hbm>>
    %dma_wait3A_436 = tpu.memref_squeeze %dma_wait3A_435 : memref<1x4096xf32, #tpu.memory_space<hbm>> -> memref<4096xf32, #tpu.memory_space<hbm>>
    %dma_wait3A_437 = arith.constant 0 : i32
    %dma_wait3A_438 = tpu.memref_slice %arg10[%dma_wait3A_427, %dma_wait3A_437] : memref<2x4096xf32, #tpu.memory_space<vmem>> -> memref<1x4096xf32, #tpu.memory_space<vmem>>
    %dma_wait3A_439 = tpu.memref_squeeze %dma_wait3A_438 : memref<1x4096xf32, #tpu.memory_space<vmem>> -> memref<4096xf32, #tpu.memory_space<vmem>>
    tpu.wait_dma2 semaphore(%arg11 : memref<!tpu.dma_semaphore, #tpu.memory_space<semaphore_mem>>) src(%dma_wait3A_439 : memref<4096xf32, #tpu.memory_space<vmem>>) dst(%dma_wait3A_436 : memref<4096xf32, #tpu.memory_space<hbm>>)
    %dma_start3A_440 = arith.constant 1 : i32
    %dma_start3A_441 = arith.constant 0 : i32
    %dma_start3A_442 = tpu.memref_slice %arg10[%dma_start3A_440, %dma_start3A_441] : memref<2x4096xf32, #tpu.memory_space<vmem>> -> memref<1x4096xf32, #tpu.memory_space<vmem>>
    %dma_start3A_443 = tpu.memref_squeeze %dma_start3A_442 : memref<1x4096xf32, #tpu.memory_space<vmem>> -> memref<4096xf32, #tpu.memory_space<vmem>>
    %dma_start3A_444 = arith.constant 12288 : i32
    %dma_start3A_445 = tpu.memref_slice %arg7[%add3A_349, %dma_start3A_444] : memref<64x16384xf32, #tpu.memory_space<hbm>> -> memref<1x4096xf32, #tpu.memory_space<hbm>>
    %dma_start3A_446 = tpu.memref_squeeze %dma_start3A_445 : memref<1x4096xf32, #tpu.memory_space<hbm>> -> memref<4096xf32, #tpu.memory_space<hbm>>
    %dma_start3A_447 = arith.constant 12288 : i32
    %dma_start3A_448 = tpu.memref_slice %arg7[%add3A_349, %dma_start3A_447] : memref<64x16384xf32, #tpu.memory_space<hbm>> -> memref<1x4096xf32, #tpu.memory_space<hbm>>
    %dma_start3A_449 = tpu.memref_squeeze %dma_start3A_448 : memref<1x4096xf32, #tpu.memory_space<hbm>> -> memref<4096xf32, #tpu.memory_space<hbm>>
    %dma_start3A_450 = arith.constant 0 : i32
    %dma_start3A_451 = tpu.memref_slice %arg10[%dma_start3A_440, %dma_start3A_450] : memref<2x4096xf32, #tpu.memory_space<vmem>> -> memref<1x4096xf32, #tpu.memory_space<vmem>>
    %dma_start3A_452 = tpu.memref_squeeze %dma_start3A_451 : memref<1x4096xf32, #tpu.memory_space<vmem>> -> memref<4096xf32, #tpu.memory_space<vmem>>
    tpu.enqueue_dma source(%dma_start3A_452 : memref<4096xf32, #tpu.memory_space<vmem>>) target(%dma_start3A_449 : memref<4096xf32, #tpu.memory_space<hbm>>) target_semaphore(%arg11 : memref<!tpu.dma_semaphore, #tpu.memory_space<semaphore_mem>>)
    %dma_wait3A_453 = arith.constant 1 : i32
    %dma_wait3A_454 = arith.constant 0 : i32
    %dma_wait3A_455 = tpu.memref_slice %arg10[%dma_wait3A_453, %dma_wait3A_454] : memref<2x4096xf32, #tpu.memory_space<vmem>> -> memref<1x4096xf32, #tpu.memory_space<vmem>>
    %dma_wait3A_456 = tpu.memref_squeeze %dma_wait3A_455 : memref<1x4096xf32, #tpu.memory_space<vmem>> -> memref<4096xf32, #tpu.memory_space<vmem>>
    %dma_wait3A_457 = arith.constant 12288 : i32
    %dma_wait3A_458 = tpu.memref_slice %arg7[%add3A_349, %dma_wait3A_457] : memref<64x16384xf32, #tpu.memory_space<hbm>> -> memref<1x4096xf32, #tpu.memory_space<hbm>>
    %dma_wait3A_459 = tpu.memref_squeeze %dma_wait3A_458 : memref<1x4096xf32, #tpu.memory_space<hbm>> -> memref<4096xf32, #tpu.memory_space<hbm>>
    %dma_wait3A_460 = arith.constant 12288 : i32
    %dma_wait3A_461 = tpu.memref_slice %arg7[%add3A_349, %dma_wait3A_460] : memref<64x16384xf32, #tpu.memory_space<hbm>> -> memref<1x4096xf32, #tpu.memory_space<hbm>>
    %dma_wait3A_462 = tpu.memref_squeeze %dma_wait3A_461 : memref<1x4096xf32, #tpu.memory_space<hbm>> -> memref<4096xf32, #tpu.memory_space<hbm>>
    %dma_wait3A_463 = arith.constant 0 : i32
    %dma_wait3A_464 = tpu.memref_slice %arg10[%dma_wait3A_453, %dma_wait3A_463] : memref<2x4096xf32, #tpu.memory_space<vmem>> -> memref<1x4096xf32, #tpu.memory_space<vmem>>
    %dma_wait3A_465 = tpu.memref_squeeze %dma_wait3A_464 : memref<1x4096xf32, #tpu.memory_space<vmem>> -> memref<4096xf32, #tpu.memory_space<vmem>>
    tpu.wait_dma2 semaphore(%arg11 : memref<!tpu.dma_semaphore, #tpu.memory_space<semaphore_mem>>) src(%dma_wait3A_465 : memref<4096xf32, #tpu.memory_space<vmem>>) dst(%dma_wait3A_462 : memref<4096xf32, #tpu.memory_space<hbm>>)
    return
  }
}

module attributes {stable_mosaic.version = 14 : i64} {
  func.func @_tc_dot_body(%arg0: i32, %arg1: memref<64x2048xf32, #tpu.memory_space<vmem>>, %arg2: memref<64x2048xf32, #tpu.memory_space<vmem>>, %arg3: memref<2048xf32, #tpu.memory_space<vmem>>) attributes {dimension_semantics = [#tpu.dimension_semantics<arbitrary>], iteration_bounds = array<i64: 8>, scalar_prefetch = 0 : i64, scratch_operands = 0 : i64, tpu.core_type = #tpu.core_type<tc>, window_params = [{transform_indices = @transform_0, window_bounds = array<i64: 64, 2048>}, {transform_indices = @transform_1, window_bounds = array<i64: 64, 2048>}, {transform_indices = @transform_2, window_bounds = array<i64: 2048>}]} {
    %get3A = arith.constant 0 : index
    %get3A_0 = arith.constant 0 : index
    %get3A_1 = vector.load %arg1[%get3A, %get3A_0] : memref<64x2048xf32, #tpu.memory_space<vmem>>, vector<64x2048xf32>
    %get3A_2 = arith.constant 0 : index
    %get3A_3 = arith.constant 0 : index
    %get3A_4 = vector.load %arg2[%get3A_2, %get3A_3] : memref<64x2048xf32, #tpu.memory_space<vmem>>, vector<64x2048xf32>
    %mul3A = arith.mulf %get3A_1, %get3A_4 : vector<64x2048xf32>
    %reduce_sum3A = arith.constant dense<0.000000e+00> : vector<2048xf32>
    %reduce_sum3A_5 = vector.multi_reduction <add>, %mul3A, %reduce_sum3A [0] : vector<64x2048xf32> to vector<2048xf32>
    %swap3A = arith.constant 0 : index
    %swap3A_6 = vector.load %arg3[%swap3A] : memref<2048xf32, #tpu.memory_space<vmem>>, vector<2048xf32>
    tpu.vector_store %arg3[%swap3A], %reduce_sum3A_5 {strides = array<i32>} : memref<2048xf32, #tpu.memory_space<vmem>>, vector<2048xf32>,
    return
  }
  func.func @transform_0(%arg0: i32) -> (i32, i32) {
    %c0_i32 = arith.constant 0 : i32
    %c0_i32_0 = arith.constant 0 : i32
    return %c0_i32, %arg0 : i32, i32
  }
  func.func @transform_1(%arg0: i32) -> (i32, i32) {
    %c0_i32 = arith.constant 0 : i32
    %c0_i32_0 = arith.constant 0 : i32
    return %c0_i32, %arg0 : i32, i32
  }
  func.func @transform_2(%arg0: i32) -> i32 {
    %c0_i32 = arith.constant 0 : i32
    return %arg0 : i32
  }
}

</mosaic_0001>

<sc_bundles>
// kernel: kernel.4.cloned.1.call-start
scs
__scs_entry_jumppad:
0x0: {  	(pc) =	sbr.rel $0x88, $3  }
0x1: {  	(tag) =	ssettag $0x0;
	lr =	simm.s32 $0x1  }
0x2: {  	[smem:$0x3F9D] =	sst lr;
	_ =	strace $0xD0000000  }
0x3: {  	_ = 	snop  }
0x4: {  	_ = 	snop  }
0x5: {  	_ = 	snop  }
0x6: {  	_ = 	snop  }
0x7: {  	_ = 	snop  }
__scs_overlays_trampoline_lowered:
0x8: {  	[smem:$0x3FAC] =	sst s0  }
0x9: {  	[smem:$0x3FAD] =	sst s1  }
0xa: {  	[smem:$0x3FAE] =	sst s2  }
0xb: {  	[smem:$0x3FAF] =	sst s3  }
0xc: {  	[smem:$0x3FB0] =	sst s4  }
0xd: {  	[smem:$0x3FB1] =	sst s5  }
0xe: {  	[smem:$0x3FB2] =	sst s6  }
0xf: {  	[smem:$0x3FB3] =	sst s7  }
0x10: {  	[smem:$0x3FB4] =	sst s8  }
0x11: {  	[smem:$0x3FB5] =	sst s9;
	s0 =	simm.s32 @!p0 $0x0  }
0x12: {  	s1 =	sld [smem:$0x3F9B];
	s0 =	simm.s32 @p0 $0x1  }
0x13: {  	[smem:$0x3FB6] =	sst s0;
	s0 =	simm.s32 @!p1 $0x0  }
0x14: {  	s2 =	sld [smem:$0x3F9A];
	s0 =	simm.s32 @p1 $0x1  }
0x15: {  	[smem:$0x3FB7] =	sst s0;
	s0 =	simm.s32 @!p2 $0x0  }
0x16: {  	s3 =	sld [smem:$0x3FDB];
	s0 =	simm.s32 @p2 $0x1  }
0x17: {  	s4 =	simm.s32 $0x1BF5;
	[smem:$0x3FB9] =	sst s0  }
0x18: {  	s0 =	sld [smem:$0x3F9C];
	_ =	swait.ge [sflag:s4], $0x0  }
0x19: {  	s7 =	sld [smem:$0x3F9D]  }
0x1a: {  	s8 =	sadd.s32 $0xFFFFE003, lr  }
0x1b: {  	s9 =	sadd.s32 $0xFFFFFEF7, lr;
	s5 =	simm.s32 $0xFFFFFFFF;
	p2 =	slt.u32 s8, $0xFFFFF086  }
0x1c: {  	p1 =	slt.u32 s9, $0xF7A;
	s5 =	simm.s32 @!p2 $0x0  }
0x1d: {  	s5 =	simm.s32 @p1 $0x1;
	p0 =	seq.s32 s7, s2  }
0x1e: {  	s7 =	smul.u32 @!p0 $0xF7A, s2;
	p2 =	seq.s32 @!p0 s5, $0x0  }
0x1f: {  	s9 =	smul.u32 $0xF7A, s1;
	s8 =	simm.s32 @!p0 $0x1BF5;
	p2 =	por !p2, p0  }
0x20: {  	[sflag:s8] =	ssyncset.s32 @!p0 $0xFFFFF086;
	s6 =	sadd.s32 @!p0 s3, s7;
	s7 =	simm.s32 @!p0 $0x108  }
0x21: {  	s3 =	sadd.s32 s3, s9;
	s6 =	sadd.s32 @!p0 $0x88, s6;
	s7 =	simm.s32 @p2 $0x1082  }
0x22: {  	[simem:s7], [sflag:s8] =	dma.local @!p0 [hbm:s6], $0xF7A  }
0x23: {  	s9 =	sor.u32 $0xD0000000, s2;
	s6 =	simm.s32 $0x108;
	_ =	swait.ge @!p0 [sflag:s8], $0x0  }
0x24: {  	s3 =	sadd.s32 $0x88, s3;
	s6 =	simm.s32 @!p1 $0x1082;
	[sflag:s4] =	ssyncset.s32 $0xFFFFF086  }
0x25: {  	[simem:s6], [sflag:s4] =	dma.local [hbm:s3], $0xF7A  }
0x26: {  	[smem:$0x3F9D] =	sst s1;
	(tag) =	ssettag s2;
	_ =	strace s9  }
0x27: {  	s1 =	sld [smem:$0x3FAD]  }
0x28: {  	s2 =	sld [smem:$0x3FAE]  }
0x29: {  	s4 =	sld [smem:$0x3FB0]  }
0x2a: {  	p0 =	seq.s32 s5, $0x0;
	s5 =	sld [smem:$0x3FB1]  }
0x2b: {  	s6 =	sld [smem:$0x3FB2]  }
0x2c: {  	s7 =	sld [smem:$0x3FB3]  }
0x2d: {  	s3 =	simm.s32 $0x108;
	s8 =	sld [smem:$0x3FB4]  }
0x2e: {  	s3 =	simm.s32 @!p0 $0x1082;
	s9 =	sld [smem:$0x3FB5]  }
0x2f: {  	lr =	sadd.s32 s0, s3;
	s0 =	sld [smem:$0x3FAC]  }
0x30: {  	s3 =	sld [smem:$0x3FAF]  }
0x31: {  	[smem:$0x3FB8] =	sst s10  }
0x32: {  	s10 =	sld [smem:$0x3FB6];
	_ =	sdelay $0x3  }
0x33: {  	p0 =	seq.s32 s10, $0x1;
	s10 =	sld [smem:$0x3FB8];
	_ =	sdelay $0x3  }
0x34: {  	[smem:$0x3FB8] =	sst s10  }
0x35: {  	s10 =	sld [smem:$0x3FB7];
	_ =	sdelay $0x3  }
0x36: {  	p1 =	seq.s32 s10, $0x1;
	s10 =	sld [smem:$0x3FB8];
	_ =	sdelay $0x3  }
0x37: {  	[smem:$0x3FB8] =	sst s10  }
0x38: {  	s10 =	sld [smem:$0x3FB9]  }
0x39: {  	_ = 	snop;
	(pc) =	sbr.ind lr, $3  }
0x3a: {  	_ = 	snop  }
0x3b: {  	_ = 	snop  }
0x3c: {  	p2 =	seq.s32 s10, $0x1;
	s10 =	sld [smem:$0x3FB8]  }
0x3d: {  	_ =	shalt  }
0x3e: {  	_ =	shalt  }
0x3f: {  	_ =	shalt  }
0x40: {  	_ =	shalt  }
0x41: {  	_ =	shalt  }
0x42: {  	_ =	shalt  }
0x43: {  	_ =	shalt  }
0x44: {  	_ =	shalt  }
0x45: {  	_ =	shalt  }
0x46: {  	_ =	shalt  }
0x47: {  	_ =	shalt  }
0x48: {  	_ =	shalt  }
0x49: {  	_ =	shalt  }
0x4a: {  	_ =	shalt  }
0x4b: {  	_ =	shalt  }
0x4c: {  	_ =	shalt  }
0x4d: {  	_ =	shalt  }
0x4e: {  	_ =	shalt  }
0x4f: {  	_ =	shalt  }
0x50: {  	_ =	shalt  }
0x51: {  	_ =	shalt  }
0x52: {  	_ =	shalt  }
0x53: {  	_ =	shalt  }
0x54: {  	_ =	shalt  }
0x55: {  	_ =	shalt  }
0x56: {  	_ =	shalt  }
0x57: {  	_ =	shalt  }
0x58: {  	_ =	shalt  }
0x59: {  	_ =	shalt  }
0x5a: {  	_ =	shalt  }
0x5b: {  	_ =	shalt  }
0x5c: {  	_ =	shalt  }
0x5d: {  	_ =	shalt  }
0x5e: {  	_ =	shalt  }
0x5f: {  	_ =	shalt  }
0x60: {  	_ =	shalt  }
0x61: {  	_ =	shalt  }
0x62: {  	_ =	shalt  }
0x63: {  	_ =	shalt  }
0x64: {  	_ =	shalt  }
0x65: {  	_ =	shalt  }
0x66: {  	_ =	shalt  }
0x67: {  	_ =	shalt  }
0x68: {  	_ =	shalt  }
0x69: {  	_ =	shalt  }
0x6a: {  	_ =	shalt  }
0x6b: {  	_ =	shalt  }
0x6c: {  	_ =	shalt  }
0x6d: {  	_ =	shalt  }
0x6e: {  	_ =	shalt  }
0x6f: {  	_ =	shalt  }
0x70: {  	_ =	shalt  }
0x71: {  	_ =	shalt  }
0x72: {  	_ =	shalt  }
0x73: {  	_ =	shalt  }
0x74: {  	_ =	shalt  }
0x75: {  	_ =	shalt  }
0x76: {  	_ =	shalt  }
0x77: {  	_ =	shalt  }
0x78: {  	_ =	shalt  }
0x79: {  	_ =	shalt  }
0x7a: {  	_ =	shalt  }
0x7b: {  	_ =	shalt  }
0x7c: {  	_ =	shalt  }
0x7d: {  	_ =	shalt  }
0x7e: {  	_ =	shalt  }
0x7f: {  	_ =	shalt  }
0x80: {  	_ =	shalt  }
0x81: {  	_ =	shalt  }
0x82: {  	_ =	shalt  }
0x83: {  	_ =	shalt  }
0x84: {  	_ =	shalt  }
0x85: {  	_ =	shalt  }
0x86: {  	_ =	shalt  }
0x87: {  	_ =	shalt  }
.Lfunc_end0:
.L_simem_size_0:
called_computation_lowered:
.L_overlay_start_0:
0x88: {  	s2 =	sld [smem:$0x3FD9]  }
0x89: {  	s3 =	sld [smem:$0x3FFE];
	_ =	sdelay $0x1  }
0x8a: {  	s1 =	srdreg.scid  }
0x8b: {  	s0 =	sand.u32 $0x1, s1  }
0x8c: {  	s17 =	sshll.u32 s0, $0xA;
	s2 =	sadd.s32 s3, s2  }
0x8d: {  	s2 =	sadd.s32 s2, s17  }
0x8e: {  	[smem:$0x3FC4] =	sst s2  }
0x8f: {  	_ = 	snop  }
0x90: {  	s2 =	sld [smem:$0x3FC9]  }
0x91: {  	s18 =	sld [smem:$0x3FC8]  }
0x92: {  	s4 =	sld [smem:$0x3FC7]  }
0x93: {  	s5 =	sld [smem:$0x3FC6];
	(tm) =	ssettm $0x1  }
0x94: {  	s6 =	sld [smem:$0x3FFB];
	_ =	sdelay $0x3  }
0x95: {  	_ =	strace s6  }
0x96: {  	s6 =	sld [smem:$0x3FFC];
	_ =	sdelay $0x3  }
0x97: {  	_ =	strace s6  }
0x98: {  	s6 =	sld [smem:$0x3FFD];
	_ =	sdelay $0x3  }
0x99: {  	_ =	strace s6  }
0x9a: {  	_ =	strace $0x8FFFFFFF  }
0x9b: {  	s19 =	sld [smem:$0x3FDB];
	_ =	sdelay $0x1  }
0x9c: {  	s7 =	simm.s32 $_scs_section_size  }
0x9d: {  	s8 =	simm.s32 $_size__tile_overlayer_lowered;
	s9 =	simm.s32 $_tile_overlayer_lowered  }
0x9e: {  	s22 =	simm.s32 $0x1BFF;
	s21 =	sshll.u32 s9, $0x1;
	s6 =	sadd.s32 s7, s19  }
0x9f: {  	s10 =	simm.s32 $0x0;
	s20 =	sshll.u32 s8, $0x1;
	s8 =	sadd.s32 s21, s6  }
0xa0: {  	[timem:s10], [sflag:s22] =	dma.local [hbm:s8], s20  }
0xa1: {  	_ =	swait.ge [sflag:s22], s20  }
0xa2: {  	s7 =	ssub.s32 $0x0, s20;
	[sflag:s22] =	ssyncset.done $0x0  }
0xa3: {  	[sflag:s22] =	ssyncadd.s32 s7;
	_ =	sdelay $0x1  }
0xa4: {  	s23 =	simm.s32 $0x1B8B  }
0xa5: {  	_ =	swait.ge [sflag:s23], $0x1  }
0xa6: {  	[sflag:s23] =	ssyncset.done $0x0  }
0xa7: {  	s25 =	simm.s32 $0x1B8E;
	s24 =	sld [smem:$0x3FFE];
	[sflag:s23] =	ssyncadd.s32 $0xFFFFFFFF  }
0xa8: {  	s26 =	simm.s32 $execute0_lowered;
	[smem:$0x3FD2] =	sst s25  }
0xa9: {  	s8 =	sshll.u32 s26, $0x1;
	_ =	strace $0x80000046;
	[dreg:$0x1] =	wrdreg $0xFFFFFFFF  }
0xaa: {  	s28 =	simm.s32 $_size_execute0_lowered;
	s6 =	sadd.s32 s6, s8;
	[dreg:$0x0] =	wrdreg $0x0  }
0xab: {  	s8 =	sshll.u32 s28, $0x1;
	[dreg:$0x2] =	wrdreg s6  }
0xac: {  	[dreg:$0x3] =	wrdreg s8  }
0xad: {  	[dreg:$0x4] =	wrdreg $0xC0  }
0xae: {  	_ =	task [dreg:s10], $0x5FFFF  }
0xaf: {  	[dreg:$0x1] =	wrdreg $0xFFFFFFFF  }
0xb0: {  	[dreg:$0x0] =	wrdreg $0x60  }
0xb1: {  	[dreg:$0x2] =	wrdreg s4  }
0xb2: {  	[dreg:$0x3] =	wrdreg s5  }
0xb3: {  	[dreg:$0x4] =	wrdreg s2  }
0xb4: {  	[dreg:$0x5] =	wrdreg s18  }
0xb5: {  	[dreg:$0x6] =	wrdreg s24  }
0xb6: {  	[dreg:$0x7] =	wrdreg $0x9  }
0xb7: {  	_ =	task.clear_ibuf [dreg:s10], $0x8FFFF;
	_ =	strace $0x90000046  }
0xb8: {  	s29 =	simm.s32 $0x9;
	_ =	strace $0x80000048  }
0xb9: {  	_ =	swait.ge [sflag:s29], $0x1  }
0xba: {  	[sflag:s29] =	ssyncadd.s32 $0xFFFFFFFF  }
0xbb: {  	_ =	strace $0x90000048  }
0xbc: {  	_ =	sfence  }
0xbd: {  	s30 =	sld [smem:$0x0];
	_ =	sdelay $0x2  }
0xbe: {  	s31 =	sshll.u32 s1, $0xD;
	s1 =	sshrl.u32 s1, $0x2  }
0xbf: {  	s3 =	sand.u32 $0x4000, s31;
	s1 =	sadd.s32 s1, s30  }
0xc0: {  	s0 =	sor.u32 s3, s0;
	s1 =	sshll.u32 s1, $0x11  }
0xc1: {  	s0 =	sor.u32 s1, s0  }
0xc2: {  	s0 =	sadd.s32 $0x8F2B, s0  }
0xc3: {  	[sflag:s0] =	ssyncadd.remote.s32 $0x1  }
0xc4: {  	_ =	sfence.sel $0xFFFF  }
0xc5: {  	[dreg:$0x0] =	wrdreg $0xFFFFFFFF;
	(pc) =	sbr.abs _section_cstart, $3  }
0xc6: {  	[dreg:$0x1] =	wrdreg $0xFFFFFFFF  }
0xc7: {  	_ =	task.clear_ibuf [dreg:s10], $0x2FFFF;
	_ =	strace $0x9FFFFFFF  }
0xc8: {  	(tm) =	ssettm $0x7FFFFFFF  }
0xc9: {  	_ =	shalt  }
tec
execute0_lowered:
.L_overlay_start_1:
0x0: {  	(tag) =	ssettag $0x1  }
0x1: {  	s0 =	rddreg [dreg:$0x0]  }
0x2: {  	s1 =	rddreg [dreg:$0x1]  }
0x3: {  	s3 =	rddreg [dreg:$0x4];
	s2 =	simm.s32 $0x0  }
0x4: {  	s4 =	srdreg.scid;
	s5 =	stileid.u32;
	s28 =	simm.s32 $0x2  }
0x5: {  	s29 =	simm.s32 $0x80;
	s30 =	simm.s32 $0x400;
	s31 =	simm.s32 $0x1  }
0x6: {  	[smem:$0x7FF] =	sst s2;
	s15 =	sadd.s32 $0xC00, s3;
	s3 =	sadd.s32 $0x20C00, s3  }
0x7: {  	s4 =	sand.u32 $0x1, s4;
	s6 =	sshrl.u32 s5, $0x2;
	s5 =	sshll.u32 s5, $0x8  }
0x8: {  	s7 =	sshll.u32 s4, $0x7;
	s5 =	sand.u32 $0x300, s5;
	s8 =	smul.u32 $0xC3800, s6  }
0x9: {  	s4 =	ssub.s32 $0x2, s4;
	s22 =	sshll.u32 s6, $0x11;
	s24 =	sor.u32 $0x4, s6  }
0xa: {  	_ =	strace $0x80000047;
	s9 =	sor.u32 s7, s5;
	s23 =	sshrl.u32 s4, $0x1  }
0xb: {  	s10 =	smul.u32 $0xC3800, s24;
	s8 =	sor.u32 s8, s9;
	s5 =	sor.u32 s22, s9  }
0xc: {  	s17 =	ssub.s32 s4, s23;
	s13 =	sshrl.u32 s8, $0x3;
	s16 =	sshrl.u32 s5, $0x3  }
0xd: {  	s8 =	sshll.u32 s24, $0x11;
	s10 =	sor.u32 s9, s10;
	s4 =	sadd.s32 s0, s13  }
0xe: {  	s5 =	sadd.s32 s15, s16;
	s18 =	sor.u32 $0x1000, s16;
	s19 =	sor.u32 $0x2000, s16  }
0xf: {  	s20 =	sor.u32 $0x3000, s16;
	s9 =	sor.u32 s9, s8;
	s14 =	sshrl.u32 s10, $0x3  }
0x10: {  	s13 =	sadd.s32 s1, s13;
	s16 =	sadd.s32 s3, s16;
	s6 =	sadd.s32 s15, s18  }
0x11: {  	s7 =	sadd.s32 s15, s19;
	s8 =	sadd.s32 s15, s20;
	s21 =	sshrl.u32 s9, $0x3  }
0x12: {  	s9 =	sadd.s32 s0, s14;
	s14 =	sadd.s32 s1, s14;
	s18 =	sadd.s32 s3, s18  }
0x13: {  	s19 =	sadd.s32 s3, s19;
	s20 =	sadd.s32 s3, s20;
	s25 =	sor.u32 $0x1000, s21  }
0x14: {  	s23 =	sor.u32 $0x2000, s21;
	s10 =	sadd.s32 s15, s21;
	s26 =	sor.u32 $0x3000, s21  }
0x15: {  	s21 =	sadd.s32 s3, s21;
	s11 =	sadd.s32 s15, s25;
	s12 =	sadd.s32 s15, s23  }
0x16: {  	s15 =	sadd.s32 s15, s26;
	s22 =	sadd.s32 s3, s25;
	s23 =	sadd.s32 s3, s23  }
0x17: {  	s24 =	sadd.s32 s3, s26;
	s25 =	smax.u32 s17, $0x1;
	s17 =	simm.s32 $0x0  }
.LBB2_1:
0x18: {  	s0 =	rddreg [dreg:$0x2];
	s1 =	simm.s32 $0x18700  }
0x19: {  	[tilespmem:s1], [sflag:$0x2] =	stream.linear.gather [hbm4b:s0+s2], $0x4000, $0x38;
	[tilespmem:$0x1E700] =	vst v63  }
0x1a: {  	_ =	swait.ge [sflag:s28], $0x4000  }
0x1b: {  	[sflag:s28] =	ssyncset.done $0x0  }
0x1c: {  	[sflag:s28] =	ssyncadd.s32 $0xFFFFC000  }
0x1d: {  	[tilespmem:s2], [sflag:$0x2] =	stream.strided.gather [hbm4b:s4+s29], $0x18700, s30, s29, $0x38;
	[tilespmem:$0x1E700] =	vst v63  }
0x1e: {  	_ =	swait.ge [sflag:s28], $0x18700  }
0x1f: {  	[sflag:s28] =	ssyncset.done $0x0  }
0x20: {  	s26 =	simm.s32 $0x18800;
	[sflag:s28] =	ssyncadd.s32 $0xFFFE7900  }
0x21: {  	v0 =	vld [tilespmem:s26+$0xF0]  }
0x22: {  	v1 =	vld [tilespmem:s26+$0xFFFFFF10]  }
0x23: {  	v2 =	vld [tilespmem:s26+$0xFFFFFF20]  }
0x24: {  	v3 =	vld [tilespmem:s26+$0xFFFFFF30]  }
0x25: {  	v4 =	vld [tilespmem:s26+$0xFFFFFF40]  }
0x26: {  	v5 =	vld [tilespmem:s26+$0xFFFFFF50]  }
0x27: {  	v6 =	vld [tilespmem:s26+$0xFFFFFF60]  }
0x28: {  	v7 =	vld [tilespmem:s26+$0xFFFFFF70]  }
0x29: {  	v8 =	vld [tilespmem:s26+$0xFFFFFF80]  }
0x2a: {  	v9 =	vld [tilespmem:s26+$0xFFFFFF90]  }
0x2b: {  	v10 =	vld [tilespmem:s26+$0xFFFFFFA0]  }
0x2c: {  	v11 =	vld [tilespmem:s26+$0xFFFFFFB0]  }
0x2d: {  	v12 =	vld [tilespmem:s26+$0xFFFFFFC0]  }
0x2e: {  	v13 =	vld [tilespmem:s26+$0xFFFFFFD0]  }
0x2f: {  	v14 =	vld [tilespmem:s26+$0xFFFFFFE0]  }
0x30: {  	v15 =	vld [tilespmem:s26+$0xFFFFFFF0]  }
0x31: {  	v16 =	vld [tilespmem:s26+$0x0]  }
0x32: {  	v17 =	vld [tilespmem:s26+$0x10]  }
0x33: {  	v18 =	vld [tilespmem:s26+$0x20]  }
0x34: {  	v19 =	vld [tilespmem:s26+$0x30]  }
0x35: {  	v20 =	vld [tilespmem:s26+$0x40]  }
0x36: {  	v21 =	vld [tilespmem:s26+$0x50]  }
0x37: {  	v22 =	vld [tilespmem:s26+$0x60]  }
0x38: {  	v23 =	vld [tilespmem:s26+$0x70]  }
0x39: {  	v24 =	vld [tilespmem:s26+$0x80]  }
0x3a: {  	v25 =	vld [tilespmem:s26+$0x90]  }
0x3b: {  	v26 =	vld [tilespmem:s26+$0xA0]  }
0x3c: {  	v27 =	vld [tilespmem:s26+$0xB0]  }
0x3d: {  	v28 =	vld [tilespmem:s26+$0xC0]  }
0x3e: {  	v29 =	vld [tilespmem:s26+$0xD0]  }
0x3f: {  	v30 =	vld [tilespmem:s26+$0xE0]  }
0x40: {  	v31 =	vld [tilespmem:s26+$0xFFFFFF00]  }
0x41: {  	v0 =	vld.idx.msk [tilespmem:v0+s2+$0x0], $0xffff  }
0x42: {  	v1 =	vld.idx.msk [tilespmem:v1+s2+$0x0], $0xffff  }
0x43: {  	v2 =	vld.idx.msk [tilespmem:v2+s2+$0x0], $0xffff  }
0x44: {  	v3 =	vld.idx.msk [tilespmem:v3+s2+$0x0], $0xffff  }
0x45: {  	v4 =	vld.idx.msk [tilespmem:v4+s2+$0x0], $0xffff  }
0x46: {  	s3 =	simm.s32 $0x1C900;
	v5 =	vld.idx.msk [tilespmem:v5+s2+$0x0], $0xffff  }
0x47: {  	[tilespmem:s3+$0x170] =	vst v0;
	v0 =	vld.idx.msk [tilespmem:v6+s2+$0x0], $0xffff  }
0x48: {  	[tilespmem:s3+$0xFFFFFE10] =	vst v1;
	v1 =	vld.idx.msk [tilespmem:v7+s2+$0x0], $0xffff  }
0x49: {  	v6 =	vld.idx.msk [tilespmem:v31+s2+$0x0], $0xffff;
	[tilespmem:s3+$0xFFFFFE20] =	vst v2  }
0x4a: {  	[tilespmem:s3+$0xFFFFFE30] =	vst v3;
	v2 =	vld.idx.msk [tilespmem:v8+s2+$0x0], $0xffff  }
0x4b: {  	[tilespmem:s3+$0xFFFFFE40] =	vst v4;
	v3 =	vld.idx.msk [tilespmem:v9+s2+$0x0], $0xffff  }
0x4c: {  	[tilespmem:s3+$0xFFFFFE50] =	vst v5;
	v4 =	vld.idx.msk [tilespmem:v10+s2+$0x0], $0xffff  }
0x4d: {  	v5 =	vld.idx.msk [tilespmem:v13+s2+$0x0], $0xffff;
	[tilespmem:s3+$0xFFFFFE60] =	vst v0  }
0x4e: {  	v7 =	vld.idx.msk [tilespmem:v24+s2+$0x0], $0xffff;
	[tilespmem:s3+$0xFFFFFE70] =	vst v1  }
0x4f: {  	v0 =	vld.idx.msk [tilespmem:v11+s2+$0x0], $0xffff;
	[tilespmem:s3+$0xFFFFFE00] =	vst v6  }
0x50: {  	v1 =	vld.idx.msk [tilespmem:v12+s2+$0x0], $0xffff;
	[tilespmem:s3+$0xFFFFFF00] =	vst v2  }
0x51: {  	v2 =	vld.idx.msk [tilespmem:v14+s2+$0x0], $0xffff;
	[tilespmem:s3+$0xFFFFFF10] =	vst v3  }
0x52: {  	v3 =	vld.idx.msk [tilespmem:v15+s2+$0x0], $0xffff;
	[tilespmem:s3+$0xFFFFFF20] =	vst v4  }
0x53: {  	v4 =	vld.idx.msk [tilespmem:v16+s2+$0x0], $0xffff;
	[tilespmem:s3+$0xFFFFFF50] =	vst v5  }
0x54: {  	v5 =	vld.idx.msk [tilespmem:v19+s2+$0x0], $0xffff;
	[tilespmem:s3+$0x100] =	vst v7  }
0x55: {  	v6 =	vld.idx.msk [tilespmem:v23+s2+$0x0], $0xffff;
	[tilespmem:s3+$0xFFFFFF30] =	vst v0  }
0x56: {  	v0 =	vld.idx.msk [tilespmem:v17+s2+$0x0], $0xffff;
	[tilespmem:s3+$0xFFFFFF40] =	vst v1  }
0x57: {  	v1 =	vld.idx.msk [tilespmem:v18+s2+$0x0], $0xffff;
	[tilespmem:s3+$0xFFFFFF60] =	vst v2  }
0x58: {  	v2 =	vld.idx.msk [tilespmem:v20+s2+$0x0], $0xffff;
	[tilespmem:s3+$0xFFFFFF70] =	vst v3  }
0x59: {  	v3 =	vld.idx.msk [tilespmem:v21+s2+$0x0], $0xffff;
	[tilespmem:s3+$0x0] =	vst v4  }
0x5a: {  	v4 =	vld.idx.msk [tilespmem:v22+s2+$0x0], $0xffff;
	[tilespmem:s3+$0x30] =	vst v5  }
0x5b: {  	[tilespmem:s3+$0x70] =	vst v6;
	v5 =	vld.idx.msk [tilespmem:v30+s2+$0x0], $0xffff  }
0x5c: {  	[tilespmem:s3+$0x10] =	vst v0;
	v0 =	vld.idx.msk [tilespmem:v25+s2+$0x0], $0xffff  }
0x5d: {  	[tilespmem:s3+$0x20] =	vst v1;
	v1 =	vld.idx.msk [tilespmem:v26+s2+$0x0], $0xffff  }
0x5e: {  	[tilespmem:s3+$0x40] =	vst v2;
	v2 =	vld.idx.msk [tilespmem:v27+s2+$0x0], $0xffff  }
0x5f: {  	[tilespmem:s3+$0x50] =	vst v3;
	v3 =	vld.idx.msk [tilespmem:v28+s2+$0x0], $0xffff  }
0x60: {  	s0 =	simm.s32 $0x0;
	s1 =	simm.s32 $0x18A00;
	[tilespmem:s3+$0x60] =	vst v4;
	v4 =	vld.idx.msk [tilespmem:v29+s2+$0x0], $0xffff  }
.LBB2_2:
0x61: {  	v6 =	vld [tilespmem:s1+$0xF0];
	s0 =	sadd.s32 $0x20, s0;
	[tilespmem:s3+$0x110] =	vst v0  }
0x62: {  	v0 =	vld [tilespmem:s1+$0xFFFFFF10];
	p0 =	slt.u32 s0, $0xE0;
	[tilespmem:s3+$0x120] =	vst v1  }
0x63: {  	v1 =	vld [tilespmem:s1+$0xFFFFFF20];
	[tilespmem:s3+$0x130] =	vst v2  }
0x64: {  	v2 =	vld [tilespmem:s1+$0xFFFFFF30];
	[tilespmem:s3+$0x140] =	vst v3  }
0x65: {  	v3 =	vld [tilespmem:s1+$0xFFFFFF40];
	[tilespmem:s3+$0x150] =	vst v4  }
0x66: {  	v4 =	vld [tilespmem:s1+$0xFFFFFF50];
	[tilespmem:s3+$0x160] =	vst v5  }
0x67: {  	v5 =	vld [tilespmem:s1+$0xFFFFFF60]  }
0x68: {  	v7 =	vld [tilespmem:s1+$0xFFFFFF70]  }
0x69: {  	v6 =	vld.idx.msk [tilespmem:v6+s2+$0x0], $0xffff  }
0x6a: {  	v8 =	vld [tilespmem:s1+$0xFFFFFF80]  }
0x6b: {  	v9 =	vld [tilespmem:s1+$0xFFFFFF90]  }
0x6c: {  	v10 =	vld [tilespmem:s1+$0xFFFFFFA0]  }
0x6d: {  	v11 =	vld [tilespmem:s1+$0xFFFFFFB0]  }
0x6e: {  	s3 =	sadd.s32 $0x400, s3;
	v12 =	vld [tilespmem:s1+$0xFFFFFFC0]  }
0x6f: {  	v13 =	vld [tilespmem:s1+$0xFFFFFFD0];
	[tilespmem:s3+$0x170] =	vst v6  }
0x70: {  	v6 =	vld [tilespmem:s1+$0xFFFFFFE0]  }
0x71: {  	v14 =	vld [tilespmem:s1+$0xFFFFFFF0]  }
0x72: {  	v15 =	vld [tilespmem:s1+$0x0]  }
0x73: {  	v16 =	vld [tilespmem:s1+$0x10]  }
0x74: {  	v17 =	vld [tilespmem:s1+$0x20]  }
0x75: {  	v18 =	vld [tilespmem:s1+$0x30]  }
0x76: {  	v19 =	vld [tilespmem:s1+$0x40]  }
0x77: {  	v20 =	vld [tilespmem:s1+$0x50]  }
0x78: {  	v21 =	vld [tilespmem:s1+$0x60]  }
0x79: {  	v22 =	vld [tilespmem:s1+$0x70]  }
0x7a: {  	v23 =	vld [tilespmem:s1+$0x80]  }
0x7b: {  	v24 =	vld [tilespmem:s1+$0x90]  }
0x7c: {  	v25 =	vld [tilespmem:s1+$0xA0]  }
0x7d: {  	v26 =	vld [tilespmem:s1+$0xB0]  }
0x7e: {  	v27 =	vld [tilespmem:s1+$0xC0]  }
0x7f: {  	v28 =	vld [tilespmem:s1+$0xD0]  }
0x80: {  	v29 =	vld [tilespmem:s1+$0xE0]  }
0x81: {  	v30 =	vld [tilespmem:s1+$0xFFFFFF00]  }
0x82: {  	v0 =	vld.idx.msk [tilespmem:v0+s2+$0x0], $0xffff  }
0x83: {  	v1 =	vld.idx.msk [tilespmem:v1+s2+$0x0], $0xffff  }
0x84: {  	v2 =	vld.idx.msk [tilespmem:v2+s2+$0x0], $0xffff  }
0x85: {  	v3 =	vld.idx.msk [tilespmem:v3+s2+$0x0], $0xffff  }
0x86: {  	v4 =	vld.idx.msk [tilespmem:v4+s2+$0x0], $0xffff  }
0x87: {  	v5 =	vld.idx.msk [tilespmem:v5+s2+$0x0], $0xffff  }
0x88: {  	[tilespmem:s3+$0xFFFFFE10] =	vst v0;
	v0 =	vld.idx.msk [tilespmem:v7+s2+$0x0], $0xffff  }
0x89: {  	v7 =	vld.idx.msk [tilespmem:v30+s2+$0x0], $0xffff;
	[tilespmem:s3+$0xFFFFFE20] =	vst v1  }
0x8a: {  	[tilespmem:s3+$0xFFFFFE30] =	vst v2;
	v1 =	vld.idx.msk [tilespmem:v8+s2+$0x0], $0xffff  }
0x8b: {  	[tilespmem:s3+$0xFFFFFE40] =	vst v3;
	v2 =	vld.idx.msk [tilespmem:v9+s2+$0x0], $0xffff  }
0x8c: {  	[tilespmem:s3+$0xFFFFFE50] =	vst v4;
	v3 =	vld.idx.msk [tilespmem:v10+s2+$0x0], $0xffff  }
0x8d: {  	[tilespmem:s3+$0xFFFFFE60] =	vst v5;
	v4 =	vld.idx.msk [tilespmem:v11+s2+$0x0], $0xffff  }
0x8e: {  	[tilespmem:s3+$0xFFFFFE70] =	vst v0;
	v0 =	vld.idx.msk [tilespmem:v12+s2+$0x0], $0xffff  }
0x8f: {  	[tilespmem:s3+$0xFFFFFE00] =	vst v7;
	v5 =	vld.idx.msk [tilespmem:v13+s2+$0x0], $0xffff  }
0x90: {  	[tilespmem:s3+$0xFFFFFF00] =	vst v1;
	v1 =	vld.idx.msk [tilespmem:v6+s2+$0x0], $0xffff  }
0x91: {  	[tilespmem:s3+$0xFFFFFF10] =	vst v2;
	v2 =	vld.idx.msk [tilespmem:v14+s2+$0x0], $0xffff  }
0x92: {  	[tilespmem:s3+$0xFFFFFF20] =	vst v3;
	v3 =	vld.idx.msk [tilespmem:v15+s2+$0x0], $0xffff  }
0x93: {  	[tilespmem:s3+$0xFFFFFF30] =	vst v4;
	v4 =	vld.idx.msk [tilespmem:v16+s2+$0x0], $0xffff  }
0x94: {  	[tilespmem:s3+$0xFFFFFF40] =	vst v0;
	v0 =	vld.idx.msk [tilespmem:v17+s2+$0x0], $0xffff  }
0x95: {  	[tilespmem:s3+$0xFFFFFF50] =	vst v5;
	v5 =	vld.idx.msk [tilespmem:v18+s2+$0x0], $0xffff  }
0x96: {  	[tilespmem:s3+$0xFFFFFF60] =	vst v1;
	v1 =	vld.idx.msk [tilespmem:v19+s2+$0x0], $0xffff  }
0x97: {  	[tilespmem:s3+$0xFFFFFF70] =	vst v2;
	v2 =	vld.idx.msk [tilespmem:v20+s2+$0x0], $0xffff  }
0x98: {  	[tilespmem:s3+$0x0] =	vst v3;
	v3 =	vld.idx.msk [tilespmem:v21+s2+$0x0], $0xffff  }
0x99: {  	[tilespmem:s3+$0x10] =	vst v4;
	v4 =	vld.idx.msk [tilespmem:v22+s2+$0x0], $0xffff  }
0x9a: {  	[tilespmem:s3+$0x20] =	vst v0;
	v6 =	vld.idx.msk [tilespmem:v23+s2+$0x0], $0xffff  }
0x9b: {  	[tilespmem:s3+$0x30] =	vst v5;
	v0 =	vld.idx.msk [tilespmem:v24+s2+$0x0], $0xffff  }
.Ltmp0:
0x9c: {  	[tilespmem:s3+$0x40] =	vst v1;
	v1 =	vld.idx.msk [tilespmem:v25+s2+$0x0], $0xffff;
	(pc) =	sbr.rel @p0 .LBB2_2-.Ltmp0, $4  }
0x9d: {  	[tilespmem:s3+$0x50] =	vst v2;
	v2 =	vld.idx.msk [tilespmem:v26+s2+$0x0], $0xffff  }
0x9e: {  	[tilespmem:s3+$0x60] =	vst v3;
	v3 =	vld.idx.msk [tilespmem:v27+s2+$0x0], $0xffff  }
0x9f: {  	[tilespmem:s3+$0x70] =	vst v4;
	v4 =	vld.idx.msk [tilespmem:v28+s2+$0x0], $0xffff  }
0xa0: {  	s1 =	sadd.s32 $0x200, s1;
	[tilespmem:s3+$0x100] =	vst v6;
	v5 =	vld.idx.msk [tilespmem:v29+s2+$0x0], $0xffff  }
0xa1: {  	[tilespmem:s3+$0x110] =	vst v0  }
0xa2: {  	[tilespmem:s3+$0x120] =	vst v1  }
0xa3: {  	[tilespmem:s3+$0x130] =	vst v2  }
0xa4: {  	[tilespmem:s3+$0x140] =	vst v3  }
0xa5: {  	[tilespmem:s3+$0x150] =	vst v4  }
0xa6: {  	s0 =	simm.s32 $0x0;
	s1 =	simm.s32 $0x1C700;
	[tilespmem:s3+$0x160] =	vst v5  }
.LBB2_4:
0xa7: {  	p0 =	sne.s32 s0, $0xF80  }
.Ltmp1:
0xa8: {  	_ = 	snop;
	(pc) =	sbr.rel @p0 .LBB2_4-.Ltmp1, $4  }
0xa9: {  	_ = 	snop  }
0xaa: {  	s3 =	sadd.s32 s0, s5  }
0xab: {  	[hbm4b:s3+s2] =	stream.linear.scatter [tilespmem:s1], [sflag:$0x1], $0x80, $0x38;
	[tilespmem:$0x1E700] =	vst v63  }
0xac: {  	s0 =	sadd.s32 $0x80, s0;
	s1 =	sadd.s32 $0x100, s1  }
0xad: {  	s0 =	simm.s32 $0x198F0  }
0xae: {  	v0 =	vld [tilespmem:s0+$0x0]  }
0xaf: {  	v1 =	vld [tilespmem:s0+$0xFFFFFE20]  }
0xb0: {  	v2 =	vld [tilespmem:s0+$0xFFFFFE30]  }
0xb1: {  	v3 =	vld [tilespmem:s0+$0xFFFFFE40]  }
0xb2: {  	v4 =	vld [tilespmem:s0+$0xFFFFFE50]  }
0xb3: {  	v5 =	vld [tilespmem:s0+$0xFFFFFE60]  }
0xb4: {  	v6 =	vld [tilespmem:s0+$0xFFFFFE70]  }
0xb5: {  	v7 =	vld [tilespmem:s0+$0xFFFFFE80]  }
0xb6: {  	v8 =	vld [tilespmem:s0+$0xFFFFFE90]  }
0xb7: {  	v9 =	vld [tilespmem:s0+$0xFFFFFEA0]  }
0xb8: {  	v10 =	vld [tilespmem:s0+$0xFFFFFEB0]  }
0xb9: {  	v11 =	vld [tilespmem:s0+$0xFFFFFEC0]  }
0xba: {  	v12 =	vld [tilespmem:s0+$0xFFFFFED0]  }
0xbb: {  	v13 =	vld [tilespmem:s0+$0xFFFFFEE0]  }
0xbc: {  	v14 =	vld [tilespmem:s0+$0xFFFFFEF0]  }
0xbd: {  	v15 =	vld [tilespmem:s0+$0xFFFFFF00]  }
0xbe: {  	v16 =	vld [tilespmem:s0+$0xFFFFFF10]  }
0xbf: {  	v17 =	vld [tilespmem:s0+$0xFFFFFF20]  }
0xc0: {  	v18 =	vld [tilespmem:s0+$0xFFFFFF30]  }
0xc1: {  	v19 =	vld [tilespmem:s0+$0xFFFFFF40]  }
0xc2: {  	v20 =	vld [tilespmem:s0+$0xFFFFFF50]  }
0xc3: {  	v21 =	vld [tilespmem:s0+$0xFFFFFF60]  }
0xc4: {  	v22 =	vld [tilespmem:s0+$0xFFFFFF70]  }
0xc5: {  	v23 =	vld [tilespmem:s0+$0xFFFFFF80]  }
0xc6: {  	v24 =	vld [tilespmem:s0+$0xFFFFFF90]  }
0xc7: {  	v25 =	vld [tilespmem:s0+$0xFFFFFFA0]  }
0xc8: {  	v26 =	vld [tilespmem:s0+$0xFFFFFFB0]  }
0xc9: {  	v27 =	vld [tilespmem:s0+$0xFFFFFFC0]  }
0xca: {  	v28 =	vld [tilespmem:s0+$0xFFFFFFD0]  }
0xcb: {  	v29 =	vld [tilespmem:s0+$0xFFFFFFE0]  }
0xcc: {  	v30 =	vld [tilespmem:s0+$0xFFFFFFF0]  }
0xcd: {  	v31 =	vld [tilespmem:s0+$0xFFFFFE10]  }
0xce: {  	v0 =	vld.idx.msk [tilespmem:v0+s2+$0x0], $0xffff  }
0xcf: {  	v1 =	vld.idx.msk [tilespmem:v1+s2+$0x0], $0xffff  }
0xd0: {  	v2 =	vld.idx.msk [tilespmem:v2+s2+$0x0], $0xffff  }
0xd1: {  	v3 =	vld.idx.msk [tilespmem:v3+s2+$0x0], $0xffff  }
0xd2: {  	v4 =	vld.idx.msk [tilespmem:v4+s2+$0x0], $0xffff  }
0xd3: {  	s3 =	simm.s32 $0x1C980;
	v5 =	vld.idx.msk [tilespmem:v5+s2+$0x0], $0xffff  }
0xd4: {  	[tilespmem:s3+$0x170] =	vst v0;
	v0 =	vld.idx.msk [tilespmem:v6+s2+$0x0], $0xffff  }
0xd5: {  	[tilespmem:s3+$0xFFFFFE10] =	vst v1;
	v1 =	vld.idx.msk [tilespmem:v7+s2+$0x0], $0xffff  }
0xd6: {  	v6 =	vld.idx.msk [tilespmem:v31+s2+$0x0], $0xffff;
	[tilespmem:s3+$0xFFFFFE20] =	vst v2  }
0xd7: {  	[tilespmem:s3+$0xFFFFFE30] =	vst v3;
	v2 =	vld.idx.msk [tilespmem:v8+s2+$0x0], $0xffff  }
0xd8: {  	[tilespmem:s3+$0xFFFFFE40] =	vst v4;
	v3 =	vld.idx.msk [tilespmem:v9+s2+$0x0], $0xffff  }
0xd9: {  	[tilespmem:s3+$0xFFFFFE50] =	vst v5;
	v4 =	vld.idx.msk [tilespmem:v10+s2+$0x0], $0xffff  }
0xda: {  	v5 =	vld.idx.msk [tilespmem:v13+s2+$0x0], $0xffff;
	[tilespmem:s3+$0xFFFFFE60] =	vst v0  }
0xdb: {  	v7 =	vld.idx.msk [tilespmem:v24+s2+$0x0], $0xffff;
	[tilespmem:s3+$0xFFFFFE70] =	vst v1  }
0xdc: {  	v0 =	vld.idx.msk [tilespmem:v11+s2+$0x0], $0xffff;
	[tilespmem:s3+$0xFFFFFE00] =	vst v6  }
0xdd: {  	v1 =	vld.idx.msk [tilespmem:v12+s2+$0x0], $0xffff;
	[tilespmem:s3+$0xFFFFFF00] =	vst v2  }
0xde: {  	v2 =	vld.idx.msk [tilespmem:v14+s2+$0x0], $0xffff;
	[tilespmem:s3+$0xFFFFFF10] =	vst v3  }
0xdf: {  	v3 =	vld.idx.msk [tilespmem:v15+s2+$0x0], $0xffff;
	[tilespmem:s3+$0xFFFFFF20] =	vst v4  }
0xe0: {  	v4 =	vld.idx.msk [tilespmem:v16+s2+$0x0], $0xffff;
	[tilespmem:s3+$0xFFFFFF50] =	vst v5  }
0xe1: {  	v5 =	vld.idx.msk [tilespmem:v19+s2+$0x0], $0xffff;
	[tilespmem:s3+$0x100] =	vst v7  }
0xe2: {  	v6 =	vld.idx.msk [tilespmem:v23+s2+$0x0], $0xffff;
	[tilespmem:s3+$0xFFFFFF30] =	vst v0  }
0xe3: {  	v0 =	vld.idx.msk [tilespmem:v17+s2+$0x0], $0xffff;
	[tilespmem:s3+$0xFFFFFF40] =	vst v1  }
0xe4: {  	v1 =	vld.idx.msk [tilespmem:v18+s2+$0x0], $0xffff;
	[tilespmem:s3+$0xFFFFFF60] =	vst v2  }
0xe5: {  	v2 =	vld.idx.msk [tilespmem:v20+s2+$0x0], $0xffff;
	[tilespmem:s3+$0xFFFFFF70] =	vst v3  }
0xe6: {  	v3 =	vld.idx.msk [tilespmem:v21+s2+$0x0], $0xffff;
	[tilespmem:s3+$0x0] =	vst v4  }
0xe7: {  	v4 =	vld.idx.msk [tilespmem:v22+s2+$0x0], $0xffff;
	[tilespmem:s3+$0x30] =	vst v5  }
0xe8: {  	[tilespmem:s3+$0x70] =	vst v6;
	v5 =	vld.idx.msk [tilespmem:v30+s2+$0x0], $0xffff  }
0xe9: {  	[tilespmem:s3+$0x10] =	vst v0;
	v0 =	vld.idx.msk [tilespmem:v25+s2+$0x0], $0xffff  }
0xea: {  	[tilespmem:s3+$0x20] =	vst v1;
	v1 =	vld.idx.msk [tilespmem:v26+s2+$0x0], $0xffff  }
0xeb: {  	[tilespmem:s3+$0x40] =	vst v2;
	v2 =	vld.idx.msk [tilespmem:v27+s2+$0x0], $0xffff  }
0xec: {  	[tilespmem:s3+$0x50] =	vst v3;
	v3 =	vld.idx.msk [tilespmem:v28+s2+$0x0], $0xffff  }
0xed: {  	s1 =	simm.s32 $0x19AF0;
	s0 =	simm.s32 $0x100;
	[tilespmem:s3+$0x60] =	vst v4;
	v4 =	vld.idx.msk [tilespmem:v29+s2+$0x0], $0xffff  }
.LBB2_6:
0xee: {  	v6 =	vld [tilespmem:s1+$0x0];
	s0 =	sadd.s32 $0x20, s0;
	[tilespmem:s3+$0x110] =	vst v0  }
0xef: {  	v0 =	vld [tilespmem:s1+$0xFFFFFE20];
	p0 =	slt.u32 s0, $0x1E0;
	[tilespmem:s3+$0x120] =	vst v1  }
0xf0: {  	v1 =	vld [tilespmem:s1+$0xFFFFFE30];
	[tilespmem:s3+$0x130] =	vst v2  }
0xf1: {  	v2 =	vld [tilespmem:s1+$0xFFFFFE40];
	[tilespmem:s3+$0x140] =	vst v3  }
0xf2: {  	v3 =	vld [tilespmem:s1+$0xFFFFFE50];
	[tilespmem:s3+$0x150] =	vst v4  }
0xf3: {  	v4 =	vld [tilespmem:s1+$0xFFFFFE60];
	[tilespmem:s3+$0x160] =	vst v5  }
0xf4: {  	v5 =	vld [tilespmem:s1+$0xFFFFFE70]  }
0xf5: {  	v7 =	vld [tilespmem:s1+$0xFFFFFE80]  }
0xf6: {  	v6 =	vld.idx.msk [tilespmem:v6+s2+$0x0], $0xffff  }
0xf7: {  	v8 =	vld [tilespmem:s1+$0xFFFFFE90]  }
0xf8: {  	v9 =	vld [tilespmem:s1+$0xFFFFFEA0]  }
0xf9: {  	v10 =	vld [tilespmem:s1+$0xFFFFFEB0]  }
0xfa: {  	v11 =	vld [tilespmem:s1+$0xFFFFFEC0]  }
0xfb: {  	s3 =	sadd.s32 $0x400, s3;
	v12 =	vld [tilespmem:s1+$0xFFFFFED0]  }
0xfc: {  	v13 =	vld [tilespmem:s1+$0xFFFFFEE0];
	[tilespmem:s3+$0x170] =	vst v6  }
0xfd: {  	v6 =	vld [tilespmem:s1+$0xFFFFFEF0]  }
0xfe: {  	v14 =	vld [tilespmem:s1+$0xFFFFFF00]  }
0xff: {  	v15 =	vld [tilespmem:s1+$0xFFFFFF10]  }
0x100: {  	v16 =	vld [tilespmem:s1+$0xFFFFFF20]  }
0x101: {  	v17 =	vld [tilespmem:s1+$0xFFFFFF30]  }
0x102: {  	v18 =	vld [tilespmem:s1+$0xFFFFFF40]  }
0x103: {  	v19 =	vld [tilespmem:s1+$0xFFFFFF50]  }
0x104: {  	v20 =	vld [tilespmem:s1+$0xFFFFFF60]  }
0x105: {  	v21 =	vld [tilespmem:s1+$0xFFFFFF70]  }
0x106: {  	v22 =	vld [tilespmem:s1+$0xFFFFFF80]  }
0x107: {  	v23 =	vld [tilespmem:s1+$0xFFFFFF90]  }
0x108: {  	v24 =	vld [tilespmem:s1+$0xFFFFFFA0]  }
0x109: {  	v25 =	vld [tilespmem:s1+$0xFFFFFFB0]  }
0x10a: {  	v26 =	vld [tilespmem:s1+$0xFFFFFFC0]  }
0x10b: {  	v27 =	vld [tilespmem:s1+$0xFFFFFFD0]  }
0x10c: {  	v28 =	vld [tilespmem:s1+$0xFFFFFFE0]  }
0x10d: {  	v29 =	vld [tilespmem:s1+$0xFFFFFFF0]  }
0x10e: {  	v30 =	vld [tilespmem:s1+$0xFFFFFE10]  }
0x10f: {  	v0 =	vld.idx.msk [tilespmem:v0+s2+$0x0], $0xffff  }
0x110: {  	v1 =	vld.idx.msk [tilespmem:v1+s2+$0x0], $0xffff  }
0x111: {  	v2 =	vld.idx.msk [tilespmem:v2+s2+$0x0], $0xffff  }
0x112: {  	v3 =	vld.idx.msk [tilespmem:v3+s2+$0x0], $0xffff  }
0x113: {  	v4 =	vld.idx.msk [tilespmem:v4+s2+$0x0], $0xffff  }
0x114: {  	v5 =	vld.idx.msk [tilespmem:v5+s2+$0x0], $0xffff  }
0x115: {  	[tilespmem:s3+$0xFFFFFE10] =	vst v0;
	v0 =	vld.idx.msk [tilespmem:v7+s2+$0x0], $0xffff  }
0x116: {  	v7 =	vld.idx.msk [tilespmem:v30+s2+$0x0], $0xffff;
	[tilespmem:s3+$0xFFFFFE20] =	vst v1  }
0x117: {  	[tilespmem:s3+$0xFFFFFE30] =	vst v2;
	v1 =	vld.idx.msk [tilespmem:v8+s2+$0x0], $0xffff  }
0x118: {  	[tilespmem:s3+$0xFFFFFE40] =	vst v3;
	v2 =	vld.idx.msk [tilespmem:v9+s2+$0x0], $0xffff  }
0x119: {  	[tilespmem:s3+$0xFFFFFE50] =	vst v4;
	v3 =	vld.idx.msk [tilespmem:v10+s2+$0x0], $0xffff  }
0x11a: {  	[tilespmem:s3+$0xFFFFFE60] =	vst v5;
	v4 =	vld.idx.msk [tilespmem:v11+s2+$0x0], $0xffff  }
0x11b: {  	[tilespmem:s3+$0xFFFFFE70] =	vst v0;
	v0 =	vld.idx.msk [tilespmem:v12+s2+$0x0], $0xffff  }
0x11c: {  	[tilespmem:s3+$0xFFFFFE00] =	vst v7;
	v5 =	vld.idx.msk [tilespmem:v13+s2+$0x0], $0xffff  }
0x11d: {  	[tilespmem:s3+$0xFFFFFF00] =	vst v1;
	v1 =	vld.idx.msk [tilespmem:v6+s2+$0x0], $0xffff  }
0x11e: {  	[tilespmem:s3+$0xFFFFFF10] =	vst v2;
	v2 =	vld.idx.msk [tilespmem:v14+s2+$0x0], $0xffff  }
0x11f: {  	[tilespmem:s3+$0xFFFFFF20] =	vst v3;
	v3 =	vld.idx.msk [tilespmem:v15+s2+$0x0], $0xffff  }
0x120: {  	[tilespmem:s3+$0xFFFFFF30] =	vst v4;
	v4 =	vld.idx.msk [tilespmem:v16+s2+$0x0], $0xffff  }
0x121: {  	[tilespmem:s3+$0xFFFFFF40] =	vst v0;
	v0 =	vld.idx.msk [tilespmem:v17+s2+$0x0], $0xffff  }
0x122: {  	[tilespmem:s3+$0xFFFFFF50] =	vst v5;
	v5 =	vld.idx.msk [tilespmem:v18+s2+$0x0], $0xffff  }
0x123: {  	[tilespmem:s3+$0xFFFFFF60] =	vst v1;
	v1 =	vld.idx.msk [tilespmem:v19+s2+$0x0], $0xffff  }
0x124: {  	[tilespmem:s3+$0xFFFFFF70] =	vst v2;
	v2 =	vld.idx.msk [tilespmem:v20+s2+$0x0], $0xffff  }
0x125: {  	[tilespmem:s3+$0x0] =	vst v3;
	v3 =	vld.idx.msk [tilespmem:v21+s2+$0x0], $0xffff  }
0x126: {  	[tilespmem:s3+$0x10] =	vst v4;
	v4 =	vld.idx.msk [tilespmem:v22+s2+$0x0], $0xffff  }
0x127: {  	[tilespmem:s3+$0x20] =	vst v0;
	v6 =	vld.idx.msk [tilespmem:v23+s2+$0x0], $0xffff  }
0x128: {  	[tilespmem:s3+$0x30] =	vst v5;
	v0 =	vld.idx.msk [tilespmem:v24+s2+$0x0], $0xffff  }
.Ltmp2:
0x129: {  	[tilespmem:s3+$0x40] =	vst v1;
	v1 =	vld.idx.msk [tilespmem:v25+s2+$0x0], $0xffff;
	(pc) =	sbr.rel @p0 .LBB2_6-.Ltmp2, $4  }
0x12a: {  	[tilespmem:s3+$0x50] =	vst v2;
	v2 =	vld.idx.msk [tilespmem:v26+s2+$0x0], $0xffff  }
0x12b: {  	[tilespmem:s3+$0x60] =	vst v3;
	v3 =	vld.idx.msk [tilespmem:v27+s2+$0x0], $0xffff  }
0x12c: {  	[tilespmem:s3+$0x70] =	vst v4;
	v4 =	vld.idx.msk [tilespmem:v28+s2+$0x0], $0xffff  }
0x12d: {  	s1 =	sadd.s32 $0x200, s1;
	[tilespmem:s3+$0x100] =	vst v6;
	v5 =	vld.idx.msk [tilespmem:v29+s2+$0x0], $0xffff  }
0x12e: {  	[tilespmem:s3+$0x110] =	vst v0  }
0x12f: {  	[tilespmem:s3+$0x120] =	vst v1  }
0x130: {  	[tilespmem:s3+$0x130] =	vst v2  }
0x131: {  	[tilespmem:s3+$0x140] =	vst v3  }
0x132: {  	[tilespmem:s3+$0x150] =	vst v4  }
0x133: {  	[tilespmem:s3+$0x160] =	vst v5  }
0x134: {  	_ =	swait.ge [sflag:s31], $0x1000  }
0x135: {  	[sflag:s31] =	ssyncset.done $0x0  }
0x136: {  	s0 =	simm.s32 $0x0;
	s1 =	simm.s32 $0x1C780;
	[sflag:s31] =	ssyncadd.s32 $0xFFFFF000  }
.LBB2_8:
0x137: {  	p0 =	sne.s32 s0, $0xF80  }
.Ltmp3:
0x138: {  	_ = 	snop;
	(pc) =	sbr.rel @p0 .LBB2_8-.Ltmp3, $4  }
0x139: {  	_ = 	snop  }
0x13a: {  	s3 =	sadd.s32 s0, s6  }
0x13b: {  	[hbm4b:s3+s2] =	stream.linear.scatter [tilespmem:s1], [sflag:$0x1], $0x80, $0x38;
	[tilespmem:$0x1E700] =	vst v63  }
0x13c: {  	s0 =	sadd.s32 $0x80, s0;
	s1 =	sadd.s32 $0x100, s1  }
0x13d: {  	s0 =	simm.s32 $0x1A8F0  }
0x13e: {  	v0 =	vld [tilespmem:s0+$0x0]  }
0x13f: {  	v1 =	vld [tilespmem:s0+$0xFFFFFE20]  }
0x140: {  	v2 =	vld [tilespmem:s0+$0xFFFFFE30]  }
0x141: {  	v3 =	vld [tilespmem:s0+$0xFFFFFE40]  }
0x142: {  	v4 =	vld [tilespmem:s0+$0xFFFFFE50]  }
0x143: {  	v5 =	vld [tilespmem:s0+$0xFFFFFE60]  }
0x144: {  	v6 =	vld [tilespmem:s0+$0xFFFFFE70]  }
0x145: {  	v7 =	vld [tilespmem:s0+$0xFFFFFE80]  }
0x146: {  	v8 =	vld [tilespmem:s0+$0xFFFFFE90]  }
0x147: {  	v9 =	vld [tilespmem:s0+$0xFFFFFEA0]  }
0x148: {  	v10 =	vld [tilespmem:s0+$0xFFFFFEB0]  }
0x149: {  	v11 =	vld [tilespmem:s0+$0xFFFFFEC0]  }
0x14a: {  	v12 =	vld [tilespmem:s0+$0xFFFFFED0]  }
0x14b: {  	v13 =	vld [tilespmem:s0+$0xFFFFFEE0]  }
0x14c: {  	v14 =	vld [tilespmem:s0+$0xFFFFFEF0]  }
0x14d: {  	v15 =	vld [tilespmem:s0+$0xFFFFFF00]  }
0x14e: {  	v16 =	vld [tilespmem:s0+$0xFFFFFF10]  }
0x14f: {  	v17 =	vld [tilespmem:s0+$0xFFFFFF20]  }
0x150: {  	v18 =	vld [tilespmem:s0+$0xFFFFFF30]  }
0x151: {  	v19 =	vld [tilespmem:s0+$0xFFFFFF40]  }
0x152: {  	v20 =	vld [tilespmem:s0+$0xFFFFFF50]  }
0x153: {  	v21 =	vld [tilespmem:s0+$0xFFFFFF60]  }
0x154: {  	v22 =	vld [tilespmem:s0+$0xFFFFFF70]  }
0x155: {  	v23 =	vld [tilespmem:s0+$0xFFFFFF80]  }
0x156: {  	v24 =	vld [tilespmem:s0+$0xFFFFFF90]  }
0x157: {  	v25 =	vld [tilespmem:s0+$0xFFFFFFA0]  }
0x158: {  	v26 =	vld [tilespmem:s0+$0xFFFFFFB0]  }
0x159: {  	v27 =	vld [tilespmem:s0+$0xFFFFFFC0]  }
0x15a: {  	v28 =	vld [tilespmem:s0+$0xFFFFFFD0]  }
0x15b: {  	v29 =	vld [tilespmem:s0+$0xFFFFFFE0]  }
0x15c: {  	v30 =	vld [tilespmem:s0+$0xFFFFFFF0]  }
0x15d: {  	v31 =	vld [tilespmem:s0+$0xFFFFFE10]  }
0x15e: {  	v0 =	vld.idx.msk [tilespmem:v0+s2+$0x0], $0xffff  }
0x15f: {  	v1 =	vld.idx.msk [tilespmem:v1+s2+$0x0], $0xffff  }
0x160: {  	v2 =	vld.idx.msk [tilespmem:v2+s2+$0x0], $0xffff  }
0x161: {  	v3 =	vld.idx.msk [tilespmem:v3+s2+$0x0], $0xffff  }
0x162: {  	v4 =	vld.idx.msk [tilespmem:v4+s2+$0x0], $0xffff  }
0x163: {  	s3 =	simm.s32 $0x1C900;
	v5 =	vld.idx.msk [tilespmem:v5+s2+$0x0], $0xffff  }
0x164: {  	[tilespmem:s3+$0x170] =	vst v0;
	v0 =	vld.idx.msk [tilespmem:v6+s2+$0x0], $0xffff  }
0x165: {  	[tilespmem:s3+$0xFFFFFE10] =	vst v1;
	v1 =	vld.idx.msk [tilespmem:v7+s2+$0x0], $0xffff  }
0x166: {  	v6 =	vld.idx.msk [tilespmem:v31+s2+$0x0], $0xffff;
	[tilespmem:s3+$0xFFFFFE20] =	vst v2  }
0x167: {  	[tilespmem:s3+$0xFFFFFE30] =	vst v3;
	v2 =	vld.idx.msk [tilespmem:v8+s2+$0x0], $0xffff  }
0x168: {  	[tilespmem:s3+$0xFFFFFE40] =	vst v4;
	v3 =	vld.idx.msk [tilespmem:v9+s2+$0x0], $0xffff  }
0x169: {  	[tilespmem:s3+$0xFFFFFE50] =	vst v5;
	v4 =	vld.idx.msk [tilespmem:v10+s2+$0x0], $0xffff  }
0x16a: {  	v5 =	vld.idx.msk [tilespmem:v13+s2+$0x0], $0xffff;
	[tilespmem:s3+$0xFFFFFE60] =	vst v0  }
0x16b: {  	v7 =	vld.idx.msk [tilespmem:v24+s2+$0x0], $0xffff;
	[tilespmem:s3+$0xFFFFFE70] =	vst v1  }
0x16c: {  	v0 =	vld.idx.msk [tilespmem:v11+s2+$0x0], $0xffff;
	[tilespmem:s3+$0xFFFFFE00] =	vst v6  }
0x16d: {  	v1 =	vld.idx.msk [tilespmem:v12+s2+$0x0], $0xffff;
	[tilespmem:s3+$0xFFFFFF00] =	vst v2  }
0x16e: {  	v2 =	vld.idx.msk [tilespmem:v14+s2+$0x0], $0xffff;
	[tilespmem:s3+$0xFFFFFF10] =	vst v3  }
0x16f: {  	v3 =	vld.idx.msk [tilespmem:v15+s2+$0x0], $0xffff;
	[tilespmem:s3+$0xFFFFFF20] =	vst v4  }
0x170: {  	v4 =	vld.idx.msk [tilespmem:v16+s2+$0x0], $0xffff;
	[tilespmem:s3+$0xFFFFFF50] =	vst v5  }
0x171: {  	v5 =	vld.idx.msk [tilespmem:v19+s2+$0x0], $0xffff;
	[tilespmem:s3+$0x100] =	vst v7  }
0x172: {  	v6 =	vld.idx.msk [tilespmem:v23+s2+$0x0], $0xffff;
	[tilespmem:s3+$0xFFFFFF30] =	vst v0  }
0x173: {  	v0 =	vld.idx.msk [tilespmem:v17+s2+$0x0], $0xffff;
	[tilespmem:s3+$0xFFFFFF40] =	vst v1  }
0x174: {  	v1 =	vld.idx.msk [tilespmem:v18+s2+$0x0], $0xffff;
	[tilespmem:s3+$0xFFFFFF60] =	vst v2  }
0x175: {  	v2 =	vld.idx.msk [tilespmem:v20+s2+$0x0], $0xffff;
	[tilespmem:s3+$0xFFFFFF70] =	vst v3  }
0x176: {  	v3 =	vld.idx.msk [tilespmem:v21+s2+$0x0], $0xffff;
	[tilespmem:s3+$0x0] =	vst v4  }
0x177: {  	v4 =	vld.idx.msk [tilespmem:v22+s2+$0x0], $0xffff;
	[tilespmem:s3+$0x30] =	vst v5  }
0x178: {  	[tilespmem:s3+$0x70] =	vst v6;
	v5 =	vld.idx.msk [tilespmem:v30+s2+$0x0], $0xffff  }
0x179: {  	[tilespmem:s3+$0x10] =	vst v0;
	v0 =	vld.idx.msk [tilespmem:v25+s2+$0x0], $0xffff  }
0x17a: {  	[tilespmem:s3+$0x20] =	vst v1;
	v1 =	vld.idx.msk [tilespmem:v26+s2+$0x0], $0xffff  }
0x17b: {  	[tilespmem:s3+$0x40] =	vst v2;
	v2 =	vld.idx.msk [tilespmem:v27+s2+$0x0], $0xffff  }
0x17c: {  	[tilespmem:s3+$0x50] =	vst v3;
	v3 =	vld.idx.msk [tilespmem:v28+s2+$0x0], $0xffff  }
0x17d: {  	s1 =	simm.s32 $0x1AAF0;
	s0 =	simm.s32 $0x200;
	[tilespmem:s3+$0x60] =	vst v4;
	v4 =	vld.idx.msk [tilespmem:v29+s2+$0x0], $0xffff  }
.LBB2_10:
0x17e: {  	v6 =	vld [tilespmem:s1+$0x0];
	s0 =	sadd.s32 $0x20, s0;
	[tilespmem:s3+$0x110] =	vst v0  }
0x17f: {  	v0 =	vld [tilespmem:s1+$0xFFFFFE20];
	p0 =	slt.u32 s0, $0x2E0;
	[tilespmem:s3+$0x120] =	vst v1  }
0x180: {  	v1 =	vld [tilespmem:s1+$0xFFFFFE30];
	[tilespmem:s3+$0x130] =	vst v2  }
0x181: {  	v2 =	vld [tilespmem:s1+$0xFFFFFE40];
	[tilespmem:s3+$0x140] =	vst v3  }
0x182: {  	v3 =	vld [tilespmem:s1+$0xFFFFFE50];
	[tilespmem:s3+$0x150] =	vst v4  }
0x183: {  	v4 =	vld [tilespmem:s1+$0xFFFFFE60];
	[tilespmem:s3+$0x160] =	vst v5  }
0x184: {  	v5 =	vld [tilespmem:s1+$0xFFFFFE70]  }
0x185: {  	v7 =	vld [tilespmem:s1+$0xFFFFFE80]  }
0x186: {  	v6 =	vld.idx.msk [tilespmem:v6+s2+$0x0], $0xffff  }
0x187: {  	v8 =	vld [tilespmem:s1+$0xFFFFFE90]  }
0x188: {  	v9 =	vld [tilespmem:s1+$0xFFFFFEA0]  }
0x189: {  	v10 =	vld [tilespmem:s1+$0xFFFFFEB0]  }
0x18a: {  	v11 =	vld [tilespmem:s1+$0xFFFFFEC0]  }
0x18b: {  	s3 =	sadd.s32 $0x400, s3;
	v12 =	vld [tilespmem:s1+$0xFFFFFED0]  }
0x18c: {  	v13 =	vld [tilespmem:s1+$0xFFFFFEE0];
	[tilespmem:s3+$0x170] =	vst v6  }
0x18d: {  	v6 =	vld [tilespmem:s1+$0xFFFFFEF0]  }
0x18e: {  	v14 =	vld [tilespmem:s1+$0xFFFFFF00]  }
0x18f: {  	v15 =	vld [tilespmem:s1+$0xFFFFFF10]  }
0x190: {  	v16 =	vld [tilespmem:s1+$0xFFFFFF20]  }
0x191: {  	v17 =	vld [tilespmem:s1+$0xFFFFFF30]  }
0x192: {  	v18 =	vld [tilespmem:s1+$0xFFFFFF40]  }
0x193: {  	v19 =	vld [tilespmem:s1+$0xFFFFFF50]  }
0x194: {  	v20 =	vld [tilespmem:s1+$0xFFFFFF60]  }
0x195: {  	v21 =	vld [tilespmem:s1+$0xFFFFFF70]  }
0x196: {  	v22 =	vld [tilespmem:s1+$0xFFFFFF80]  }
0x197: {  	v23 =	vld [tilespmem:s1+$0xFFFFFF90]  }
0x198: {  	v24 =	vld [tilespmem:s1+$0xFFFFFFA0]  }
0x199: {  	v25 =	vld [tilespmem:s1+$0xFFFFFFB0]  }
0x19a: {  	v26 =	vld [tilespmem:s1+$0xFFFFFFC0]  }
0x19b: {  	v27 =	vld [tilespmem:s1+$0xFFFFFFD0]  }
0x19c: {  	v28 =	vld [tilespmem:s1+$0xFFFFFFE0]  }
0x19d: {  	v29 =	vld [tilespmem:s1+$0xFFFFFFF0]  }
0x19e: {  	v30 =	vld [tilespmem:s1+$0xFFFFFE10]  }
0x19f: {  	v0 =	vld.idx.msk [tilespmem:v0+s2+$0x0], $0xffff  }
0x1a0: {  	v1 =	vld.idx.msk [tilespmem:v1+s2+$0x0], $0xffff  }
0x1a1: {  	v2 =	vld.idx.msk [tilespmem:v2+s2+$0x0], $0xffff  }
0x1a2: {  	v3 =	vld.idx.msk [tilespmem:v3+s2+$0x0], $0xffff  }
0x1a3: {  	v4 =	vld.idx.msk [tilespmem:v4+s2+$0x0], $0xffff  }
0x1a4: {  	v5 =	vld.idx.msk [tilespmem:v5+s2+$0x0], $0xffff  }
0x1a5: {  	[tilespmem:s3+$0xFFFFFE10] =	vst v0;
	v0 =	vld.idx.msk [tilespmem:v7+s2+$0x0], $0xffff  }
0x1a6: {  	v7 =	vld.idx.msk [tilespmem:v30+s2+$0x0], $0xffff;
	[tilespmem:s3+$0xFFFFFE20] =	vst v1  }
0x1a7: {  	[tilespmem:s3+$0xFFFFFE30] =	vst v2;
	v1 =	vld.idx.msk [tilespmem:v8+s2+$0x0], $0xffff  }
0x1a8: {  	[tilespmem:s3+$0xFFFFFE40] =	vst v3;
	v2 =	vld.idx.msk [tilespmem:v9+s2+$0x0], $0xffff  }
0x1a9: {  	[tilespmem:s3+$0xFFFFFE50] =	vst v4;
	v3 =	vld.idx.msk [tilespmem:v10+s2+$0x0], $0xffff  }
0x1aa: {  	[tilespmem:s3+$0xFFFFFE60] =	vst v5;
	v4 =	vld.idx.msk [tilespmem:v11+s2+$0x0], $0xffff  }
0x1ab: {  	[tilespmem:s3+$0xFFFFFE70] =	vst v0;
	v0 =	vld.idx.msk [tilespmem:v12+s2+$0x0], $0xffff  }
0x1ac: {  	[tilespmem:s3+$0xFFFFFE00] =	vst v7;
	v5 =	vld.idx.msk [tilespmem:v13+s2+$0x0], $0xffff  }
0x1ad: {  	[tilespmem:s3+$0xFFFFFF00] =	vst v1;
	v1 =	vld.idx.msk [tilespmem:v6+s2+$0x0], $0xffff  }
0x1ae: {  	[tilespmem:s3+$0xFFFFFF10] =	vst v2;
	v2 =	vld.idx.msk [tilespmem:v14+s2+$0x0], $0xffff  }
0x1af: {  	[tilespmem:s3+$0xFFFFFF20] =	vst v3;
	v3 =	vld.idx.msk [tilespmem:v15+s2+$0x0], $0xffff  }
0x1b0: {  	[tilespmem:s3+$0xFFFFFF30] =	vst v4;
	v4 =	vld.idx.msk [tilespmem:v16+s2+$0x0], $0xffff  }
0x1b1: {  	[tilespmem:s3+$0xFFFFFF40] =	vst v0;
	v0 =	vld.idx.msk [tilespmem:v17+s2+$0x0], $0xffff  }
0x1b2: {  	[tilespmem:s3+$0xFFFFFF50] =	vst v5;
	v5 =	vld.idx.msk [tilespmem:v18+s2+$0x0], $0xffff  }
0x1b3: {  	[tilespmem:s3+$0xFFFFFF60] =	vst v1;
	v1 =	vld.idx.msk [tilespmem:v19+s2+$0x0], $0xffff  }
0x1b4: {  	[tilespmem:s3+$0xFFFFFF70] =	vst v2;
	v2 =	vld.idx.msk [tilespmem:v20+s2+$0x0], $0xffff  }
0x1b5: {  	[tilespmem:s3+$0x0] =	vst v3;
	v3 =	vld.idx.msk [tilespmem:v21+s2+$0x0], $0xffff  }
0x1b6: {  	[tilespmem:s3+$0x10] =	vst v4;
	v4 =	vld.idx.msk [tilespmem:v22+s2+$0x0], $0xffff  }
0x1b7: {  	[tilespmem:s3+$0x20] =	vst v0;
	v6 =	vld.idx.msk [tilespmem:v23+s2+$0x0], $0xffff  }
0x1b8: {  	[tilespmem:s3+$0x30] =	vst v5;
	v0 =	vld.idx.msk [tilespmem:v24+s2+$0x0], $0xffff  }
.Ltmp4:
0x1b9: {  	[tilespmem:s3+$0x40] =	vst v1;
	v1 =	vld.idx.msk [tilespmem:v25+s2+$0x0], $0xffff;
	(pc) =	sbr.rel @p0 .LBB2_10-.Ltmp4, $4  }
0x1ba: {  	[tilespmem:s3+$0x50] =	vst v2;
	v2 =	vld.idx.msk [tilespmem:v26+s2+$0x0], $0xffff  }
0x1bb: {  	[tilespmem:s3+$0x60] =	vst v3;
	v3 =	vld.idx.msk [tilespmem:v27+s2+$0x0], $0xffff  }
0x1bc: {  	[tilespmem:s3+$0x70] =	vst v4;
	v4 =	vld.idx.msk [tilespmem:v28+s2+$0x0], $0xffff  }
0x1bd: {  	s1 =	sadd.s32 $0x200, s1;
	[tilespmem:s3+$0x100] =	vst v6;
	v5 =	vld.idx.msk [tilespmem:v29+s2+$0x0], $0xffff  }
0x1be: {  	[tilespmem:s3+$0x110] =	vst v0  }
0x1bf: {  	[tilespmem:s3+$0x120] =	vst v1  }
0x1c0: {  	[tilespmem:s3+$0x130] =	vst v2  }
0x1c1: {  	[tilespmem:s3+$0x140] =	vst v3  }
0x1c2: {  	[tilespmem:s3+$0x150] =	vst v4  }
0x1c3: {  	[tilespmem:s3+$0x160] =	vst v5  }
0x1c4: {  	_ =	swait.ge [sflag:s31], $0x1000  }
0x1c5: {  	[sflag:s31] =	ssyncset.done $0x0  }
0x1c6: {  	s0 =	simm.s32 $0x0;
	s1 =	simm.s32 $0x1C700;
	[sflag:s31] =	ssyncadd.s32 $0xFFFFF000  }
.LBB2_12:
0x1c7: {  	p0 =	sne.s32 s0, $0xF80  }
.Ltmp5:
0x1c8: {  	_ = 	snop;
	(pc) =	sbr.rel @p0 .LBB2_12-.Ltmp5, $4  }
0x1c9: {  	_ = 	snop  }
0x1ca: {  	s3 =	sadd.s32 s0, s7  }
0x1cb: {  	[hbm4b:s3+s2] =	stream.linear.scatter [tilespmem:s1], [sflag:$0x1], $0x80, $0x38;
	[tilespmem:$0x1E700] =	vst v63  }
0x1cc: {  	s0 =	sadd.s32 $0x80, s0;
	s1 =	sadd.s32 $0x100, s1  }
0x1cd: {  	s0 =	simm.s32 $0x1B8F0  }
0x1ce: {  	v0 =	vld [tilespmem:s0+$0x0]  }
0x1cf: {  	v1 =	vld [tilespmem:s0+$0xFFFFFE20]  }
0x1d0: {  	v2 =	vld [tilespmem:s0+$0xFFFFFE30]  }
0x1d1: {  	v3 =	vld [tilespmem:s0+$0xFFFFFE40]  }
0x1d2: {  	v4 =	vld [tilespmem:s0+$0xFFFFFE50]  }
0x1d3: {  	v5 =	vld [tilespmem:s0+$0xFFFFFE60]  }
0x1d4: {  	v6 =	vld [tilespmem:s0+$0xFFFFFE70]  }
0x1d5: {  	v7 =	vld [tilespmem:s0+$0xFFFFFE80]  }
0x1d6: {  	v8 =	vld [tilespmem:s0+$0xFFFFFE90]  }
0x1d7: {  	v9 =	vld [tilespmem:s0+$0xFFFFFEA0]  }
0x1d8: {  	v10 =	vld [tilespmem:s0+$0xFFFFFEB0]  }
0x1d9: {  	v11 =	vld [tilespmem:s0+$0xFFFFFEC0]  }
0x1da: {  	v12 =	vld [tilespmem:s0+$0xFFFFFED0]  }
0x1db: {  	v13 =	vld [tilespmem:s0+$0xFFFFFEE0]  }
0x1dc: {  	v14 =	vld [tilespmem:s0+$0xFFFFFEF0]  }
0x1dd: {  	v15 =	vld [tilespmem:s0+$0xFFFFFF00]  }
0x1de: {  	v16 =	vld [tilespmem:s0+$0xFFFFFF10]  }
0x1df: {  	v17 =	vld [tilespmem:s0+$0xFFFFFF20]  }
0x1e0: {  	v18 =	vld [tilespmem:s0+$0xFFFFFF30]  }
0x1e1: {  	v19 =	vld [tilespmem:s0+$0xFFFFFF40]  }
0x1e2: {  	v20 =	vld [tilespmem:s0+$0xFFFFFF50]  }
0x1e3: {  	v21 =	vld [tilespmem:s0+$0xFFFFFF60]  }
0x1e4: {  	v22 =	vld [tilespmem:s0+$0xFFFFFF70]  }
0x1e5: {  	v23 =	vld [tilespmem:s0+$0xFFFFFF80]  }
0x1e6: {  	v24 =	vld [tilespmem:s0+$0xFFFFFF90]  }
0x1e7: {  	v25 =	vld [tilespmem:s0+$0xFFFFFFA0]  }
0x1e8: {  	v26 =	vld [tilespmem:s0+$0xFFFFFFB0]  }
0x1e9: {  	v27 =	vld [tilespmem:s0+$0xFFFFFFC0]  }
0x1ea: {  	v28 =	vld [tilespmem:s0+$0xFFFFFFD0]  }
0x1eb: {  	v29 =	vld [tilespmem:s0+$0xFFFFFFE0]  }
0x1ec: {  	v30 =	vld [tilespmem:s0+$0xFFFFFFF0]  }
0x1ed: {  	v31 =	vld [tilespmem:s0+$0xFFFFFE10]  }
0x1ee: {  	v0 =	vld.idx.msk [tilespmem:v0+s2+$0x0], $0xffff  }
0x1ef: {  	v1 =	vld.idx.msk [tilespmem:v1+s2+$0x0], $0xffff  }
0x1f0: {  	v2 =	vld.idx.msk [tilespmem:v2+s2+$0x0], $0xffff  }
0x1f1: {  	v3 =	vld.idx.msk [tilespmem:v3+s2+$0x0], $0xffff  }
0x1f2: {  	v4 =	vld.idx.msk [tilespmem:v4+s2+$0x0], $0xffff  }
0x1f3: {  	s3 =	simm.s32 $0x1C980;
	v5 =	vld.idx.msk [tilespmem:v5+s2+$0x0], $0xffff  }
0x1f4: {  	[tilespmem:s3+$0x170] =	vst v0;
	v0 =	vld.idx.msk [tilespmem:v6+s2+$0x0], $0xffff  }
0x1f5: {  	[tilespmem:s3+$0xFFFFFE10] =	vst v1;
	v1 =	vld.idx.msk [tilespmem:v7+s2+$0x0], $0xffff  }
0x1f6: {  	v6 =	vld.idx.msk [tilespmem:v31+s2+$0x0], $0xffff;
	[tilespmem:s3+$0xFFFFFE20] =	vst v2  }
0x1f7: {  	[tilespmem:s3+$0xFFFFFE30] =	vst v3;
	v2 =	vld.idx.msk [tilespmem:v8+s2+$0x0], $0xffff  }
0x1f8: {  	[tilespmem:s3+$0xFFFFFE40] =	vst v4;
	v3 =	vld.idx.msk [tilespmem:v9+s2+$0x0], $0xffff  }
0x1f9: {  	[tilespmem:s3+$0xFFFFFE50] =	vst v5;
	v4 =	vld.idx.msk [tilespmem:v10+s2+$0x0], $0xffff  }
0x1fa: {  	v5 =	vld.idx.msk [tilespmem:v13+s2+$0x0], $0xffff;
	[tilespmem:s3+$0xFFFFFE60] =	vst v0  }
0x1fb: {  	v7 =	vld.idx.msk [tilespmem:v24+s2+$0x0], $0xffff;
	[tilespmem:s3+$0xFFFFFE70] =	vst v1  }
0x1fc: {  	v0 =	vld.idx.msk [tilespmem:v11+s2+$0x0], $0xffff;
	[tilespmem:s3+$0xFFFFFE00] =	vst v6  }
0x1fd: {  	v1 =	vld.idx.msk [tilespmem:v12+s2+$0x0], $0xffff;
	[tilespmem:s3+$0xFFFFFF00] =	vst v2  }
0x1fe: {  	v2 =	vld.idx.msk [tilespmem:v14+s2+$0x0], $0xffff;
	[tilespmem:s3+$0xFFFFFF10] =	vst v3  }
0x1ff: {  	v3 =	vld.idx.msk [tilespmem:v15+s2+$0x0], $0xffff;
	[tilespmem:s3+$0xFFFFFF20] =	vst v4  }
0x200: {  	v4 =	vld.idx.msk [tilespmem:v16+s2+$0x0], $0xffff;
	[tilespmem:s3+$0xFFFFFF50] =	vst v5  }
0x201: {  	v5 =	vld.idx.msk [tilespmem:v19+s2+$0x0], $0xffff;
	[tilespmem:s3+$0x100] =	vst v7  }
0x202: {  	v6 =	vld.idx.msk [tilespmem:v23+s2+$0x0], $0xffff;
	[tilespmem:s3+$0xFFFFFF30] =	vst v0  }
0x203: {  	v0 =	vld.idx.msk [tilespmem:v17+s2+$0x0], $0xffff;
	[tilespmem:s3+$0xFFFFFF40] =	vst v1  }
0x204: {  	v1 =	vld.idx.msk [tilespmem:v18+s2+$0x0], $0xffff;
	[tilespmem:s3+$0xFFFFFF60] =	vst v2  }
0x205: {  	v2 =	vld.idx.msk [tilespmem:v20+s2+$0x0], $0xffff;
	[tilespmem:s3+$0xFFFFFF70] =	vst v3  }
0x206: {  	v3 =	vld.idx.msk [tilespmem:v21+s2+$0x0], $0xffff;
	[tilespmem:s3+$0x0] =	vst v4  }
0x207: {  	v4 =	vld.idx.msk [tilespmem:v22+s2+$0x0], $0xffff;
	[tilespmem:s3+$0x30] =	vst v5  }
0x208: {  	[tilespmem:s3+$0x70] =	vst v6;
	v5 =	vld.idx.msk [tilespmem:v30+s2+$0x0], $0xffff  }
0x209: {  	[tilespmem:s3+$0x10] =	vst v0;
	v0 =	vld.idx.msk [tilespmem:v25+s2+$0x0], $0xffff  }
0x20a: {  	[tilespmem:s3+$0x20] =	vst v1;
	v1 =	vld.idx.msk [tilespmem:v26+s2+$0x0], $0xffff  }
0x20b: {  	[tilespmem:s3+$0x40] =	vst v2;
	v2 =	vld.idx.msk [tilespmem:v27+s2+$0x0], $0xffff  }
0x20c: {  	[tilespmem:s3+$0x50] =	vst v3;
	v3 =	vld.idx.msk [tilespmem:v28+s2+$0x0], $0xffff  }
0x20d: {  	s1 =	simm.s32 $0x1BAF0;
	s0 =	simm.s32 $0x300;
	[tilespmem:s3+$0x60] =	vst v4;
	v4 =	vld.idx.msk [tilespmem:v29+s2+$0x0], $0xffff  }
.LBB2_14:
0x20e: {  	v6 =	vld [tilespmem:s1+$0x0];
	s0 =	sadd.s32 $0x20, s0;
	[tilespmem:s3+$0x110] =	vst v0  }
0x20f: {  	v0 =	vld [tilespmem:s1+$0xFFFFFE20];
	p0 =	slt.u32 s0, $0x3E0;
	[tilespmem:s3+$0x120] =	vst v1  }
0x210: {  	v1 =	vld [tilespmem:s1+$0xFFFFFE30];
	[tilespmem:s3+$0x130] =	vst v2  }
0x211: {  	v2 =	vld [tilespmem:s1+$0xFFFFFE40];
	[tilespmem:s3+$0x140] =	vst v3  }
0x212: {  	v3 =	vld [tilespmem:s1+$0xFFFFFE50];
	[tilespmem:s3+$0x150] =	vst v4  }
0x213: {  	v4 =	vld [tilespmem:s1+$0xFFFFFE60];
	[tilespmem:s3+$0x160] =	vst v5  }
0x214: {  	v5 =	vld [tilespmem:s1+$0xFFFFFE70]  }
0x215: {  	v7 =	vld [tilespmem:s1+$0xFFFFFE80]  }
0x216: {  	v6 =	vld.idx.msk [tilespmem:v6+s2+$0x0], $0xffff  }
0x217: {  	v8 =	vld [tilespmem:s1+$0xFFFFFE90]  }
0x218: {  	v9 =	vld [tilespmem:s1+$0xFFFFFEA0]  }
0x219: {  	v10 =	vld [tilespmem:s1+$0xFFFFFEB0]  }
0x21a: {  	v11 =	vld [tilespmem:s1+$0xFFFFFEC0]  }
0x21b: {  	s3 =	sadd.s32 $0x400, s3;
	v12 =	vld [tilespmem:s1+$0xFFFFFED0]  }
0x21c: {  	v13 =	vld [tilespmem:s1+$0xFFFFFEE0];
	[tilespmem:s3+$0x170] =	vst v6  }
0x21d: {  	v6 =	vld [tilespmem:s1+$0xFFFFFEF0]  }
0x21e: {  	v14 =	vld [tilespmem:s1+$0xFFFFFF00]  }
0x21f: {  	v15 =	vld [tilespmem:s1+$0xFFFFFF10]  }
0x220: {  	v16 =	vld [tilespmem:s1+$0xFFFFFF20]  }
0x221: {  	v17 =	vld [tilespmem:s1+$0xFFFFFF30]  }
0x222: {  	v18 =	vld [tilespmem:s1+$0xFFFFFF40]  }
0x223: {  	v19 =	vld [tilespmem:s1+$0xFFFFFF50]  }
0x224: {  	v20 =	vld [tilespmem:s1+$0xFFFFFF60]  }
0x225: {  	v21 =	vld [tilespmem:s1+$0xFFFFFF70]  }
0x226: {  	v22 =	vld [tilespmem:s1+$0xFFFFFF80]  }
0x227: {  	v23 =	vld [tilespmem:s1+$0xFFFFFF90]  }
0x228: {  	v24 =	vld [tilespmem:s1+$0xFFFFFFA0]  }
0x229: {  	v25 =	vld [tilespmem:s1+$0xFFFFFFB0]  }
0x22a: {  	v26 =	vld [tilespmem:s1+$0xFFFFFFC0]  }
0x22b: {  	v27 =	vld [tilespmem:s1+$0xFFFFFFD0]  }
0x22c: {  	v28 =	vld [tilespmem:s1+$0xFFFFFFE0]  }
0x22d: {  	v29 =	vld [tilespmem:s1+$0xFFFFFFF0]  }
0x22e: {  	v30 =	vld [tilespmem:s1+$0xFFFFFE10]  }
0x22f: {  	v0 =	vld.idx.msk [tilespmem:v0+s2+$0x0], $0xffff  }
0x230: {  	v1 =	vld.idx.msk [tilespmem:v1+s2+$0x0], $0xffff  }
0x231: {  	v2 =	vld.idx.msk [tilespmem:v2+s2+$0x0], $0xffff  }
0x232: {  	v3 =	vld.idx.msk [tilespmem:v3+s2+$0x0], $0xffff  }
0x233: {  	v4 =	vld.idx.msk [tilespmem:v4+s2+$0x0], $0xffff  }
0x234: {  	v5 =	vld.idx.msk [tilespmem:v5+s2+$0x0], $0xffff  }
0x235: {  	[tilespmem:s3+$0xFFFFFE10] =	vst v0;
	v0 =	vld.idx.msk [tilespmem:v7+s2+$0x0], $0xffff  }
0x236: {  	v7 =	vld.idx.msk [tilespmem:v30+s2+$0x0], $0xffff;
	[tilespmem:s3+$0xFFFFFE20] =	vst v1  }
0x237: {  	[tilespmem:s3+$0xFFFFFE30] =	vst v2;
	v1 =	vld.idx.msk [tilespmem:v8+s2+$0x0], $0xffff  }
0x238: {  	[tilespmem:s3+$0xFFFFFE40] =	vst v3;
	v2 =	vld.idx.msk [tilespmem:v9+s2+$0x0], $0xffff  }
0x239: {  	[tilespmem:s3+$0xFFFFFE50] =	vst v4;
	v3 =	vld.idx.msk [tilespmem:v10+s2+$0x0], $0xffff  }
0x23a: {  	[tilespmem:s3+$0xFFFFFE60] =	vst v5;
	v4 =	vld.idx.msk [tilespmem:v11+s2+$0x0], $0xffff  }
0x23b: {  	[tilespmem:s3+$0xFFFFFE70] =	vst v0;
	v0 =	vld.idx.msk [tilespmem:v12+s2+$0x0], $0xffff  }
0x23c: {  	[tilespmem:s3+$0xFFFFFE00] =	vst v7;
	v5 =	vld.idx.msk [tilespmem:v13+s2+$0x0], $0xffff  }
0x23d: {  	[tilespmem:s3+$0xFFFFFF00] =	vst v1;
	v1 =	vld.idx.msk [tilespmem:v6+s2+$0x0], $0xffff  }
0x23e: {  	[tilespmem:s3+$0xFFFFFF10] =	vst v2;
	v2 =	vld.idx.msk [tilespmem:v14+s2+$0x0], $0xffff  }
0x23f: {  	[tilespmem:s3+$0xFFFFFF20] =	vst v3;
	v3 =	vld.idx.msk [tilespmem:v15+s2+$0x0], $0xffff  }
0x240: {  	[tilespmem:s3+$0xFFFFFF30] =	vst v4;
	v4 =	vld.idx.msk [tilespmem:v16+s2+$0x0], $0xffff  }
0x241: {  	[tilespmem:s3+$0xFFFFFF40] =	vst v0;
	v0 =	vld.idx.msk [tilespmem:v17+s2+$0x0], $0xffff  }
0x242: {  	[tilespmem:s3+$0xFFFFFF50] =	vst v5;
	v5 =	vld.idx.msk [tilespmem:v18+s2+$0x0], $0xffff  }
0x243: {  	[tilespmem:s3+$0xFFFFFF60] =	vst v1;
	v1 =	vld.idx.msk [tilespmem:v19+s2+$0x0], $0xffff  }
0x244: {  	[tilespmem:s3+$0xFFFFFF70] =	vst v2;
	v2 =	vld.idx.msk [tilespmem:v20+s2+$0x0], $0xffff  }
0x245: {  	[tilespmem:s3+$0x0] =	vst v3;
	v3 =	vld.idx.msk [tilespmem:v21+s2+$0x0], $0xffff  }
0x246: {  	[tilespmem:s3+$0x10] =	vst v4;
	v4 =	vld.idx.msk [tilespmem:v22+s2+$0x0], $0xffff  }
0x247: {  	[tilespmem:s3+$0x20] =	vst v0;
	v6 =	vld.idx.msk [tilespmem:v23+s2+$0x0], $0xffff  }
0x248: {  	[tilespmem:s3+$0x30] =	vst v5;
	v0 =	vld.idx.msk [tilespmem:v24+s2+$0x0], $0xffff  }
.Ltmp6:
0x249: {  	[tilespmem:s3+$0x40] =	vst v1;
	v1 =	vld.idx.msk [tilespmem:v25+s2+$0x0], $0xffff;
	(pc) =	sbr.rel @p0 .LBB2_14-.Ltmp6, $4  }
0x24a: {  	[tilespmem:s3+$0x50] =	vst v2;
	v2 =	vld.idx.msk [tilespmem:v26+s2+$0x0], $0xffff  }
0x24b: {  	[tilespmem:s3+$0x60] =	vst v3;
	v3 =	vld.idx.msk [tilespmem:v27+s2+$0x0], $0xffff  }
0x24c: {  	[tilespmem:s3+$0x70] =	vst v4;
	v4 =	vld.idx.msk [tilespmem:v28+s2+$0x0], $0xffff  }
0x24d: {  	s1 =	sadd.s32 $0x200, s1;
	[tilespmem:s3+$0x100] =	vst v6;
	v5 =	vld.idx.msk [tilespmem:v29+s2+$0x0], $0xffff  }
0x24e: {  	[tilespmem:s3+$0x110] =	vst v0  }
0x24f: {  	[tilespmem:s3+$0x120] =	vst v1  }
0x250: {  	[tilespmem:s3+$0x130] =	vst v2  }
0x251: {  	[tilespmem:s3+$0x140] =	vst v3  }
0x252: {  	[tilespmem:s3+$0x150] =	vst v4  }
0x253: {  	[tilespmem:s3+$0x160] =	vst v5  }
0x254: {  	_ =	swait.ge [sflag:s31], $0x1000  }
0x255: {  	s0 =	simm.s32 $0x1C780;
	s1 =	simm.s32 $0x80;
	[sflag:s31] =	ssyncset.done $0x0  }
0x256: {  	s26 =	sadd.s32 $0x0, s8;
	s3 =	simm.s32 $0x1C880;
	[sflag:s31] =	ssyncadd.s32 $0xFFFFF000  }
.LBB2_16:
0x257: {  	[hbm4b:s26+s2] =	stream.linear.scatter [tilespmem:s0], [sflag:$0x1], $0x80, $0x38;
	[tilespmem:$0x1E700] =	vst v63  }
0x258: {  	s26 =	smov.u32 s1;
	s0 =	smov.u32 s3;
	p0 =	sne.s32 s1, $0xF80  }
.Ltmp7:
0x259: {  	s1 =	sadd.s32 $0x80, s1;
	(pc) =	sbr.rel @p0 .LBB2_16-.Ltmp7, $2  }
0x25a: {  	_ =	sdelay $0x2  }
0x25b: {  	s3 =	sadd.s32 $0x100, s3;
	s26 =	sadd.s32 s26, s8  }
0x25c: {  	[hbm4b:s26+s2] =	stream.linear.scatter [tilespmem:s0], [sflag:$0x1], $0x80, $0x38;
	[tilespmem:$0x1E700] =	vst v63  }
0x25d: {  	_ =	swait.ge [sflag:s31], $0x1000  }
0x25e: {  	[sflag:s31] =	ssyncset.done $0x0  }
0x25f: {  	[sflag:s31] =	ssyncadd.s32 $0xFFFFF000  }
0x260: {  	[tilespmem:s2], [sflag:$0x2] =	stream.strided.gather [hbm4b:s9+s29], $0x18700, s30, s29, $0x38;
	[tilespmem:$0x1E700] =	vst v63  }
0x261: {  	_ =	swait.ge [sflag:s28], $0x18700  }
0x262: {  	[sflag:s28] =	ssyncset.done $0x0  }
0x263: {  	s26 =	simm.s32 $0x18800;
	[sflag:s28] =	ssyncadd.s32 $0xFFFE7900  }
0x264: {  	v0 =	vld [tilespmem:s26+$0xF0]  }
0x265: {  	v1 =	vld [tilespmem:s26+$0xFFFFFF10]  }
0x266: {  	v2 =	vld [tilespmem:s26+$0xFFFFFF20]  }
0x267: {  	v3 =	vld [tilespmem:s26+$0xFFFFFF30]  }
0x268: {  	v4 =	vld [tilespmem:s26+$0xFFFFFF40]  }
0x269: {  	v5 =	vld [tilespmem:s26+$0xFFFFFF50]  }
0x26a: {  	v6 =	vld [tilespmem:s26+$0xFFFFFF60]  }
0x26b: {  	v7 =	vld [tilespmem:s26+$0xFFFFFF70]  }
0x26c: {  	v8 =	vld [tilespmem:s26+$0xFFFFFF80]  }
0x26d: {  	v9 =	vld [tilespmem:s26+$0xFFFFFF90]  }
0x26e: {  	v10 =	vld [tilespmem:s26+$0xFFFFFFA0]  }
0x26f: {  	v11 =	vld [tilespmem:s26+$0xFFFFFFB0]  }
0x270: {  	v12 =	vld [tilespmem:s26+$0xFFFFFFC0]  }
0x271: {  	v13 =	vld [tilespmem:s26+$0xFFFFFFD0]  }
0x272: {  	v14 =	vld [tilespmem:s26+$0xFFFFFFE0]  }
0x273: {  	v15 =	vld [tilespmem:s26+$0xFFFFFFF0]  }
0x274: {  	v16 =	vld [tilespmem:s26+$0x0]  }
0x275: {  	v17 =	vld [tilespmem:s26+$0x10]  }
0x276: {  	v18 =	vld [tilespmem:s26+$0x20]  }
0x277: {  	v19 =	vld [tilespmem:s26+$0x30]  }
0x278: {  	v20 =	vld [tilespmem:s26+$0x40]  }
0x279: {  	v21 =	vld [tilespmem:s26+$0x50]  }
0x27a: {  	v22 =	vld [tilespmem:s26+$0x60]  }
0x27b: {  	v23 =	vld [tilespmem:s26+$0x70]  }
0x27c: {  	v24 =	vld [tilespmem:s26+$0x80]  }
0x27d: {  	v25 =	vld [tilespmem:s26+$0x90]  }
0x27e: {  	v26 =	vld [tilespmem:s26+$0xA0]  }
0x27f: {  	v27 =	vld [tilespmem:s26+$0xB0]  }
0x280: {  	v28 =	vld [tilespmem:s26+$0xC0]  }
0x281: {  	v29 =	vld [tilespmem:s26+$0xD0]  }
0x282: {  	v30 =	vld [tilespmem:s26+$0xE0]  }
0x283: {  	v31 =	vld [tilespmem:s26+$0xFFFFFF00]  }
0x284: {  	v0 =	vld.idx.msk [tilespmem:v0+s2+$0x0], $0xffff  }
0x285: {  	v1 =	vld.idx.msk [tilespmem:v1+s2+$0x0], $0xffff  }
0x286: {  	v2 =	vld.idx.msk [tilespmem:v2+s2+$0x0], $0xffff  }
0x287: {  	v3 =	vld.idx.msk [tilespmem:v3+s2+$0x0], $0xffff  }
0x288: {  	v4 =	vld.idx.msk [tilespmem:v4+s2+$0x0], $0xffff  }
0x289: {  	s3 =	simm.s32 $0x1C900;
	v5 =	vld.idx.msk [tilespmem:v5+s2+$0x0], $0xffff  }
0x28a: {  	[tilespmem:s3+$0x170] =	vst v0;
	v0 =	vld.idx.msk [tilespmem:v6+s2+$0x0], $0xffff  }
0x28b: {  	[tilespmem:s3+$0xFFFFFE10] =	vst v1;
	v1 =	vld.idx.msk [tilespmem:v7+s2+$0x0], $0xffff  }
0x28c: {  	v6 =	vld.idx.msk [tilespmem:v31+s2+$0x0], $0xffff;
	[tilespmem:s3+$0xFFFFFE20] =	vst v2  }
0x28d: {  	[tilespmem:s3+$0xFFFFFE30] =	vst v3;
	v2 =	vld.idx.msk [tilespmem:v8+s2+$0x0], $0xffff  }
0x28e: {  	[tilespmem:s3+$0xFFFFFE40] =	vst v4;
	v3 =	vld.idx.msk [tilespmem:v9+s2+$0x0], $0xffff  }
0x28f: {  	[tilespmem:s3+$0xFFFFFE50] =	vst v5;
	v4 =	vld.idx.msk [tilespmem:v10+s2+$0x0], $0xffff  }
0x290: {  	v5 =	vld.idx.msk [tilespmem:v13+s2+$0x0], $0xffff;
	[tilespmem:s3+$0xFFFFFE60] =	vst v0  }
0x291: {  	v7 =	vld.idx.msk [tilespmem:v24+s2+$0x0], $0xffff;
	[tilespmem:s3+$0xFFFFFE70] =	vst v1  }
0x292: {  	v0 =	vld.idx.msk [tilespmem:v11+s2+$0x0], $0xffff;
	[tilespmem:s3+$0xFFFFFE00] =	vst v6  }
0x293: {  	v1 =	vld.idx.msk [tilespmem:v12+s2+$0x0], $0xffff;
	[tilespmem:s3+$0xFFFFFF00] =	vst v2  }
0x294: {  	v2 =	vld.idx.msk [tilespmem:v14+s2+$0x0], $0xffff;
	[tilespmem:s3+$0xFFFFFF10] =	vst v3  }
0x295: {  	v3 =	vld.idx.msk [tilespmem:v15+s2+$0x0], $0xffff;
	[tilespmem:s3+$0xFFFFFF20] =	vst v4  }
0x296: {  	v4 =	vld.idx.msk [tilespmem:v16+s2+$0x0], $0xffff;
	[tilespmem:s3+$0xFFFFFF50] =	vst v5  }
0x297: {  	v5 =	vld.idx.msk [tilespmem:v19+s2+$0x0], $0xffff;
	[tilespmem:s3+$0x100] =	vst v7  }
0x298: {  	v6 =	vld.idx.msk [tilespmem:v23+s2+$0x0], $0xffff;
	[tilespmem:s3+$0xFFFFFF30] =	vst v0  }
0x299: {  	v0 =	vld.idx.msk [tilespmem:v17+s2+$0x0], $0xffff;
	[tilespmem:s3+$0xFFFFFF40] =	vst v1  }
0x29a: {  	v1 =	vld.idx.msk [tilespmem:v18+s2+$0x0], $0xffff;
	[tilespmem:s3+$0xFFFFFF60] =	vst v2  }
0x29b: {  	v2 =	vld.idx.msk [tilespmem:v20+s2+$0x0], $0xffff;
	[tilespmem:s3+$0xFFFFFF70] =	vst v3  }
0x29c: {  	v3 =	vld.idx.msk [tilespmem:v21+s2+$0x0], $0xffff;
	[tilespmem:s3+$0x0] =	vst v4  }
0x29d: {  	v4 =	vld.idx.msk [tilespmem:v22+s2+$0x0], $0xffff;
	[tilespmem:s3+$0x30] =	vst v5  }
0x29e: {  	[tilespmem:s3+$0x70] =	vst v6;
	v5 =	vld.idx.msk [tilespmem:v30+s2+$0x0], $0xffff  }
0x29f: {  	[tilespmem:s3+$0x10] =	vst v0;
	v0 =	vld.idx.msk [tilespmem:v25+s2+$0x0], $0xffff  }
0x2a0: {  	[tilespmem:s3+$0x20] =	vst v1;
	v1 =	vld.idx.msk [tilespmem:v26+s2+$0x0], $0xffff  }
0x2a1: {  	[tilespmem:s3+$0x40] =	vst v2;
	v2 =	vld.idx.msk [tilespmem:v27+s2+$0x0], $0xffff  }
0x2a2: {  	[tilespmem:s3+$0x50] =	vst v3;
	v3 =	vld.idx.msk [tilespmem:v28+s2+$0x0], $0xffff  }
0x2a3: {  	s0 =	simm.s32 $0x0;
	s1 =	simm.s32 $0x18A00;
	[tilespmem:s3+$0x60] =	vst v4;
	v4 =	vld.idx.msk [tilespmem:v29+s2+$0x0], $0xffff  }
.LBB2_18:
0x2a4: {  	v6 =	vld [tilespmem:s1+$0xF0];
	s0 =	sadd.s32 $0x20, s0;
	[tilespmem:s3+$0x110] =	vst v0  }
0x2a5: {  	v0 =	vld [tilespmem:s1+$0xFFFFFF10];
	p0 =	slt.u32 s0, $0xE0;
	[tilespmem:s3+$0x120] =	vst v1  }
0x2a6: {  	v1 =	vld [tilespmem:s1+$0xFFFFFF20];
	[tilespmem:s3+$0x130] =	vst v2  }
0x2a7: {  	v2 =	vld [tilespmem:s1+$0xFFFFFF30];
	[tilespmem:s3+$0x140] =	vst v3  }
0x2a8: {  	v3 =	vld [tilespmem:s1+$0xFFFFFF40];
	[tilespmem:s3+$0x150] =	vst v4  }
0x2a9: {  	v4 =	vld [tilespmem:s1+$0xFFFFFF50];
	[tilespmem:s3+$0x160] =	vst v5  }
0x2aa: {  	v5 =	vld [tilespmem:s1+$0xFFFFFF60]  }
0x2ab: {  	v7 =	vld [tilespmem:s1+$0xFFFFFF70]  }
0x2ac: {  	v6 =	vld.idx.msk [tilespmem:v6+s2+$0x0], $0xffff  }
0x2ad: {  	v8 =	vld [tilespmem:s1+$0xFFFFFF80]  }
0x2ae: {  	v9 =	vld [tilespmem:s1+$0xFFFFFF90]  }
0x2af: {  	v10 =	vld [tilespmem:s1+$0xFFFFFFA0]  }
0x2b0: {  	v11 =	vld [tilespmem:s1+$0xFFFFFFB0]  }
0x2b1: {  	s3 =	sadd.s32 $0x400, s3;
	v12 =	vld [tilespmem:s1+$0xFFFFFFC0]  }
0x2b2: {  	v13 =	vld [tilespmem:s1+$0xFFFFFFD0];
	[tilespmem:s3+$0x170] =	vst v6  }
0x2b3: {  	v6 =	vld [tilespmem:s1+$0xFFFFFFE0]  }
0x2b4: {  	v14 =	vld [tilespmem:s1+$0xFFFFFFF0]  }
0x2b5: {  	v15 =	vld [tilespmem:s1+$0x0]  }
0x2b6: {  	v16 =	vld [tilespmem:s1+$0x10]  }
0x2b7: {  	v17 =	vld [tilespmem:s1+$0x20]  }
0x2b8: {  	v18 =	vld [tilespmem:s1+$0x30]  }
0x2b9: {  	v19 =	vld [tilespmem:s1+$0x40]  }
0x2ba: {  	v20 =	vld [tilespmem:s1+$0x50]  }
0x2bb: {  	v21 =	vld [tilespmem:s1+$0x60]  }
0x2bc: {  	v22 =	vld [tilespmem:s1+$0x70]  }
0x2bd: {  	v23 =	vld [tilespmem:s1+$0x80]  }
0x2be: {  	v24 =	vld [tilespmem:s1+$0x90]  }
0x2bf: {  	v25 =	vld [tilespmem:s1+$0xA0]  }
0x2c0: {  	v26 =	vld [tilespmem:s1+$0xB0]  }
0x2c1: {  	v27 =	vld [tilespmem:s1+$0xC0]  }
0x2c2: {  	v28 =	vld [tilespmem:s1+$0xD0]  }
0x2c3: {  	v29 =	vld [tilespmem:s1+$0xE0]  }
0x2c4: {  	v30 =	vld [tilespmem:s1+$0xFFFFFF00]  }
0x2c5: {  	v0 =	vld.idx.msk [tilespmem:v0+s2+$0x0], $0xffff  }
0x2c6: {  	v1 =	vld.idx.msk [tilespmem:v1+s2+$0x0], $0xffff  }
0x2c7: {  	v2 =	vld.idx.msk [tilespmem:v2+s2+$0x0], $0xffff  }
0x2c8: {  	v3 =	vld.idx.msk [tilespmem:v3+s2+$0x0], $0xffff  }
0x2c9: {  	v4 =	vld.idx.msk [tilespmem:v4+s2+$0x0], $0xffff  }
0x2ca: {  	v5 =	vld.idx.msk [tilespmem:v5+s2+$0x0], $0xffff  }
0x2cb: {  	[tilespmem:s3+$0xFFFFFE10] =	vst v0;
	v0 =	vld.idx.msk [tilespmem:v7+s2+$0x0], $0xffff  }
0x2cc: {  	v7 =	vld.idx.msk [tilespmem:v30+s2+$0x0], $0xffff;
	[tilespmem:s3+$0xFFFFFE20] =	vst v1  }
0x2cd: {  	[tilespmem:s3+$0xFFFFFE30] =	vst v2;
	v1 =	vld.idx.msk [tilespmem:v8+s2+$0x0], $0xffff  }
0x2ce: {  	[tilespmem:s3+$0xFFFFFE40] =	vst v3;
	v2 =	vld.idx.msk [tilespmem:v9+s2+$0x0], $0xffff  }
0x2cf: {  	[tilespmem:s3+$0xFFFFFE50] =	vst v4;
	v3 =	vld.idx.msk [tilespmem:v10+s2+$0x0], $0xffff  }
0x2d0: {  	[tilespmem:s3+$0xFFFFFE60] =	vst v5;
	v4 =	vld.idx.msk [tilespmem:v11+s2+$0x0], $0xffff  }
0x2d1: {  	[tilespmem:s3+$0xFFFFFE70] =	vst v0;
	v0 =	vld.idx.msk [tilespmem:v12+s2+$0x0], $0xffff  }
0x2d2: {  	[tilespmem:s3+$0xFFFFFE00] =	vst v7;
	v5 =	vld.idx.msk [tilespmem:v13+s2+$0x0], $0xffff  }
0x2d3: {  	[tilespmem:s3+$0xFFFFFF00] =	vst v1;
	v1 =	vld.idx.msk [tilespmem:v6+s2+$0x0], $0xffff  }
0x2d4: {  	[tilespmem:s3+$0xFFFFFF10] =	vst v2;
	v2 =	vld.idx.msk [tilespmem:v14+s2+$0x0], $0xffff  }
0x2d5: {  	[tilespmem:s3+$0xFFFFFF20] =	vst v3;
	v3 =	vld.idx.msk [tilespmem:v15+s2+$0x0], $0xffff  }
0x2d6: {  	[tilespmem:s3+$0xFFFFFF30] =	vst v4;
	v4 =	vld.idx.msk [tilespmem:v16+s2+$0x0], $0xffff  }
0x2d7: {  	[tilespmem:s3+$0xFFFFFF40] =	vst v0;
	v0 =	vld.idx.msk [tilespmem:v17+s2+$0x0], $0xffff  }
0x2d8: {  	[tilespmem:s3+$0xFFFFFF50] =	vst v5;
	v5 =	vld.idx.msk [tilespmem:v18+s2+$0x0], $0xffff  }
0x2d9: {  	[tilespmem:s3+$0xFFFFFF60] =	vst v1;
	v1 =	vld.idx.msk [tilespmem:v19+s2+$0x0], $0xffff  }
0x2da: {  	[tilespmem:s3+$0xFFFFFF70] =	vst v2;
	v2 =	vld.idx.msk [tilespmem:v20+s2+$0x0], $0xffff  }
0x2db: {  	[tilespmem:s3+$0x0] =	vst v3;
	v3 =	vld.idx.msk [tilespmem:v21+s2+$0x0], $0xffff  }
0x2dc: {  	[tilespmem:s3+$0x10] =	vst v4;
	v4 =	vld.idx.msk [tilespmem:v22+s2+$0x0], $0xffff  }
0x2dd: {  	[tilespmem:s3+$0x20] =	vst v0;
	v6 =	vld.idx.msk [tilespmem:v23+s2+$0x0], $0xffff  }
0x2de: {  	[tilespmem:s3+$0x30] =	vst v5;
	v0 =	vld.idx.msk [tilespmem:v24+s2+$0x0], $0xffff  }
.Ltmp8:
0x2df: {  	[tilespmem:s3+$0x40] =	vst v1;
	v1 =	vld.idx.msk [tilespmem:v25+s2+$0x0], $0xffff;
	(pc) =	sbr.rel @p0 .LBB2_18-.Ltmp8, $4  }
0x2e0: {  	[tilespmem:s3+$0x50] =	vst v2;
	v2 =	vld.idx.msk [tilespmem:v26+s2+$0x0], $0xffff  }
0x2e1: {  	[tilespmem:s3+$0x60] =	vst v3;
	v3 =	vld.idx.msk [tilespmem:v27+s2+$0x0], $0xffff  }
0x2e2: {  	[tilespmem:s3+$0x70] =	vst v4;
	v4 =	vld.idx.msk [tilespmem:v28+s2+$0x0], $0xffff  }
0x2e3: {  	s1 =	sadd.s32 $0x200, s1;
	[tilespmem:s3+$0x100] =	vst v6;
	v5 =	vld.idx.msk [tilespmem:v29+s2+$0x0], $0xffff  }
0x2e4: {  	[tilespmem:s3+$0x110] =	vst v0  }
0x2e5: {  	[tilespmem:s3+$0x120] =	vst v1  }
0x2e6: {  	[tilespmem:s3+$0x130] =	vst v2  }
0x2e7: {  	[tilespmem:s3+$0x140] =	vst v3  }
0x2e8: {  	[tilespmem:s3+$0x150] =	vst v4  }
0x2e9: {  	s0 =	simm.s32 $0x0;
	s1 =	simm.s32 $0x1C700;
	[tilespmem:s3+$0x160] =	vst v5  }
.LBB2_20:
0x2ea: {  	p0 =	sne.s32 s0, $0xF80  }
.Ltmp9:
0x2eb: {  	_ = 	snop;
	(pc) =	sbr.rel @p0 .LBB2_20-.Ltmp9, $4  }
0x2ec: {  	_ = 	snop  }
0x2ed: {  	s3 =	sadd.s32 s0, s10  }
0x2ee: {  	[hbm4b:s3+s2] =	stream.linear.scatter [tilespmem:s1], [sflag:$0x1], $0x80, $0x38;
	[tilespmem:$0x1E700] =	vst v63  }
0x2ef: {  	s0 =	sadd.s32 $0x80, s0;
	s1 =	sadd.s32 $0x100, s1  }
0x2f0: {  	s0 =	simm.s32 $0x198F0  }
0x2f1: {  	v0 =	vld [tilespmem:s0+$0x0]  }
0x2f2: {  	v1 =	vld [tilespmem:s0+$0xFFFFFE20]  }
0x2f3: {  	v2 =	vld [tilespmem:s0+$0xFFFFFE30]  }
0x2f4: {  	v3 =	vld [tilespmem:s0+$0xFFFFFE40]  }
0x2f5: {  	v4 =	vld [tilespmem:s0+$0xFFFFFE50]  }
0x2f6: {  	v5 =	vld [tilespmem:s0+$0xFFFFFE60]  }
0x2f7: {  	v6 =	vld [tilespmem:s0+$0xFFFFFE70]  }
0x2f8: {  	v7 =	vld [tilespmem:s0+$0xFFFFFE80]  }
0x2f9: {  	v8 =	vld [tilespmem:s0+$0xFFFFFE90]  }
0x2fa: {  	v9 =	vld [tilespmem:s0+$0xFFFFFEA0]  }
0x2fb: {  	v10 =	vld [tilespmem:s0+$0xFFFFFEB0]  }
0x2fc: {  	v11 =	vld [tilespmem:s0+$0xFFFFFEC0]  }
0x2fd: {  	v12 =	vld [tilespmem:s0+$0xFFFFFED0]  }
0x2fe: {  	v13 =	vld [tilespmem:s0+$0xFFFFFEE0]  }
0x2ff: {  	v14 =	vld [tilespmem:s0+$0xFFFFFEF0]  }
0x300: {  	v15 =	vld [tilespmem:s0+$0xFFFFFF00]  }
0x301: {  	v16 =	vld [tilespmem:s0+$0xFFFFFF10]  }
0x302: {  	v17 =	vld [tilespmem:s0+$0xFFFFFF20]  }
0x303: {  	v18 =	vld [tilespmem:s0+$0xFFFFFF30]  }
0x304: {  	v19 =	vld [tilespmem:s0+$0xFFFFFF40]  }
0x305: {  	v20 =	vld [tilespmem:s0+$0xFFFFFF50]  }
0x306: {  	v21 =	vld [tilespmem:s0+$0xFFFFFF60]  }
0x307: {  	v22 =	vld [tilespmem:s0+$0xFFFFFF70]  }
0x308: {  	v23 =	vld [tilespmem:s0+$0xFFFFFF80]  }
0x309: {  	v24 =	vld [tilespmem:s0+$0xFFFFFF90]  }
0x30a: {  	v25 =	vld [tilespmem:s0+$0xFFFFFFA0]  }
0x30b: {  	v26 =	vld [tilespmem:s0+$0xFFFFFFB0]  }
0x30c: {  	v27 =	vld [tilespmem:s0+$0xFFFFFFC0]  }
0x30d: {  	v28 =	vld [tilespmem:s0+$0xFFFFFFD0]  }
0x30e: {  	v29 =	vld [tilespmem:s0+$0xFFFFFFE0]  }
0x30f: {  	v30 =	vld [tilespmem:s0+$0xFFFFFFF0]  }
0x310: {  	v31 =	vld [tilespmem:s0+$0xFFFFFE10]  }
0x311: {  	v0 =	vld.idx.msk [tilespmem:v0+s2+$0x0], $0xffff  }
0x312: {  	v1 =	vld.idx.msk [tilespmem:v1+s2+$0x0], $0xffff  }
0x313: {  	v2 =	vld.idx.msk [tilespmem:v2+s2+$0x0], $0xffff  }
0x314: {  	v3 =	vld.idx.msk [tilespmem:v3+s2+$0x0], $0xffff  }
0x315: {  	v4 =	vld.idx.msk [tilespmem:v4+s2+$0x0], $0xffff  }
0x316: {  	s3 =	simm.s32 $0x1C980;
	v5 =	vld.idx.msk [tilespmem:v5+s2+$0x0], $0xffff  }
0x317: {  	[tilespmem:s3+$0x170] =	vst v0;
	v0 =	vld.idx.msk [tilespmem:v6+s2+$0x0], $0xffff  }
0x318: {  	[tilespmem:s3+$0xFFFFFE10] =	vst v1;
	v1 =	vld.idx.msk [tilespmem:v7+s2+$0x0], $0xffff  }
0x319: {  	v6 =	vld.idx.msk [tilespmem:v31+s2+$0x0], $0xffff;
	[tilespmem:s3+$0xFFFFFE20] =	vst v2  }
0x31a: {  	[tilespmem:s3+$0xFFFFFE30] =	vst v3;
	v2 =	vld.idx.msk [tilespmem:v8+s2+$0x0], $0xffff  }
0x31b: {  	[tilespmem:s3+$0xFFFFFE40] =	vst v4;
	v3 =	vld.idx.msk [tilespmem:v9+s2+$0x0], $0xffff  }
0x31c: {  	[tilespmem:s3+$0xFFFFFE50] =	vst v5;
	v4 =	vld.idx.msk [tilespmem:v10+s2+$0x0], $0xffff  }
0x31d: {  	v5 =	vld.idx.msk [tilespmem:v13+s2+$0x0], $0xffff;
	[tilespmem:s3+$0xFFFFFE60] =	vst v0  }
0x31e: {  	v7 =	vld.idx.msk [tilespmem:v24+s2+$0x0], $0xffff;
	[tilespmem:s3+$0xFFFFFE70] =	vst v1  }
0x31f: {  	v0 =	vld.idx.msk [tilespmem:v11+s2+$0x0], $0xffff;
	[tilespmem:s3+$0xFFFFFE00] =	vst v6  }
0x320: {  	v1 =	vld.idx.msk [tilespmem:v12+s2+$0x0], $0xffff;
	[tilespmem:s3+$0xFFFFFF00] =	vst v2  }
0x321: {  	v2 =	vld.idx.msk [tilespmem:v14+s2+$0x0], $0xffff;
	[tilespmem:s3+$0xFFFFFF10] =	vst v3  }
0x322: {  	v3 =	vld.idx.msk [tilespmem:v15+s2+$0x0], $0xffff;
	[tilespmem:s3+$0xFFFFFF20] =	vst v4  }
0x323: {  	v4 =	vld.idx.msk [tilespmem:v16+s2+$0x0], $0xffff;
	[tilespmem:s3+$0xFFFFFF50] =	vst v5  }
0x324: {  	v5 =	vld.idx.msk [tilespmem:v19+s2+$0x0], $0xffff;
	[tilespmem:s3+$0x100] =	vst v7  }
0x325: {  	v6 =	vld.idx.msk [tilespmem:v23+s2+$0x0], $0xffff;
	[tilespmem:s3+$0xFFFFFF30] =	vst v0  }
0x326: {  	v0 =	vld.idx.msk [tilespmem:v17+s2+$0x0], $0xffff;
	[tilespmem:s3+$0xFFFFFF40] =	vst v1  }
0x327: {  	v1 =	vld.idx.msk [tilespmem:v18+s2+$0x0], $0xffff;
	[tilespmem:s3+$0xFFFFFF60] =	vst v2  }
0x328: {  	v2 =	vld.idx.msk [tilespmem:v20+s2+$0x0], $0xffff;
	[tilespmem:s3+$0xFFFFFF70] =	vst v3  }
0x329: {  	v3 =	vld.idx.msk [tilespmem:v21+s2+$0x0], $0xffff;
	[tilespmem:s3+$0x0] =	vst v4  }
0x32a: {  	v4 =	vld.idx.msk [tilespmem:v22+s2+$0x0], $0xffff;
	[tilespmem:s3+$0x30] =	vst v5  }
0x32b: {  	[tilespmem:s3+$0x70] =	vst v6;
	v5 =	vld.idx.msk [tilespmem:v30+s2+$0x0], $0xffff  }
0x32c: {  	[tilespmem:s3+$0x10] =	vst v0;
	v0 =	vld.idx.msk [tilespmem:v25+s2+$0x0], $0xffff  }
0x32d: {  	[tilespmem:s3+$0x20] =	vst v1;
	v1 =	vld.idx.msk [tilespmem:v26+s2+$0x0], $0xffff  }
0x32e: {  	[tilespmem:s3+$0x40] =	vst v2;
	v2 =	vld.idx.msk [tilespmem:v27+s2+$0x0], $0xffff  }
0x32f: {  	[tilespmem:s3+$0x50] =	vst v3;
	v3 =	vld.idx.msk [tilespmem:v28+s2+$0x0], $0xffff  }
0x330: {  	s1 =	simm.s32 $0x19AF0;
	s0 =	simm.s32 $0x100;
	[tilespmem:s3+$0x60] =	vst v4;
	v4 =	vld.idx.msk [tilespmem:v29+s2+$0x0], $0xffff  }
.LBB2_22:
0x331: {  	v6 =	vld [tilespmem:s1+$0x0];
	s0 =	sadd.s32 $0x20, s0;
	[tilespmem:s3+$0x110] =	vst v0  }
0x332: {  	v0 =	vld [tilespmem:s1+$0xFFFFFE20];
	p0 =	slt.u32 s0, $0x1E0;
	[tilespmem:s3+$0x120] =	vst v1  }
0x333: {  	v1 =	vld [tilespmem:s1+$0xFFFFFE30];
	[tilespmem:s3+$0x130] =	vst v2  }
0x334: {  	v2 =	vld [tilespmem:s1+$0xFFFFFE40];
	[tilespmem:s3+$0x140] =	vst v3  }
0x335: {  	v3 =	vld [tilespmem:s1+$0xFFFFFE50];
	[tilespmem:s3+$0x150] =	vst v4  }
0x336: {  	v4 =	vld [tilespmem:s1+$0xFFFFFE60];
	[tilespmem:s3+$0x160] =	vst v5  }
0x337: {  	v5 =	vld [tilespmem:s1+$0xFFFFFE70]  }
0x338: {  	v7 =	vld [tilespmem:s1+$0xFFFFFE80]  }
0x339: {  	v6 =	vld.idx.msk [tilespmem:v6+s2+$0x0], $0xffff  }
0x33a: {  	v8 =	vld [tilespmem:s1+$0xFFFFFE90]  }
0x33b: {  	v9 =	vld [tilespmem:s1+$0xFFFFFEA0]  }
0x33c: {  	v10 =	vld [tilespmem:s1+$0xFFFFFEB0]  }
0x33d: {  	v11 =	vld [tilespmem:s1+$0xFFFFFEC0]  }
0x33e: {  	s3 =	sadd.s32 $0x400, s3;
	v12 =	vld [tilespmem:s1+$0xFFFFFED0]  }
0x33f: {  	v13 =	vld [tilespmem:s1+$0xFFFFFEE0];
	[tilespmem:s3+$0x170] =	vst v6  }
0x340: {  	v6 =	vld [tilespmem:s1+$0xFFFFFEF0]  }
0x341: {  	v14 =	vld [tilespmem:s1+$0xFFFFFF00]  }
0x342: {  	v15 =	vld [tilespmem:s1+$0xFFFFFF10]  }
0x343: {  	v16 =	vld [tilespmem:s1+$0xFFFFFF20]  }
0x344: {  	v17 =	vld [tilespmem:s1+$0xFFFFFF30]  }
0x345: {  	v18 =	vld [tilespmem:s1+$0xFFFFFF40]  }
0x346: {  	v19 =	vld [tilespmem:s1+$0xFFFFFF50]  }
0x347: {  	v20 =	vld [tilespmem:s1+$0xFFFFFF60]  }
0x348: {  	v21 =	vld [tilespmem:s1+$0xFFFFFF70]  }
0x349: {  	v22 =	vld [tilespmem:s1+$0xFFFFFF80]  }
0x34a: {  	v23 =	vld [tilespmem:s1+$0xFFFFFF90]  }
0x34b: {  	v24 =	vld [tilespmem:s1+$0xFFFFFFA0]  }
0x34c: {  	v25 =	vld [tilespmem:s1+$0xFFFFFFB0]  }
0x34d: {  	v26 =	vld [tilespmem:s1+$0xFFFFFFC0]  }
0x34e: {  	v27 =	vld [tilespmem:s1+$0xFFFFFFD0]  }
0x34f: {  	v28 =	vld [tilespmem:s1+$0xFFFFFFE0]  }
0x350: {  	v29 =	vld [tilespmem:s1+$0xFFFFFFF0]  }
0x351: {  	v30 =	vld [tilespmem:s1+$0xFFFFFE10]  }
0x352: {  	v0 =	vld.idx.msk [tilespmem:v0+s2+$0x0], $0xffff  }
0x353: {  	v1 =	vld.idx.msk [tilespmem:v1+s2+$0x0], $0xffff  }
0x354: {  	v2 =	vld.idx.msk [tilespmem:v2+s2+$0x0], $0xffff  }
0x355: {  	v3 =	vld.idx.msk [tilespmem:v3+s2+$0x0], $0xffff  }
0x356: {  	v4 =	vld.idx.msk [tilespmem:v4+s2+$0x0], $0xffff  }
0x357: {  	v5 =	vld.idx.msk [tilespmem:v5+s2+$0x0], $0xffff  }
0x358: {  	[tilespmem:s3+$0xFFFFFE10] =	vst v0;
	v0 =	vld.idx.msk [tilespmem:v7+s2+$0x0], $0xffff  }
0x359: {  	v7 =	vld.idx.msk [tilespmem:v30+s2+$0x0], $0xffff;
	[tilespmem:s3+$0xFFFFFE20] =	vst v1  }
0x35a: {  	[tilespmem:s3+$0xFFFFFE30] =	vst v2;
	v1 =	vld.idx.msk [tilespmem:v8+s2+$0x0], $0xffff  }
0x35b: {  	[tilespmem:s3+$0xFFFFFE40] =	vst v3;
	v2 =	vld.idx.msk [tilespmem:v9+s2+$0x0], $0xffff  }
0x35c: {  	[tilespmem:s3+$0xFFFFFE50] =	vst v4;
	v3 =	vld.idx.msk [tilespmem:v10+s2+$0x0], $0xffff  }
0x35d: {  	[tilespmem:s3+$0xFFFFFE60] =	vst v5;
	v4 =	vld.idx.msk [tilespmem:v11+s2+$0x0], $0xffff  }
0x35e: {  	[tilespmem:s3+$0xFFFFFE70] =	vst v0;
	v0 =	vld.idx.msk [tilespmem:v12+s2+$0x0], $0xffff  }
0x35f: {  	[tilespmem:s3+$0xFFFFFE00] =	vst v7;
	v5 =	vld.idx.msk [tilespmem:v13+s2+$0x0], $0xffff  }
0x360: {  	[tilespmem:s3+$0xFFFFFF00] =	vst v1;
	v1 =	vld.idx.msk [tilespmem:v6+s2+$0x0], $0xffff  }
0x361: {  	[tilespmem:s3+$0xFFFFFF10] =	vst v2;
	v2 =	vld.idx.msk [tilespmem:v14+s2+$0x0], $0xffff  }
0x362: {  	[tilespmem:s3+$0xFFFFFF20] =	vst v3;
	v3 =	vld.idx.msk [tilespmem:v15+s2+$0x0], $0xffff  }
0x363: {  	[tilespmem:s3+$0xFFFFFF30] =	vst v4;
	v4 =	vld.idx.msk [tilespmem:v16+s2+$0x0], $0xffff  }
0x364: {  	[tilespmem:s3+$0xFFFFFF40] =	vst v0;
	v0 =	vld.idx.msk [tilespmem:v17+s2+$0x0], $0xffff  }
0x365: {  	[tilespmem:s3+$0xFFFFFF50] =	vst v5;
	v5 =	vld.idx.msk [tilespmem:v18+s2+$0x0], $0xffff  }
0x366: {  	[tilespmem:s3+$0xFFFFFF60] =	vst v1;
	v1 =	vld.idx.msk [tilespmem:v19+s2+$0x0], $0xffff  }
0x367: {  	[tilespmem:s3+$0xFFFFFF70] =	vst v2;
	v2 =	vld.idx.msk [tilespmem:v20+s2+$0x0], $0xffff  }
0x368: {  	[tilespmem:s3+$0x0] =	vst v3;
	v3 =	vld.idx.msk [tilespmem:v21+s2+$0x0], $0xffff  }
0x369: {  	[tilespmem:s3+$0x10] =	vst v4;
	v4 =	vld.idx.msk [tilespmem:v22+s2+$0x0], $0xffff  }
0x36a: {  	[tilespmem:s3+$0x20] =	vst v0;
	v6 =	vld.idx.msk [tilespmem:v23+s2+$0x0], $0xffff  }
0x36b: {  	[tilespmem:s3+$0x30] =	vst v5;
	v0 =	vld.idx.msk [tilespmem:v24+s2+$0x0], $0xffff  }
.Ltmp10:
0x36c: {  	[tilespmem:s3+$0x40] =	vst v1;
	v1 =	vld.idx.msk [tilespmem:v25+s2+$0x0], $0xffff;
	(pc) =	sbr.rel @p0 .LBB2_22-.Ltmp10, $4  }
0x36d: {  	[tilespmem:s3+$0x50] =	vst v2;
	v2 =	vld.idx.msk [tilespmem:v26+s2+$0x0], $0xffff  }
0x36e: {  	[tilespmem:s3+$0x60] =	vst v3;
	v3 =	vld.idx.msk [tilespmem:v27+s2+$0x0], $0xffff  }
0x36f: {  	[tilespmem:s3+$0x70] =	vst v4;
	v4 =	vld.idx.msk [tilespmem:v28+s2+$0x0], $0xffff  }
0x370: {  	s1 =	sadd.s32 $0x200, s1;
	[tilespmem:s3+$0x100] =	vst v6;
	v5 =	vld.idx.msk [tilespmem:v29+s2+$0x0], $0xffff  }
0x371: {  	[tilespmem:s3+$0x110] =	vst v0  }
0x372: {  	[tilespmem:s3+$0x120] =	vst v1  }
0x373: {  	[tilespmem:s3+$0x130] =	vst v2  }
0x374: {  	[tilespmem:s3+$0x140] =	vst v3  }
0x375: {  	[tilespmem:s3+$0x150] =	vst v4  }
0x376: {  	[tilespmem:s3+$0x160] =	vst v5  }
0x377: {  	_ =	swait.ge [sflag:s31], $0x1000  }
0x378: {  	[sflag:s31] =	ssyncset.done $0x0  }
0x379: {  	s0 =	simm.s32 $0x0;
	s1 =	simm.s32 $0x1C780;
	[sflag:s31] =	ssyncadd.s32 $0xFFFFF000  }
.LBB2_24:
0x37a: {  	p0 =	sne.s32 s0, $0xF80  }
.Ltmp11:
0x37b: {  	_ = 	snop;
	(pc) =	sbr.rel @p0 .LBB2_24-.Ltmp11, $4  }
0x37c: {  	_ = 	snop  }
0x37d: {  	s3 =	sadd.s32 s0, s11  }
0x37e: {  	[hbm4b:s3+s2] =	stream.linear.scatter [tilespmem:s1], [sflag:$0x1], $0x80, $0x38;
	[tilespmem:$0x1E700] =	vst v63  }
0x37f: {  	s0 =	sadd.s32 $0x80, s0;
	s1 =	sadd.s32 $0x100, s1  }
0x380: {  	s0 =	simm.s32 $0x1A8F0  }
0x381: {  	v0 =	vld [tilespmem:s0+$0x0]  }
0x382: {  	v1 =	vld [tilespmem:s0+$0xFFFFFE20]  }
0x383: {  	v2 =	vld [tilespmem:s0+$0xFFFFFE30]  }
0x384: {  	v3 =	vld [tilespmem:s0+$0xFFFFFE40]  }
0x385: {  	v4 =	vld [tilespmem:s0+$0xFFFFFE50]  }
0x386: {  	v5 =	vld [tilespmem:s0+$0xFFFFFE60]  }
0x387: {  	v6 =	vld [tilespmem:s0+$0xFFFFFE70]  }
0x388: {  	v7 =	vld [tilespmem:s0+$0xFFFFFE80]  }
0x389: {  	v8 =	vld [tilespmem:s0+$0xFFFFFE90]  }
0x38a: {  	v9 =	vld [tilespmem:s0+$0xFFFFFEA0]  }
0x38b: {  	v10 =	vld [tilespmem:s0+$0xFFFFFEB0]  }
0x38c: {  	v11 =	vld [tilespmem:s0+$0xFFFFFEC0]  }
0x38d: {  	v12 =	vld [tilespmem:s0+$0xFFFFFED0]  }
0x38e: {  	v13 =	vld [tilespmem:s0+$0xFFFFFEE0]  }
0x38f: {  	v14 =	vld [tilespmem:s0+$0xFFFFFEF0]  }
0x390: {  	v15 =	vld [tilespmem:s0+$0xFFFFFF00]  }
0x391: {  	v16 =	vld [tilespmem:s0+$0xFFFFFF10]  }
0x392: {  	v17 =	vld [tilespmem:s0+$0xFFFFFF20]  }
0x393: {  	v18 =	vld [tilespmem:s0+$0xFFFFFF30]  }
0x394: {  	v19 =	vld [tilespmem:s0+$0xFFFFFF40]  }
0x395: {  	v20 =	vld [tilespmem:s0+$0xFFFFFF50]  }
0x396: {  	v21 =	vld [tilespmem:s0+$0xFFFFFF60]  }
0x397: {  	v22 =	vld [tilespmem:s0+$0xFFFFFF70]  }
0x398: {  	v23 =	vld [tilespmem:s0+$0xFFFFFF80]  }
0x399: {  	v24 =	vld [tilespmem:s0+$0xFFFFFF90]  }
0x39a: {  	v25 =	vld [tilespmem:s0+$0xFFFFFFA0]  }
0x39b: {  	v26 =	vld [tilespmem:s0+$0xFFFFFFB0]  }
0x39c: {  	v27 =	vld [tilespmem:s0+$0xFFFFFFC0]  }
0x39d: {  	v28 =	vld [tilespmem:s0+$0xFFFFFFD0]  }
0x39e: {  	v29 =	vld [tilespmem:s0+$0xFFFFFFE0]  }
0x39f: {  	v30 =	vld [tilespmem:s0+$0xFFFFFFF0]  }
0x3a0: {  	v31 =	vld [tilespmem:s0+$0xFFFFFE10]  }
0x3a1: {  	v0 =	vld.idx.msk [tilespmem:v0+s2+$0x0], $0xffff  }
0x3a2: {  	v1 =	vld.idx.msk [tilespmem:v1+s2+$0x0], $0xffff  }
0x3a3: {  	v2 =	vld.idx.msk [tilespmem:v2+s2+$0x0], $0xffff  }
0x3a4: {  	v3 =	vld.idx.msk [tilespmem:v3+s2+$0x0], $0xffff  }
0x3a5: {  	v4 =	vld.idx.msk [tilespmem:v4+s2+$0x0], $0xffff  }
0x3a6: {  	s3 =	simm.s32 $0x1C900;
	v5 =	vld.idx.msk [tilespmem:v5+s2+$0x0], $0xffff  }
0x3a7: {  	[tilespmem:s3+$0x170] =	vst v0;
	v0 =	vld.idx.msk [tilespmem:v6+s2+$0x0], $0xffff  }
0x3a8: {  	[tilespmem:s3+$0xFFFFFE10] =	vst v1;
	v1 =	vld.idx.msk [tilespmem:v7+s2+$0x0], $0xffff  }
0x3a9: {  	v6 =	vld.idx.msk [tilespmem:v31+s2+$0x0], $0xffff;
	[tilespmem:s3+$0xFFFFFE20] =	vst v2  }
0x3aa: {  	[tilespmem:s3+$0xFFFFFE30] =	vst v3;
	v2 =	vld.idx.msk [tilespmem:v8+s2+$0x0], $0xffff  }
0x3ab: {  	[tilespmem:s3+$0xFFFFFE40] =	vst v4;
	v3 =	vld.idx.msk [tilespmem:v9+s2+$0x0], $0xffff  }
0x3ac: {  	[tilespmem:s3+$0xFFFFFE50] =	vst v5;
	v4 =	vld.idx.msk [tilespmem:v10+s2+$0x0], $0xffff  }
0x3ad: {  	v5 =	vld.idx.msk [tilespmem:v13+s2+$0x0], $0xffff;
	[tilespmem:s3+$0xFFFFFE60] =	vst v0  }
0x3ae: {  	v7 =	vld.idx.msk [tilespmem:v24+s2+$0x0], $0xffff;
	[tilespmem:s3+$0xFFFFFE70] =	vst v1  }
0x3af: {  	v0 =	vld.idx.msk [tilespmem:v11+s2+$0x0], $0xffff;
	[tilespmem:s3+$0xFFFFFE00] =	vst v6  }
0x3b0: {  	v1 =	vld.idx.msk [tilespmem:v12+s2+$0x0], $0xffff;
	[tilespmem:s3+$0xFFFFFF00] =	vst v2  }
0x3b1: {  	v2 =	vld.idx.msk [tilespmem:v14+s2+$0x0], $0xffff;
	[tilespmem:s3+$0xFFFFFF10] =	vst v3  }
0x3b2: {  	v3 =	vld.idx.msk [tilespmem:v15+s2+$0x0], $0xffff;
	[tilespmem:s3+$0xFFFFFF20] =	vst v4  }
0x3b3: {  	v4 =	vld.idx.msk [tilespmem:v16+s2+$0x0], $0xffff;
	[tilespmem:s3+$0xFFFFFF50] =	vst v5  }
0x3b4: {  	v5 =	vld.idx.msk [tilespmem:v19+s2+$0x0], $0xffff;
	[tilespmem:s3+$0x100] =	vst v7  }
0x3b5: {  	v6 =	vld.idx.msk [tilespmem:v23+s2+$0x0], $0xffff;
	[tilespmem:s3+$0xFFFFFF30] =	vst v0  }
0x3b6: {  	v0 =	vld.idx.msk [tilespmem:v17+s2+$0x0], $0xffff;
	[tilespmem:s3+$0xFFFFFF40] =	vst v1  }
0x3b7: {  	v1 =	vld.idx.msk [tilespmem:v18+s2+$0x0], $0xffff;
	[tilespmem:s3+$0xFFFFFF60] =	vst v2  }
0x3b8: {  	v2 =	vld.idx.msk [tilespmem:v20+s2+$0x0], $0xffff;
	[tilespmem:s3+$0xFFFFFF70] =	vst v3  }
0x3b9: {  	v3 =	vld.idx.msk [tilespmem:v21+s2+$0x0], $0xffff;
	[tilespmem:s3+$0x0] =	vst v4  }
0x3ba: {  	v4 =	vld.idx.msk [tilespmem:v22+s2+$0x0], $0xffff;
	[tilespmem:s3+$0x30] =	vst v5  }
0x3bb: {  	[tilespmem:s3+$0x70] =	vst v6;
	v5 =	vld.idx.msk [tilespmem:v30+s2+$0x0], $0xffff  }
0x3bc: {  	[tilespmem:s3+$0x10] =	vst v0;
	v0 =	vld.idx.msk [tilespmem:v25+s2+$0x0], $0xffff  }
0x3bd: {  	[tilespmem:s3+$0x20] =	vst v1;
	v1 =	vld.idx.msk [tilespmem:v26+s2+$0x0], $0xffff  }
0x3be: {  	[tilespmem:s3+$0x40] =	vst v2;
	v2 =	vld.idx.msk [tilespmem:v27+s2+$0x0], $0xffff  }
0x3bf: {  	[tilespmem:s3+$0x50] =	vst v3;
	v3 =	vld.idx.msk [tilespmem:v28+s2+$0x0], $0xffff  }
0x3c0: {  	s1 =	simm.s32 $0x1AAF0;
	s0 =	simm.s32 $0x200;
	[tilespmem:s3+$0x60] =	vst v4;
	v4 =	vld.idx.msk [tilespmem:v29+s2+$0x0], $0xffff  }
.LBB2_26:
0x3c1: {  	v6 =	vld [tilespmem:s1+$0x0];
	s0 =	sadd.s32 $0x20, s0;
	[tilespmem:s3+$0x110] =	vst v0  }
0x3c2: {  	v0 =	vld [tilespmem:s1+$0xFFFFFE20];
	p0 =	slt.u32 s0, $0x2E0;
	[tilespmem:s3+$0x120] =	vst v1  }
0x3c3: {  	v1 =	vld [tilespmem:s1+$0xFFFFFE30];
	[tilespmem:s3+$0x130] =	vst v2  }
0x3c4: {  	v2 =	vld [tilespmem:s1+$0xFFFFFE40];
	[tilespmem:s3+$0x140] =	vst v3  }
0x3c5: {  	v3 =	vld [tilespmem:s1+$0xFFFFFE50];
	[tilespmem:s3+$0x150] =	vst v4  }
0x3c6: {  	v4 =	vld [tilespmem:s1+$0xFFFFFE60];
	[tilespmem:s3+$0x160] =	vst v5  }
0x3c7: {  	v5 =	vld [tilespmem:s1+$0xFFFFFE70]  }
0x3c8: {  	v7 =	vld [tilespmem:s1+$0xFFFFFE80]  }
0x3c9: {  	v6 =	vld.idx.msk [tilespmem:v6+s2+$0x0], $0xffff  }
0x3ca: {  	v8 =	vld [tilespmem:s1+$0xFFFFFE90]  }
0x3cb: {  	v9 =	vld [tilespmem:s1+$0xFFFFFEA0]  }
0x3cc: {  	v10 =	vld [tilespmem:s1+$0xFFFFFEB0]  }
0x3cd: {  	v11 =	vld [tilespmem:s1+$0xFFFFFEC0]  }
0x3ce: {  	s3 =	sadd.s32 $0x400, s3;
	v12 =	vld [tilespmem:s1+$0xFFFFFED0]  }
0x3cf: {  	v13 =	vld [tilespmem:s1+$0xFFFFFEE0];
	[tilespmem:s3+$0x170] =	vst v6  }
0x3d0: {  	v6 =	vld [tilespmem:s1+$0xFFFFFEF0]  }
0x3d1: {  	v14 =	vld [tilespmem:s1+$0xFFFFFF00]  }
0x3d2: {  	v15 =	vld [tilespmem:s1+$0xFFFFFF10]  }
0x3d3: {  	v16 =	vld [tilespmem:s1+$0xFFFFFF20]  }
0x3d4: {  	v17 =	vld [tilespmem:s1+$0xFFFFFF30]  }
0x3d5: {  	v18 =	vld [tilespmem:s1+$0xFFFFFF40]  }
0x3d6: {  	v19 =	vld [tilespmem:s1+$0xFFFFFF50]  }
0x3d7: {  	v20 =	vld [tilespmem:s1+$0xFFFFFF60]  }
0x3d8: {  	v21 =	vld [tilespmem:s1+$0xFFFFFF70]  }
0x3d9: {  	v22 =	vld [tilespmem:s1+$0xFFFFFF80]  }
0x3da: {  	v23 =	vld [tilespmem:s1+$0xFFFFFF90]  }
0x3db: {  	v24 =	vld [tilespmem:s1+$0xFFFFFFA0]  }
0x3dc: {  	v25 =	vld [tilespmem:s1+$0xFFFFFFB0]  }
0x3dd: {  	v26 =	vld [tilespmem:s1+$0xFFFFFFC0]  }
0x3de: {  	v27 =	vld [tilespmem:s1+$0xFFFFFFD0]  }
0x3df: {  	v28 =	vld [tilespmem:s1+$0xFFFFFFE0]  }
0x3e0: {  	v29 =	vld [tilespmem:s1+$0xFFFFFFF0]  }
0x3e1: {  	v30 =	vld [tilespmem:s1+$0xFFFFFE10]  }
0x3e2: {  	v0 =	vld.idx.msk [tilespmem:v0+s2+$0x0], $0xffff  }
0x3e3: {  	v1 =	vld.idx.msk [tilespmem:v1+s2+$0x0], $0xffff  }
0x3e4: {  	v2 =	vld.idx.msk [tilespmem:v2+s2+$0x0], $0xffff  }
0x3e5: {  	v3 =	vld.idx.msk [tilespmem:v3+s2+$0x0], $0xffff  }
0x3e6: {  	v4 =	vld.idx.msk [tilespmem:v4+s2+$0x0], $0xffff  }
0x3e7: {  	v5 =	vld.idx.msk [tilespmem:v5+s2+$0x0], $0xffff  }
0x3e8: {  	[tilespmem:s3+$0xFFFFFE10] =	vst v0;
	v0 =	vld.idx.msk [tilespmem:v7+s2+$0x0], $0xffff  }
0x3e9: {  	v7 =	vld.idx.msk [tilespmem:v30+s2+$0x0], $0xffff;
	[tilespmem:s3+$0xFFFFFE20] =	vst v1  }
0x3ea: {  	[tilespmem:s3+$0xFFFFFE30] =	vst v2;
	v1 =	vld.idx.msk [tilespmem:v8+s2+$0x0], $0xffff  }
0x3eb: {  	[tilespmem:s3+$0xFFFFFE40] =	vst v3;
	v2 =	vld.idx.msk [tilespmem:v9+s2+$0x0], $0xffff  }
0x3ec: {  	[tilespmem:s3+$0xFFFFFE50] =	vst v4;
	v3 =	vld.idx.msk [tilespmem:v10+s2+$0x0], $0xffff  }
0x3ed: {  	[tilespmem:s3+$0xFFFFFE60] =	vst v5;
	v4 =	vld.idx.msk [tilespmem:v11+s2+$0x0], $0xffff  }
0x3ee: {  	[tilespmem:s3+$0xFFFFFE70] =	vst v0;
	v0 =	vld.idx.msk [tilespmem:v12+s2+$0x0], $0xffff  }
0x3ef: {  	[tilespmem:s3+$0xFFFFFE00] =	vst v7;
	v5 =	vld.idx.msk [tilespmem:v13+s2+$0x0], $0xffff  }
0x3f0: {  	[tilespmem:s3+$0xFFFFFF00] =	vst v1;
	v1 =	vld.idx.msk [tilespmem:v6+s2+$0x0], $0xffff  }
0x3f1: {  	[tilespmem:s3+$0xFFFFFF10] =	vst v2;
	v2 =	vld.idx.msk [tilespmem:v14+s2+$0x0], $0xffff  }
0x3f2: {  	[tilespmem:s3+$0xFFFFFF20] =	vst v3;
	v3 =	vld.idx.msk [tilespmem:v15+s2+$0x0], $0xffff  }
0x3f3: {  	[tilespmem:s3+$0xFFFFFF30] =	vst v4;
	v4 =	vld.idx.msk [tilespmem:v16+s2+$0x0], $0xffff  }
0x3f4: {  	[tilespmem:s3+$0xFFFFFF40] =	vst v0;
	v0 =	vld.idx.msk [tilespmem:v17+s2+$0x0], $0xffff  }
0x3f5: {  	[tilespmem:s3+$0xFFFFFF50] =	vst v5;
	v5 =	vld.idx.msk [tilespmem:v18+s2+$0x0], $0xffff  }
0x3f6: {  	[tilespmem:s3+$0xFFFFFF60] =	vst v1;
	v1 =	vld.idx.msk [tilespmem:v19+s2+$0x0], $0xffff  }
0x3f7: {  	[tilespmem:s3+$0xFFFFFF70] =	vst v2;
	v2 =	vld.idx.msk [tilespmem:v20+s2+$0x0], $0xffff  }
0x3f8: {  	[tilespmem:s3+$0x0] =	vst v3;
	v3 =	vld.idx.msk [tilespmem:v21+s2+$0x0], $0xffff  }
0x3f9: {  	[tilespmem:s3+$0x10] =	vst v4;
	v4 =	vld.idx.msk [tilespmem:v22+s2+$0x0], $0xffff  }
0x3fa: {  	[tilespmem:s3+$0x20] =	vst v0;
	v6 =	vld.idx.msk [tilespmem:v23+s2+$0x0], $0xffff  }
0x3fb: {  	[tilespmem:s3+$0x30] =	vst v5;
	v0 =	vld.idx.msk [tilespmem:v24+s2+$0x0], $0xffff  }
.Ltmp12:
0x3fc: {  	[tilespmem:s3+$0x40] =	vst v1;
	v1 =	vld.idx.msk [tilespmem:v25+s2+$0x0], $0xffff;
	(pc) =	sbr.rel @p0 .LBB2_26-.Ltmp12, $4  }
0x3fd: {  	[tilespmem:s3+$0x50] =	vst v2;
	v2 =	vld.idx.msk [tilespmem:v26+s2+$0x0], $0xffff  }
0x3fe: {  	[tilespmem:s3+$0x60] =	vst v3;
	v3 =	vld.idx.msk [tilespmem:v27+s2+$0x0], $0xffff  }
0x3ff: {  	[tilespmem:s3+$0x70] =	vst v4;
	v4 =	vld.idx.msk [tilespmem:v28+s2+$0x0], $0xffff  }
0x400: {  	s1 =	sadd.s32 $0x200, s1;
	[tilespmem:s3+$0x100] =	vst v6;
	v5 =	vld.idx.msk [tilespmem:v29+s2+$0x0], $0xffff  }
0x401: {  	[tilespmem:s3+$0x110] =	vst v0  }
0x402: {  	[tilespmem:s3+$0x120] =	vst v1  }
0x403: {  	[tilespmem:s3+$0x130] =	vst v2  }
0x404: {  	[tilespmem:s3+$0x140] =	vst v3  }
0x405: {  	[tilespmem:s3+$0x150] =	vst v4  }
0x406: {  	[tilespmem:s3+$0x160] =	vst v5  }
0x407: {  	_ =	swait.ge [sflag:s31], $0x1000  }
0x408: {  	[sflag:s31] =	ssyncset.done $0x0  }
0x409: {  	s0 =	simm.s32 $0x0;
	s1 =	simm.s32 $0x1C700;
	[sflag:s31] =	ssyncadd.s32 $0xFFFFF000  }
.LBB2_28:
0x40a: {  	p0 =	sne.s32 s0, $0xF80  }
.Ltmp13:
0x40b: {  	_ = 	snop;
	(pc) =	sbr.rel @p0 .LBB2_28-.Ltmp13, $4  }
0x40c: {  	_ = 	snop  }
0x40d: {  	s3 =	sadd.s32 s0, s12  }
0x40e: {  	[hbm4b:s3+s2] =	stream.linear.scatter [tilespmem:s1], [sflag:$0x1], $0x80, $0x38;
	[tilespmem:$0x1E700] =	vst v63  }
0x40f: {  	s0 =	sadd.s32 $0x80, s0;
	s1 =	sadd.s32 $0x100, s1  }
0x410: {  	s0 =	simm.s32 $0x1B8F0  }
0x411: {  	v0 =	vld [tilespmem:s0+$0x0]  }
0x412: {  	v1 =	vld [tilespmem:s0+$0xFFFFFE20]  }
0x413: {  	v2 =	vld [tilespmem:s0+$0xFFFFFE30]  }
0x414: {  	v3 =	vld [tilespmem:s0+$0xFFFFFE40]  }
0x415: {  	v4 =	vld [tilespmem:s0+$0xFFFFFE50]  }
0x416: {  	v5 =	vld [tilespmem:s0+$0xFFFFFE60]  }
0x417: {  	v6 =	vld [tilespmem:s0+$0xFFFFFE70]  }
0x418: {  	v7 =	vld [tilespmem:s0+$0xFFFFFE80]  }
0x419: {  	v8 =	vld [tilespmem:s0+$0xFFFFFE90]  }
0x41a: {  	v9 =	vld [tilespmem:s0+$0xFFFFFEA0]  }
0x41b: {  	v10 =	vld [tilespmem:s0+$0xFFFFFEB0]  }
0x41c: {  	v11 =	vld [tilespmem:s0+$0xFFFFFEC0]  }
0x41d: {  	v12 =	vld [tilespmem:s0+$0xFFFFFED0]  }
0x41e: {  	v13 =	vld [tilespmem:s0+$0xFFFFFEE0]  }
0x41f: {  	v14 =	vld [tilespmem:s0+$0xFFFFFEF0]  }
0x420: {  	v15 =	vld [tilespmem:s0+$0xFFFFFF00]  }
0x421: {  	v16 =	vld [tilespmem:s0+$0xFFFFFF10]  }
0x422: {  	v17 =	vld [tilespmem:s0+$0xFFFFFF20]  }
0x423: {  	v18 =	vld [tilespmem:s0+$0xFFFFFF30]  }
0x424: {  	v19 =	vld [tilespmem:s0+$0xFFFFFF40]  }
0x425: {  	v20 =	vld [tilespmem:s0+$0xFFFFFF50]  }
0x426: {  	v21 =	vld [tilespmem:s0+$0xFFFFFF60]  }
0x427: {  	v22 =	vld [tilespmem:s0+$0xFFFFFF70]  }
0x428: {  	v23 =	vld [tilespmem:s0+$0xFFFFFF80]  }
0x429: {  	v24 =	vld [tilespmem:s0+$0xFFFFFF90]  }
0x42a: {  	v25 =	vld [tilespmem:s0+$0xFFFFFFA0]  }
0x42b: {  	v26 =	vld [tilespmem:s0+$0xFFFFFFB0]  }
0x42c: {  	v27 =	vld [tilespmem:s0+$0xFFFFFFC0]  }
0x42d: {  	v28 =	vld [tilespmem:s0+$0xFFFFFFD0]  }
0x42e: {  	v29 =	vld [tilespmem:s0+$0xFFFFFFE0]  }
0x42f: {  	v30 =	vld [tilespmem:s0+$0xFFFFFFF0]  }
0x430: {  	v31 =	vld [tilespmem:s0+$0xFFFFFE10]  }
0x431: {  	v0 =	vld.idx.msk [tilespmem:v0+s2+$0x0], $0xffff  }
0x432: {  	v1 =	vld.idx.msk [tilespmem:v1+s2+$0x0], $0xffff  }
0x433: {  	v2 =	vld.idx.msk [tilespmem:v2+s2+$0x0], $0xffff  }
0x434: {  	v3 =	vld.idx.msk [tilespmem:v3+s2+$0x0], $0xffff  }
0x435: {  	v4 =	vld.idx.msk [tilespmem:v4+s2+$0x0], $0xffff  }
0x436: {  	s3 =	simm.s32 $0x1C980;
	v5 =	vld.idx.msk [tilespmem:v5+s2+$0x0], $0xffff  }
0x437: {  	[tilespmem:s3+$0x170] =	vst v0;
	v0 =	vld.idx.msk [tilespmem:v6+s2+$0x0], $0xffff  }
0x438: {  	[tilespmem:s3+$0xFFFFFE10] =	vst v1;
	v1 =	vld.idx.msk [tilespmem:v7+s2+$0x0], $0xffff  }
0x439: {  	v6 =	vld.idx.msk [tilespmem:v31+s2+$0x0], $0xffff;
	[tilespmem:s3+$0xFFFFFE20] =	vst v2  }
0x43a: {  	[tilespmem:s3+$0xFFFFFE30] =	vst v3;
	v2 =	vld.idx.msk [tilespmem:v8+s2+$0x0], $0xffff  }
0x43b: {  	[tilespmem:s3+$0xFFFFFE40] =	vst v4;
	v3 =	vld.idx.msk [tilespmem:v9+s2+$0x0], $0xffff  }
0x43c: {  	[tilespmem:s3+$0xFFFFFE50] =	vst v5;
	v4 =	vld.idx.msk [tilespmem:v10+s2+$0x0], $0xffff  }
0x43d: {  	v5 =	vld.idx.msk [tilespmem:v13+s2+$0x0], $0xffff;
	[tilespmem:s3+$0xFFFFFE60] =	vst v0  }
0x43e: {  	v7 =	vld.idx.msk [tilespmem:v24+s2+$0x0], $0xffff;
	[tilespmem:s3+$0xFFFFFE70] =	vst v1  }
0x43f: {  	v0 =	vld.idx.msk [tilespmem:v11+s2+$0x0], $0xffff;
	[tilespmem:s3+$0xFFFFFE00] =	vst v6  }
0x440: {  	v1 =	vld.idx.msk [tilespmem:v12+s2+$0x0], $0xffff;
	[tilespmem:s3+$0xFFFFFF00] =	vst v2  }
0x441: {  	v2 =	vld.idx.msk [tilespmem:v14+s2+$0x0], $0xffff;
	[tilespmem:s3+$0xFFFFFF10] =	vst v3  }
0x442: {  	v3 =	vld.idx.msk [tilespmem:v15+s2+$0x0], $0xffff;
	[tilespmem:s3+$0xFFFFFF20] =	vst v4  }
0x443: {  	v4 =	vld.idx.msk [tilespmem:v16+s2+$0x0], $0xffff;
	[tilespmem:s3+$0xFFFFFF50] =	vst v5  }
0x444: {  	v5 =	vld.idx.msk [tilespmem:v19+s2+$0x0], $0xffff;
	[tilespmem:s3+$0x100] =	vst v7  }
0x445: {  	v6 =	vld.idx.msk [tilespmem:v23+s2+$0x0], $0xffff;
	[tilespmem:s3+$0xFFFFFF30] =	vst v0  }
0x446: {  	v0 =	vld.idx.msk [tilespmem:v17+s2+$0x0], $0xffff;
	[tilespmem:s3+$0xFFFFFF40] =	vst v1  }
0x447: {  	v1 =	vld.idx.msk [tilespmem:v18+s2+$0x0], $0xffff;
	[tilespmem:s3+$0xFFFFFF60] =	vst v2  }
0x448: {  	v2 =	vld.idx.msk [tilespmem:v20+s2+$0x0], $0xffff;
	[tilespmem:s3+$0xFFFFFF70] =	vst v3  }
0x449: {  	v3 =	vld.idx.msk [tilespmem:v21+s2+$0x0], $0xffff;
	[tilespmem:s3+$0x0] =	vst v4  }
0x44a: {  	v4 =	vld.idx.msk [tilespmem:v22+s2+$0x0], $0xffff;
	[tilespmem:s3+$0x30] =	vst v5  }
0x44b: {  	[tilespmem:s3+$0x70] =	vst v6;
	v5 =	vld.idx.msk [tilespmem:v30+s2+$0x0], $0xffff  }
0x44c: {  	[tilespmem:s3+$0x10] =	vst v0;
	v0 =	vld.idx.msk [tilespmem:v25+s2+$0x0], $0xffff  }
0x44d: {  	[tilespmem:s3+$0x20] =	vst v1;
	v1 =	vld.idx.msk [tilespmem:v26+s2+$0x0], $0xffff  }
0x44e: {  	[tilespmem:s3+$0x40] =	vst v2;
	v2 =	vld.idx.msk [tilespmem:v27+s2+$0x0], $0xffff  }
0x44f: {  	[tilespmem:s3+$0x50] =	vst v3;
	v3 =	vld.idx.msk [tilespmem:v28+s2+$0x0], $0xffff  }
0x450: {  	s1 =	simm.s32 $0x1BAF0;
	s0 =	simm.s32 $0x300;
	[tilespmem:s3+$0x60] =	vst v4;
	v4 =	vld.idx.msk [tilespmem:v29+s2+$0x0], $0xffff  }
.LBB2_30:
0x451: {  	v6 =	vld [tilespmem:s1+$0x0];
	s0 =	sadd.s32 $0x20, s0;
	[tilespmem:s3+$0x110] =	vst v0  }
0x452: {  	v0 =	vld [tilespmem:s1+$0xFFFFFE20];
	p0 =	slt.u32 s0, $0x3E0;
	[tilespmem:s3+$0x120] =	vst v1  }
0x453: {  	v1 =	vld [tilespmem:s1+$0xFFFFFE30];
	[tilespmem:s3+$0x130] =	vst v2  }
0x454: {  	v2 =	vld [tilespmem:s1+$0xFFFFFE40];
	[tilespmem:s3+$0x140] =	vst v3  }
0x455: {  	v3 =	vld [tilespmem:s1+$0xFFFFFE50];
	[tilespmem:s3+$0x150] =	vst v4  }
0x456: {  	v4 =	vld [tilespmem:s1+$0xFFFFFE60];
	[tilespmem:s3+$0x160] =	vst v5  }
0x457: {  	v5 =	vld [tilespmem:s1+$0xFFFFFE70]  }
0x458: {  	v7 =	vld [tilespmem:s1+$0xFFFFFE80]  }
0x459: {  	v6 =	vld.idx.msk [tilespmem:v6+s2+$0x0], $0xffff  }
0x45a: {  	v8 =	vld [tilespmem:s1+$0xFFFFFE90]  }
0x45b: {  	v9 =	vld [tilespmem:s1+$0xFFFFFEA0]  }
0x45c: {  	v10 =	vld [tilespmem:s1+$0xFFFFFEB0]  }
0x45d: {  	v11 =	vld [tilespmem:s1+$0xFFFFFEC0]  }
0x45e: {  	s3 =	sadd.s32 $0x400, s3;
	v12 =	vld [tilespmem:s1+$0xFFFFFED0]  }
0x45f: {  	v13 =	vld [tilespmem:s1+$0xFFFFFEE0];
	[tilespmem:s3+$0x170] =	vst v6  }
0x460: {  	v6 =	vld [tilespmem:s1+$0xFFFFFEF0]  }
0x461: {  	v14 =	vld [tilespmem:s1+$0xFFFFFF00]  }
0x462: {  	v15 =	vld [tilespmem:s1+$0xFFFFFF10]  }
0x463: {  	v16 =	vld [tilespmem:s1+$0xFFFFFF20]  }
0x464: {  	v17 =	vld [tilespmem:s1+$0xFFFFFF30]  }
0x465: {  	v18 =	vld [tilespmem:s1+$0xFFFFFF40]  }
0x466: {  	v19 =	vld [tilespmem:s1+$0xFFFFFF50]  }
0x467: {  	v20 =	vld [tilespmem:s1+$0xFFFFFF60]  }
0x468: {  	v21 =	vld [tilespmem:s1+$0xFFFFFF70]  }
0x469: {  	v22 =	vld [tilespmem:s1+$0xFFFFFF80]  }
0x46a: {  	v23 =	vld [tilespmem:s1+$0xFFFFFF90]  }
0x46b: {  	v24 =	vld [tilespmem:s1+$0xFFFFFFA0]  }
0x46c: {  	v25 =	vld [tilespmem:s1+$0xFFFFFFB0]  }
0x46d: {  	v26 =	vld [tilespmem:s1+$0xFFFFFFC0]  }
0x46e: {  	v27 =	vld [tilespmem:s1+$0xFFFFFFD0]  }
0x46f: {  	v28 =	vld [tilespmem:s1+$0xFFFFFFE0]  }
0x470: {  	v29 =	vld [tilespmem:s1+$0xFFFFFFF0]  }
0x471: {  	v30 =	vld [tilespmem:s1+$0xFFFFFE10]  }
0x472: {  	v0 =	vld.idx.msk [tilespmem:v0+s2+$0x0], $0xffff  }
0x473: {  	v1 =	vld.idx.msk [tilespmem:v1+s2+$0x0], $0xffff  }
0x474: {  	v2 =	vld.idx.msk [tilespmem:v2+s2+$0x0], $0xffff  }
0x475: {  	v3 =	vld.idx.msk [tilespmem:v3+s2+$0x0], $0xffff  }
0x476: {  	v4 =	vld.idx.msk [tilespmem:v4+s2+$0x0], $0xffff  }
0x477: {  	v5 =	vld.idx.msk [tilespmem:v5+s2+$0x0], $0xffff  }
0x478: {  	[tilespmem:s3+$0xFFFFFE10] =	vst v0;
	v0 =	vld.idx.msk [tilespmem:v7+s2+$0x0], $0xffff  }
0x479: {  	v7 =	vld.idx.msk [tilespmem:v30+s2+$0x0], $0xffff;
	[tilespmem:s3+$0xFFFFFE20] =	vst v1  }
0x47a: {  	[tilespmem:s3+$0xFFFFFE30] =	vst v2;
	v1 =	vld.idx.msk [tilespmem:v8+s2+$0x0], $0xffff  }
0x47b: {  	[tilespmem:s3+$0xFFFFFE40] =	vst v3;
	v2 =	vld.idx.msk [tilespmem:v9+s2+$0x0], $0xffff  }
0x47c: {  	[tilespmem:s3+$0xFFFFFE50] =	vst v4;
	v3 =	vld.idx.msk [tilespmem:v10+s2+$0x0], $0xffff  }
0x47d: {  	[tilespmem:s3+$0xFFFFFE60] =	vst v5;
	v4 =	vld.idx.msk [tilespmem:v11+s2+$0x0], $0xffff  }
0x47e: {  	[tilespmem:s3+$0xFFFFFE70] =	vst v0;
	v0 =	vld.idx.msk [tilespmem:v12+s2+$0x0], $0xffff  }
0x47f: {  	[tilespmem:s3+$0xFFFFFE00] =	vst v7;
	v5 =	vld.idx.msk [tilespmem:v13+s2+$0x0], $0xffff  }
0x480: {  	[tilespmem:s3+$0xFFFFFF00] =	vst v1;
	v1 =	vld.idx.msk [tilespmem:v6+s2+$0x0], $0xffff  }
0x481: {  	[tilespmem:s3+$0xFFFFFF10] =	vst v2;
	v2 =	vld.idx.msk [tilespmem:v14+s2+$0x0], $0xffff  }
0x482: {  	[tilespmem:s3+$0xFFFFFF20] =	vst v3;
	v3 =	vld.idx.msk [tilespmem:v15+s2+$0x0], $0xffff  }
0x483: {  	[tilespmem:s3+$0xFFFFFF30] =	vst v4;
	v4 =	vld.idx.msk [tilespmem:v16+s2+$0x0], $0xffff  }
0x484: {  	[tilespmem:s3+$0xFFFFFF40] =	vst v0;
	v0 =	vld.idx.msk [tilespmem:v17+s2+$0x0], $0xffff  }
0x485: {  	[tilespmem:s3+$0xFFFFFF50] =	vst v5;
	v5 =	vld.idx.msk [tilespmem:v18+s2+$0x0], $0xffff  }
0x486: {  	[tilespmem:s3+$0xFFFFFF60] =	vst v1;
	v1 =	vld.idx.msk [tilespmem:v19+s2+$0x0], $0xffff  }
0x487: {  	[tilespmem:s3+$0xFFFFFF70] =	vst v2;
	v2 =	vld.idx.msk [tilespmem:v20+s2+$0x0], $0xffff  }
0x488: {  	[tilespmem:s3+$0x0] =	vst v3;
	v3 =	vld.idx.msk [tilespmem:v21+s2+$0x0], $0xffff  }
0x489: {  	[tilespmem:s3+$0x10] =	vst v4;
	v4 =	vld.idx.msk [tilespmem:v22+s2+$0x0], $0xffff  }
0x48a: {  	[tilespmem:s3+$0x20] =	vst v0;
	v6 =	vld.idx.msk [tilespmem:v23+s2+$0x0], $0xffff  }
0x48b: {  	[tilespmem:s3+$0x30] =	vst v5;
	v0 =	vld.idx.msk [tilespmem:v24+s2+$0x0], $0xffff  }
.Ltmp14:
0x48c: {  	[tilespmem:s3+$0x40] =	vst v1;
	v1 =	vld.idx.msk [tilespmem:v25+s2+$0x0], $0xffff;
	(pc) =	sbr.rel @p0 .LBB2_30-.Ltmp14, $4  }
0x48d: {  	[tilespmem:s3+$0x50] =	vst v2;
	v2 =	vld.idx.msk [tilespmem:v26+s2+$0x0], $0xffff  }
0x48e: {  	[tilespmem:s3+$0x60] =	vst v3;
	v3 =	vld.idx.msk [tilespmem:v27+s2+$0x0], $0xffff  }
0x48f: {  	[tilespmem:s3+$0x70] =	vst v4;
	v4 =	vld.idx.msk [tilespmem:v28+s2+$0x0], $0xffff  }
0x490: {  	s1 =	sadd.s32 $0x200, s1;
	[tilespmem:s3+$0x100] =	vst v6;
	v5 =	vld.idx.msk [tilespmem:v29+s2+$0x0], $0xffff  }
0x491: {  	[tilespmem:s3+$0x110] =	vst v0  }
0x492: {  	[tilespmem:s3+$0x120] =	vst v1  }
0x493: {  	[tilespmem:s3+$0x130] =	vst v2  }
0x494: {  	[tilespmem:s3+$0x140] =	vst v3  }
0x495: {  	[tilespmem:s3+$0x150] =	vst v4  }
0x496: {  	[tilespmem:s3+$0x160] =	vst v5  }
0x497: {  	_ =	swait.ge [sflag:s31], $0x1000  }
0x498: {  	s0 =	simm.s32 $0x1C780;
	s1 =	simm.s32 $0x80;
	[sflag:s31] =	ssyncset.done $0x0  }
0x499: {  	s26 =	sadd.s32 $0x0, s15;
	s3 =	simm.s32 $0x1C880;
	[sflag:s31] =	ssyncadd.s32 $0xFFFFF000  }
.LBB2_32:
0x49a: {  	[hbm4b:s26+s2] =	stream.linear.scatter [tilespmem:s0], [sflag:$0x1], $0x80, $0x38;
	[tilespmem:$0x1E700] =	vst v63  }
0x49b: {  	s26 =	smov.u32 s1;
	s0 =	smov.u32 s3;
	p0 =	sne.s32 s1, $0xF80  }
.Ltmp15:
0x49c: {  	s1 =	sadd.s32 $0x80, s1;
	(pc) =	sbr.rel @p0 .LBB2_32-.Ltmp15, $2  }
0x49d: {  	_ =	sdelay $0x2  }
0x49e: {  	s3 =	sadd.s32 $0x100, s3;
	s26 =	sadd.s32 s26, s15  }
0x49f: {  	[hbm4b:s26+s2] =	stream.linear.scatter [tilespmem:s0], [sflag:$0x1], $0x80, $0x38;
	[tilespmem:$0x1E700] =	vst v63  }
0x4a0: {  	_ =	swait.ge [sflag:s31], $0x1000  }
0x4a1: {  	[sflag:s31] =	ssyncset.done $0x0  }
0x4a2: {  	[sflag:s31] =	ssyncadd.s32 $0xFFFFF000  }
0x4a3: {  	s1 =	simm.s32 $0x18700;
	s3 =	rddreg [dreg:$0x3]  }
0x4a4: {  	[tilespmem:s1], [sflag:$0x2] =	stream.linear.gather [hbm4b:s3+s2], $0x4000, $0x38;
	[tilespmem:$0x1E700] =	vst v63  }
0x4a5: {  	_ =	swait.ge [sflag:s28], $0x4000  }
0x4a6: {  	[sflag:s28] =	ssyncset.done $0x0  }
0x4a7: {  	[sflag:s28] =	ssyncadd.s32 $0xFFFFC000  }
0x4a8: {  	[tilespmem:s2], [sflag:$0x2] =	stream.strided.gather [hbm4b:s13+s29], $0x18700, s30, s29, $0x38;
	[tilespmem:$0x1E700] =	vst v63  }
0x4a9: {  	_ =	swait.ge [sflag:s28], $0x18700  }
0x4aa: {  	[sflag:s28] =	ssyncset.done $0x0  }
0x4ab: {  	s26 =	simm.s32 $0x18800;
	[sflag:s28] =	ssyncadd.s32 $0xFFFE7900  }
0x4ac: {  	v0 =	vld [tilespmem:s26+$0xF0]  }
0x4ad: {  	v1 =	vld [tilespmem:s26+$0xFFFFFF10]  }
0x4ae: {  	v2 =	vld [tilespmem:s26+$0xFFFFFF20]  }
0x4af: {  	v3 =	vld [tilespmem:s26+$0xFFFFFF30]  }
0x4b0: {  	v4 =	vld [tilespmem:s26+$0xFFFFFF40]  }
0x4b1: {  	v5 =	vld [tilespmem:s26+$0xFFFFFF50]  }
0x4b2: {  	v6 =	vld [tilespmem:s26+$0xFFFFFF60]  }
0x4b3: {  	v7 =	vld [tilespmem:s26+$0xFFFFFF70]  }
0x4b4: {  	v8 =	vld [tilespmem:s26+$0xFFFFFF80]  }
0x4b5: {  	v9 =	vld [tilespmem:s26+$0xFFFFFF90]  }
0x4b6: {  	v10 =	vld [tilespmem:s26+$0xFFFFFFA0]  }
0x4b7: {  	v11 =	vld [tilespmem:s26+$0xFFFFFFB0]  }
0x4b8: {  	v12 =	vld [tilespmem:s26+$0xFFFFFFC0]  }
0x4b9: {  	v13 =	vld [tilespmem:s26+$0xFFFFFFD0]  }
0x4ba: {  	v14 =	vld [tilespmem:s26+$0xFFFFFFE0]  }
0x4bb: {  	v15 =	vld [tilespmem:s26+$0xFFFFFFF0]  }
0x4bc: {  	v16 =	vld [tilespmem:s26+$0x0]  }
0x4bd: {  	v17 =	vld [tilespmem:s26+$0x10]  }
0x4be: {  	v18 =	vld [tilespmem:s26+$0x20]  }
0x4bf: {  	v19 =	vld [tilespmem:s26+$0x30]  }
0x4c0: {  	v20 =	vld [tilespmem:s26+$0x40]  }
0x4c1: {  	v21 =	vld [tilespmem:s26+$0x50]  }
0x4c2: {  	v22 =	vld [tilespmem:s26+$0x60]  }
0x4c3: {  	v23 =	vld [tilespmem:s26+$0x70]  }
0x4c4: {  	v24 =	vld [tilespmem:s26+$0x80]  }
0x4c5: {  	v25 =	vld [tilespmem:s26+$0x90]  }
0x4c6: {  	v26 =	vld [tilespmem:s26+$0xA0]  }
0x4c7: {  	v27 =	vld [tilespmem:s26+$0xB0]  }
0x4c8: {  	v28 =	vld [tilespmem:s26+$0xC0]  }
0x4c9: {  	v29 =	vld [tilespmem:s26+$0xD0]  }
0x4ca: {  	v30 =	vld [tilespmem:s26+$0xE0]  }
0x4cb: {  	v31 =	vld [tilespmem:s26+$0xFFFFFF00]  }
0x4cc: {  	v0 =	vld.idx.msk [tilespmem:v0+s2+$0x0], $0xffff  }
0x4cd: {  	v1 =	vld.idx.msk [tilespmem:v1+s2+$0x0], $0xffff  }
0x4ce: {  	v2 =	vld.idx.msk [tilespmem:v2+s2+$0x0], $0xffff  }
0x4cf: {  	v3 =	vld.idx.msk [tilespmem:v3+s2+$0x0], $0xffff  }
0x4d0: {  	v4 =	vld.idx.msk [tilespmem:v4+s2+$0x0], $0xffff  }
0x4d1: {  	s3 =	simm.s32 $0x1C900;
	v5 =	vld.idx.msk [tilespmem:v5+s2+$0x0], $0xffff  }
0x4d2: {  	[tilespmem:s3+$0x170] =	vst v0;
	v0 =	vld.idx.msk [tilespmem:v6+s2+$0x0], $0xffff  }
0x4d3: {  	[tilespmem:s3+$0xFFFFFE10] =	vst v1;
	v1 =	vld.idx.msk [tilespmem:v7+s2+$0x0], $0xffff  }
0x4d4: {  	v6 =	vld.idx.msk [tilespmem:v31+s2+$0x0], $0xffff;
	[tilespmem:s3+$0xFFFFFE20] =	vst v2  }
0x4d5: {  	[tilespmem:s3+$0xFFFFFE30] =	vst v3;
	v2 =	vld.idx.msk [tilespmem:v8+s2+$0x0], $0xffff  }
0x4d6: {  	[tilespmem:s3+$0xFFFFFE40] =	vst v4;
	v3 =	vld.idx.msk [tilespmem:v9+s2+$0x0], $0xffff  }
0x4d7: {  	[tilespmem:s3+$0xFFFFFE50] =	vst v5;
	v4 =	vld.idx.msk [tilespmem:v10+s2+$0x0], $0xffff  }
0x4d8: {  	v5 =	vld.idx.msk [tilespmem:v13+s2+$0x0], $0xffff;
	[tilespmem:s3+$0xFFFFFE60] =	vst v0  }
0x4d9: {  	v7 =	vld.idx.msk [tilespmem:v24+s2+$0x0], $0xffff;
	[tilespmem:s3+$0xFFFFFE70] =	vst v1  }
0x4da: {  	v0 =	vld.idx.msk [tilespmem:v11+s2+$0x0], $0xffff;
	[tilespmem:s3+$0xFFFFFE00] =	vst v6  }
0x4db: {  	v1 =	vld.idx.msk [tilespmem:v12+s2+$0x0], $0xffff;
	[tilespmem:s3+$0xFFFFFF00] =	vst v2  }
0x4dc: {  	v2 =	vld.idx.msk [tilespmem:v14+s2+$0x0], $0xffff;
	[tilespmem:s3+$0xFFFFFF10] =	vst v3  }
0x4dd: {  	v3 =	vld.idx.msk [tilespmem:v15+s2+$0x0], $0xffff;
	[tilespmem:s3+$0xFFFFFF20] =	vst v4  }
0x4de: {  	v4 =	vld.idx.msk [tilespmem:v16+s2+$0x0], $0xffff;
	[tilespmem:s3+$0xFFFFFF50] =	vst v5  }
0x4df: {  	v5 =	vld.idx.msk [tilespmem:v19+s2+$0x0], $0xffff;
	[tilespmem:s3+$0x100] =	vst v7  }
0x4e0: {  	v6 =	vld.idx.msk [tilespmem:v23+s2+$0x0], $0xffff;
	[tilespmem:s3+$0xFFFFFF30] =	vst v0  }
0x4e1: {  	v0 =	vld.idx.msk [tilespmem:v17+s2+$0x0], $0xffff;
	[tilespmem:s3+$0xFFFFFF40] =	vst v1  }
0x4e2: {  	v1 =	vld.idx.msk [tilespmem:v18+s2+$0x0], $0xffff;
	[tilespmem:s3+$0xFFFFFF60] =	vst v2  }
0x4e3: {  	v2 =	vld.idx.msk [tilespmem:v20+s2+$0x0], $0xffff;
	[tilespmem:s3+$0xFFFFFF70] =	vst v3  }
0x4e4: {  	v3 =	vld.idx.msk [tilespmem:v21+s2+$0x0], $0xffff;
	[tilespmem:s3+$0x0] =	vst v4  }
0x4e5: {  	v4 =	vld.idx.msk [tilespmem:v22+s2+$0x0], $0xffff;
	[tilespmem:s3+$0x30] =	vst v5  }
0x4e6: {  	[tilespmem:s3+$0x70] =	vst v6;
	v5 =	vld.idx.msk [tilespmem:v30+s2+$0x0], $0xffff  }
0x4e7: {  	[tilespmem:s3+$0x10] =	vst v0;
	v0 =	vld.idx.msk [tilespmem:v25+s2+$0x0], $0xffff  }
0x4e8: {  	[tilespmem:s3+$0x20] =	vst v1;
	v1 =	vld.idx.msk [tilespmem:v26+s2+$0x0], $0xffff  }
0x4e9: {  	[tilespmem:s3+$0x40] =	vst v2;
	v2 =	vld.idx.msk [tilespmem:v27+s2+$0x0], $0xffff  }
0x4ea: {  	[tilespmem:s3+$0x50] =	vst v3;
	v3 =	vld.idx.msk [tilespmem:v28+s2+$0x0], $0xffff  }
0x4eb: {  	s0 =	simm.s32 $0x0;
	s1 =	simm.s32 $0x18A00;
	[tilespmem:s3+$0x60] =	vst v4;
	v4 =	vld.idx.msk [tilespmem:v29+s2+$0x0], $0xffff  }
.LBB2_34:
0x4ec: {  	v6 =	vld [tilespmem:s1+$0xF0];
	s0 =	sadd.s32 $0x20, s0;
	[tilespmem:s3+$0x110] =	vst v0  }
0x4ed: {  	v0 =	vld [tilespmem:s1+$0xFFFFFF10];
	p0 =	slt.u32 s0, $0xE0;
	[tilespmem:s3+$0x120] =	vst v1  }
0x4ee: {  	v1 =	vld [tilespmem:s1+$0xFFFFFF20];
	[tilespmem:s3+$0x130] =	vst v2  }
0x4ef: {  	v2 =	vld [tilespmem:s1+$0xFFFFFF30];
	[tilespmem:s3+$0x140] =	vst v3  }
0x4f0: {  	v3 =	vld [tilespmem:s1+$0xFFFFFF40];
	[tilespmem:s3+$0x150] =	vst v4  }
0x4f1: {  	v4 =	vld [tilespmem:s1+$0xFFFFFF50];
	[tilespmem:s3+$0x160] =	vst v5  }
0x4f2: {  	v5 =	vld [tilespmem:s1+$0xFFFFFF60]  }
0x4f3: {  	v7 =	vld [tilespmem:s1+$0xFFFFFF70]  }
0x4f4: {  	v6 =	vld.idx.msk [tilespmem:v6+s2+$0x0], $0xffff  }
0x4f5: {  	v8 =	vld [tilespmem:s1+$0xFFFFFF80]  }
0x4f6: {  	v9 =	vld [tilespmem:s1+$0xFFFFFF90]  }
0x4f7: {  	v10 =	vld [tilespmem:s1+$0xFFFFFFA0]  }
0x4f8: {  	v11 =	vld [tilespmem:s1+$0xFFFFFFB0]  }
0x4f9: {  	s3 =	sadd.s32 $0x400, s3;
	v12 =	vld [tilespmem:s1+$0xFFFFFFC0]  }
0x4fa: {  	v13 =	vld [tilespmem:s1+$0xFFFFFFD0];
	[tilespmem:s3+$0x170] =	vst v6  }
0x4fb: {  	v6 =	vld [tilespmem:s1+$0xFFFFFFE0]  }
0x4fc: {  	v14 =	vld [tilespmem:s1+$0xFFFFFFF0]  }
0x4fd: {  	v15 =	vld [tilespmem:s1+$0x0]  }
0x4fe: {  	v16 =	vld [tilespmem:s1+$0x10]  }
0x4ff: {  	v17 =	vld [tilespmem:s1+$0x20]  }
0x500: {  	v18 =	vld [tilespmem:s1+$0x30]  }
0x501: {  	v19 =	vld [tilespmem:s1+$0x40]  }
0x502: {  	v20 =	vld [tilespmem:s1+$0x50]  }
0x503: {  	v21 =	vld [tilespmem:s1+$0x60]  }
0x504: {  	v22 =	vld [tilespmem:s1+$0x70]  }
0x505: {  	v23 =	vld [tilespmem:s1+$0x80]  }
0x506: {  	v24 =	vld [tilespmem:s1+$0x90]  }
0x507: {  	v25 =	vld [tilespmem:s1+$0xA0]  }
0x508: {  	v26 =	vld [tilespmem:s1+$0xB0]  }
0x509: {  	v27 =	vld [tilespmem:s1+$0xC0]  }
0x50a: {  	v28 =	vld [tilespmem:s1+$0xD0]  }
0x50b: {  	v29 =	vld [tilespmem:s1+$0xE0]  }
0x50c: {  	v30 =	vld [tilespmem:s1+$0xFFFFFF00]  }
0x50d: {  	v0 =	vld.idx.msk [tilespmem:v0+s2+$0x0], $0xffff  }
0x50e: {  	v1 =	vld.idx.msk [tilespmem:v1+s2+$0x0], $0xffff  }
0x50f: {  	v2 =	vld.idx.msk [tilespmem:v2+s2+$0x0], $0xffff  }
0x510: {  	v3 =	vld.idx.msk [tilespmem:v3+s2+$0x0], $0xffff  }
0x511: {  	v4 =	vld.idx.msk [tilespmem:v4+s2+$0x0], $0xffff  }
0x512: {  	v5 =	vld.idx.msk [tilespmem:v5+s2+$0x0], $0xffff  }
0x513: {  	[tilespmem:s3+$0xFFFFFE10] =	vst v0;
	v0 =	vld.idx.msk [tilespmem:v7+s2+$0x0], $0xffff  }
0x514: {  	v7 =	vld.idx.msk [tilespmem:v30+s2+$0x0], $0xffff;
	[tilespmem:s3+$0xFFFFFE20] =	vst v1  }
0x515: {  	[tilespmem:s3+$0xFFFFFE30] =	vst v2;
	v1 =	vld.idx.msk [tilespmem:v8+s2+$0x0], $0xffff  }
0x516: {  	[tilespmem:s3+$0xFFFFFE40] =	vst v3;
	v2 =	vld.idx.msk [tilespmem:v9+s2+$0x0], $0xffff  }
0x517: {  	[tilespmem:s3+$0xFFFFFE50] =	vst v4;
	v3 =	vld.idx.msk [tilespmem:v10+s2+$0x0], $0xffff  }
0x518: {  	[tilespmem:s3+$0xFFFFFE60] =	vst v5;
	v4 =	vld.idx.msk [tilespmem:v11+s2+$0x0], $0xffff  }
0x519: {  	[tilespmem:s3+$0xFFFFFE70] =	vst v0;
	v0 =	vld.idx.msk [tilespmem:v12+s2+$0x0], $0xffff  }
0x51a: {  	[tilespmem:s3+$0xFFFFFE00] =	vst v7;
	v5 =	vld.idx.msk [tilespmem:v13+s2+$0x0], $0xffff  }
0x51b: {  	[tilespmem:s3+$0xFFFFFF00] =	vst v1;
	v1 =	vld.idx.msk [tilespmem:v6+s2+$0x0], $0xffff  }
0x51c: {  	[tilespmem:s3+$0xFFFFFF10] =	vst v2;
	v2 =	vld.idx.msk [tilespmem:v14+s2+$0x0], $0xffff  }
0x51d: {  	[tilespmem:s3+$0xFFFFFF20] =	vst v3;
	v3 =	vld.idx.msk [tilespmem:v15+s2+$0x0], $0xffff  }
0x51e: {  	[tilespmem:s3+$0xFFFFFF30] =	vst v4;
	v4 =	vld.idx.msk [tilespmem:v16+s2+$0x0], $0xffff  }
0x51f: {  	[tilespmem:s3+$0xFFFFFF40] =	vst v0;
	v0 =	vld.idx.msk [tilespmem:v17+s2+$0x0], $0xffff  }
0x520: {  	[tilespmem:s3+$0xFFFFFF50] =	vst v5;
	v5 =	vld.idx.msk [tilespmem:v18+s2+$0x0], $0xffff  }
0x521: {  	[tilespmem:s3+$0xFFFFFF60] =	vst v1;
	v1 =	vld.idx.msk [tilespmem:v19+s2+$0x0], $0xffff  }
0x522: {  	[tilespmem:s3+$0xFFFFFF70] =	vst v2;
	v2 =	vld.idx.msk [tilespmem:v20+s2+$0x0], $0xffff  }
0x523: {  	[tilespmem:s3+$0x0] =	vst v3;
	v3 =	vld.idx.msk [tilespmem:v21+s2+$0x0], $0xffff  }
0x524: {  	[tilespmem:s3+$0x10] =	vst v4;
	v4 =	vld.idx.msk [tilespmem:v22+s2+$0x0], $0xffff  }
0x525: {  	[tilespmem:s3+$0x20] =	vst v0;
	v6 =	vld.idx.msk [tilespmem:v23+s2+$0x0], $0xffff  }
0x526: {  	[tilespmem:s3+$0x30] =	vst v5;
	v0 =	vld.idx.msk [tilespmem:v24+s2+$0x0], $0xffff  }
.Ltmp16:
0x527: {  	[tilespmem:s3+$0x40] =	vst v1;
	v1 =	vld.idx.msk [tilespmem:v25+s2+$0x0], $0xffff;
	(pc) =	sbr.rel @p0 .LBB2_34-.Ltmp16, $4  }
0x528: {  	[tilespmem:s3+$0x50] =	vst v2;
	v2 =	vld.idx.msk [tilespmem:v26+s2+$0x0], $0xffff  }
0x529: {  	[tilespmem:s3+$0x60] =	vst v3;
	v3 =	vld.idx.msk [tilespmem:v27+s2+$0x0], $0xffff  }
0x52a: {  	[tilespmem:s3+$0x70] =	vst v4;
	v4 =	vld.idx.msk [tilespmem:v28+s2+$0x0], $0xffff  }
0x52b: {  	s1 =	sadd.s32 $0x200, s1;
	[tilespmem:s3+$0x100] =	vst v6;
	v5 =	vld.idx.msk [tilespmem:v29+s2+$0x0], $0xffff  }
0x52c: {  	[tilespmem:s3+$0x110] =	vst v0  }
0x52d: {  	[tilespmem:s3+$0x120] =	vst v1  }
0x52e: {  	[tilespmem:s3+$0x130] =	vst v2  }
0x52f: {  	[tilespmem:s3+$0x140] =	vst v3  }
0x530: {  	[tilespmem:s3+$0x150] =	vst v4  }
0x531: {  	s0 =	simm.s32 $0x0;
	s1 =	simm.s32 $0x1C700;
	[tilespmem:s3+$0x160] =	vst v5  }
.LBB2_36:
0x532: {  	p0 =	sne.s32 s0, $0xF80  }
.Ltmp17:
0x533: {  	_ = 	snop;
	(pc) =	sbr.rel @p0 .LBB2_36-.Ltmp17, $4  }
0x534: {  	_ = 	snop  }
0x535: {  	s3 =	sadd.s32 s0, s16  }
0x536: {  	[hbm4b:s3+s2] =	stream.linear.scatter [tilespmem:s1], [sflag:$0x1], $0x80, $0x38;
	[tilespmem:$0x1E700] =	vst v63  }
0x537: {  	s0 =	sadd.s32 $0x80, s0;
	s1 =	sadd.s32 $0x100, s1  }
0x538: {  	s0 =	simm.s32 $0x198F0  }
0x539: {  	v0 =	vld [tilespmem:s0+$0x0]  }
0x53a: {  	v1 =	vld [tilespmem:s0+$0xFFFFFE20]  }
0x53b: {  	v2 =	vld [tilespmem:s0+$0xFFFFFE30]  }
0x53c: {  	v3 =	vld [tilespmem:s0+$0xFFFFFE40]  }
0x53d: {  	v4 =	vld [tilespmem:s0+$0xFFFFFE50]  }
0x53e: {  	v5 =	vld [tilespmem:s0+$0xFFFFFE60]  }
0x53f: {  	v6 =	vld [tilespmem:s0+$0xFFFFFE70]  }
0x540: {  	v7 =	vld [tilespmem:s0+$0xFFFFFE80]  }
0x541: {  	v8 =	vld [tilespmem:s0+$0xFFFFFE90]  }
0x542: {  	v9 =	vld [tilespmem:s0+$0xFFFFFEA0]  }
0x543: {  	v10 =	vld [tilespmem:s0+$0xFFFFFEB0]  }
0x544: {  	v11 =	vld [tilespmem:s0+$0xFFFFFEC0]  }
0x545: {  	v12 =	vld [tilespmem:s0+$0xFFFFFED0]  }
0x546: {  	v13 =	vld [tilespmem:s0+$0xFFFFFEE0]  }
0x547: {  	v14 =	vld [tilespmem:s0+$0xFFFFFEF0]  }
0x548: {  	v15 =	vld [tilespmem:s0+$0xFFFFFF00]  }
0x549: {  	v16 =	vld [tilespmem:s0+$0xFFFFFF10]  }
0x54a: {  	v17 =	vld [tilespmem:s0+$0xFFFFFF20]  }
0x54b: {  	v18 =	vld [tilespmem:s0+$0xFFFFFF30]  }
0x54c: {  	v19 =	vld [tilespmem:s0+$0xFFFFFF40]  }
0x54d: {  	v20 =	vld [tilespmem:s0+$0xFFFFFF50]  }
0x54e: {  	v21 =	vld [tilespmem:s0+$0xFFFFFF60]  }
0x54f: {  	v22 =	vld [tilespmem:s0+$0xFFFFFF70]  }
0x550: {  	v23 =	vld [tilespmem:s0+$0xFFFFFF80]  }
0x551: {  	v24 =	vld [tilespmem:s0+$0xFFFFFF90]  }
0x552: {  	v25 =	vld [tilespmem:s0+$0xFFFFFFA0]  }
0x553: {  	v26 =	vld [tilespmem:s0+$0xFFFFFFB0]  }
0x554: {  	v27 =	vld [tilespmem:s0+$0xFFFFFFC0]  }
0x555: {  	v28 =	vld [tilespmem:s0+$0xFFFFFFD0]  }
0x556: {  	v29 =	vld [tilespmem:s0+$0xFFFFFFE0]  }
0x557: {  	v30 =	vld [tilespmem:s0+$0xFFFFFFF0]  }
0x558: {  	v31 =	vld [tilespmem:s0+$0xFFFFFE10]  }
0x559: {  	v0 =	vld.idx.msk [tilespmem:v0+s2+$0x0], $0xffff  }
0x55a: {  	v1 =	vld.idx.msk [tilespmem:v1+s2+$0x0], $0xffff  }
0x55b: {  	v2 =	vld.idx.msk [tilespmem:v2+s2+$0x0], $0xffff  }
0x55c: {  	v3 =	vld.idx.msk [tilespmem:v3+s2+$0x0], $0xffff  }
0x55d: {  	v4 =	vld.idx.msk [tilespmem:v4+s2+$0x0], $0xffff  }
0x55e: {  	s3 =	simm.s32 $0x1C980;
	v5 =	vld.idx.msk [tilespmem:v5+s2+$0x0], $0xffff  }
0x55f: {  	[tilespmem:s3+$0x170] =	vst v0;
	v0 =	vld.idx.msk [tilespmem:v6+s2+$0x0], $0xffff  }
0x560: {  	[tilespmem:s3+$0xFFFFFE10] =	vst v1;
	v1 =	vld.idx.msk [tilespmem:v7+s2+$0x0], $0xffff  }
0x561: {  	v6 =	vld.idx.msk [tilespmem:v31+s2+$0x0], $0xffff;
	[tilespmem:s3+$0xFFFFFE20] =	vst v2  }
0x562: {  	[tilespmem:s3+$0xFFFFFE30] =	vst v3;
	v2 =	vld.idx.msk [tilespmem:v8+s2+$0x0], $0xffff  }
0x563: {  	[tilespmem:s3+$0xFFFFFE40] =	vst v4;
	v3 =	vld.idx.msk [tilespmem:v9+s2+$0x0], $0xffff  }
0x564: {  	[tilespmem:s3+$0xFFFFFE50] =	vst v5;
	v4 =	vld.idx.msk [tilespmem:v10+s2+$0x0], $0xffff  }
0x565: {  	v5 =	vld.idx.msk [tilespmem:v13+s2+$0x0], $0xffff;
	[tilespmem:s3+$0xFFFFFE60] =	vst v0  }
0x566: {  	v7 =	vld.idx.msk [tilespmem:v24+s2+$0x0], $0xffff;
	[tilespmem:s3+$0xFFFFFE70] =	vst v1  }
0x567: {  	v0 =	vld.idx.msk [tilespmem:v11+s2+$0x0], $0xffff;
	[tilespmem:s3+$0xFFFFFE00] =	vst v6  }
0x568: {  	v1 =	vld.idx.msk [tilespmem:v12+s2+$0x0], $0xffff;
	[tilespmem:s3+$0xFFFFFF00] =	vst v2  }
0x569: {  	v2 =	vld.idx.msk [tilespmem:v14+s2+$0x0], $0xffff;
	[tilespmem:s3+$0xFFFFFF10] =	vst v3  }
0x56a: {  	v3 =	vld.idx.msk [tilespmem:v15+s2+$0x0], $0xffff;
	[tilespmem:s3+$0xFFFFFF20] =	vst v4  }
0x56b: {  	v4 =	vld.idx.msk [tilespmem:v16+s2+$0x0], $0xffff;
	[tilespmem:s3+$0xFFFFFF50] =	vst v5  }
0x56c: {  	v5 =	vld.idx.msk [tilespmem:v19+s2+$0x0], $0xffff;
	[tilespmem:s3+$0x100] =	vst v7  }
0x56d: {  	v6 =	vld.idx.msk [tilespmem:v23+s2+$0x0], $0xffff;
	[tilespmem:s3+$0xFFFFFF30] =	vst v0  }
0x56e: {  	v0 =	vld.idx.msk [tilespmem:v17+s2+$0x0], $0xffff;
	[tilespmem:s3+$0xFFFFFF40] =	vst v1  }
0x56f: {  	v1 =	vld.idx.msk [tilespmem:v18+s2+$0x0], $0xffff;
	[tilespmem:s3+$0xFFFFFF60] =	vst v2  }
0x570: {  	v2 =	vld.idx.msk [tilespmem:v20+s2+$0x0], $0xffff;
	[tilespmem:s3+$0xFFFFFF70] =	vst v3  }
0x571: {  	v3 =	vld.idx.msk [tilespmem:v21+s2+$0x0], $0xffff;
	[tilespmem:s3+$0x0] =	vst v4  }
0x572: {  	v4 =	vld.idx.msk [tilespmem:v22+s2+$0x0], $0xffff;
	[tilespmem:s3+$0x30] =	vst v5  }
0x573: {  	[tilespmem:s3+$0x70] =	vst v6;
	v5 =	vld.idx.msk [tilespmem:v30+s2+$0x0], $0xffff  }
0x574: {  	[tilespmem:s3+$0x10] =	vst v0;
	v0 =	vld.idx.msk [tilespmem:v25+s2+$0x0], $0xffff  }
0x575: {  	[tilespmem:s3+$0x20] =	vst v1;
	v1 =	vld.idx.msk [tilespmem:v26+s2+$0x0], $0xffff  }
0x576: {  	[tilespmem:s3+$0x40] =	vst v2;
	v2 =	vld.idx.msk [tilespmem:v27+s2+$0x0], $0xffff  }
0x577: {  	[tilespmem:s3+$0x50] =	vst v3;
	v3 =	vld.idx.msk [tilespmem:v28+s2+$0x0], $0xffff  }
0x578: {  	s1 =	simm.s32 $0x19AF0;
	s0 =	simm.s32 $0x100;
	[tilespmem:s3+$0x60] =	vst v4;
	v4 =	vld.idx.msk [tilespmem:v29+s2+$0x0], $0xffff  }
.LBB2_38:
0x579: {  	v6 =	vld [tilespmem:s1+$0x0];
	s0 =	sadd.s32 $0x20, s0;
	[tilespmem:s3+$0x110] =	vst v0  }
0x57a: {  	v0 =	vld [tilespmem:s1+$0xFFFFFE20];
	p0 =	slt.u32 s0, $0x1E0;
	[tilespmem:s3+$0x120] =	vst v1  }
0x57b: {  	v1 =	vld [tilespmem:s1+$0xFFFFFE30];
	[tilespmem:s3+$0x130] =	vst v2  }
0x57c: {  	v2 =	vld [tilespmem:s1+$0xFFFFFE40];
	[tilespmem:s3+$0x140] =	vst v3  }
0x57d: {  	v3 =	vld [tilespmem:s1+$0xFFFFFE50];
	[tilespmem:s3+$0x150] =	vst v4  }
0x57e: {  	v4 =	vld [tilespmem:s1+$0xFFFFFE60];
	[tilespmem:s3+$0x160] =	vst v5  }
0x57f: {  	v5 =	vld [tilespmem:s1+$0xFFFFFE70]  }
0x580: {  	v7 =	vld [tilespmem:s1+$0xFFFFFE80]  }
0x581: {  	v6 =	vld.idx.msk [tilespmem:v6+s2+$0x0], $0xffff  }
0x582: {  	v8 =	vld [tilespmem:s1+$0xFFFFFE90]  }
0x583: {  	v9 =	vld [tilespmem:s1+$0xFFFFFEA0]  }
0x584: {  	v10 =	vld [tilespmem:s1+$0xFFFFFEB0]  }
0x585: {  	v11 =	vld [tilespmem:s1+$0xFFFFFEC0]  }
0x586: {  	s3 =	sadd.s32 $0x400, s3;
	v12 =	vld [tilespmem:s1+$0xFFFFFED0]  }
0x587: {  	v13 =	vld [tilespmem:s1+$0xFFFFFEE0];
	[tilespmem:s3+$0x170] =	vst v6  }
0x588: {  	v6 =	vld [tilespmem:s1+$0xFFFFFEF0]  }
0x589: {  	v14 =	vld [tilespmem:s1+$0xFFFFFF00]  }
0x58a: {  	v15 =	vld [tilespmem:s1+$0xFFFFFF10]  }
0x58b: {  	v16 =	vld [tilespmem:s1+$0xFFFFFF20]  }
0x58c: {  	v17 =	vld [tilespmem:s1+$0xFFFFFF30]  }
0x58d: {  	v18 =	vld [tilespmem:s1+$0xFFFFFF40]  }
0x58e: {  	v19 =	vld [tilespmem:s1+$0xFFFFFF50]  }
0x58f: {  	v20 =	vld [tilespmem:s1+$0xFFFFFF60]  }
0x590: {  	v21 =	vld [tilespmem:s1+$0xFFFFFF70]  }
0x591: {  	v22 =	vld [tilespmem:s1+$0xFFFFFF80]  }
0x592: {  	v23 =	vld [tilespmem:s1+$0xFFFFFF90]  }
0x593: {  	v24 =	vld [tilespmem:s1+$0xFFFFFFA0]  }
0x594: {  	v25 =	vld [tilespmem:s1+$0xFFFFFFB0]  }
0x595: {  	v26 =	vld [tilespmem:s1+$0xFFFFFFC0]  }
0x596: {  	v27 =	vld [tilespmem:s1+$0xFFFFFFD0]  }
0x597: {  	v28 =	vld [tilespmem:s1+$0xFFFFFFE0]  }
0x598: {  	v29 =	vld [tilespmem:s1+$0xFFFFFFF0]  }
0x599: {  	v30 =	vld [tilespmem:s1+$0xFFFFFE10]  }
0x59a: {  	v0 =	vld.idx.msk [tilespmem:v0+s2+$0x0], $0xffff  }
0x59b: {  	v1 =	vld.idx.msk [tilespmem:v1+s2+$0x0], $0xffff  }
0x59c: {  	v2 =	vld.idx.msk [tilespmem:v2+s2+$0x0], $0xffff  }
0x59d: {  	v3 =	vld.idx.msk [tilespmem:v3+s2+$0x0], $0xffff  }
0x59e: {  	v4 =	vld.idx.msk [tilespmem:v4+s2+$0x0], $0xffff  }
0x59f: {  	v5 =	vld.idx.msk [tilespmem:v5+s2+$0x0], $0xffff  }
0x5a0: {  	[tilespmem:s3+$0xFFFFFE10] =	vst v0;
	v0 =	vld.idx.msk [tilespmem:v7+s2+$0x0], $0xffff  }
0x5a1: {  	v7 =	vld.idx.msk [tilespmem:v30+s2+$0x0], $0xffff;
	[tilespmem:s3+$0xFFFFFE20] =	vst v1  }
0x5a2: {  	[tilespmem:s3+$0xFFFFFE30] =	vst v2;
	v1 =	vld.idx.msk [tilespmem:v8+s2+$0x0], $0xffff  }
0x5a3: {  	[tilespmem:s3+$0xFFFFFE40] =	vst v3;
	v2 =	vld.idx.msk [tilespmem:v9+s2+$0x0], $0xffff  }
0x5a4: {  	[tilespmem:s3+$0xFFFFFE50] =	vst v4;
	v3 =	vld.idx.msk [tilespmem:v10+s2+$0x0], $0xffff  }
0x5a5: {  	[tilespmem:s3+$0xFFFFFE60] =	vst v5;
	v4 =	vld.idx.msk [tilespmem:v11+s2+$0x0], $0xffff  }
0x5a6: {  	[tilespmem:s3+$0xFFFFFE70] =	vst v0;
	v0 =	vld.idx.msk [tilespmem:v12+s2+$0x0], $0xffff  }
0x5a7: {  	[tilespmem:s3+$0xFFFFFE00] =	vst v7;
	v5 =	vld.idx.msk [tilespmem:v13+s2+$0x0], $0xffff  }
0x5a8: {  	[tilespmem:s3+$0xFFFFFF00] =	vst v1;
	v1 =	vld.idx.msk [tilespmem:v6+s2+$0x0], $0xffff  }
0x5a9: {  	[tilespmem:s3+$0xFFFFFF10] =	vst v2;
	v2 =	vld.idx.msk [tilespmem:v14+s2+$0x0], $0xffff  }
0x5aa: {  	[tilespmem:s3+$0xFFFFFF20] =	vst v3;
	v3 =	vld.idx.msk [tilespmem:v15+s2+$0x0], $0xffff  }
0x5ab: {  	[tilespmem:s3+$0xFFFFFF30] =	vst v4;
	v4 =	vld.idx.msk [tilespmem:v16+s2+$0x0], $0xffff  }
0x5ac: {  	[tilespmem:s3+$0xFFFFFF40] =	vst v0;
	v0 =	vld.idx.msk [tilespmem:v17+s2+$0x0], $0xffff  }
0x5ad: {  	[tilespmem:s3+$0xFFFFFF50] =	vst v5;
	v5 =	vld.idx.msk [tilespmem:v18+s2+$0x0], $0xffff  }
0x5ae: {  	[tilespmem:s3+$0xFFFFFF60] =	vst v1;
	v1 =	vld.idx.msk [tilespmem:v19+s2+$0x0], $0xffff  }
0x5af: {  	[tilespmem:s3+$0xFFFFFF70] =	vst v2;
	v2 =	vld.idx.msk [tilespmem:v20+s2+$0x0], $0xffff  }
0x5b0: {  	[tilespmem:s3+$0x0] =	vst v3;
	v3 =	vld.idx.msk [tilespmem:v21+s2+$0x0], $0xffff  }
0x5b1: {  	[tilespmem:s3+$0x10] =	vst v4;
	v4 =	vld.idx.msk [tilespmem:v22+s2+$0x0], $0xffff  }
0x5b2: {  	[tilespmem:s3+$0x20] =	vst v0;
	v6 =	vld.idx.msk [tilespmem:v23+s2+$0x0], $0xffff  }
0x5b3: {  	[tilespmem:s3+$0x30] =	vst v5;
	v0 =	vld.idx.msk [tilespmem:v24+s2+$0x0], $0xffff  }
.Ltmp18:
0x5b4: {  	[tilespmem:s3+$0x40] =	vst v1;
	v1 =	vld.idx.msk [tilespmem:v25+s2+$0x0], $0xffff;
	(pc) =	sbr.rel @p0 .LBB2_38-.Ltmp18, $4  }
0x5b5: {  	[tilespmem:s3+$0x50] =	vst v2;
	v2 =	vld.idx.msk [tilespmem:v26+s2+$0x0], $0xffff  }
0x5b6: {  	[tilespmem:s3+$0x60] =	vst v3;
	v3 =	vld.idx.msk [tilespmem:v27+s2+$0x0], $0xffff  }
0x5b7: {  	[tilespmem:s3+$0x70] =	vst v4;
	v4 =	vld.idx.msk [tilespmem:v28+s2+$0x0], $0xffff  }
0x5b8: {  	s1 =	sadd.s32 $0x200, s1;
	[tilespmem:s3+$0x100] =	vst v6;
	v5 =	vld.idx.msk [tilespmem:v29+s2+$0x0], $0xffff  }
0x5b9: {  	[tilespmem:s3+$0x110] =	vst v0  }
0x5ba: {  	[tilespmem:s3+$0x120] =	vst v1  }
0x5bb: {  	[tilespmem:s3+$0x130] =	vst v2  }
0x5bc: {  	[tilespmem:s3+$0x140] =	vst v3  }
0x5bd: {  	[tilespmem:s3+$0x150] =	vst v4  }
0x5be: {  	[tilespmem:s3+$0x160] =	vst v5  }
0x5bf: {  	_ =	swait.ge [sflag:s31], $0x1000  }
0x5c0: {  	[sflag:s31] =	ssyncset.done $0x0  }
0x5c1: {  	s0 =	simm.s32 $0x0;
	s1 =	simm.s32 $0x1C780;
	[sflag:s31] =	ssyncadd.s32 $0xFFFFF000  }
.LBB2_40:
0x5c2: {  	p0 =	sne.s32 s0, $0xF80  }
.Ltmp19:
0x5c3: {  	_ = 	snop;
	(pc) =	sbr.rel @p0 .LBB2_40-.Ltmp19, $4  }
0x5c4: {  	_ = 	snop  }
0x5c5: {  	s3 =	sadd.s32 s0, s18  }
0x5c6: {  	[hbm4b:s3+s2] =	stream.linear.scatter [tilespmem:s1], [sflag:$0x1], $0x80, $0x38;
	[tilespmem:$0x1E700] =	vst v63  }
0x5c7: {  	s0 =	sadd.s32 $0x80, s0;
	s1 =	sadd.s32 $0x100, s1  }
0x5c8: {  	s0 =	simm.s32 $0x1A8F0  }
0x5c9: {  	v0 =	vld [tilespmem:s0+$0x0]  }
0x5ca: {  	v1 =	vld [tilespmem:s0+$0xFFFFFE20]  }
0x5cb: {  	v2 =	vld [tilespmem:s0+$0xFFFFFE30]  }
0x5cc: {  	v3 =	vld [tilespmem:s0+$0xFFFFFE40]  }
0x5cd: {  	v4 =	vld [tilespmem:s0+$0xFFFFFE50]  }
0x5ce: {  	v5 =	vld [tilespmem:s0+$0xFFFFFE60]  }
0x5cf: {  	v6 =	vld [tilespmem:s0+$0xFFFFFE70]  }
0x5d0: {  	v7 =	vld [tilespmem:s0+$0xFFFFFE80]  }
0x5d1: {  	v8 =	vld [tilespmem:s0+$0xFFFFFE90]  }
0x5d2: {  	v9 =	vld [tilespmem:s0+$0xFFFFFEA0]  }
0x5d3: {  	v10 =	vld [tilespmem:s0+$0xFFFFFEB0]  }
0x5d4: {  	v11 =	vld [tilespmem:s0+$0xFFFFFEC0]  }
0x5d5: {  	v12 =	vld [tilespmem:s0+$0xFFFFFED0]  }
0x5d6: {  	v13 =	vld [tilespmem:s0+$0xFFFFFEE0]  }
0x5d7: {  	v14 =	vld [tilespmem:s0+$0xFFFFFEF0]  }
0x5d8: {  	v15 =	vld [tilespmem:s0+$0xFFFFFF00]  }
0x5d9: {  	v16 =	vld [tilespmem:s0+$0xFFFFFF10]  }
0x5da: {  	v17 =	vld [tilespmem:s0+$0xFFFFFF20]  }
0x5db: {  	v18 =	vld [tilespmem:s0+$0xFFFFFF30]  }
0x5dc: {  	v19 =	vld [tilespmem:s0+$0xFFFFFF40]  }
0x5dd: {  	v20 =	vld [tilespmem:s0+$0xFFFFFF50]  }
0x5de: {  	v21 =	vld [tilespmem:s0+$0xFFFFFF60]  }
0x5df: {  	v22 =	vld [tilespmem:s0+$0xFFFFFF70]  }
0x5e0: {  	v23 =	vld [tilespmem:s0+$0xFFFFFF80]  }
0x5e1: {  	v24 =	vld [tilespmem:s0+$0xFFFFFF90]  }
0x5e2: {  	v25 =	vld [tilespmem:s0+$0xFFFFFFA0]  }
0x5e3: {  	v26 =	vld [tilespmem:s0+$0xFFFFFFB0]  }
0x5e4: {  	v27 =	vld [tilespmem:s0+$0xFFFFFFC0]  }
0x5e5: {  	v28 =	vld [tilespmem:s0+$0xFFFFFFD0]  }
0x5e6: {  	v29 =	vld [tilespmem:s0+$0xFFFFFFE0]  }
0x5e7: {  	v30 =	vld [tilespmem:s0+$0xFFFFFFF0]  }
0x5e8: {  	v31 =	vld [tilespmem:s0+$0xFFFFFE10]  }
0x5e9: {  	v0 =	vld.idx.msk [tilespmem:v0+s2+$0x0], $0xffff  }
0x5ea: {  	v1 =	vld.idx.msk [tilespmem:v1+s2+$0x0], $0xffff  }
0x5eb: {  	v2 =	vld.idx.msk [tilespmem:v2+s2+$0x0], $0xffff  }
0x5ec: {  	v3 =	vld.idx.msk [tilespmem:v3+s2+$0x0], $0xffff  }
0x5ed: {  	v4 =	vld.idx.msk [tilespmem:v4+s2+$0x0], $0xffff  }
0x5ee: {  	s3 =	simm.s32 $0x1C900;
	v5 =	vld.idx.msk [tilespmem:v5+s2+$0x0], $0xffff  }
0x5ef: {  	[tilespmem:s3+$0x170] =	vst v0;
	v0 =	vld.idx.msk [tilespmem:v6+s2+$0x0], $0xffff  }
0x5f0: {  	[tilespmem:s3+$0xFFFFFE10] =	vst v1;
	v1 =	vld.idx.msk [tilespmem:v7+s2+$0x0], $0xffff  }
0x5f1: {  	v6 =	vld.idx.msk [tilespmem:v31+s2+$0x0], $0xffff;
	[tilespmem:s3+$0xFFFFFE20] =	vst v2  }
0x5f2: {  	[tilespmem:s3+$0xFFFFFE30] =	vst v3;
	v2 =	vld.idx.msk [tilespmem:v8+s2+$0x0], $0xffff  }
0x5f3: {  	[tilespmem:s3+$0xFFFFFE40] =	vst v4;
	v3 =	vld.idx.msk [tilespmem:v9+s2+$0x0], $0xffff  }
0x5f4: {  	[tilespmem:s3+$0xFFFFFE50] =	vst v5;
	v4 =	vld.idx.msk [tilespmem:v10+s2+$0x0], $0xffff  }
0x5f5: {  	v5 =	vld.idx.msk [tilespmem:v13+s2+$0x0], $0xffff;
	[tilespmem:s3+$0xFFFFFE60] =	vst v0  }
0x5f6: {  	v7 =	vld.idx.msk [tilespmem:v24+s2+$0x0], $0xffff;
	[tilespmem:s3+$0xFFFFFE70] =	vst v1  }
0x5f7: {  	v0 =	vld.idx.msk [tilespmem:v11+s2+$0x0], $0xffff;
	[tilespmem:s3+$0xFFFFFE00] =	vst v6  }
0x5f8: {  	v1 =	vld.idx.msk [tilespmem:v12+s2+$0x0], $0xffff;
	[tilespmem:s3+$0xFFFFFF00] =	vst v2  }
0x5f9: {  	v2 =	vld.idx.msk [tilespmem:v14+s2+$0x0], $0xffff;
	[tilespmem:s3+$0xFFFFFF10] =	vst v3  }
0x5fa: {  	v3 =	vld.idx.msk [tilespmem:v15+s2+$0x0], $0xffff;
	[tilespmem:s3+$0xFFFFFF20] =	vst v4  }
0x5fb: {  	v4 =	vld.idx.msk [tilespmem:v16+s2+$0x0], $0xffff;
	[tilespmem:s3+$0xFFFFFF50] =	vst v5  }
0x5fc: {  	v5 =	vld.idx.msk [tilespmem:v19+s2+$0x0], $0xffff;
	[tilespmem:s3+$0x100] =	vst v7  }
0x5fd: {  	v6 =	vld.idx.msk [tilespmem:v23+s2+$0x0], $0xffff;
	[tilespmem:s3+$0xFFFFFF30] =	vst v0  }
0x5fe: {  	v0 =	vld.idx.msk [tilespmem:v17+s2+$0x0], $0xffff;
	[tilespmem:s3+$0xFFFFFF40] =	vst v1  }
0x5ff: {  	v1 =	vld.idx.msk [tilespmem:v18+s2+$0x0], $0xffff;
	[tilespmem:s3+$0xFFFFFF60] =	vst v2  }
0x600: {  	v2 =	vld.idx.msk [tilespmem:v20+s2+$0x0], $0xffff;
	[tilespmem:s3+$0xFFFFFF70] =	vst v3  }
0x601: {  	v3 =	vld.idx.msk [tilespmem:v21+s2+$0x0], $0xffff;
	[tilespmem:s3+$0x0] =	vst v4  }
0x602: {  	v4 =	vld.idx.msk [tilespmem:v22+s2+$0x0], $0xffff;
	[tilespmem:s3+$0x30] =	vst v5  }
0x603: {  	[tilespmem:s3+$0x70] =	vst v6;
	v5 =	vld.idx.msk [tilespmem:v30+s2+$0x0], $0xffff  }
0x604: {  	[tilespmem:s3+$0x10] =	vst v0;
	v0 =	vld.idx.msk [tilespmem:v25+s2+$0x0], $0xffff  }
0x605: {  	[tilespmem:s3+$0x20] =	vst v1;
	v1 =	vld.idx.msk [tilespmem:v26+s2+$0x0], $0xffff  }
0x606: {  	[tilespmem:s3+$0x40] =	vst v2;
	v2 =	vld.idx.msk [tilespmem:v27+s2+$0x0], $0xffff  }
0x607: {  	[tilespmem:s3+$0x50] =	vst v3;
	v3 =	vld.idx.msk [tilespmem:v28+s2+$0x0], $0xffff  }
0x608: {  	s1 =	simm.s32 $0x1AAF0;
	s0 =	simm.s32 $0x200;
	[tilespmem:s3+$0x60] =	vst v4;
	v4 =	vld.idx.msk [tilespmem:v29+s2+$0x0], $0xffff  }
.LBB2_42:
0x609: {  	v6 =	vld [tilespmem:s1+$0x0];
	s0 =	sadd.s32 $0x20, s0;
	[tilespmem:s3+$0x110] =	vst v0  }
0x60a: {  	v0 =	vld [tilespmem:s1+$0xFFFFFE20];
	p0 =	slt.u32 s0, $0x2E0;
	[tilespmem:s3+$0x120] =	vst v1  }
0x60b: {  	v1 =	vld [tilespmem:s1+$0xFFFFFE30];
	[tilespmem:s3+$0x130] =	vst v2  }
0x60c: {  	v2 =	vld [tilespmem:s1+$0xFFFFFE40];
	[tilespmem:s3+$0x140] =	vst v3  }
0x60d: {  	v3 =	vld [tilespmem:s1+$0xFFFFFE50];
	[tilespmem:s3+$0x150] =	vst v4  }
0x60e: {  	v4 =	vld [tilespmem:s1+$0xFFFFFE60];
	[tilespmem:s3+$0x160] =	vst v5  }
0x60f: {  	v5 =	vld [tilespmem:s1+$0xFFFFFE70]  }
0x610: {  	v7 =	vld [tilespmem:s1+$0xFFFFFE80]  }
0x611: {  	v6 =	vld.idx.msk [tilespmem:v6+s2+$0x0], $0xffff  }
0x612: {  	v8 =	vld [tilespmem:s1+$0xFFFFFE90]  }
0x613: {  	v9 =	vld [tilespmem:s1+$0xFFFFFEA0]  }
0x614: {  	v10 =	vld [tilespmem:s1+$0xFFFFFEB0]  }
0x615: {  	v11 =	vld [tilespmem:s1+$0xFFFFFEC0]  }
0x616: {  	s3 =	sadd.s32 $0x400, s3;
	v12 =	vld [tilespmem:s1+$0xFFFFFED0]  }
0x617: {  	v13 =	vld [tilespmem:s1+$0xFFFFFEE0];
	[tilespmem:s3+$0x170] =	vst v6  }
0x618: {  	v6 =	vld [tilespmem:s1+$0xFFFFFEF0]  }
0x619: {  	v14 =	vld [tilespmem:s1+$0xFFFFFF00]  }
0x61a: {  	v15 =	vld [tilespmem:s1+$0xFFFFFF10]  }
0x61b: {  	v16 =	vld [tilespmem:s1+$0xFFFFFF20]  }
0x61c: {  	v17 =	vld [tilespmem:s1+$0xFFFFFF30]  }
0x61d: {  	v18 =	vld [tilespmem:s1+$0xFFFFFF40]  }
0x61e: {  	v19 =	vld [tilespmem:s1+$0xFFFFFF50]  }
0x61f: {  	v20 =	vld [tilespmem:s1+$0xFFFFFF60]  }
0x620: {  	v21 =	vld [tilespmem:s1+$0xFFFFFF70]  }
0x621: {  	v22 =	vld [tilespmem:s1+$0xFFFFFF80]  }
0x622: {  	v23 =	vld [tilespmem:s1+$0xFFFFFF90]  }
0x623: {  	v24 =	vld [tilespmem:s1+$0xFFFFFFA0]  }
0x624: {  	v25 =	vld [tilespmem:s1+$0xFFFFFFB0]  }
0x625: {  	v26 =	vld [tilespmem:s1+$0xFFFFFFC0]  }
0x626: {  	v27 =	vld [tilespmem:s1+$0xFFFFFFD0]  }
0x627: {  	v28 =	vld [tilespmem:s1+$0xFFFFFFE0]  }
0x628: {  	v29 =	vld [tilespmem:s1+$0xFFFFFFF0]  }
0x629: {  	v30 =	vld [tilespmem:s1+$0xFFFFFE10]  }
0x62a: {  	v0 =	vld.idx.msk [tilespmem:v0+s2+$0x0], $0xffff  }
0x62b: {  	v1 =	vld.idx.msk [tilespmem:v1+s2+$0x0], $0xffff  }
0x62c: {  	v2 =	vld.idx.msk [tilespmem:v2+s2+$0x0], $0xffff  }
0x62d: {  	v3 =	vld.idx.msk [tilespmem:v3+s2+$0x0], $0xffff  }
0x62e: {  	v4 =	vld.idx.msk [tilespmem:v4+s2+$0x0], $0xffff  }
0x62f: {  	v5 =	vld.idx.msk [tilespmem:v5+s2+$0x0], $0xffff  }
0x630: {  	[tilespmem:s3+$0xFFFFFE10] =	vst v0;
	v0 =	vld.idx.msk [tilespmem:v7+s2+$0x0], $0xffff  }
0x631: {  	v7 =	vld.idx.msk [tilespmem:v30+s2+$0x0], $0xffff;
	[tilespmem:s3+$0xFFFFFE20] =	vst v1  }
0x632: {  	[tilespmem:s3+$0xFFFFFE30] =	vst v2;
	v1 =	vld.idx.msk [tilespmem:v8+s2+$0x0], $0xffff  }
0x633: {  	[tilespmem:s3+$0xFFFFFE40] =	vst v3;
	v2 =	vld.idx.msk [tilespmem:v9+s2+$0x0], $0xffff  }
0x634: {  	[tilespmem:s3+$0xFFFFFE50] =	vst v4;
	v3 =	vld.idx.msk [tilespmem:v10+s2+$0x0], $0xffff  }
0x635: {  	[tilespmem:s3+$0xFFFFFE60] =	vst v5;
	v4 =	vld.idx.msk [tilespmem:v11+s2+$0x0], $0xffff  }
0x636: {  	[tilespmem:s3+$0xFFFFFE70] =	vst v0;
	v0 =	vld.idx.msk [tilespmem:v12+s2+$0x0], $0xffff  }
0x637: {  	[tilespmem:s3+$0xFFFFFE00] =	vst v7;
	v5 =	vld.idx.msk [tilespmem:v13+s2+$0x0], $0xffff  }
0x638: {  	[tilespmem:s3+$0xFFFFFF00] =	vst v1;
	v1 =	vld.idx.msk [tilespmem:v6+s2+$0x0], $0xffff  }
0x639: {  	[tilespmem:s3+$0xFFFFFF10] =	vst v2;
	v2 =	vld.idx.msk [tilespmem:v14+s2+$0x0], $0xffff  }
0x63a: {  	[tilespmem:s3+$0xFFFFFF20] =	vst v3;
	v3 =	vld.idx.msk [tilespmem:v15+s2+$0x0], $0xffff  }
0x63b: {  	[tilespmem:s3+$0xFFFFFF30] =	vst v4;
	v4 =	vld.idx.msk [tilespmem:v16+s2+$0x0], $0xffff  }
0x63c: {  	[tilespmem:s3+$0xFFFFFF40] =	vst v0;
	v0 =	vld.idx.msk [tilespmem:v17+s2+$0x0], $0xffff  }
0x63d: {  	[tilespmem:s3+$0xFFFFFF50] =	vst v5;
	v5 =	vld.idx.msk [tilespmem:v18+s2+$0x0], $0xffff  }
0x63e: {  	[tilespmem:s3+$0xFFFFFF60] =	vst v1;
	v1 =	vld.idx.msk [tilespmem:v19+s2+$0x0], $0xffff  }
0x63f: {  	[tilespmem:s3+$0xFFFFFF70] =	vst v2;
	v2 =	vld.idx.msk [tilespmem:v20+s2+$0x0], $0xffff  }
0x640: {  	[tilespmem:s3+$0x0] =	vst v3;
	v3 =	vld.idx.msk [tilespmem:v21+s2+$0x0], $0xffff  }
0x641: {  	[tilespmem:s3+$0x10] =	vst v4;
	v4 =	vld.idx.msk [tilespmem:v22+s2+$0x0], $0xffff  }
0x642: {  	[tilespmem:s3+$0x20] =	vst v0;
	v6 =	vld.idx.msk [tilespmem:v23+s2+$0x0], $0xffff  }
0x643: {  	[tilespmem:s3+$0x30] =	vst v5;
	v0 =	vld.idx.msk [tilespmem:v24+s2+$0x0], $0xffff  }
.Ltmp20:
0x644: {  	[tilespmem:s3+$0x40] =	vst v1;
	v1 =	vld.idx.msk [tilespmem:v25+s2+$0x0], $0xffff;
	(pc) =	sbr.rel @p0 .LBB2_42-.Ltmp20, $4  }
0x645: {  	[tilespmem:s3+$0x50] =	vst v2;
	v2 =	vld.idx.msk [tilespmem:v26+s2+$0x0], $0xffff  }
0x646: {  	[tilespmem:s3+$0x60] =	vst v3;
	v3 =	vld.idx.msk [tilespmem:v27+s2+$0x0], $0xffff  }
0x647: {  	[tilespmem:s3+$0x70] =	vst v4;
	v4 =	vld.idx.msk [tilespmem:v28+s2+$0x0], $0xffff  }
0x648: {  	s1 =	sadd.s32 $0x200, s1;
	[tilespmem:s3+$0x100] =	vst v6;
	v5 =	vld.idx.msk [tilespmem:v29+s2+$0x0], $0xffff  }
0x649: {  	[tilespmem:s3+$0x110] =	vst v0  }
0x64a: {  	[tilespmem:s3+$0x120] =	vst v1  }
0x64b: {  	[tilespmem:s3+$0x130] =	vst v2  }
0x64c: {  	[tilespmem:s3+$0x140] =	vst v3  }
0x64d: {  	[tilespmem:s3+$0x150] =	vst v4  }
0x64e: {  	[tilespmem:s3+$0x160] =	vst v5  }
0x64f: {  	_ =	swait.ge [sflag:s31], $0x1000  }
0x650: {  	[sflag:s31] =	ssyncset.done $0x0  }
0x651: {  	s0 =	simm.s32 $0x0;
	s1 =	simm.s32 $0x1C700;
	[sflag:s31] =	ssyncadd.s32 $0xFFFFF000  }
.LBB2_44:
0x652: {  	p0 =	sne.s32 s0, $0xF80  }
.Ltmp21:
0x653: {  	_ = 	snop;
	(pc) =	sbr.rel @p0 .LBB2_44-.Ltmp21, $4  }
0x654: {  	_ = 	snop  }
0x655: {  	s3 =	sadd.s32 s0, s19  }
0x656: {  	[hbm4b:s3+s2] =	stream.linear.scatter [tilespmem:s1], [sflag:$0x1], $0x80, $0x38;
	[tilespmem:$0x1E700] =	vst v63  }
0x657: {  	s0 =	sadd.s32 $0x80, s0;
	s1 =	sadd.s32 $0x100, s1  }
0x658: {  	s0 =	simm.s32 $0x1B8F0  }
0x659: {  	v0 =	vld [tilespmem:s0+$0x0]  }
0x65a: {  	v1 =	vld [tilespmem:s0+$0xFFFFFE20]  }
0x65b: {  	v2 =	vld [tilespmem:s0+$0xFFFFFE30]  }
0x65c: {  	v3 =	vld [tilespmem:s0+$0xFFFFFE40]  }
0x65d: {  	v4 =	vld [tilespmem:s0+$0xFFFFFE50]  }
0x65e: {  	v5 =	vld [tilespmem:s0+$0xFFFFFE60]  }
0x65f: {  	v6 =	vld [tilespmem:s0+$0xFFFFFE70]  }
0x660: {  	v7 =	vld [tilespmem:s0+$0xFFFFFE80]  }
0x661: {  	v8 =	vld [tilespmem:s0+$0xFFFFFE90]  }
0x662: {  	v9 =	vld [tilespmem:s0+$0xFFFFFEA0]  }
0x663: {  	v10 =	vld [tilespmem:s0+$0xFFFFFEB0]  }
0x664: {  	v11 =	vld [tilespmem:s0+$0xFFFFFEC0]  }
0x665: {  	v12 =	vld [tilespmem:s0+$0xFFFFFED0]  }
0x666: {  	v13 =	vld [tilespmem:s0+$0xFFFFFEE0]  }
0x667: {  	v14 =	vld [tilespmem:s0+$0xFFFFFEF0]  }
0x668: {  	v15 =	vld [tilespmem:s0+$0xFFFFFF00]  }
0x669: {  	v16 =	vld [tilespmem:s0+$0xFFFFFF10]  }
0x66a: {  	v17 =	vld [tilespmem:s0+$0xFFFFFF20]  }
0x66b: {  	v18 =	vld [tilespmem:s0+$0xFFFFFF30]  }
0x66c: {  	v19 =	vld [tilespmem:s0+$0xFFFFFF40]  }
0x66d: {  	v20 =	vld [tilespmem:s0+$0xFFFFFF50]  }
0x66e: {  	v21 =	vld [tilespmem:s0+$0xFFFFFF60]  }
0x66f: {  	v22 =	vld [tilespmem:s0+$0xFFFFFF70]  }
0x670: {  	v23 =	vld [tilespmem:s0+$0xFFFFFF80]  }
0x671: {  	v24 =	vld [tilespmem:s0+$0xFFFFFF90]  }
0x672: {  	v25 =	vld [tilespmem:s0+$0xFFFFFFA0]  }
0x673: {  	v26 =	vld [tilespmem:s0+$0xFFFFFFB0]  }
0x674: {  	v27 =	vld [tilespmem:s0+$0xFFFFFFC0]  }
0x675: {  	v28 =	vld [tilespmem:s0+$0xFFFFFFD0]  }
0x676: {  	v29 =	vld [tilespmem:s0+$0xFFFFFFE0]  }
0x677: {  	v30 =	vld [tilespmem:s0+$0xFFFFFFF0]  }
0x678: {  	v31 =	vld [tilespmem:s0+$0xFFFFFE10]  }
0x679: {  	v0 =	vld.idx.msk [tilespmem:v0+s2+$0x0], $0xffff  }
0x67a: {  	v1 =	vld.idx.msk [tilespmem:v1+s2+$0x0], $0xffff  }
0x67b: {  	v2 =	vld.idx.msk [tilespmem:v2+s2+$0x0], $0xffff  }
0x67c: {  	v3 =	vld.idx.msk [tilespmem:v3+s2+$0x0], $0xffff  }
0x67d: {  	v4 =	vld.idx.msk [tilespmem:v4+s2+$0x0], $0xffff  }
0x67e: {  	s3 =	simm.s32 $0x1C980;
	v5 =	vld.idx.msk [tilespmem:v5+s2+$0x0], $0xffff  }
0x67f: {  	[tilespmem:s3+$0x170] =	vst v0;
	v0 =	vld.idx.msk [tilespmem:v6+s2+$0x0], $0xffff  }
0x680: {  	[tilespmem:s3+$0xFFFFFE10] =	vst v1;
	v1 =	vld.idx.msk [tilespmem:v7+s2+$0x0], $0xffff  }
0x681: {  	v6 =	vld.idx.msk [tilespmem:v31+s2+$0x0], $0xffff;
	[tilespmem:s3+$0xFFFFFE20] =	vst v2  }
0x682: {  	[tilespmem:s3+$0xFFFFFE30] =	vst v3;
	v2 =	vld.idx.msk [tilespmem:v8+s2+$0x0], $0xffff  }
0x683: {  	[tilespmem:s3+$0xFFFFFE40] =	vst v4;
	v3 =	vld.idx.msk [tilespmem:v9+s2+$0x0], $0xffff  }
0x684: {  	[tilespmem:s3+$0xFFFFFE50] =	vst v5;
	v4 =	vld.idx.msk [tilespmem:v10+s2+$0x0], $0xffff  }
0x685: {  	v5 =	vld.idx.msk [tilespmem:v13+s2+$0x0], $0xffff;
	[tilespmem:s3+$0xFFFFFE60] =	vst v0  }
0x686: {  	v7 =	vld.idx.msk [tilespmem:v24+s2+$0x0], $0xffff;
	[tilespmem:s3+$0xFFFFFE70] =	vst v1  }
0x687: {  	v0 =	vld.idx.msk [tilespmem:v11+s2+$0x0], $0xffff;
	[tilespmem:s3+$0xFFFFFE00] =	vst v6  }
0x688: {  	v1 =	vld.idx.msk [tilespmem:v12+s2+$0x0], $0xffff;
	[tilespmem:s3+$0xFFFFFF00] =	vst v2  }
0x689: {  	v2 =	vld.idx.msk [tilespmem:v14+s2+$0x0], $0xffff;
	[tilespmem:s3+$0xFFFFFF10] =	vst v3  }
0x68a: {  	v3 =	vld.idx.msk [tilespmem:v15+s2+$0x0], $0xffff;
	[tilespmem:s3+$0xFFFFFF20] =	vst v4  }
0x68b: {  	v4 =	vld.idx.msk [tilespmem:v16+s2+$0x0], $0xffff;
	[tilespmem:s3+$0xFFFFFF50] =	vst v5  }
0x68c: {  	v5 =	vld.idx.msk [tilespmem:v19+s2+$0x0], $0xffff;
	[tilespmem:s3+$0x100] =	vst v7  }
0x68d: {  	v6 =	vld.idx.msk [tilespmem:v23+s2+$0x0], $0xffff;
	[tilespmem:s3+$0xFFFFFF30] =	vst v0  }
0x68e: {  	v0 =	vld.idx.msk [tilespmem:v17+s2+$0x0], $0xffff;
	[tilespmem:s3+$0xFFFFFF40] =	vst v1  }
0x68f: {  	v1 =	vld.idx.msk [tilespmem:v18+s2+$0x0], $0xffff;
	[tilespmem:s3+$0xFFFFFF60] =	vst v2  }
0x690: {  	v2 =	vld.idx.msk [tilespmem:v20+s2+$0x0], $0xffff;
	[tilespmem:s3+$0xFFFFFF70] =	vst v3  }
0x691: {  	v3 =	vld.idx.msk [tilespmem:v21+s2+$0x0], $0xffff;
	[tilespmem:s3+$0x0] =	vst v4  }
0x692: {  	v4 =	vld.idx.msk [tilespmem:v22+s2+$0x0], $0xffff;
	[tilespmem:s3+$0x30] =	vst v5  }
0x693: {  	[tilespmem:s3+$0x70] =	vst v6;
	v5 =	vld.idx.msk [tilespmem:v30+s2+$0x0], $0xffff  }
0x694: {  	[tilespmem:s3+$0x10] =	vst v0;
	v0 =	vld.idx.msk [tilespmem:v25+s2+$0x0], $0xffff  }
0x695: {  	[tilespmem:s3+$0x20] =	vst v1;
	v1 =	vld.idx.msk [tilespmem:v26+s2+$0x0], $0xffff  }
0x696: {  	[tilespmem:s3+$0x40] =	vst v2;
	v2 =	vld.idx.msk [tilespmem:v27+s2+$0x0], $0xffff  }
0x697: {  	[tilespmem:s3+$0x50] =	vst v3;
	v3 =	vld.idx.msk [tilespmem:v28+s2+$0x0], $0xffff  }
0x698: {  	s1 =	simm.s32 $0x1BAF0;
	s0 =	simm.s32 $0x300;
	[tilespmem:s3+$0x60] =	vst v4;
	v4 =	vld.idx.msk [tilespmem:v29+s2+$0x0], $0xffff  }
.LBB2_46:
0x699: {  	v6 =	vld [tilespmem:s1+$0x0];
	s0 =	sadd.s32 $0x20, s0;
	[tilespmem:s3+$0x110] =	vst v0  }
0x69a: {  	v0 =	vld [tilespmem:s1+$0xFFFFFE20];
	p0 =	slt.u32 s0, $0x3E0;
	[tilespmem:s3+$0x120] =	vst v1  }
0x69b: {  	v1 =	vld [tilespmem:s1+$0xFFFFFE30];
	[tilespmem:s3+$0x130] =	vst v2  }
0x69c: {  	v2 =	vld [tilespmem:s1+$0xFFFFFE40];
	[tilespmem:s3+$0x140] =	vst v3  }
0x69d: {  	v3 =	vld [tilespmem:s1+$0xFFFFFE50];
	[tilespmem:s3+$0x150] =	vst v4  }
0x69e: {  	v4 =	vld [tilespmem:s1+$0xFFFFFE60];
	[tilespmem:s3+$0x160] =	vst v5  }
0x69f: {  	v5 =	vld [tilespmem:s1+$0xFFFFFE70]  }
0x6a0: {  	v7 =	vld [tilespmem:s1+$0xFFFFFE80]  }
0x6a1: {  	v6 =	vld.idx.msk [tilespmem:v6+s2+$0x0], $0xffff  }
0x6a2: {  	v8 =	vld [tilespmem:s1+$0xFFFFFE90]  }
0x6a3: {  	v9 =	vld [tilespmem:s1+$0xFFFFFEA0]  }
0x6a4: {  	v10 =	vld [tilespmem:s1+$0xFFFFFEB0]  }
0x6a5: {  	v11 =	vld [tilespmem:s1+$0xFFFFFEC0]  }
0x6a6: {  	s3 =	sadd.s32 $0x400, s3;
	v12 =	vld [tilespmem:s1+$0xFFFFFED0]  }
0x6a7: {  	v13 =	vld [tilespmem:s1+$0xFFFFFEE0];
	[tilespmem:s3+$0x170] =	vst v6  }
0x6a8: {  	v6 =	vld [tilespmem:s1+$0xFFFFFEF0]  }
0x6a9: {  	v14 =	vld [tilespmem:s1+$0xFFFFFF00]  }
0x6aa: {  	v15 =	vld [tilespmem:s1+$0xFFFFFF10]  }
0x6ab: {  	v16 =	vld [tilespmem:s1+$0xFFFFFF20]  }
0x6ac: {  	v17 =	vld [tilespmem:s1+$0xFFFFFF30]  }
0x6ad: {  	v18 =	vld [tilespmem:s1+$0xFFFFFF40]  }
0x6ae: {  	v19 =	vld [tilespmem:s1+$0xFFFFFF50]  }
0x6af: {  	v20 =	vld [tilespmem:s1+$0xFFFFFF60]  }
0x6b0: {  	v21 =	vld [tilespmem:s1+$0xFFFFFF70]  }
0x6b1: {  	v22 =	vld [tilespmem:s1+$0xFFFFFF80]  }
0x6b2: {  	v23 =	vld [tilespmem:s1+$0xFFFFFF90]  }
0x6b3: {  	v24 =	vld [tilespmem:s1+$0xFFFFFFA0]  }
0x6b4: {  	v25 =	vld [tilespmem:s1+$0xFFFFFFB0]  }
0x6b5: {  	v26 =	vld [tilespmem:s1+$0xFFFFFFC0]  }
0x6b6: {  	v27 =	vld [tilespmem:s1+$0xFFFFFFD0]  }
0x6b7: {  	v28 =	vld [tilespmem:s1+$0xFFFFFFE0]  }
0x6b8: {  	v29 =	vld [tilespmem:s1+$0xFFFFFFF0]  }
0x6b9: {  	v30 =	vld [tilespmem:s1+$0xFFFFFE10]  }
0x6ba: {  	v0 =	vld.idx.msk [tilespmem:v0+s2+$0x0], $0xffff  }
0x6bb: {  	v1 =	vld.idx.msk [tilespmem:v1+s2+$0x0], $0xffff  }
0x6bc: {  	v2 =	vld.idx.msk [tilespmem:v2+s2+$0x0], $0xffff  }
0x6bd: {  	v3 =	vld.idx.msk [tilespmem:v3+s2+$0x0], $0xffff  }
0x6be: {  	v4 =	vld.idx.msk [tilespmem:v4+s2+$0x0], $0xffff  }
0x6bf: {  	v5 =	vld.idx.msk [tilespmem:v5+s2+$0x0], $0xffff  }
0x6c0: {  	[tilespmem:s3+$0xFFFFFE10] =	vst v0;
	v0 =	vld.idx.msk [tilespmem:v7+s2+$0x0], $0xffff  }
0x6c1: {  	v7 =	vld.idx.msk [tilespmem:v30+s2+$0x0], $0xffff;
	[tilespmem:s3+$0xFFFFFE20] =	vst v1  }
0x6c2: {  	[tilespmem:s3+$0xFFFFFE30] =	vst v2;
	v1 =	vld.idx.msk [tilespmem:v8+s2+$0x0], $0xffff  }
0x6c3: {  	[tilespmem:s3+$0xFFFFFE40] =	vst v3;
	v2 =	vld.idx.msk [tilespmem:v9+s2+$0x0], $0xffff  }
0x6c4: {  	[tilespmem:s3+$0xFFFFFE50] =	vst v4;
	v3 =	vld.idx.msk [tilespmem:v10+s2+$0x0], $0xffff  }
0x6c5: {  	[tilespmem:s3+$0xFFFFFE60] =	vst v5;
	v4 =	vld.idx.msk [tilespmem:v11+s2+$0x0], $0xffff  }
0x6c6: {  	[tilespmem:s3+$0xFFFFFE70] =	vst v0;
	v0 =	vld.idx.msk [tilespmem:v12+s2+$0x0], $0xffff  }
0x6c7: {  	[tilespmem:s3+$0xFFFFFE00] =	vst v7;
	v5 =	vld.idx.msk [tilespmem:v13+s2+$0x0], $0xffff  }
0x6c8: {  	[tilespmem:s3+$0xFFFFFF00] =	vst v1;
	v1 =	vld.idx.msk [tilespmem:v6+s2+$0x0], $0xffff  }
0x6c9: {  	[tilespmem:s3+$0xFFFFFF10] =	vst v2;
	v2 =	vld.idx.msk [tilespmem:v14+s2+$0x0], $0xffff  }
0x6ca: {  	[tilespmem:s3+$0xFFFFFF20] =	vst v3;
	v3 =	vld.idx.msk [tilespmem:v15+s2+$0x0], $0xffff  }
0x6cb: {  	[tilespmem:s3+$0xFFFFFF30] =	vst v4;
	v4 =	vld.idx.msk [tilespmem:v16+s2+$0x0], $0xffff  }
0x6cc: {  	[tilespmem:s3+$0xFFFFFF40] =	vst v0;
	v0 =	vld.idx.msk [tilespmem:v17+s2+$0x0], $0xffff  }
0x6cd: {  	[tilespmem:s3+$0xFFFFFF50] =	vst v5;
	v5 =	vld.idx.msk [tilespmem:v18+s2+$0x0], $0xffff  }
0x6ce: {  	[tilespmem:s3+$0xFFFFFF60] =	vst v1;
	v1 =	vld.idx.msk [tilespmem:v19+s2+$0x0], $0xffff  }
0x6cf: {  	[tilespmem:s3+$0xFFFFFF70] =	vst v2;
	v2 =	vld.idx.msk [tilespmem:v20+s2+$0x0], $0xffff  }
0x6d0: {  	[tilespmem:s3+$0x0] =	vst v3;
	v3 =	vld.idx.msk [tilespmem:v21+s2+$0x0], $0xffff  }
0x6d1: {  	[tilespmem:s3+$0x10] =	vst v4;
	v4 =	vld.idx.msk [tilespmem:v22+s2+$0x0], $0xffff  }
0x6d2: {  	[tilespmem:s3+$0x20] =	vst v0;
	v6 =	vld.idx.msk [tilespmem:v23+s2+$0x0], $0xffff  }
0x6d3: {  	[tilespmem:s3+$0x30] =	vst v5;
	v0 =	vld.idx.msk [tilespmem:v24+s2+$0x0], $0xffff  }
.Ltmp22:
0x6d4: {  	[tilespmem:s3+$0x40] =	vst v1;
	v1 =	vld.idx.msk [tilespmem:v25+s2+$0x0], $0xffff;
	(pc) =	sbr.rel @p0 .LBB2_46-.Ltmp22, $4  }
0x6d5: {  	[tilespmem:s3+$0x50] =	vst v2;
	v2 =	vld.idx.msk [tilespmem:v26+s2+$0x0], $0xffff  }
0x6d6: {  	[tilespmem:s3+$0x60] =	vst v3;
	v3 =	vld.idx.msk [tilespmem:v27+s2+$0x0], $0xffff  }
0x6d7: {  	[tilespmem:s3+$0x70] =	vst v4;
	v4 =	vld.idx.msk [tilespmem:v28+s2+$0x0], $0xffff  }
0x6d8: {  	s1 =	sadd.s32 $0x200, s1;
	[tilespmem:s3+$0x100] =	vst v6;
	v5 =	vld.idx.msk [tilespmem:v29+s2+$0x0], $0xffff  }
0x6d9: {  	[tilespmem:s3+$0x110] =	vst v0  }
0x6da: {  	[tilespmem:s3+$0x120] =	vst v1  }
0x6db: {  	[tilespmem:s3+$0x130] =	vst v2  }
0x6dc: {  	[tilespmem:s3+$0x140] =	vst v3  }
0x6dd: {  	[tilespmem:s3+$0x150] =	vst v4  }
0x6de: {  	[tilespmem:s3+$0x160] =	vst v5  }
0x6df: {  	_ =	swait.ge [sflag:s31], $0x1000  }
0x6e0: {  	s0 =	simm.s32 $0x1C780;
	s1 =	simm.s32 $0x80;
	[sflag:s31] =	ssyncset.done $0x0  }
0x6e1: {  	s26 =	sadd.s32 $0x0, s20;
	s3 =	simm.s32 $0x1C880;
	[sflag:s31] =	ssyncadd.s32 $0xFFFFF000  }
.LBB2_48:
0x6e2: {  	[hbm4b:s26+s2] =	stream.linear.scatter [tilespmem:s0], [sflag:$0x1], $0x80, $0x38;
	[tilespmem:$0x1E700] =	vst v63  }
0x6e3: {  	s26 =	smov.u32 s1;
	s0 =	smov.u32 s3;
	p0 =	sne.s32 s1, $0xF80  }
.Ltmp23:
0x6e4: {  	s1 =	sadd.s32 $0x80, s1;
	(pc) =	sbr.rel @p0 .LBB2_48-.Ltmp23, $2  }
0x6e5: {  	_ =	sdelay $0x2  }
0x6e6: {  	s3 =	sadd.s32 $0x100, s3;
	s26 =	sadd.s32 s26, s20  }
0x6e7: {  	[hbm4b:s26+s2] =	stream.linear.scatter [tilespmem:s0], [sflag:$0x1], $0x80, $0x38;
	[tilespmem:$0x1E700] =	vst v63  }
0x6e8: {  	_ =	swait.ge [sflag:s31], $0x1000  }
0x6e9: {  	[sflag:s31] =	ssyncset.done $0x0  }
0x6ea: {  	[sflag:s31] =	ssyncadd.s32 $0xFFFFF000  }
0x6eb: {  	[tilespmem:s2], [sflag:$0x2] =	stream.strided.gather [hbm4b:s14+s29], $0x18700, s30, s29, $0x38;
	[tilespmem:$0x1E700] =	vst v63  }
0x6ec: {  	_ =	swait.ge [sflag:s28], $0x18700  }
0x6ed: {  	[sflag:s28] =	ssyncset.done $0x0  }
0x6ee: {  	s26 =	simm.s32 $0x18800;
	[sflag:s28] =	ssyncadd.s32 $0xFFFE7900  }
0x6ef: {  	v0 =	vld [tilespmem:s26+$0xF0]  }
0x6f0: {  	v1 =	vld [tilespmem:s26+$0xFFFFFF10]  }
0x6f1: {  	v2 =	vld [tilespmem:s26+$0xFFFFFF20]  }
0x6f2: {  	v3 =	vld [tilespmem:s26+$0xFFFFFF30]  }
0x6f3: {  	v4 =	vld [tilespmem:s26+$0xFFFFFF40]  }
0x6f4: {  	v5 =	vld [tilespmem:s26+$0xFFFFFF50]  }
0x6f5: {  	v6 =	vld [tilespmem:s26+$0xFFFFFF60]  }
0x6f6: {  	v7 =	vld [tilespmem:s26+$0xFFFFFF70]  }
0x6f7: {  	v8 =	vld [tilespmem:s26+$0xFFFFFF80]  }
0x6f8: {  	v9 =	vld [tilespmem:s26+$0xFFFFFF90]  }
0x6f9: {  	v10 =	vld [tilespmem:s26+$0xFFFFFFA0]  }
0x6fa: {  	v11 =	vld [tilespmem:s26+$0xFFFFFFB0]  }
0x6fb: {  	v12 =	vld [tilespmem:s26+$0xFFFFFFC0]  }
0x6fc: {  	v13 =	vld [tilespmem:s26+$0xFFFFFFD0]  }
0x6fd: {  	v14 =	vld [tilespmem:s26+$0xFFFFFFE0]  }
0x6fe: {  	v15 =	vld [tilespmem:s26+$0xFFFFFFF0]  }
0x6ff: {  	v16 =	vld [tilespmem:s26+$0x0]  }
0x700: {  	v17 =	vld [tilespmem:s26+$0x10]  }
0x701: {  	v18 =	vld [tilespmem:s26+$0x20]  }
0x702: {  	v19 =	vld [tilespmem:s26+$0x30]  }
0x703: {  	v20 =	vld [tilespmem:s26+$0x40]  }
0x704: {  	v21 =	vld [tilespmem:s26+$0x50]  }
0x705: {  	v22 =	vld [tilespmem:s26+$0x60]  }
0x706: {  	v23 =	vld [tilespmem:s26+$0x70]  }
0x707: {  	v24 =	vld [tilespmem:s26+$0x80]  }
0x708: {  	v25 =	vld [tilespmem:s26+$0x90]  }
0x709: {  	v26 =	vld [tilespmem:s26+$0xA0]  }
0x70a: {  	v27 =	vld [tilespmem:s26+$0xB0]  }
0x70b: {  	v28 =	vld [tilespmem:s26+$0xC0]  }
0x70c: {  	v29 =	vld [tilespmem:s26+$0xD0]  }
0x70d: {  	v30 =	vld [tilespmem:s26+$0xE0]  }
0x70e: {  	v31 =	vld [tilespmem:s26+$0xFFFFFF00]  }
0x70f: {  	v0 =	vld.idx.msk [tilespmem:v0+s2+$0x0], $0xffff  }
0x710: {  	v1 =	vld.idx.msk [tilespmem:v1+s2+$0x0], $0xffff  }
0x711: {  	v2 =	vld.idx.msk [tilespmem:v2+s2+$0x0], $0xffff  }
0x712: {  	v3 =	vld.idx.msk [tilespmem:v3+s2+$0x0], $0xffff  }
0x713: {  	v4 =	vld.idx.msk [tilespmem:v4+s2+$0x0], $0xffff  }
0x714: {  	s3 =	simm.s32 $0x1C900;
	v5 =	vld.idx.msk [tilespmem:v5+s2+$0x0], $0xffff  }
0x715: {  	[tilespmem:s3+$0x170] =	vst v0;
	v0 =	vld.idx.msk [tilespmem:v6+s2+$0x0], $0xffff  }
0x716: {  	[tilespmem:s3+$0xFFFFFE10] =	vst v1;
	v1 =	vld.idx.msk [tilespmem:v7+s2+$0x0], $0xffff  }
0x717: {  	v6 =	vld.idx.msk [tilespmem:v31+s2+$0x0], $0xffff;
	[tilespmem:s3+$0xFFFFFE20] =	vst v2  }
0x718: {  	[tilespmem:s3+$0xFFFFFE30] =	vst v3;
	v2 =	vld.idx.msk [tilespmem:v8+s2+$0x0], $0xffff  }
0x719: {  	[tilespmem:s3+$0xFFFFFE40] =	vst v4;
	v3 =	vld.idx.msk [tilespmem:v9+s2+$0x0], $0xffff  }
0x71a: {  	[tilespmem:s3+$0xFFFFFE50] =	vst v5;
	v4 =	vld.idx.msk [tilespmem:v10+s2+$0x0], $0xffff  }
0x71b: {  	v5 =	vld.idx.msk [tilespmem:v13+s2+$0x0], $0xffff;
	[tilespmem:s3+$0xFFFFFE60] =	vst v0  }
0x71c: {  	v7 =	vld.idx.msk [tilespmem:v24+s2+$0x0], $0xffff;
	[tilespmem:s3+$0xFFFFFE70] =	vst v1  }
0x71d: {  	v0 =	vld.idx.msk [tilespmem:v11+s2+$0x0], $0xffff;
	[tilespmem:s3+$0xFFFFFE00] =	vst v6  }
0x71e: {  	v1 =	vld.idx.msk [tilespmem:v12+s2+$0x0], $0xffff;
	[tilespmem:s3+$0xFFFFFF00] =	vst v2  }
0x71f: {  	v2 =	vld.idx.msk [tilespmem:v14+s2+$0x0], $0xffff;
	[tilespmem:s3+$0xFFFFFF10] =	vst v3  }
0x720: {  	v3 =	vld.idx.msk [tilespmem:v15+s2+$0x0], $0xffff;
	[tilespmem:s3+$0xFFFFFF20] =	vst v4  }
0x721: {  	v4 =	vld.idx.msk [tilespmem:v16+s2+$0x0], $0xffff;
	[tilespmem:s3+$0xFFFFFF50] =	vst v5  }
0x722: {  	v5 =	vld.idx.msk [tilespmem:v19+s2+$0x0], $0xffff;
	[tilespmem:s3+$0x100] =	vst v7  }
0x723: {  	v6 =	vld.idx.msk [tilespmem:v23+s2+$0x0], $0xffff;
	[tilespmem:s3+$0xFFFFFF30] =	vst v0  }
0x724: {  	v0 =	vld.idx.msk [tilespmem:v17+s2+$0x0], $0xffff;
	[tilespmem:s3+$0xFFFFFF40] =	vst v1  }
0x725: {  	v1 =	vld.idx.msk [tilespmem:v18+s2+$0x0], $0xffff;
	[tilespmem:s3+$0xFFFFFF60] =	vst v2  }
0x726: {  	v2 =	vld.idx.msk [tilespmem:v20+s2+$0x0], $0xffff;
	[tilespmem:s3+$0xFFFFFF70] =	vst v3  }
0x727: {  	v3 =	vld.idx.msk [tilespmem:v21+s2+$0x0], $0xffff;
	[tilespmem:s3+$0x0] =	vst v4  }
0x728: {  	v4 =	vld.idx.msk [tilespmem:v22+s2+$0x0], $0xffff;
	[tilespmem:s3+$0x30] =	vst v5  }
0x729: {  	[tilespmem:s3+$0x70] =	vst v6;
	v5 =	vld.idx.msk [tilespmem:v30+s2+$0x0], $0xffff  }
0x72a: {  	[tilespmem:s3+$0x10] =	vst v0;
	v0 =	vld.idx.msk [tilespmem:v25+s2+$0x0], $0xffff  }
0x72b: {  	[tilespmem:s3+$0x20] =	vst v1;
	v1 =	vld.idx.msk [tilespmem:v26+s2+$0x0], $0xffff  }
0x72c: {  	[tilespmem:s3+$0x40] =	vst v2;
	v2 =	vld.idx.msk [tilespmem:v27+s2+$0x0], $0xffff  }
0x72d: {  	[tilespmem:s3+$0x50] =	vst v3;
	v3 =	vld.idx.msk [tilespmem:v28+s2+$0x0], $0xffff  }
0x72e: {  	s0 =	simm.s32 $0x0;
	s1 =	simm.s32 $0x18A00;
	[tilespmem:s3+$0x60] =	vst v4;
	v4 =	vld.idx.msk [tilespmem:v29+s2+$0x0], $0xffff  }
.LBB2_50:
0x72f: {  	v6 =	vld [tilespmem:s1+$0xF0];
	s0 =	sadd.s32 $0x20, s0;
	[tilespmem:s3+$0x110] =	vst v0  }
0x730: {  	v0 =	vld [tilespmem:s1+$0xFFFFFF10];
	p0 =	slt.u32 s0, $0xE0;
	[tilespmem:s3+$0x120] =	vst v1  }
0x731: {  	v1 =	vld [tilespmem:s1+$0xFFFFFF20];
	[tilespmem:s3+$0x130] =	vst v2  }
0x732: {  	v2 =	vld [tilespmem:s1+$0xFFFFFF30];
	[tilespmem:s3+$0x140] =	vst v3  }
0x733: {  	v3 =	vld [tilespmem:s1+$0xFFFFFF40];
	[tilespmem:s3+$0x150] =	vst v4  }
0x734: {  	v4 =	vld [tilespmem:s1+$0xFFFFFF50];
	[tilespmem:s3+$0x160] =	vst v5  }
0x735: {  	v5 =	vld [tilespmem:s1+$0xFFFFFF60]  }
0x736: {  	v7 =	vld [tilespmem:s1+$0xFFFFFF70]  }
0x737: {  	v6 =	vld.idx.msk [tilespmem:v6+s2+$0x0], $0xffff  }
0x738: {  	v8 =	vld [tilespmem:s1+$0xFFFFFF80]  }
0x739: {  	v9 =	vld [tilespmem:s1+$0xFFFFFF90]  }
0x73a: {  	v10 =	vld [tilespmem:s1+$0xFFFFFFA0]  }
0x73b: {  	v11 =	vld [tilespmem:s1+$0xFFFFFFB0]  }
0x73c: {  	s3 =	sadd.s32 $0x400, s3;
	v12 =	vld [tilespmem:s1+$0xFFFFFFC0]  }
0x73d: {  	v13 =	vld [tilespmem:s1+$0xFFFFFFD0];
	[tilespmem:s3+$0x170] =	vst v6  }
0x73e: {  	v6 =	vld [tilespmem:s1+$0xFFFFFFE0]  }
0x73f: {  	v14 =	vld [tilespmem:s1+$0xFFFFFFF0]  }
0x740: {  	v15 =	vld [tilespmem:s1+$0x0]  }
0x741: {  	v16 =	vld [tilespmem:s1+$0x10]  }
0x742: {  	v17 =	vld [tilespmem:s1+$0x20]  }
0x743: {  	v18 =	vld [tilespmem:s1+$0x30]  }
0x744: {  	v19 =	vld [tilespmem:s1+$0x40]  }
0x745: {  	v20 =	vld [tilespmem:s1+$0x50]  }
0x746: {  	v21 =	vld [tilespmem:s1+$0x60]  }
0x747: {  	v22 =	vld [tilespmem:s1+$0x70]  }
0x748: {  	v23 =	vld [tilespmem:s1+$0x80]  }
0x749: {  	v24 =	vld [tilespmem:s1+$0x90]  }
0x74a: {  	v25 =	vld [tilespmem:s1+$0xA0]  }
0x74b: {  	v26 =	vld [tilespmem:s1+$0xB0]  }
0x74c: {  	v27 =	vld [tilespmem:s1+$0xC0]  }
0x74d: {  	v28 =	vld [tilespmem:s1+$0xD0]  }
0x74e: {  	v29 =	vld [tilespmem:s1+$0xE0]  }
0x74f: {  	v30 =	vld [tilespmem:s1+$0xFFFFFF00]  }
0x750: {  	v0 =	vld.idx.msk [tilespmem:v0+s2+$0x0], $0xffff  }
0x751: {  	v1 =	vld.idx.msk [tilespmem:v1+s2+$0x0], $0xffff  }
0x752: {  	v2 =	vld.idx.msk [tilespmem:v2+s2+$0x0], $0xffff  }
0x753: {  	v3 =	vld.idx.msk [tilespmem:v3+s2+$0x0], $0xffff  }
0x754: {  	v4 =	vld.idx.msk [tilespmem:v4+s2+$0x0], $0xffff  }
0x755: {  	v5 =	vld.idx.msk [tilespmem:v5+s2+$0x0], $0xffff  }
0x756: {  	[tilespmem:s3+$0xFFFFFE10] =	vst v0;
	v0 =	vld.idx.msk [tilespmem:v7+s2+$0x0], $0xffff  }
0x757: {  	v7 =	vld.idx.msk [tilespmem:v30+s2+$0x0], $0xffff;
	[tilespmem:s3+$0xFFFFFE20] =	vst v1  }
0x758: {  	[tilespmem:s3+$0xFFFFFE30] =	vst v2;
	v1 =	vld.idx.msk [tilespmem:v8+s2+$0x0], $0xffff  }
0x759: {  	[tilespmem:s3+$0xFFFFFE40] =	vst v3;
	v2 =	vld.idx.msk [tilespmem:v9+s2+$0x0], $0xffff  }
0x75a: {  	[tilespmem:s3+$0xFFFFFE50] =	vst v4;
	v3 =	vld.idx.msk [tilespmem:v10+s2+$0x0], $0xffff  }
0x75b: {  	[tilespmem:s3+$0xFFFFFE60] =	vst v5;
	v4 =	vld.idx.msk [tilespmem:v11+s2+$0x0], $0xffff  }
0x75c: {  	[tilespmem:s3+$0xFFFFFE70] =	vst v0;
	v0 =	vld.idx.msk [tilespmem:v12+s2+$0x0], $0xffff  }
0x75d: {  	[tilespmem:s3+$0xFFFFFE00] =	vst v7;
	v5 =	vld.idx.msk [tilespmem:v13+s2+$0x0], $0xffff  }
0x75e: {  	[tilespmem:s3+$0xFFFFFF00] =	vst v1;
	v1 =	vld.idx.msk [tilespmem:v6+s2+$0x0], $0xffff  }
0x75f: {  	[tilespmem:s3+$0xFFFFFF10] =	vst v2;
	v2 =	vld.idx.msk [tilespmem:v14+s2+$0x0], $0xffff  }
0x760: {  	[tilespmem:s3+$0xFFFFFF20] =	vst v3;
	v3 =	vld.idx.msk [tilespmem:v15+s2+$0x0], $0xffff  }
0x761: {  	[tilespmem:s3+$0xFFFFFF30] =	vst v4;
	v4 =	vld.idx.msk [tilespmem:v16+s2+$0x0], $0xffff  }
0x762: {  	[tilespmem:s3+$0xFFFFFF40] =	vst v0;
	v0 =	vld.idx.msk [tilespmem:v17+s2+$0x0], $0xffff  }
0x763: {  	[tilespmem:s3+$0xFFFFFF50] =	vst v5;
	v5 =	vld.idx.msk [tilespmem:v18+s2+$0x0], $0xffff  }
0x764: {  	[tilespmem:s3+$0xFFFFFF60] =	vst v1;
	v1 =	vld.idx.msk [tilespmem:v19+s2+$0x0], $0xffff  }
0x765: {  	[tilespmem:s3+$0xFFFFFF70] =	vst v2;
	v2 =	vld.idx.msk [tilespmem:v20+s2+$0x0], $0xffff  }
0x766: {  	[tilespmem:s3+$0x0] =	vst v3;
	v3 =	vld.idx.msk [tilespmem:v21+s2+$0x0], $0xffff  }
0x767: {  	[tilespmem:s3+$0x10] =	vst v4;
	v4 =	vld.idx.msk [tilespmem:v22+s2+$0x0], $0xffff  }
0x768: {  	[tilespmem:s3+$0x20] =	vst v0;
	v6 =	vld.idx.msk [tilespmem:v23+s2+$0x0], $0xffff  }
0x769: {  	[tilespmem:s3+$0x30] =	vst v5;
	v0 =	vld.idx.msk [tilespmem:v24+s2+$0x0], $0xffff  }
.Ltmp24:
0x76a: {  	[tilespmem:s3+$0x40] =	vst v1;
	v1 =	vld.idx.msk [tilespmem:v25+s2+$0x0], $0xffff;
	(pc) =	sbr.rel @p0 .LBB2_50-.Ltmp24, $4  }
0x76b: {  	[tilespmem:s3+$0x50] =	vst v2;
	v2 =	vld.idx.msk [tilespmem:v26+s2+$0x0], $0xffff  }
0x76c: {  	[tilespmem:s3+$0x60] =	vst v3;
	v3 =	vld.idx.msk [tilespmem:v27+s2+$0x0], $0xffff  }
0x76d: {  	[tilespmem:s3+$0x70] =	vst v4;
	v4 =	vld.idx.msk [tilespmem:v28+s2+$0x0], $0xffff  }
0x76e: {  	s1 =	sadd.s32 $0x200, s1;
	[tilespmem:s3+$0x100] =	vst v6;
	v5 =	vld.idx.msk [tilespmem:v29+s2+$0x0], $0xffff  }
0x76f: {  	[tilespmem:s3+$0x110] =	vst v0  }
0x770: {  	[tilespmem:s3+$0x120] =	vst v1  }
0x771: {  	[tilespmem:s3+$0x130] =	vst v2  }
0x772: {  	[tilespmem:s3+$0x140] =	vst v3  }
0x773: {  	[tilespmem:s3+$0x150] =	vst v4  }
0x774: {  	s0 =	simm.s32 $0x0;
	s1 =	simm.s32 $0x1C700;
	[tilespmem:s3+$0x160] =	vst v5  }
.LBB2_52:
0x775: {  	p0 =	sne.s32 s0, $0xF80  }
.Ltmp25:
0x776: {  	_ = 	snop;
	(pc) =	sbr.rel @p0 .LBB2_52-.Ltmp25, $4  }
0x777: {  	_ = 	snop  }
0x778: {  	s3 =	sadd.s32 s0, s21  }
0x779: {  	[hbm4b:s3+s2] =	stream.linear.scatter [tilespmem:s1], [sflag:$0x1], $0x80, $0x38;
	[tilespmem:$0x1E700] =	vst v63  }
0x77a: {  	s0 =	sadd.s32 $0x80, s0;
	s1 =	sadd.s32 $0x100, s1  }
0x77b: {  	s0 =	simm.s32 $0x198F0  }
0x77c: {  	v0 =	vld [tilespmem:s0+$0x0]  }
0x77d: {  	v1 =	vld [tilespmem:s0+$0xFFFFFE20]  }
0x77e: {  	v2 =	vld [tilespmem:s0+$0xFFFFFE30]  }
0x77f: {  	v3 =	vld [tilespmem:s0+$0xFFFFFE40]  }
0x780: {  	v4 =	vld [tilespmem:s0+$0xFFFFFE50]  }
0x781: {  	v5 =	vld [tilespmem:s0+$0xFFFFFE60]  }
0x782: {  	v6 =	vld [tilespmem:s0+$0xFFFFFE70]  }
0x783: {  	v7 =	vld [tilespmem:s0+$0xFFFFFE80]  }
0x784: {  	v8 =	vld [tilespmem:s0+$0xFFFFFE90]  }
0x785: {  	v9 =	vld [tilespmem:s0+$0xFFFFFEA0]  }
0x786: {  	v10 =	vld [tilespmem:s0+$0xFFFFFEB0]  }
0x787: {  	v11 =	vld [tilespmem:s0+$0xFFFFFEC0]  }
0x788: {  	v12 =	vld [tilespmem:s0+$0xFFFFFED0]  }
0x789: {  	v13 =	vld [tilespmem:s0+$0xFFFFFEE0]  }
0x78a: {  	v14 =	vld [tilespmem:s0+$0xFFFFFEF0]  }
0x78b: {  	v15 =	vld [tilespmem:s0+$0xFFFFFF00]  }
0x78c: {  	v16 =	vld [tilespmem:s0+$0xFFFFFF10]  }
0x78d: {  	v17 =	vld [tilespmem:s0+$0xFFFFFF20]  }
0x78e: {  	v18 =	vld [tilespmem:s0+$0xFFFFFF30]  }
0x78f: {  	v19 =	vld [tilespmem:s0+$0xFFFFFF40]  }
0x790: {  	v20 =	vld [tilespmem:s0+$0xFFFFFF50]  }
0x791: {  	v21 =	vld [tilespmem:s0+$0xFFFFFF60]  }
0x792: {  	v22 =	vld [tilespmem:s0+$0xFFFFFF70]  }
0x793: {  	v23 =	vld [tilespmem:s0+$0xFFFFFF80]  }
0x794: {  	v24 =	vld [tilespmem:s0+$0xFFFFFF90]  }
0x795: {  	v25 =	vld [tilespmem:s0+$0xFFFFFFA0]  }
0x796: {  	v26 =	vld [tilespmem:s0+$0xFFFFFFB0]  }
0x797: {  	v27 =	vld [tilespmem:s0+$0xFFFFFFC0]  }
0x798: {  	v28 =	vld [tilespmem:s0+$0xFFFFFFD0]  }
0x799: {  	v29 =	vld [tilespmem:s0+$0xFFFFFFE0]  }
0x79a: {  	v30 =	vld [tilespmem:s0+$0xFFFFFFF0]  }
0x79b: {  	v31 =	vld [tilespmem:s0+$0xFFFFFE10]  }
0x79c: {  	v0 =	vld.idx.msk [tilespmem:v0+s2+$0x0], $0xffff  }
0x79d: {  	v1 =	vld.idx.msk [tilespmem:v1+s2+$0x0], $0xffff  }
0x79e: {  	v2 =	vld.idx.msk [tilespmem:v2+s2+$0x0], $0xffff  }
0x79f: {  	v3 =	vld.idx.msk [tilespmem:v3+s2+$0x0], $0xffff  }
0x7a0: {  	v4 =	vld.idx.msk [tilespmem:v4+s2+$0x0], $0xffff  }
0x7a1: {  	s3 =	simm.s32 $0x1C980;
	v5 =	vld.idx.msk [tilespmem:v5+s2+$0x0], $0xffff  }
0x7a2: {  	[tilespmem:s3+$0x170] =	vst v0;
	v0 =	vld.idx.msk [tilespmem:v6+s2+$0x0], $0xffff  }
0x7a3: {  	[tilespmem:s3+$0xFFFFFE10] =	vst v1;
	v1 =	vld.idx.msk [tilespmem:v7+s2+$0x0], $0xffff  }
0x7a4: {  	v6 =	vld.idx.msk [tilespmem:v31+s2+$0x0], $0xffff;
	[tilespmem:s3+$0xFFFFFE20] =	vst v2  }
0x7a5: {  	[tilespmem:s3+$0xFFFFFE30] =	vst v3;
	v2 =	vld.idx.msk [tilespmem:v8+s2+$0x0], $0xffff  }
0x7a6: {  	[tilespmem:s3+$0xFFFFFE40] =	vst v4;
	v3 =	vld.idx.msk [tilespmem:v9+s2+$0x0], $0xffff  }
0x7a7: {  	[tilespmem:s3+$0xFFFFFE50] =	vst v5;
	v4 =	vld.idx.msk [tilespmem:v10+s2+$0x0], $0xffff  }
0x7a8: {  	v5 =	vld.idx.msk [tilespmem:v13+s2+$0x0], $0xffff;
	[tilespmem:s3+$0xFFFFFE60] =	vst v0  }
0x7a9: {  	v7 =	vld.idx.msk [tilespmem:v24+s2+$0x0], $0xffff;
	[tilespmem:s3+$0xFFFFFE70] =	vst v1  }
0x7aa: {  	v0 =	vld.idx.msk [tilespmem:v11+s2+$0x0], $0xffff;
	[tilespmem:s3+$0xFFFFFE00] =	vst v6  }
0x7ab: {  	v1 =	vld.idx.msk [tilespmem:v12+s2+$0x0], $0xffff;
	[tilespmem:s3+$0xFFFFFF00] =	vst v2  }
0x7ac: {  	v2 =	vld.idx.msk [tilespmem:v14+s2+$0x0], $0xffff;
	[tilespmem:s3+$0xFFFFFF10] =	vst v3  }
0x7ad: {  	v3 =	vld.idx.msk [tilespmem:v15+s2+$0x0], $0xffff;
	[tilespmem:s3+$0xFFFFFF20] =	vst v4  }
0x7ae: {  	v4 =	vld.idx.msk [tilespmem:v16+s2+$0x0], $0xffff;
	[tilespmem:s3+$0xFFFFFF50] =	vst v5  }
0x7af: {  	v5 =	vld.idx.msk [tilespmem:v19+s2+$0x0], $0xffff;
	[tilespmem:s3+$0x100] =	vst v7  }
0x7b0: {  	v6 =	vld.idx.msk [tilespmem:v23+s2+$0x0], $0xffff;
	[tilespmem:s3+$0xFFFFFF30] =	vst v0  }
0x7b1: {  	v0 =	vld.idx.msk [tilespmem:v17+s2+$0x0], $0xffff;
	[tilespmem:s3+$0xFFFFFF40] =	vst v1  }
0x7b2: {  	v1 =	vld.idx.msk [tilespmem:v18+s2+$0x0], $0xffff;
	[tilespmem:s3+$0xFFFFFF60] =	vst v2  }
0x7b3: {  	v2 =	vld.idx.msk [tilespmem:v20+s2+$0x0], $0xffff;
	[tilespmem:s3+$0xFFFFFF70] =	vst v3  }
0x7b4: {  	v3 =	vld.idx.msk [tilespmem:v21+s2+$0x0], $0xffff;
	[tilespmem:s3+$0x0] =	vst v4  }
0x7b5: {  	v4 =	vld.idx.msk [tilespmem:v22+s2+$0x0], $0xffff;
	[tilespmem:s3+$0x30] =	vst v5  }
0x7b6: {  	[tilespmem:s3+$0x70] =	vst v6;
	v5 =	vld.idx.msk [tilespmem:v30+s2+$0x0], $0xffff  }
0x7b7: {  	[tilespmem:s3+$0x10] =	vst v0;
	v0 =	vld.idx.msk [tilespmem:v25+s2+$0x0], $0xffff  }
0x7b8: {  	[tilespmem:s3+$0x20] =	vst v1;
	v1 =	vld.idx.msk [tilespmem:v26+s2+$0x0], $0xffff  }
0x7b9: {  	[tilespmem:s3+$0x40] =	vst v2;
	v2 =	vld.idx.msk [tilespmem:v27+s2+$0x0], $0xffff  }
0x7ba: {  	[tilespmem:s3+$0x50] =	vst v3;
	v3 =	vld.idx.msk [tilespmem:v28+s2+$0x0], $0xffff  }
0x7bb: {  	s1 =	simm.s32 $0x19AF0;
	s0 =	simm.s32 $0x100;
	[tilespmem:s3+$0x60] =	vst v4;
	v4 =	vld.idx.msk [tilespmem:v29+s2+$0x0], $0xffff  }
.LBB2_54:
0x7bc: {  	v6 =	vld [tilespmem:s1+$0x0];
	s0 =	sadd.s32 $0x20, s0;
	[tilespmem:s3+$0x110] =	vst v0  }
0x7bd: {  	v0 =	vld [tilespmem:s1+$0xFFFFFE20];
	p0 =	slt.u32 s0, $0x1E0;
	[tilespmem:s3+$0x120] =	vst v1  }
0x7be: {  	v1 =	vld [tilespmem:s1+$0xFFFFFE30];
	[tilespmem:s3+$0x130] =	vst v2  }
0x7bf: {  	v2 =	vld [tilespmem:s1+$0xFFFFFE40];
	[tilespmem:s3+$0x140] =	vst v3  }
0x7c0: {  	v3 =	vld [tilespmem:s1+$0xFFFFFE50];
	[tilespmem:s3+$0x150] =	vst v4  }
0x7c1: {  	v4 =	vld [tilespmem:s1+$0xFFFFFE60];
	[tilespmem:s3+$0x160] =	vst v5  }
0x7c2: {  	v5 =	vld [tilespmem:s1+$0xFFFFFE70]  }
0x7c3: {  	v7 =	vld [tilespmem:s1+$0xFFFFFE80]  }
0x7c4: {  	v6 =	vld.idx.msk [tilespmem:v6+s2+$0x0], $0xffff  }
0x7c5: {  	v8 =	vld [tilespmem:s1+$0xFFFFFE90]  }
0x7c6: {  	v9 =	vld [tilespmem:s1+$0xFFFFFEA0]  }
0x7c7: {  	v10 =	vld [tilespmem:s1+$0xFFFFFEB0]  }
0x7c8: {  	v11 =	vld [tilespmem:s1+$0xFFFFFEC0]  }
0x7c9: {  	s3 =	sadd.s32 $0x400, s3;
	v12 =	vld [tilespmem:s1+$0xFFFFFED0]  }
0x7ca: {  	v13 =	vld [tilespmem:s1+$0xFFFFFEE0];
	[tilespmem:s3+$0x170] =	vst v6  }
0x7cb: {  	v6 =	vld [tilespmem:s1+$0xFFFFFEF0]  }
0x7cc: {  	v14 =	vld [tilespmem:s1+$0xFFFFFF00]  }
0x7cd: {  	v15 =	vld [tilespmem:s1+$0xFFFFFF10]  }
0x7ce: {  	v16 =	vld [tilespmem:s1+$0xFFFFFF20]  }
0x7cf: {  	v17 =	vld [tilespmem:s1+$0xFFFFFF30]  }
0x7d0: {  	v18 =	vld [tilespmem:s1+$0xFFFFFF40]  }
0x7d1: {  	v19 =	vld [tilespmem:s1+$0xFFFFFF50]  }
0x7d2: {  	v20 =	vld [tilespmem:s1+$0xFFFFFF60]  }
0x7d3: {  	v21 =	vld [tilespmem:s1+$0xFFFFFF70]  }
0x7d4: {  	v22 =	vld [tilespmem:s1+$0xFFFFFF80]  }
0x7d5: {  	v23 =	vld [tilespmem:s1+$0xFFFFFF90]  }
0x7d6: {  	v24 =	vld [tilespmem:s1+$0xFFFFFFA0]  }
0x7d7: {  	v25 =	vld [tilespmem:s1+$0xFFFFFFB0]  }
0x7d8: {  	v26 =	vld [tilespmem:s1+$0xFFFFFFC0]  }
0x7d9: {  	v27 =	vld [tilespmem:s1+$0xFFFFFFD0]  }
0x7da: {  	v28 =	vld [tilespmem:s1+$0xFFFFFFE0]  }
0x7db: {  	v29 =	vld [tilespmem:s1+$0xFFFFFFF0]  }
0x7dc: {  	v30 =	vld [tilespmem:s1+$0xFFFFFE10]  }
0x7dd: {  	v0 =	vld.idx.msk [tilespmem:v0+s2+$0x0], $0xffff  }
0x7de: {  	v1 =	vld.idx.msk [tilespmem:v1+s2+$0x0], $0xffff  }
0x7df: {  	v2 =	vld.idx.msk [tilespmem:v2+s2+$0x0], $0xffff  }
0x7e0: {  	v3 =	vld.idx.msk [tilespmem:v3+s2+$0x0], $0xffff  }
0x7e1: {  	v4 =	vld.idx.msk [tilespmem:v4+s2+$0x0], $0xffff  }
0x7e2: {  	v5 =	vld.idx.msk [tilespmem:v5+s2+$0x0], $0xffff  }
0x7e3: {  	[tilespmem:s3+$0xFFFFFE10] =	vst v0;
	v0 =	vld.idx.msk [tilespmem:v7+s2+$0x0], $0xffff  }
0x7e4: {  	v7 =	vld.idx.msk [tilespmem:v30+s2+$0x0], $0xffff;
	[tilespmem:s3+$0xFFFFFE20] =	vst v1  }
0x7e5: {  	[tilespmem:s3+$0xFFFFFE30] =	vst v2;
	v1 =	vld.idx.msk [tilespmem:v8+s2+$0x0], $0xffff  }
0x7e6: {  	[tilespmem:s3+$0xFFFFFE40] =	vst v3;
	v2 =	vld.idx.msk [tilespmem:v9+s2+$0x0], $0xffff  }
0x7e7: {  	[tilespmem:s3+$0xFFFFFE50] =	vst v4;
	v3 =	vld.idx.msk [tilespmem:v10+s2+$0x0], $0xffff  }
0x7e8: {  	[tilespmem:s3+$0xFFFFFE60] =	vst v5;
	v4 =	vld.idx.msk [tilespmem:v11+s2+$0x0], $0xffff  }
0x7e9: {  	[tilespmem:s3+$0xFFFFFE70] =	vst v0;
	v0 =	vld.idx.msk [tilespmem:v12+s2+$0x0], $0xffff  }
0x7ea: {  	[tilespmem:s3+$0xFFFFFE00] =	vst v7;
	v5 =	vld.idx.msk [tilespmem:v13+s2+$0x0], $0xffff  }
0x7eb: {  	[tilespmem:s3+$0xFFFFFF00] =	vst v1;
	v1 =	vld.idx.msk [tilespmem:v6+s2+$0x0], $0xffff  }
0x7ec: {  	[tilespmem:s3+$0xFFFFFF10] =	vst v2;
	v2 =	vld.idx.msk [tilespmem:v14+s2+$0x0], $0xffff  }
0x7ed: {  	[tilespmem:s3+$0xFFFFFF20] =	vst v3;
	v3 =	vld.idx.msk [tilespmem:v15+s2+$0x0], $0xffff  }
0x7ee: {  	[tilespmem:s3+$0xFFFFFF30] =	vst v4;
	v4 =	vld.idx.msk [tilespmem:v16+s2+$0x0], $0xffff  }
0x7ef: {  	[tilespmem:s3+$0xFFFFFF40] =	vst v0;
	v0 =	vld.idx.msk [tilespmem:v17+s2+$0x0], $0xffff  }
0x7f0: {  	[tilespmem:s3+$0xFFFFFF50] =	vst v5;
	v5 =	vld.idx.msk [tilespmem:v18+s2+$0x0], $0xffff  }
0x7f1: {  	[tilespmem:s3+$0xFFFFFF60] =	vst v1;
	v1 =	vld.idx.msk [tilespmem:v19+s2+$0x0], $0xffff  }
0x7f2: {  	[tilespmem:s3+$0xFFFFFF70] =	vst v2;
	v2 =	vld.idx.msk [tilespmem:v20+s2+$0x0], $0xffff  }
0x7f3: {  	[tilespmem:s3+$0x0] =	vst v3;
	v3 =	vld.idx.msk [tilespmem:v21+s2+$0x0], $0xffff  }
0x7f4: {  	[tilespmem:s3+$0x10] =	vst v4;
	v4 =	vld.idx.msk [tilespmem:v22+s2+$0x0], $0xffff  }
0x7f5: {  	[tilespmem:s3+$0x20] =	vst v0;
	v6 =	vld.idx.msk [tilespmem:v23+s2+$0x0], $0xffff  }
0x7f6: {  	[tilespmem:s3+$0x30] =	vst v5;
	v0 =	vld.idx.msk [tilespmem:v24+s2+$0x0], $0xffff  }
.Ltmp26:
0x7f7: {  	[tilespmem:s3+$0x40] =	vst v1;
	v1 =	vld.idx.msk [tilespmem:v25+s2+$0x0], $0xffff;
	(pc) =	sbr.rel @p0 .LBB2_54-.Ltmp26, $4  }
0x7f8: {  	[tilespmem:s3+$0x50] =	vst v2;
	v2 =	vld.idx.msk [tilespmem:v26+s2+$0x0], $0xffff  }
0x7f9: {  	[tilespmem:s3+$0x60] =	vst v3;
	v3 =	vld.idx.msk [tilespmem:v27+s2+$0x0], $0xffff  }
0x7fa: {  	[tilespmem:s3+$0x70] =	vst v4;
	v4 =	vld.idx.msk [tilespmem:v28+s2+$0x0], $0xffff  }
0x7fb: {  	s1 =	sadd.s32 $0x200, s1;
	[tilespmem:s3+$0x100] =	vst v6;
	v5 =	vld.idx.msk [tilespmem:v29+s2+$0x0], $0xffff  }
0x7fc: {  	[tilespmem:s3+$0x110] =	vst v0  }
0x7fd: {  	[tilespmem:s3+$0x120] =	vst v1  }
0x7fe: {  	[tilespmem:s3+$0x130] =	vst v2  }
0x7ff: {  	[tilespmem:s3+$0x140] =	vst v3  }
0x800: {  	[tilespmem:s3+$0x150] =	vst v4  }
0x801: {  	[tilespmem:s3+$0x160] =	vst v5  }
0x802: {  	_ =	swait.ge [sflag:s31], $0x1000  }
0x803: {  	[sflag:s31] =	ssyncset.done $0x0  }
0x804: {  	s0 =	simm.s32 $0x0;
	s1 =	simm.s32 $0x1C780;
	[sflag:s31] =	ssyncadd.s32 $0xFFFFF000  }
.LBB2_56:
0x805: {  	p0 =	sne.s32 s0, $0xF80  }
.Ltmp27:
0x806: {  	_ = 	snop;
	(pc) =	sbr.rel @p0 .LBB2_56-.Ltmp27, $4  }
0x807: {  	_ = 	snop  }
0x808: {  	s3 =	sadd.s32 s0, s22  }
0x809: {  	[hbm4b:s3+s2] =	stream.linear.scatter [tilespmem:s1], [sflag:$0x1], $0x80, $0x38;
	[tilespmem:$0x1E700] =	vst v63  }
0x80a: {  	s0 =	sadd.s32 $0x80, s0;
	s1 =	sadd.s32 $0x100, s1  }
0x80b: {  	s0 =	simm.s32 $0x1A8F0  }
0x80c: {  	v0 =	vld [tilespmem:s0+$0x0]  }
0x80d: {  	v1 =	vld [tilespmem:s0+$0xFFFFFE20]  }
0x80e: {  	v2 =	vld [tilespmem:s0+$0xFFFFFE30]  }
0x80f: {  	v3 =	vld [tilespmem:s0+$0xFFFFFE40]  }
0x810: {  	v4 =	vld [tilespmem:s0+$0xFFFFFE50]  }
0x811: {  	v5 =	vld [tilespmem:s0+$0xFFFFFE60]  }
0x812: {  	v6 =	vld [tilespmem:s0+$0xFFFFFE70]  }
0x813: {  	v7 =	vld [tilespmem:s0+$0xFFFFFE80]  }
0x814: {  	v8 =	vld [tilespmem:s0+$0xFFFFFE90]  }
0x815: {  	v9 =	vld [tilespmem:s0+$0xFFFFFEA0]  }
0x816: {  	v10 =	vld [tilespmem:s0+$0xFFFFFEB0]  }
0x817: {  	v11 =	vld [tilespmem:s0+$0xFFFFFEC0]  }
0x818: {  	v12 =	vld [tilespmem:s0+$0xFFFFFED0]  }
0x819: {  	v13 =	vld [tilespmem:s0+$0xFFFFFEE0]  }
0x81a: {  	v14 =	vld [tilespmem:s0+$0xFFFFFEF0]  }
0x81b: {  	v15 =	vld [tilespmem:s0+$0xFFFFFF00]  }
0x81c: {  	v16 =	vld [tilespmem:s0+$0xFFFFFF10]  }
0x81d: {  	v17 =	vld [tilespmem:s0+$0xFFFFFF20]  }
0x81e: {  	v18 =	vld [tilespmem:s0+$0xFFFFFF30]  }
0x81f: {  	v19 =	vld [tilespmem:s0+$0xFFFFFF40]  }
0x820: {  	v20 =	vld [tilespmem:s0+$0xFFFFFF50]  }
0x821: {  	v21 =	vld [tilespmem:s0+$0xFFFFFF60]  }
0x822: {  	v22 =	vld [tilespmem:s0+$0xFFFFFF70]  }
0x823: {  	v23 =	vld [tilespmem:s0+$0xFFFFFF80]  }
0x824: {  	v24 =	vld [tilespmem:s0+$0xFFFFFF90]  }
0x825: {  	v25 =	vld [tilespmem:s0+$0xFFFFFFA0]  }
0x826: {  	v26 =	vld [tilespmem:s0+$0xFFFFFFB0]  }
0x827: {  	v27 =	vld [tilespmem:s0+$0xFFFFFFC0]  }
0x828: {  	v28 =	vld [tilespmem:s0+$0xFFFFFFD0]  }
0x829: {  	v29 =	vld [tilespmem:s0+$0xFFFFFFE0]  }
0x82a: {  	v30 =	vld [tilespmem:s0+$0xFFFFFFF0]  }
0x82b: {  	v31 =	vld [tilespmem:s0+$0xFFFFFE10]  }
0x82c: {  	v0 =	vld.idx.msk [tilespmem:v0+s2+$0x0], $0xffff  }
0x82d: {  	v1 =	vld.idx.msk [tilespmem:v1+s2+$0x0], $0xffff  }
0x82e: {  	v2 =	vld.idx.msk [tilespmem:v2+s2+$0x0], $0xffff  }
0x82f: {  	v3 =	vld.idx.msk [tilespmem:v3+s2+$0x0], $0xffff  }
0x830: {  	v4 =	vld.idx.msk [tilespmem:v4+s2+$0x0], $0xffff  }
0x831: {  	s3 =	simm.s32 $0x1C900;
	v5 =	vld.idx.msk [tilespmem:v5+s2+$0x0], $0xffff  }
0x832: {  	[tilespmem:s3+$0x170] =	vst v0;
	v0 =	vld.idx.msk [tilespmem:v6+s2+$0x0], $0xffff  }
0x833: {  	[tilespmem:s3+$0xFFFFFE10] =	vst v1;
	v1 =	vld.idx.msk [tilespmem:v7+s2+$0x0], $0xffff  }
0x834: {  	v6 =	vld.idx.msk [tilespmem:v31+s2+$0x0], $0xffff;
	[tilespmem:s3+$0xFFFFFE20] =	vst v2  }
0x835: {  	[tilespmem:s3+$0xFFFFFE30] =	vst v3;
	v2 =	vld.idx.msk [tilespmem:v8+s2+$0x0], $0xffff  }
0x836: {  	[tilespmem:s3+$0xFFFFFE40] =	vst v4;
	v3 =	vld.idx.msk [tilespmem:v9+s2+$0x0], $0xffff  }
0x837: {  	[tilespmem:s3+$0xFFFFFE50] =	vst v5;
	v4 =	vld.idx.msk [tilespmem:v10+s2+$0x0], $0xffff  }
0x838: {  	v5 =	vld.idx.msk [tilespmem:v13+s2+$0x0], $0xffff;
	[tilespmem:s3+$0xFFFFFE60] =	vst v0  }
0x839: {  	v7 =	vld.idx.msk [tilespmem:v24+s2+$0x0], $0xffff;
	[tilespmem:s3+$0xFFFFFE70] =	vst v1  }
0x83a: {  	v0 =	vld.idx.msk [tilespmem:v11+s2+$0x0], $0xffff;
	[tilespmem:s3+$0xFFFFFE00] =	vst v6  }
0x83b: {  	v1 =	vld.idx.msk [tilespmem:v12+s2+$0x0], $0xffff;
	[tilespmem:s3+$0xFFFFFF00] =	vst v2  }
0x83c: {  	v2 =	vld.idx.msk [tilespmem:v14+s2+$0x0], $0xffff;
	[tilespmem:s3+$0xFFFFFF10] =	vst v3  }
0x83d: {  	v3 =	vld.idx.msk [tilespmem:v15+s2+$0x0], $0xffff;
	[tilespmem:s3+$0xFFFFFF20] =	vst v4  }
0x83e: {  	v4 =	vld.idx.msk [tilespmem:v16+s2+$0x0], $0xffff;
	[tilespmem:s3+$0xFFFFFF50] =	vst v5  }
0x83f: {  	v5 =	vld.idx.msk [tilespmem:v19+s2+$0x0], $0xffff;
	[tilespmem:s3+$0x100] =	vst v7  }
0x840: {  	v6 =	vld.idx.msk [tilespmem:v23+s2+$0x0], $0xffff;
	[tilespmem:s3+$0xFFFFFF30] =	vst v0  }
0x841: {  	v0 =	vld.idx.msk [tilespmem:v17+s2+$0x0], $0xffff;
	[tilespmem:s3+$0xFFFFFF40] =	vst v1  }
0x842: {  	v1 =	vld.idx.msk [tilespmem:v18+s2+$0x0], $0xffff;
	[tilespmem:s3+$0xFFFFFF60] =	vst v2  }
0x843: {  	v2 =	vld.idx.msk [tilespmem:v20+s2+$0x0], $0xffff;
	[tilespmem:s3+$0xFFFFFF70] =	vst v3  }
0x844: {  	v3 =	vld.idx.msk [tilespmem:v21+s2+$0x0], $0xffff;
	[tilespmem:s3+$0x0] =	vst v4  }
0x845: {  	v4 =	vld.idx.msk [tilespmem:v22+s2+$0x0], $0xffff;
	[tilespmem:s3+$0x30] =	vst v5  }
0x846: {  	[tilespmem:s3+$0x70] =	vst v6;
	v5 =	vld.idx.msk [tilespmem:v30+s2+$0x0], $0xffff  }
0x847: {  	[tilespmem:s3+$0x10] =	vst v0;
	v0 =	vld.idx.msk [tilespmem:v25+s2+$0x0], $0xffff  }
0x848: {  	[tilespmem:s3+$0x20] =	vst v1;
	v1 =	vld.idx.msk [tilespmem:v26+s2+$0x0], $0xffff  }
0x849: {  	[tilespmem:s3+$0x40] =	vst v2;
	v2 =	vld.idx.msk [tilespmem:v27+s2+$0x0], $0xffff  }
0x84a: {  	[tilespmem:s3+$0x50] =	vst v3;
	v3 =	vld.idx.msk [tilespmem:v28+s2+$0x0], $0xffff  }
0x84b: {  	s1 =	simm.s32 $0x1AAF0;
	s0 =	simm.s32 $0x200;
	[tilespmem:s3+$0x60] =	vst v4;
	v4 =	vld.idx.msk [tilespmem:v29+s2+$0x0], $0xffff  }
.LBB2_58:
0x84c: {  	v6 =	vld [tilespmem:s1+$0x0];
	s0 =	sadd.s32 $0x20, s0;
	[tilespmem:s3+$0x110] =	vst v0  }
0x84d: {  	v0 =	vld [tilespmem:s1+$0xFFFFFE20];
	p0 =	slt.u32 s0, $0x2E0;
	[tilespmem:s3+$0x120] =	vst v1  }
0x84e: {  	v1 =	vld [tilespmem:s1+$0xFFFFFE30];
	[tilespmem:s3+$0x130] =	vst v2  }
0x84f: {  	v2 =	vld [tilespmem:s1+$0xFFFFFE40];
	[tilespmem:s3+$0x140] =	vst v3  }
0x850: {  	v3 =	vld [tilespmem:s1+$0xFFFFFE50];
	[tilespmem:s3+$0x150] =	vst v4  }
0x851: {  	v4 =	vld [tilespmem:s1+$0xFFFFFE60];
	[tilespmem:s3+$0x160] =	vst v5  }
0x852: {  	v5 =	vld [tilespmem:s1+$0xFFFFFE70]  }
0x853: {  	v7 =	vld [tilespmem:s1+$0xFFFFFE80]  }
0x854: {  	v6 =	vld.idx.msk [tilespmem:v6+s2+$0x0], $0xffff  }
0x855: {  	v8 =	vld [tilespmem:s1+$0xFFFFFE90]  }
0x856: {  	v9 =	vld [tilespmem:s1+$0xFFFFFEA0]  }
0x857: {  	v10 =	vld [tilespmem:s1+$0xFFFFFEB0]  }
0x858: {  	v11 =	vld [tilespmem:s1+$0xFFFFFEC0]  }
0x859: {  	s3 =	sadd.s32 $0x400, s3;
	v12 =	vld [tilespmem:s1+$0xFFFFFED0]  }
0x85a: {  	v13 =	vld [tilespmem:s1+$0xFFFFFEE0];
	[tilespmem:s3+$0x170] =	vst v6  }
0x85b: {  	v6 =	vld [tilespmem:s1+$0xFFFFFEF0]  }
0x85c: {  	v14 =	vld [tilespmem:s1+$0xFFFFFF00]  }
0x85d: {  	v15 =	vld [tilespmem:s1+$0xFFFFFF10]  }
0x85e: {  	v16 =	vld [tilespmem:s1+$0xFFFFFF20]  }
0x85f: {  	v17 =	vld [tilespmem:s1+$0xFFFFFF30]  }
0x860: {  	v18 =	vld [tilespmem:s1+$0xFFFFFF40]  }
0x861: {  	v19 =	vld [tilespmem:s1+$0xFFFFFF50]  }
0x862: {  	v20 =	vld [tilespmem:s1+$0xFFFFFF60]  }
0x863: {  	v21 =	vld [tilespmem:s1+$0xFFFFFF70]  }
0x864: {  	v22 =	vld [tilespmem:s1+$0xFFFFFF80]  }
0x865: {  	v23 =	vld [tilespmem:s1+$0xFFFFFF90]  }
0x866: {  	v24 =	vld [tilespmem:s1+$0xFFFFFFA0]  }
0x867: {  	v25 =	vld [tilespmem:s1+$0xFFFFFFB0]  }
0x868: {  	v26 =	vld [tilespmem:s1+$0xFFFFFFC0]  }
0x869: {  	v27 =	vld [tilespmem:s1+$0xFFFFFFD0]  }
0x86a: {  	v28 =	vld [tilespmem:s1+$0xFFFFFFE0]  }
0x86b: {  	v29 =	vld [tilespmem:s1+$0xFFFFFFF0]  }
0x86c: {  	v30 =	vld [tilespmem:s1+$0xFFFFFE10]  }
0x86d: {  	v0 =	vld.idx.msk [tilespmem:v0+s2+$0x0], $0xffff  }
0x86e: {  	v1 =	vld.idx.msk [tilespmem:v1+s2+$0x0], $0xffff  }
0x86f: {  	v2 =	vld.idx.msk [tilespmem:v2+s2+$0x0], $0xffff  }
0x870: {  	v3 =	vld.idx.msk [tilespmem:v3+s2+$0x0], $0xffff  }
0x871: {  	v4 =	vld.idx.msk [tilespmem:v4+s2+$0x0], $0xffff  }
0x872: {  	v5 =	vld.idx.msk [tilespmem:v5+s2+$0x0], $0xffff  }
0x873: {  	[tilespmem:s3+$0xFFFFFE10] =	vst v0;
	v0 =	vld.idx.msk [tilespmem:v7+s2+$0x0], $0xffff  }
0x874: {  	v7 =	vld.idx.msk [tilespmem:v30+s2+$0x0], $0xffff;
	[tilespmem:s3+$0xFFFFFE20] =	vst v1  }
0x875: {  	[tilespmem:s3+$0xFFFFFE30] =	vst v2;
	v1 =	vld.idx.msk [tilespmem:v8+s2+$0x0], $0xffff  }
0x876: {  	[tilespmem:s3+$0xFFFFFE40] =	vst v3;
	v2 =	vld.idx.msk [tilespmem:v9+s2+$0x0], $0xffff  }
0x877: {  	[tilespmem:s3+$0xFFFFFE50] =	vst v4;
	v3 =	vld.idx.msk [tilespmem:v10+s2+$0x0], $0xffff  }
0x878: {  	[tilespmem:s3+$0xFFFFFE60] =	vst v5;
	v4 =	vld.idx.msk [tilespmem:v11+s2+$0x0], $0xffff  }
0x879: {  	[tilespmem:s3+$0xFFFFFE70] =	vst v0;
	v0 =	vld.idx.msk [tilespmem:v12+s2+$0x0], $0xffff  }
0x87a: {  	[tilespmem:s3+$0xFFFFFE00] =	vst v7;
	v5 =	vld.idx.msk [tilespmem:v13+s2+$0x0], $0xffff  }
0x87b: {  	[tilespmem:s3+$0xFFFFFF00] =	vst v1;
	v1 =	vld.idx.msk [tilespmem:v6+s2+$0x0], $0xffff  }
0x87c: {  	[tilespmem:s3+$0xFFFFFF10] =	vst v2;
	v2 =	vld.idx.msk [tilespmem:v14+s2+$0x0], $0xffff  }
0x87d: {  	[tilespmem:s3+$0xFFFFFF20] =	vst v3;
	v3 =	vld.idx.msk [tilespmem:v15+s2+$0x0], $0xffff  }
0x87e: {  	[tilespmem:s3+$0xFFFFFF30] =	vst v4;
	v4 =	vld.idx.msk [tilespmem:v16+s2+$0x0], $0xffff  }
0x87f: {  	[tilespmem:s3+$0xFFFFFF40] =	vst v0;
	v0 =	vld.idx.msk [tilespmem:v17+s2+$0x0], $0xffff  }
0x880: {  	[tilespmem:s3+$0xFFFFFF50] =	vst v5;
	v5 =	vld.idx.msk [tilespmem:v18+s2+$0x0], $0xffff  }
0x881: {  	[tilespmem:s3+$0xFFFFFF60] =	vst v1;
	v1 =	vld.idx.msk [tilespmem:v19+s2+$0x0], $0xffff  }
0x882: {  	[tilespmem:s3+$0xFFFFFF70] =	vst v2;
	v2 =	vld.idx.msk [tilespmem:v20+s2+$0x0], $0xffff  }
0x883: {  	[tilespmem:s3+$0x0] =	vst v3;
	v3 =	vld.idx.msk [tilespmem:v21+s2+$0x0], $0xffff  }
0x884: {  	[tilespmem:s3+$0x10] =	vst v4;
	v4 =	vld.idx.msk [tilespmem:v22+s2+$0x0], $0xffff  }
0x885: {  	[tilespmem:s3+$0x20] =	vst v0;
	v6 =	vld.idx.msk [tilespmem:v23+s2+$0x0], $0xffff  }
0x886: {  	[tilespmem:s3+$0x30] =	vst v5;
	v0 =	vld.idx.msk [tilespmem:v24+s2+$0x0], $0xffff  }
.Ltmp28:
0x887: {  	[tilespmem:s3+$0x40] =	vst v1;
	v1 =	vld.idx.msk [tilespmem:v25+s2+$0x0], $0xffff;
	(pc) =	sbr.rel @p0 .LBB2_58-.Ltmp28, $4  }
0x888: {  	[tilespmem:s3+$0x50] =	vst v2;
	v2 =	vld.idx.msk [tilespmem:v26+s2+$0x0], $0xffff  }
0x889: {  	[tilespmem:s3+$0x60] =	vst v3;
	v3 =	vld.idx.msk [tilespmem:v27+s2+$0x0], $0xffff  }
0x88a: {  	[tilespmem:s3+$0x70] =	vst v4;
	v4 =	vld.idx.msk [tilespmem:v28+s2+$0x0], $0xffff  }
0x88b: {  	s1 =	sadd.s32 $0x200, s1;
	[tilespmem:s3+$0x100] =	vst v6;
	v5 =	vld.idx.msk [tilespmem:v29+s2+$0x0], $0xffff  }
0x88c: {  	[tilespmem:s3+$0x110] =	vst v0  }
0x88d: {  	[tilespmem:s3+$0x120] =	vst v1  }
0x88e: {  	[tilespmem:s3+$0x130] =	vst v2  }
0x88f: {  	[tilespmem:s3+$0x140] =	vst v3  }
0x890: {  	[tilespmem:s3+$0x150] =	vst v4  }
0x891: {  	[tilespmem:s3+$0x160] =	vst v5  }
0x892: {  	_ =	swait.ge [sflag:s31], $0x1000  }
0x893: {  	[sflag:s31] =	ssyncset.done $0x0  }
0x894: {  	s0 =	simm.s32 $0x0;
	s1 =	simm.s32 $0x1C700;
	[sflag:s31] =	ssyncadd.s32 $0xFFFFF000  }
.LBB2_60:
0x895: {  	p0 =	sne.s32 s0, $0xF80  }
.Ltmp29:
0x896: {  	_ = 	snop;
	(pc) =	sbr.rel @p0 .LBB2_60-.Ltmp29, $4  }
0x897: {  	_ = 	snop  }
0x898: {  	s3 =	sadd.s32 s0, s23  }
0x899: {  	[hbm4b:s3+s2] =	stream.linear.scatter [tilespmem:s1], [sflag:$0x1], $0x80, $0x38;
	[tilespmem:$0x1E700] =	vst v63  }
0x89a: {  	s0 =	sadd.s32 $0x80, s0;
	s1 =	sadd.s32 $0x100, s1  }
0x89b: {  	s0 =	simm.s32 $0x1B8F0  }
0x89c: {  	v0 =	vld [tilespmem:s0+$0x0]  }
0x89d: {  	v1 =	vld [tilespmem:s0+$0xFFFFFE20]  }
0x89e: {  	v2 =	vld [tilespmem:s0+$0xFFFFFE30]  }
0x89f: {  	v3 =	vld [tilespmem:s0+$0xFFFFFE40]  }
0x8a0: {  	v4 =	vld [tilespmem:s0+$0xFFFFFE50]  }
0x8a1: {  	v5 =	vld [tilespmem:s0+$0xFFFFFE60]  }
0x8a2: {  	v6 =	vld [tilespmem:s0+$0xFFFFFE70]  }
0x8a3: {  	v7 =	vld [tilespmem:s0+$0xFFFFFE80]  }
0x8a4: {  	v8 =	vld [tilespmem:s0+$0xFFFFFE90]  }
0x8a5: {  	v9 =	vld [tilespmem:s0+$0xFFFFFEA0]  }
0x8a6: {  	v10 =	vld [tilespmem:s0+$0xFFFFFEB0]  }
0x8a7: {  	v11 =	vld [tilespmem:s0+$0xFFFFFEC0]  }
0x8a8: {  	v12 =	vld [tilespmem:s0+$0xFFFFFED0]  }
0x8a9: {  	v13 =	vld [tilespmem:s0+$0xFFFFFEE0]  }
0x8aa: {  	v14 =	vld [tilespmem:s0+$0xFFFFFEF0]  }
0x8ab: {  	v15 =	vld [tilespmem:s0+$0xFFFFFF00]  }
0x8ac: {  	v16 =	vld [tilespmem:s0+$0xFFFFFF10]  }
0x8ad: {  	v17 =	vld [tilespmem:s0+$0xFFFFFF20]  }
0x8ae: {  	v18 =	vld [tilespmem:s0+$0xFFFFFF30]  }
0x8af: {  	v19 =	vld [tilespmem:s0+$0xFFFFFF40]  }
0x8b0: {  	v20 =	vld [tilespmem:s0+$0xFFFFFF50]  }
0x8b1: {  	v21 =	vld [tilespmem:s0+$0xFFFFFF60]  }
0x8b2: {  	v22 =	vld [tilespmem:s0+$0xFFFFFF70]  }
0x8b3: {  	v23 =	vld [tilespmem:s0+$0xFFFFFF80]  }
0x8b4: {  	v24 =	vld [tilespmem:s0+$0xFFFFFF90]  }
0x8b5: {  	v25 =	vld [tilespmem:s0+$0xFFFFFFA0]  }
0x8b6: {  	v26 =	vld [tilespmem:s0+$0xFFFFFFB0]  }
0x8b7: {  	v27 =	vld [tilespmem:s0+$0xFFFFFFC0]  }
0x8b8: {  	v28 =	vld [tilespmem:s0+$0xFFFFFFD0]  }
0x8b9: {  	v29 =	vld [tilespmem:s0+$0xFFFFFFE0]  }
0x8ba: {  	v30 =	vld [tilespmem:s0+$0xFFFFFFF0]  }
0x8bb: {  	v31 =	vld [tilespmem:s0+$0xFFFFFE10]  }
0x8bc: {  	v0 =	vld.idx.msk [tilespmem:v0+s2+$0x0], $0xffff  }
0x8bd: {  	v1 =	vld.idx.msk [tilespmem:v1+s2+$0x0], $0xffff  }
0x8be: {  	v2 =	vld.idx.msk [tilespmem:v2+s2+$0x0], $0xffff  }
0x8bf: {  	v3 =	vld.idx.msk [tilespmem:v3+s2+$0x0], $0xffff  }
0x8c0: {  	v4 =	vld.idx.msk [tilespmem:v4+s2+$0x0], $0xffff  }
0x8c1: {  	s3 =	simm.s32 $0x1C980;
	v5 =	vld.idx.msk [tilespmem:v5+s2+$0x0], $0xffff  }
0x8c2: {  	[tilespmem:s3+$0x170] =	vst v0;
	v0 =	vld.idx.msk [tilespmem:v6+s2+$0x0], $0xffff  }
0x8c3: {  	[tilespmem:s3+$0xFFFFFE10] =	vst v1;
	v1 =	vld.idx.msk [tilespmem:v7+s2+$0x0], $0xffff  }
0x8c4: {  	v6 =	vld.idx.msk [tilespmem:v31+s2+$0x0], $0xffff;
	[tilespmem:s3+$0xFFFFFE20] =	vst v2  }
0x8c5: {  	[tilespmem:s3+$0xFFFFFE30] =	vst v3;
	v2 =	vld.idx.msk [tilespmem:v8+s2+$0x0], $0xffff  }
0x8c6: {  	[tilespmem:s3+$0xFFFFFE40] =	vst v4;
	v3 =	vld.idx.msk [tilespmem:v9+s2+$0x0], $0xffff  }
0x8c7: {  	[tilespmem:s3+$0xFFFFFE50] =	vst v5;
	v4 =	vld.idx.msk [tilespmem:v10+s2+$0x0], $0xffff  }
0x8c8: {  	v5 =	vld.idx.msk [tilespmem:v13+s2+$0x0], $0xffff;
	[tilespmem:s3+$0xFFFFFE60] =	vst v0  }
0x8c9: {  	v7 =	vld.idx.msk [tilespmem:v24+s2+$0x0], $0xffff;
	[tilespmem:s3+$0xFFFFFE70] =	vst v1  }
0x8ca: {  	v0 =	vld.idx.msk [tilespmem:v11+s2+$0x0], $0xffff;
	[tilespmem:s3+$0xFFFFFE00] =	vst v6  }
0x8cb: {  	v1 =	vld.idx.msk [tilespmem:v12+s2+$0x0], $0xffff;
	[tilespmem:s3+$0xFFFFFF00] =	vst v2  }
0x8cc: {  	v2 =	vld.idx.msk [tilespmem:v14+s2+$0x0], $0xffff;
	[tilespmem:s3+$0xFFFFFF10] =	vst v3  }
0x8cd: {  	v3 =	vld.idx.msk [tilespmem:v15+s2+$0x0], $0xffff;
	[tilespmem:s3+$0xFFFFFF20] =	vst v4  }
0x8ce: {  	v4 =	vld.idx.msk [tilespmem:v16+s2+$0x0], $0xffff;
	[tilespmem:s3+$0xFFFFFF50] =	vst v5  }
0x8cf: {  	v5 =	vld.idx.msk [tilespmem:v19+s2+$0x0], $0xffff;
	[tilespmem:s3+$0x100] =	vst v7  }
0x8d0: {  	v6 =	vld.idx.msk [tilespmem:v23+s2+$0x0], $0xffff;
	[tilespmem:s3+$0xFFFFFF30] =	vst v0  }
0x8d1: {  	v0 =	vld.idx.msk [tilespmem:v17+s2+$0x0], $0xffff;
	[tilespmem:s3+$0xFFFFFF40] =	vst v1  }
0x8d2: {  	v1 =	vld.idx.msk [tilespmem:v18+s2+$0x0], $0xffff;
	[tilespmem:s3+$0xFFFFFF60] =	vst v2  }
0x8d3: {  	v2 =	vld.idx.msk [tilespmem:v20+s2+$0x0], $0xffff;
	[tilespmem:s3+$0xFFFFFF70] =	vst v3  }
0x8d4: {  	v3 =	vld.idx.msk [tilespmem:v21+s2+$0x0], $0xffff;
	[tilespmem:s3+$0x0] =	vst v4  }
0x8d5: {  	v4 =	vld.idx.msk [tilespmem:v22+s2+$0x0], $0xffff;
	[tilespmem:s3+$0x30] =	vst v5  }
0x8d6: {  	[tilespmem:s3+$0x70] =	vst v6;
	v5 =	vld.idx.msk [tilespmem:v30+s2+$0x0], $0xffff  }
0x8d7: {  	[tilespmem:s3+$0x10] =	vst v0;
	v0 =	vld.idx.msk [tilespmem:v25+s2+$0x0], $0xffff  }
0x8d8: {  	[tilespmem:s3+$0x20] =	vst v1;
	v1 =	vld.idx.msk [tilespmem:v26+s2+$0x0], $0xffff  }
0x8d9: {  	[tilespmem:s3+$0x40] =	vst v2;
	v2 =	vld.idx.msk [tilespmem:v27+s2+$0x0], $0xffff  }
0x8da: {  	[tilespmem:s3+$0x50] =	vst v3;
	v3 =	vld.idx.msk [tilespmem:v28+s2+$0x0], $0xffff  }
0x8db: {  	s1 =	simm.s32 $0x1BAF0;
	s0 =	simm.s32 $0x300;
	[tilespmem:s3+$0x60] =	vst v4;
	v4 =	vld.idx.msk [tilespmem:v29+s2+$0x0], $0xffff  }
.LBB2_62:
0x8dc: {  	v6 =	vld [tilespmem:s1+$0x0];
	s0 =	sadd.s32 $0x20, s0;
	[tilespmem:s3+$0x110] =	vst v0  }
0x8dd: {  	v0 =	vld [tilespmem:s1+$0xFFFFFE20];
	p0 =	slt.u32 s0, $0x3E0;
	[tilespmem:s3+$0x120] =	vst v1  }
0x8de: {  	v1 =	vld [tilespmem:s1+$0xFFFFFE30];
	[tilespmem:s3+$0x130] =	vst v2  }
0x8df: {  	v2 =	vld [tilespmem:s1+$0xFFFFFE40];
	[tilespmem:s3+$0x140] =	vst v3  }
0x8e0: {  	v3 =	vld [tilespmem:s1+$0xFFFFFE50];
	[tilespmem:s3+$0x150] =	vst v4  }
0x8e1: {  	v4 =	vld [tilespmem:s1+$0xFFFFFE60];
	[tilespmem:s3+$0x160] =	vst v5  }
0x8e2: {  	v5 =	vld [tilespmem:s1+$0xFFFFFE70]  }
0x8e3: {  	v7 =	vld [tilespmem:s1+$0xFFFFFE80]  }
0x8e4: {  	v6 =	vld.idx.msk [tilespmem:v6+s2+$0x0], $0xffff  }
0x8e5: {  	v8 =	vld [tilespmem:s1+$0xFFFFFE90]  }
0x8e6: {  	v9 =	vld [tilespmem:s1+$0xFFFFFEA0]  }
0x8e7: {  	v10 =	vld [tilespmem:s1+$0xFFFFFEB0]  }
0x8e8: {  	v11 =	vld [tilespmem:s1+$0xFFFFFEC0]  }
0x8e9: {  	s3 =	sadd.s32 $0x400, s3;
	v12 =	vld [tilespmem:s1+$0xFFFFFED0]  }
0x8ea: {  	v13 =	vld [tilespmem:s1+$0xFFFFFEE0];
	[tilespmem:s3+$0x170] =	vst v6  }
0x8eb: {  	v6 =	vld [tilespmem:s1+$0xFFFFFEF0]  }
0x8ec: {  	v14 =	vld [tilespmem:s1+$0xFFFFFF00]  }
0x8ed: {  	v15 =	vld [tilespmem:s1+$0xFFFFFF10]  }
0x8ee: {  	v16 =	vld [tilespmem:s1+$0xFFFFFF20]  }
0x8ef: {  	v17 =	vld [tilespmem:s1+$0xFFFFFF30]  }
0x8f0: {  	v18 =	vld [tilespmem:s1+$0xFFFFFF40]  }
0x8f1: {  	v19 =	vld [tilespmem:s1+$0xFFFFFF50]  }
0x8f2: {  	v20 =	vld [tilespmem:s1+$0xFFFFFF60]  }
0x8f3: {  	v21 =	vld [tilespmem:s1+$0xFFFFFF70]  }
0x8f4: {  	v22 =	vld [tilespmem:s1+$0xFFFFFF80]  }
0x8f5: {  	v23 =	vld [tilespmem:s1+$0xFFFFFF90]  }
0x8f6: {  	v24 =	vld [tilespmem:s1+$0xFFFFFFA0]  }
0x8f7: {  	v25 =	vld [tilespmem:s1+$0xFFFFFFB0]  }
0x8f8: {  	v26 =	vld [tilespmem:s1+$0xFFFFFFC0]  }
0x8f9: {  	v27 =	vld [tilespmem:s1+$0xFFFFFFD0]  }
0x8fa: {  	v28 =	vld [tilespmem:s1+$0xFFFFFFE0]  }
0x8fb: {  	v29 =	vld [tilespmem:s1+$0xFFFFFFF0]  }
0x8fc: {  	v30 =	vld [tilespmem:s1+$0xFFFFFE10]  }
0x8fd: {  	v0 =	vld.idx.msk [tilespmem:v0+s2+$0x0], $0xffff  }
0x8fe: {  	v1 =	vld.idx.msk [tilespmem:v1+s2+$0x0], $0xffff  }
0x8ff: {  	v2 =	vld.idx.msk [tilespmem:v2+s2+$0x0], $0xffff  }
0x900: {  	v3 =	vld.idx.msk [tilespmem:v3+s2+$0x0], $0xffff  }
0x901: {  	v4 =	vld.idx.msk [tilespmem:v4+s2+$0x0], $0xffff  }
0x902: {  	v5 =	vld.idx.msk [tilespmem:v5+s2+$0x0], $0xffff  }
0x903: {  	[tilespmem:s3+$0xFFFFFE10] =	vst v0;
	v0 =	vld.idx.msk [tilespmem:v7+s2+$0x0], $0xffff  }
0x904: {  	v7 =	vld.idx.msk [tilespmem:v30+s2+$0x0], $0xffff;
	[tilespmem:s3+$0xFFFFFE20] =	vst v1  }
0x905: {  	[tilespmem:s3+$0xFFFFFE30] =	vst v2;
	v1 =	vld.idx.msk [tilespmem:v8+s2+$0x0], $0xffff  }
0x906: {  	[tilespmem:s3+$0xFFFFFE40] =	vst v3;
	v2 =	vld.idx.msk [tilespmem:v9+s2+$0x0], $0xffff  }
0x907: {  	[tilespmem:s3+$0xFFFFFE50] =	vst v4;
	v3 =	vld.idx.msk [tilespmem:v10+s2+$0x0], $0xffff  }
0x908: {  	[tilespmem:s3+$0xFFFFFE60] =	vst v5;
	v4 =	vld.idx.msk [tilespmem:v11+s2+$0x0], $0xffff  }
0x909: {  	[tilespmem:s3+$0xFFFFFE70] =	vst v0;
	v0 =	vld.idx.msk [tilespmem:v12+s2+$0x0], $0xffff  }
0x90a: {  	[tilespmem:s3+$0xFFFFFE00] =	vst v7;
	v5 =	vld.idx.msk [tilespmem:v13+s2+$0x0], $0xffff  }
0x90b: {  	[tilespmem:s3+$0xFFFFFF00] =	vst v1;
	v1 =	vld.idx.msk [tilespmem:v6+s2+$0x0], $0xffff  }
0x90c: {  	[tilespmem:s3+$0xFFFFFF10] =	vst v2;
	v2 =	vld.idx.msk [tilespmem:v14+s2+$0x0], $0xffff  }
0x90d: {  	[tilespmem:s3+$0xFFFFFF20] =	vst v3;
	v3 =	vld.idx.msk [tilespmem:v15+s2+$0x0], $0xffff  }
0x90e: {  	[tilespmem:s3+$0xFFFFFF30] =	vst v4;
	v4 =	vld.idx.msk [tilespmem:v16+s2+$0x0], $0xffff  }
0x90f: {  	[tilespmem:s3+$0xFFFFFF40] =	vst v0;
	v0 =	vld.idx.msk [tilespmem:v17+s2+$0x0], $0xffff  }
0x910: {  	[tilespmem:s3+$0xFFFFFF50] =	vst v5;
	v5 =	vld.idx.msk [tilespmem:v18+s2+$0x0], $0xffff  }
0x911: {  	[tilespmem:s3+$0xFFFFFF60] =	vst v1;
	v1 =	vld.idx.msk [tilespmem:v19+s2+$0x0], $0xffff  }
0x912: {  	[tilespmem:s3+$0xFFFFFF70] =	vst v2;
	v2 =	vld.idx.msk [tilespmem:v20+s2+$0x0], $0xffff  }
0x913: {  	[tilespmem:s3+$0x0] =	vst v3;
	v3 =	vld.idx.msk [tilespmem:v21+s2+$0x0], $0xffff  }
0x914: {  	[tilespmem:s3+$0x10] =	vst v4;
	v4 =	vld.idx.msk [tilespmem:v22+s2+$0x0], $0xffff  }
0x915: {  	[tilespmem:s3+$0x20] =	vst v0;
	v6 =	vld.idx.msk [tilespmem:v23+s2+$0x0], $0xffff  }
0x916: {  	[tilespmem:s3+$0x30] =	vst v5;
	v0 =	vld.idx.msk [tilespmem:v24+s2+$0x0], $0xffff  }
.Ltmp30:
0x917: {  	[tilespmem:s3+$0x40] =	vst v1;
	v1 =	vld.idx.msk [tilespmem:v25+s2+$0x0], $0xffff;
	(pc) =	sbr.rel @p0 .LBB2_62-.Ltmp30, $4  }
0x918: {  	[tilespmem:s3+$0x50] =	vst v2;
	v2 =	vld.idx.msk [tilespmem:v26+s2+$0x0], $0xffff  }
0x919: {  	[tilespmem:s3+$0x60] =	vst v3;
	v3 =	vld.idx.msk [tilespmem:v27+s2+$0x0], $0xffff  }
0x91a: {  	[tilespmem:s3+$0x70] =	vst v4;
	v4 =	vld.idx.msk [tilespmem:v28+s2+$0x0], $0xffff  }
0x91b: {  	s1 =	sadd.s32 $0x200, s1;
	[tilespmem:s3+$0x100] =	vst v6;
	v5 =	vld.idx.msk [tilespmem:v29+s2+$0x0], $0xffff  }
0x91c: {  	[tilespmem:s3+$0x110] =	vst v0  }
0x91d: {  	[tilespmem:s3+$0x120] =	vst v1  }
0x91e: {  	[tilespmem:s3+$0x130] =	vst v2  }
0x91f: {  	[tilespmem:s3+$0x140] =	vst v3  }
0x920: {  	[tilespmem:s3+$0x150] =	vst v4  }
0x921: {  	[tilespmem:s3+$0x160] =	vst v5  }
0x922: {  	_ =	swait.ge [sflag:s31], $0x1000  }
0x923: {  	s0 =	simm.s32 $0x1C780;
	s1 =	simm.s32 $0x80;
	[sflag:s31] =	ssyncset.done $0x0  }
0x924: {  	s26 =	sadd.s32 $0x0, s24;
	s3 =	simm.s32 $0x1C880;
	[sflag:s31] =	ssyncadd.s32 $0xFFFFF000  }
.LBB2_64:
0x925: {  	[hbm4b:s26+s2] =	stream.linear.scatter [tilespmem:s0], [sflag:$0x1], $0x80, $0x38;
	[tilespmem:$0x1E700] =	vst v63  }
0x926: {  	s26 =	smov.u32 s1;
	s0 =	smov.u32 s3;
	p0 =	sne.s32 s1, $0xF80  }
.Ltmp31:
0x927: {  	s1 =	sadd.s32 $0x80, s1;
	(pc) =	sbr.rel @p0 .LBB2_64-.Ltmp31, $2  }
0x928: {  	_ =	sdelay $0x2  }
0x929: {  	s3 =	sadd.s32 $0x100, s3;
	s26 =	sadd.s32 s26, s24  }
0x92a: {  	s17 =	sadd.s32 $0x1, s17  }
0x92b: {  	p0 =	sne.s32 s17, s25  }
.Ltmp32:
0x92c: {  	_ = 	snop;
	(pc) =	sbr.rel @p0 .LBB2_1-.Ltmp32, $4  }
0x92d: {  	[hbm4b:s26+s2] =	stream.linear.scatter [tilespmem:s0], [sflag:$0x1], $0x80, $0x38;
	[tilespmem:$0x1E700] =	vst v63  }
0x92e: {  	_ =	swait.ge [sflag:s31], $0x1000  }
0x92f: {  	[sflag:s31] =	ssyncset.done $0x0  }
0x930: {  	[sflag:s31] =	ssyncadd.s32 $0xFFFFF000  }
0x931: {  	_ =	sfence.sel $0x180000  }
0x932: {  	[bflag:$0x0] =	sbarrier.arrive $0xFFFF  }
0x933: {  	_ =	strace $0x90000047  }
0x934: {  	s0 =	stileid.u32;
	[bflag:$0x2] =	sbarrier.arrive $0xFFFF  }
0x935: {  	p0 =	sne.s32 s0, $0x0;
	s0 =	rddreg [dreg:$0x5]  }
0x936: {  	s0 =	sadd.s32 @!p0 $0x100000, s0  }
0x937: {  	[sflag:s0] =	ssyncadd.tile.s32 @!p0 $0x1;
	_ =	shalt  }
.Lfunc_end2:
_tile_overlayer_lowered:
.L_overlay_start_2:
0x938: {  	(tag) =	ssettag $0x2  }
0x939: {  	s0 =	rddreg [dreg:$0x0];
	s2 =	stileid.u32  }
0x93a: {  	s1 =	rddreg [dreg:$0x1];
	p0 =	sne.s32 s2, $0x0  }
0x93b: {  	s3 =	rddreg [dreg:$0x2];
	[bflag:$0x3] =	sbarrier.arrive $0xFFFF;
	s2 =	simm.s32 @!p0 $0x1C02  }
0x93c: {  	[timem:s3], [sflag:s2] =	dma.local @!p0 [hbm:s0], s1  }
0x93d: {  	s0 =	simm.s32 @!p0 $0x2  }
0x93e: {  	_ =	swait.ge @!p0 [sflag:s0], s1  }
0x93f: {  	s1 =	ssub.s32 @!p0 $0x0, s1;
	[sflag:s0] =	ssyncset.done @!p0 $0x0  }
0x940: {  	[sflag:s0] =	ssyncadd.s32 @!p0 s1  }
0x941: {  	[bflag:$0x3] =	sbarrier.arrive $0xFFFF  }
0x942: {  	_ =	shalt  }

</sc_bundles>
